<compile_context>
chip_gen: v7x
topology: tpu7x:2x2x1
jax: 0.10.2.dev20260603
libtpu: 0.0.44.dev20260713+nightly
codegen_flags: <defaults>
</compile_context>

<pallas_src>
import functools

import jax
import jax.numpy as jnp
from jax import lax
from jax.experimental import pallas as pl
from jax.experimental.pallas import tpu as pltpu
from jax.experimental.pallas import tpu_sc as plsc

B = 8
N = 2048
C = 64
S = 512
NS = 32
RADIUS2 = 0.2 ** 2
H0 = 64

SC_CORES = 2
SC_SUBCORES = 16
SC_WORKERS = SC_CORES * SC_SUBCORES
ROWS_TOTAL = B * S * NS
ROWS_PER_W = ROWS_TOTAL // SC_WORKERS
CHUNK = 128
CHUNKS_PER_W = ROWS_PER_W // CHUNK


def _row_sum(a):
    w = a.shape[1]
    while w > 128:
        h = w // 2
        a = a[:, :h] + a[:, h:]
        w = h
    return jnp.sum(a, axis=1, keepdims=True)


def _row_max(a):
    w = a.shape[1]
    while w > 128:
        h = w // 2
        a = jnp.maximum(a[:, :h], a[:, h:])
        w = h
    return jnp.max(a, axis=1, keepdims=True)


def _row_min(a):
    w = a.shape[1]
    while w > 128:
        h = w // 2
        a = jnp.minimum(a[:, :h], a[:, h:])
        w = h
    return jnp.min(a, axis=1, keepdims=True)


def _fps_body(xt_ref, nx_ref):
    x = xt_ref[0]
    y = xt_ref[1]
    z = xt_ref[2]
    col = lax.broadcasted_iota(jnp.int32, (B, N), 1)
    col_s = lax.broadcasted_iota(jnp.int32, (B, S), 1)

    def step(i, carry):
        distance, far, ax, ay, az = carry
        onehot = col == far
        cx = _row_sum(jnp.where(onehot, x, 0.0))
        cy = _row_sum(jnp.where(onehot, y, 0.0))
        cz = _row_sum(jnp.where(onehot, z, 0.0))
        sel = col_s == i
        ax = jnp.where(sel, cx, ax)
        ay = jnp.where(sel, cy, ay)
        az = jnp.where(sel, cz, az)
        dx = x - cx
        dy = y - cy
        dz = z - cz
        dist = dx * dx + dy * dy + dz * dz
        distance = jnp.minimum(distance, dist)
        rowmax = _row_max(distance)
        far = _row_min(jnp.where(distance == rowmax, col, N)).astype(jnp.int32)
        return distance, far, ax, ay, az

    init = (jnp.full((B, N), 1e10, dtype=jnp.float32),
            jnp.zeros((B, 1), dtype=jnp.int32),
            jnp.zeros((B, S), dtype=jnp.float32),
            jnp.zeros((B, S), dtype=jnp.float32),
            jnp.zeros((B, S), dtype=jnp.float32))
    _, _, ax, ay, az = lax.fori_loop(0, S, step, init)
    nx_ref[0] = ax
    nx_ref[1] = ay
    nx_ref[2] = az


def _fps_call(xt):
    return pl.pallas_call(
        _fps_body,
        grid=(1,),
        in_specs=[pl.BlockSpec((3, B, N), lambda i: (0, 0, 0))],
        out_specs=pl.BlockSpec((3, B, S), lambda i: (0, 0, 0)),
        out_shape=jax.ShapeDtypeStruct((3, B, S), jnp.float32),
    )(xt)


S_BLK = 512


def _bq_body(b0, xt_ref, nxz_ref, out_ref):
    b = pl.program_id(0) + b0
    px = xt_ref[0, pl.dslice(b, 1), :]
    py = xt_ref[1, pl.dslice(b, 1), :]
    pz = xt_ref[2, pl.dslice(b, 1), :]
    nblk = nxz_ref[0]
    cx = nblk[:, 0:1]
    cy = nblk[:, 1:2]
    cz = nblk[:, 2:3]
    dx = px - cx
    dy = py - cy
    dz = pz - cz
    d2 = dx * dx + dy * dy + dz * dz
    col = lax.broadcasted_iota(jnp.int32, (S_BLK, N), 1)
    cand_base = jnp.where(d2 <= RADIUS2, col, N)
    base = b * N

    def row_min_native(a):
        w = a.shape[1]
        while w > 128:
            h = w // 2
            a = jnp.minimum(a[:, :h], a[:, h:])
            w = h
        return jnp.min(a, axis=1, keepdims=True)

    first = row_min_native(cand_base)
    out_ref[0, :, 0:1] = first + base
    prev = first
    for k in range(1, NS):
        cand = jnp.where(col > prev, cand_base, N)
        m = row_min_native(cand)
        out_ref[0, :, k:k + 1] = jnp.where(m == N, first, m) + base
        prev = m


def _bq_call(xt, new_xyz, b0, nb):
    return pl.pallas_call(
        functools.partial(_bq_body, b0),
        grid=(nb, S // S_BLK),
        in_specs=[
            pl.BlockSpec((3, B, N), lambda b, sb: (0, 0, 0)),
            pl.BlockSpec((1, S_BLK, 3), lambda b, sb: (b + b0, sb, 0)),
        ],
        out_specs=pl.BlockSpec((1, S_BLK, NS), lambda b, sb: (b, sb, 0)),
        out_shape=jax.ShapeDtypeStruct((nb, S, NS), jnp.int32),
    )(xt, new_xyz)


def _t0_body(p_ref, x_ref, wp_ref, wx_ref, out_ref):
    out_ref[...] = (
        jnp.dot(p_ref[0], wp_ref[...], preferred_element_type=jnp.float32)
        + jnp.dot(x_ref[0], wx_ref[...], preferred_element_type=jnp.float32))


def _t0_call(points, xyz, w_pts, w_xyz):
    return pl.pallas_call(
        _t0_body,
        grid=(B,),
        in_specs=[
            pl.BlockSpec((1, N, C), lambda b: (b, 0, 0)),
            pl.BlockSpec((1, N, 3), lambda b: (b, 0, 0)),
            pl.BlockSpec((C, H0), lambda b: (0, 0)),
            pl.BlockSpec((3, H0), lambda b: (0, 0)),
        ],
        out_specs=pl.BlockSpec((N, H0), lambda b: (b, 0)),
        out_shape=jax.ShapeDtypeStruct((B * N, H0), jnp.float32),
    )(points, xyz, w_pts, w_xyz)


def _sc_gather_call(idx3, table):
    nchunks = idx3.shape[1]
    nrows = SC_WORKERS * nchunks * CHUNK

    @functools.partial(
        pl.kernel,
        out_type=jax.ShapeDtypeStruct((nrows, H0), jnp.float32),
        mesh=plsc.VectorSubcoreMesh(core_axis_name="c", subcore_axis_name="s"),
        compiler_params=pltpu.CompilerParams(use_tc_tiling_on_sc=False),
        scratch_types=[
            pltpu.VMEM((nchunks, CHUNK), jnp.int32),
            pltpu.VMEM((CHUNK, H0), jnp.float32),
            pltpu.VMEM((CHUNK, H0), jnp.float32),
            pltpu.SemaphoreType.DMA,
            pltpu.SemaphoreType.DMA,
        ],
    )
    def k(idx_hbm, table_hbm, out_hbm, idx_v, buf0, buf1, sem0, sem1):
        wid = lax.axis_index("s") * SC_CORES + lax.axis_index("c")
        pltpu.sync_copy(idx_hbm.at[wid], idx_v)
        row0 = wid * nchunks * CHUNK

        pltpu.async_copy(table_hbm.at[idx_v.at[0]], buf0, sem0)

        def pair_body(jh, _):
            j0 = 2 * jh
            pltpu.async_copy(table_hbm.at[idx_v.at[j0 + 1]], buf1, sem1)
            pltpu.make_async_copy(table_hbm.at[pl.dslice(0, CHUNK)], buf0,
                                  sem0).wait()
            pltpu.sync_copy(buf0, out_hbm.at[pl.dslice(row0 + j0 * CHUNK,
                                                       CHUNK)])

            @pl.when(jh < nchunks // 2 - 1)
            def _():
                pltpu.async_copy(table_hbm.at[idx_v.at[j0 + 2]], buf0, sem0)

            pltpu.make_async_copy(table_hbm.at[pl.dslice(0, CHUNK)], buf1,
                                  sem1).wait()
            pltpu.sync_copy(buf1, out_hbm.at[pl.dslice(row0 + (j0 + 1) * CHUNK,
                                                       CHUNK)])
            return 0

        lax.fori_loop(0, nchunks // 2, pair_body, 0)

    return k(idx3, table)


M_BLK = 128
MR = M_BLK * NS


def _mlp_body(g_ref, nxz_ref, wx_ref, b0_ref, w1_ref, b1_ref, w2_ref, b2_ref,
              out_ref):
    xr = g_ref[...]
    nxz = nxz_ref[...]
    corr = jnp.dot(nxz, wx_ref[...],
                   preferred_element_type=jnp.float32) - b0_ref[...]
    h = (xr.reshape(M_BLK, NS, H0) - corr[:, None, :]).reshape(MR, H0)
    h = jnp.maximum(h, 0.0)
    h = jnp.dot(h, w1_ref[...], preferred_element_type=jnp.float32)
    h = jnp.maximum(h + b1_ref[...], 0.0)
    h = jnp.dot(h, w2_ref[...], preferred_element_type=jnp.float32)
    h = jnp.maximum(h + b2_ref[...], 0.0)
    out_ref[...] = jnp.max(h.reshape(M_BLK, NS, 128), axis=1)


def _mlp_call(grouped, nxf, w_xyz, b0, w1, b1, w2, b2):
    nblk = grouped.shape[0] // MR
    return pl.pallas_call(
        _mlp_body,
        grid=(nblk,),
        in_specs=[
            pl.BlockSpec((MR, H0), lambda g: (g, 0)),
            pl.BlockSpec((M_BLK, 3), lambda g: (g, 0)),
            pl.BlockSpec((3, H0), lambda g: (0, 0)),
            pl.BlockSpec((1, 64), lambda g: (0, 0)),
            pl.BlockSpec((64, 64), lambda g: (0, 0)),
            pl.BlockSpec((1, 64), lambda g: (0, 0)),
            pl.BlockSpec((64, 128), lambda g: (0, 0)),
            pl.BlockSpec((1, 128), lambda g: (0, 0)),
        ],
        out_specs=pl.BlockSpec((M_BLK, 128), lambda g: (g, 0)),
        out_shape=jax.ShapeDtypeStruct((grouped.shape[0] // NS, 128),
                                       jnp.float32),
    )(grouped, nxf, w_xyz, b0, w1, b1, w2, b2)


def kernel(xyz, points, W0, b0, W1, b1, W2, b2):
    xt = jnp.transpose(xyz, (2, 0, 1))
    nx = _fps_call(xt)
    new_xyz = jnp.transpose(nx, (1, 2, 0))

    table = _t0_call(points, xyz, W0[3:], W0[:3])
    nxf = new_xyz.reshape(B * S, 3)
    b0r = b0.reshape(1, -1)
    b1r = b1.reshape(1, -1)
    b2r = b2.reshape(1, -1)

    halves = []
    hb = B // 2
    hrows = hb * S * NS
    for h in range(2):
        gidx = _bq_call(xt, new_xyz, h * hb, hb)
        idx3 = gidx.reshape(SC_WORKERS, hrows // (SC_WORKERS * CHUNK), CHUNK)
        grouped = _sc_gather_call(idx3, table)
        nslice = nxf[h * hb * S:(h + 1) * hb * S]
        halves.append(_mlp_call(grouped, nslice, W0[:3], b0r, W1, b1r, W2,
                                b2r))
    pooled = jnp.concatenate(halves, axis=0)
    return new_xyz, pooled.reshape(B, S, 128)

# --- scband reference (transcript-rebuilt; emitter-appended) ---
"""Pipeline reference for scband-pointnet-sa-60885456388432 (READ-ONLY COPY).

The authoritative reference and input builder live on the scoring server;
editing this copy changes nothing except your own understanding.
"""

import jax, jax.numpy as jnp
import numpy as np

NPOINT = 512
RADIUS = 0.2
NSAMPLE = 32
MLP = [64, 64, 128]


def setup_inputs(seed: int = 0) -> dict:
    key = jax.random.key(seed)
    ks = jax.random.split(key, 8)
    B, N, C = 8, 2048, 64
    xyz = jax.random.uniform(ks[0], (B, N, 3), dtype=jnp.float32)
    points = jax.random.normal(ks[1], (B, N, C), dtype=jnp.float32)
    in_ch = C + 3  # use_xyz=True concatenates relative xyz
    chans = [in_ch] + MLP
    inp = {"xyz": xyz, "points": points}
    for i in range(len(MLP)):
        W = jax.random.normal(ks[2 + i], (chans[i], chans[i + 1]), dtype=jnp.float32) * (1.0 / np.sqrt(chans[i]))
        b = jnp.zeros((chans[i + 1],), dtype=jnp.float32)
        inp[f"W{i}"] = W
        inp[f"b{i}"] = b
    return inp


def farthest_point_sample(xyz, npoint):
    B, N, _ = xyz.shape

    def body(i, state):
        distance, farthest, centroids = state
        centroids = centroids.at[:, i].set(farthest)
        centroid = jax.vmap(lambda p, f: p[f])(xyz, farthest)  # [B, 3]
        dist = jnp.sum((xyz - centroid[:, None, :]) ** 2, axis=-1)  # [B, N]
        distance = jnp.minimum(distance, dist)
        farthest = jnp.argmax(distance, axis=-1).astype(jnp.int32)
        return (distance, farthest, centroids)

    distance = jnp.full((B, N), 1e10, dtype=jnp.float32)
    farthest = jnp.zeros((B,), dtype=jnp.int32)
    centroids = jnp.zeros((B, npoint), dtype=jnp.int32)
    _, _, centroids = jax.lax.fori_loop(0, npoint, body, (distance, farthest, centroids))
    return centroids


def ball_query(radius, nsample, xyz, new_xyz):
    B, N, _ = xyz.shape
    S = new_xyz.shape[1]
    sqrdists = jnp.sum((new_xyz[:, :, None, :] - xyz[:, None, :, :]) ** 2, axis=-1)  # [B, S, N]
    arange = jnp.broadcast_to(jnp.arange(N, dtype=jnp.int32), (B, S, N))
    group_idx = jnp.where(sqrdists > radius ** 2, N, arange)
    group_idx = jnp.sort(group_idx, axis=-1)[:, :, :nsample]
    first = group_idx[:, :, :1]
    group_idx = jnp.where(group_idx == N, jnp.broadcast_to(first, group_idx.shape), group_idx)
    return group_idx


def reference(xyz, points, W0, b0, W1, b1, W2, b2):
    xyz_c = jax.lax.stop_gradient(xyz)
    fps_idx = farthest_point_sample(xyz_c, NPOINT)  # [B, S] int32
    new_xyz = jax.vmap(lambda p, i: p[i])(xyz, fps_idx)  # [B, S, 3]
    group_idx = ball_query(RADIUS, NSAMPLE, xyz_c, jax.lax.stop_gradient(new_xyz))  # [B, S, nsample]
    grouped_xyz = jax.vmap(lambda p, i: p[i])(xyz, group_idx)  # [B, S, ns, 3]
    grouped_xyz = grouped_xyz - new_xyz[:, :, None, :]
    grouped_points = jax.vmap(lambda p, i: p[i])(points, group_idx)  # [B, S, ns, C]
    new_points = jnp.concatenate([grouped_xyz, grouped_points], axis=-1)  # use_xyz=True
    for W, b in ((W0, b0), (W1, b1), (W2, b2)):
        new_points = jax.nn.relu(new_points @ W + b)  # pointnet_conv: 1x1 conv + relu (bn=False)
    new_points = jnp.max(new_points, axis=2, keepdims=True)  # max over nsample
    return (new_xyz, jnp.squeeze(new_points, axis=2))

if __name__ == "__main__":
    import jax
    _d = setup_inputs()
    print(jax.jit(kernel)(*tuple(_d.values())))

</pallas_src>

<mosaic_0001>
#map = affine_map<(d0, d1) -> (0, 0, 0)>
#map1 = affine_map<(d0, d1) -> (0, 0)>
module attributes {stable_mosaic.version = 14 : i64} {
  func.func @k(%arg0: i32, %arg1: i32, %arg2: memref<32x16x128xi32, #tpu.memory_space<hbm>>, %arg3: memref<16384x64xf32, #tpu.memory_space<hbm>>, %arg4: memref<65536x64xf32, #tpu.memory_space<hbm>>, %arg5: memref<16x128xi32, #tpu.memory_space<vmem>>, %arg6: memref<128x64xf32, #tpu.memory_space<vmem>>, %arg7: memref<128x64xf32, #tpu.memory_space<vmem>>, %arg8: memref<!tpu.dma_semaphore, #tpu.memory_space<semaphore_mem>>, %arg9: memref<!tpu.dma_semaphore, #tpu.memory_space<semaphore_mem>>) attributes {dimension_semantics = [#tpu.dimension_semantics<core_parallel>, #tpu.dimension_semantics<subcore_parallel>], iteration_bounds = array<i64: 2, 16>, scalar_prefetch = 0 : i64, scratch_operands = 5 : i64, tpu.core_type = #tpu.core_type<sc_vector_subcore>, window_params = [{transform_indices = #map}, {transform_indices = #map1}, {transform_indices = #map1}]} {
    %mul3A = arith.constant 2 : i32
    %mul3A_0 = arith.muli %arg1, %mul3A : i32
    %add3A = arith.addi %mul3A_0, %arg0 : i32
    "tpu.region"() ({
      %run_scoped3A = tpu.sem_alloc : memref<!tpu.dma_semaphore, #tpu.memory_space<semaphore_mem>>
      %dma_start3A_17 = arith.constant 0 : i32
      %dma_start3A_18 = arith.constant 0 : i32
      %dma_start3A_19 = tpu.memref_slice %arg2[%add3A, %dma_start3A_17, %dma_start3A_18] : memref<32x16x128xi32, #tpu.memory_space<hbm>> -> memref<1x16x128xi32, #tpu.memory_space<hbm>>
      %dma_start3A_20 = tpu.memref_squeeze %dma_start3A_19 : memref<1x16x128xi32, #tpu.memory_space<hbm>> -> memref<16x128xi32, #tpu.memory_space<hbm>>
      %dma_start3A_21 = arith.constant 0 : i32
      %dma_start3A_22 = arith.constant 0 : i32
      %dma_start3A_23 = tpu.memref_slice %arg2[%add3A, %dma_start3A_21, %dma_start3A_22] : memref<32x16x128xi32, #tpu.memory_space<hbm>> -> memref<1x16x128xi32, #tpu.memory_space<hbm>>
      %dma_start3A_24 = tpu.memref_squeeze %dma_start3A_23 : memref<1x16x128xi32, #tpu.memory_space<hbm>> -> memref<16x128xi32, #tpu.memory_space<hbm>>
      tpu.enqueue_dma source(%dma_start3A_24 : memref<16x128xi32, #tpu.memory_space<hbm>>) target(%arg5 : memref<16x128xi32, #tpu.memory_space<vmem>>) target_semaphore(%run_scoped3A : memref<!tpu.dma_semaphore, #tpu.memory_space<semaphore_mem>>)
      %dma_wait3A = arith.constant 0 : i32
      %dma_wait3A_25 = arith.constant 0 : i32
      %dma_wait3A_26 = tpu.memref_slice %arg2[%add3A, %dma_wait3A, %dma_wait3A_25] : memref<32x16x128xi32, #tpu.memory_space<hbm>> -> memref<1x16x128xi32, #tpu.memory_space<hbm>>
      %dma_wait3A_27 = tpu.memref_squeeze %dma_wait3A_26 : memref<1x16x128xi32, #tpu.memory_space<hbm>> -> memref<16x128xi32, #tpu.memory_space<hbm>>
      %dma_wait3A_28 = arith.constant 0 : i32
      %dma_wait3A_29 = arith.constant 0 : i32
      %dma_wait3A_30 = tpu.memref_slice %arg2[%add3A, %dma_wait3A_28, %dma_wait3A_29] : memref<32x16x128xi32, #tpu.memory_space<hbm>> -> memref<1x16x128xi32, #tpu.memory_space<hbm>>
      %dma_wait3A_31 = tpu.memref_squeeze %dma_wait3A_30 : memref<1x16x128xi32, #tpu.memory_space<hbm>> -> memref<16x128xi32, #tpu.memory_space<hbm>>
      tpu.wait_dma2 semaphore(%run_scoped3A : memref<!tpu.dma_semaphore, #tpu.memory_space<semaphore_mem>>) src(%dma_wait3A_31 : memref<16x128xi32, #tpu.memory_space<hbm>>) dst(%arg5 : memref<16x128xi32, #tpu.memory_space<vmem>>)
      tpu.yield
    }) : () -> ()
    %mul3A_1 = arith.constant 16 : i32
    %mul3A_2 = arith.muli %add3A, %mul3A_1 : i32
    %mul3A_3 = arith.constant 128 : i32
    %mul3A_4 = arith.muli %mul3A_2, %mul3A_3 : i32
    %dma_start3A = arith.constant 0 : i32
    %dma_start3A_5 = arith.constant 0 : i32
    %dma_start3A_6 = tpu.memref_slice %arg5[%dma_start3A, %dma_start3A_5] : memref<16x128xi32, #tpu.memory_space<vmem>> -> memref<1x128xi32, #tpu.memory_space<vmem>>
    %dma_start3A_7 = tpu.memref_squeeze %dma_start3A_6 : memref<1x128xi32, #tpu.memory_space<vmem>> -> memref<128xi32, #tpu.memory_space<vmem>>
    %dma_start3A_8 = arith.constant 0 : i32
    %dma_start3A_9 = arith.constant 0 : i32
    %dma_start3A_10 = tpu.memref_slice %arg3[%dma_start3A_8, %dma_start3A_9] : memref<16384x64xf32, #tpu.memory_space<hbm>> -> memref<16384x64xf32, #tpu.memory_space<hbm>>
    tpu.enqueue_indirect_dma source(%dma_start3A_10 : memref<16384x64xf32, #tpu.memory_space<hbm>>) target(%arg6 : memref<128x64xf32, #tpu.memory_space<vmem>>) offsets(%dma_start3A_7 : memref<128xi32, #tpu.memory_space<vmem>>) semaphore(%arg8 : memref<!tpu.dma_semaphore, #tpu.memory_space<semaphore_mem>>)
    %scan3A = arith.constant 0 : i32
    %scan3A_11 = arith.constant 0 : i32
    %scan3A_12 = arith.constant 8 : i32
    %scan3A_13 = arith.addi %scan3A_11, %scan3A_12 : i32
    %scan3A_14 = arith.constant 1 : i32
    %scan3A_15 = scf.for %scan3A_17 = %scan3A_11 to %scan3A_13 step %scan3A_14 iter_args(%scan3A_18 = %scan3A) -> (i32)  : i32 {
      %mul3A_19 = arith.constant 2 : i32
      %mul3A_20 = arith.muli %mul3A_19, %scan3A_17 : i32
      %add3A_21 = arith.constant 1 : i32
      %add3A_22 = arith.addi %mul3A_20, %add3A_21 : i32
      %dma_start3A_23 = arith.constant 0 : i32
      %dma_start3A_24 = tpu.memref_slice %arg5[%add3A_22, %dma_start3A_23] : memref<16x128xi32, #tpu.memory_space<vmem>> -> memref<1x128xi32, #tpu.memory_space<vmem>>
      %dma_start3A_25 = tpu.memref_squeeze %dma_start3A_24 : memref<1x128xi32, #tpu.memory_space<vmem>> -> memref<128xi32, #tpu.memory_space<vmem>>
      %dma_start3A_26 = arith.constant 0 : i32
      %dma_start3A_27 = arith.constant 0 : i32
      %dma_start3A_28 = tpu.memref_slice %arg3[%dma_start3A_26, %dma_start3A_27] : memref<16384x64xf32, #tpu.memory_space<hbm>> -> memref<16384x64xf32, #tpu.memory_space<hbm>>
      tpu.enqueue_indirect_dma source(%dma_start3A_28 : memref<16384x64xf32, #tpu.memory_space<hbm>>) target(%arg7 : memref<128x64xf32, #tpu.memory_space<vmem>>) offsets(%dma_start3A_25 : memref<128xi32, #tpu.memory_space<vmem>>) semaphore(%arg9 : memref<!tpu.dma_semaphore, #tpu.memory_space<semaphore_mem>>)
      %dma_wait3A = arith.constant 0 : i32
      %dma_wait3A_29 = arith.constant 0 : i32
      %dma_wait3A_30 = tpu.memref_slice %arg3[%dma_wait3A, %dma_wait3A_29] : memref<16384x64xf32, #tpu.memory_space<hbm>> -> memref<128x64xf32, #tpu.memory_space<hbm>>
      %dma_wait3A_31 = arith.constant 0 : i32
      %dma_wait3A_32 = arith.constant 0 : i32
      %dma_wait3A_33 = tpu.memref_slice %arg3[%dma_wait3A_31, %dma_wait3A_32] : memref<16384x64xf32, #tpu.memory_space<hbm>> -> memref<128x64xf32, #tpu.memory_space<hbm>>
      tpu.wait_dma2 semaphore(%arg8 : memref<!tpu.dma_semaphore, #tpu.memory_space<semaphore_mem>>) src(%dma_wait3A_33 : memref<128x64xf32, #tpu.memory_space<hbm>>) dst(%arg6 : memref<128x64xf32, #tpu.memory_space<vmem>>)
      %mul3A_34 = arith.constant 128 : i32
      %mul3A_35 = arith.muli %mul3A_20, %mul3A_34 : i32
      %add3A_36 = arith.addi %mul3A_4, %mul3A_35 : i32
      "tpu.region"() ({
        %run_scoped3A = tpu.sem_alloc : memref<!tpu.dma_semaphore, #tpu.memory_space<semaphore_mem>>
        %dma_start3A_51 = arith.constant 0 : i32
        %dma_start3A_52 = tpu.memref_slice %arg4[%add3A_36, %dma_start3A_51] : memref<65536x64xf32, #tpu.memory_space<hbm>> -> memref<128x64xf32, #tpu.memory_space<hbm>>
        %dma_start3A_53 = arith.constant 0 : i32
        %dma_start3A_54 = tpu.memref_slice %arg4[%add3A_36, %dma_start3A_53] : memref<65536x64xf32, #tpu.memory_space<hbm>> -> memref<128x64xf32, #tpu.memory_space<hbm>>
        tpu.enqueue_dma source(%arg6 : memref<128x64xf32, #tpu.memory_space<vmem>>) target(%dma_start3A_54 : memref<128x64xf32, #tpu.memory_space<hbm>>) target_semaphore(%run_scoped3A : memref<!tpu.dma_semaphore, #tpu.memory_space<semaphore_mem>>)
        %dma_wait3A_55 = arith.constant 0 : i32
        %dma_wait3A_56 = tpu.memref_slice %arg4[%add3A_36, %dma_wait3A_55] : memref<65536x64xf32, #tpu.memory_space<hbm>> -> memref<128x64xf32, #tpu.memory_space<hbm>>
        %dma_wait3A_57 = arith.constant 0 : i32
        %dma_wait3A_58 = tpu.memref_slice %arg4[%add3A_36, %dma_wait3A_57] : memref<65536x64xf32, #tpu.memory_space<hbm>> -> memref<128x64xf32, #tpu.memory_space<hbm>>
        tpu.wait_dma2 semaphore(%run_scoped3A : memref<!tpu.dma_semaphore, #tpu.memory_space<semaphore_mem>>) src(%arg6 : memref<128x64xf32, #tpu.memory_space<vmem>>) dst(%dma_wait3A_58 : memref<128x64xf32, #tpu.memory_space<hbm>>)
        tpu.yield
      }) : () -> ()
      %lt3A = arith.constant 7 : i32
      %lt3A_37 = arith.cmpi slt, %scan3A_17, %lt3A : i32
      %convert_element_type3A = arith.extui %lt3A_37 : i1 to i32
      %cond3A = arith.constant 0 : i32
      %cond3A_38 = arith.cmpi ne, %convert_element_type3A, %cond3A : i32
      scf.if %cond3A_38 {
        %add3A_51 = arith.constant 2 : i32
        %add3A_52 = arith.addi %mul3A_20, %add3A_51 : i32
        %dma_start3A_53 = arith.constant 0 : i32
        %dma_start3A_54 = tpu.memref_slice %arg5[%add3A_52, %dma_start3A_53] : memref<16x128xi32, #tpu.memory_space<vmem>> -> memref<1x128xi32, #tpu.memory_space<vmem>>
        %dma_start3A_55 = tpu.memref_squeeze %dma_start3A_54 : memref<1x128xi32, #tpu.memory_space<vmem>> -> memref<128xi32, #tpu.memory_space<vmem>>
        %dma_start3A_56 = arith.constant 0 : i32
        %dma_start3A_57 = arith.constant 0 : i32
        %dma_start3A_58 = tpu.memref_slice %arg3[%dma_start3A_56, %dma_start3A_57] : memref<16384x64xf32, #tpu.memory_space<hbm>> -> memref<16384x64xf32, #tpu.memory_space<hbm>>
        tpu.enqueue_indirect_dma source(%dma_start3A_58 : memref<16384x64xf32, #tpu.memory_space<hbm>>) target(%arg6 : memref<128x64xf32, #tpu.memory_space<vmem>>) offsets(%dma_start3A_55 : memref<128xi32, #tpu.memory_space<vmem>>) semaphore(%arg8 : memref<!tpu.dma_semaphore, #tpu.memory_space<semaphore_mem>>)
      } else {
      }
      %dma_wait3A_39 = arith.constant 0 : i32
      %dma_wait3A_40 = arith.constant 0 : i32
      %dma_wait3A_41 = tpu.memref_slice %arg3[%dma_wait3A_39, %dma_wait3A_40] : memref<16384x64xf32, #tpu.memory_space<hbm>> -> memref<128x64xf32, #tpu.memory_space<hbm>>
      %dma_wait3A_42 = arith.constant 0 : i32
      %dma_wait3A_43 = arith.constant 0 : i32
      %dma_wait3A_44 = tpu.memref_slice %arg3[%dma_wait3A_42, %dma_wait3A_43] : memref<16384x64xf32, #tpu.memory_space<hbm>> -> memref<128x64xf32, #tpu.memory_space<hbm>>
      tpu.wait_dma2 semaphore(%arg9 : memref<!tpu.dma_semaphore, #tpu.memory_space<semaphore_mem>>) src(%dma_wait3A_44 : memref<128x64xf32, #tpu.memory_space<hbm>>) dst(%arg7 : memref<128x64xf32, #tpu.memory_space<vmem>>)
      %add3A_45 = arith.constant 1 : i32
      %add3A_46 = arith.addi %mul3A_20, %add3A_45 : i32
      %mul3A_47 = arith.constant 128 : i32
      %mul3A_48 = arith.muli %add3A_46, %mul3A_47 : i32
      %add3A_49 = arith.addi %mul3A_4, %mul3A_48 : i32
      "tpu.region"() ({
        %run_scoped3A = tpu.sem_alloc : memref<!tpu.dma_semaphore, #tpu.memory_space<semaphore_mem>>
        %dma_start3A_51 = arith.constant 0 : i32
        %dma_start3A_52 = tpu.memref_slice %arg4[%add3A_49, %dma_start3A_51] : memref<65536x64xf32, #tpu.memory_space<hbm>> -> memref<128x64xf32, #tpu.memory_space<hbm>>
        %dma_start3A_53 = arith.constant 0 : i32
        %dma_start3A_54 = tpu.memref_slice %arg4[%add3A_49, %dma_start3A_53] : memref<65536x64xf32, #tpu.memory_space<hbm>> -> memref<128x64xf32, #tpu.memory_space<hbm>>
        tpu.enqueue_dma source(%arg7 : memref<128x64xf32, #tpu.memory_space<vmem>>) target(%dma_start3A_54 : memref<128x64xf32, #tpu.memory_space<hbm>>) target_semaphore(%run_scoped3A : memref<!tpu.dma_semaphore, #tpu.memory_space<semaphore_mem>>)
        %dma_wait3A_55 = arith.constant 0 : i32
        %dma_wait3A_56 = tpu.memref_slice %arg4[%add3A_49, %dma_wait3A_55] : memref<65536x64xf32, #tpu.memory_space<hbm>> -> memref<128x64xf32, #tpu.memory_space<hbm>>
        %dma_wait3A_57 = arith.constant 0 : i32
        %dma_wait3A_58 = tpu.memref_slice %arg4[%add3A_49, %dma_wait3A_57] : memref<65536x64xf32, #tpu.memory_space<hbm>> -> memref<128x64xf32, #tpu.memory_space<hbm>>
        tpu.wait_dma2 semaphore(%run_scoped3A : memref<!tpu.dma_semaphore, #tpu.memory_space<semaphore_mem>>) src(%arg7 : memref<128x64xf32, #tpu.memory_space<vmem>>) dst(%dma_wait3A_58 : memref<128x64xf32, #tpu.memory_space<hbm>>)
        tpu.yield
      }) : () -> ()
      %scan3A_50 = arith.constant 0 : i32
      scf.yield %scan3A_50 : i32
    }
    %scan3A_16 = arith.constant 8 : i32
    return
  }
}

#map = affine_map<(d0, d1) -> (0, 0, 0)>
#map1 = affine_map<(d0, d1) -> (0, 0)>
module attributes {stable_mosaic.version = 14 : i64} {
  func.func @k(%arg0: i32, %arg1: i32, %arg2: memref<32x16x128xi32, #tpu.memory_space<hbm>>, %arg3: memref<16384x64xf32, #tpu.memory_space<hbm>>, %arg4: memref<65536x64xf32, #tpu.memory_space<hbm>>, %arg5: memref<16x128xi32, #tpu.memory_space<vmem>>, %arg6: memref<128x64xf32, #tpu.memory_space<vmem>>, %arg7: memref<128x64xf32, #tpu.memory_space<vmem>>, %arg8: memref<!tpu.dma_semaphore, #tpu.memory_space<semaphore_mem>>, %arg9: memref<!tpu.dma_semaphore, #tpu.memory_space<semaphore_mem>>) attributes {dimension_semantics = [#tpu.dimension_semantics<core_parallel>, #tpu.dimension_semantics<subcore_parallel>], iteration_bounds = array<i64: 2, 16>, scalar_prefetch = 0 : i64, scratch_operands = 5 : i64, tpu.core_type = #tpu.core_type<sc_vector_subcore>, window_params = [{transform_indices = #map}, {transform_indices = #map1}, {transform_indices = #map1}]} {
    %mul3A = arith.constant 2 : i32
    %mul3A_0 = arith.muli %arg1, %mul3A : i32
    %add3A = arith.addi %mul3A_0, %arg0 : i32
    "tpu.region"() ({
      %run_scoped3A = tpu.sem_alloc : memref<!tpu.dma_semaphore, #tpu.memory_space<semaphore_mem>>
      %dma_start3A_17 = arith.constant 0 : i32
      %dma_start3A_18 = arith.constant 0 : i32
      %dma_start3A_19 = tpu.memref_slice %arg2[%add3A, %dma_start3A_17, %dma_start3A_18] : memref<32x16x128xi32, #tpu.memory_space<hbm>> -> memref<1x16x128xi32, #tpu.memory_space<hbm>>
      %dma_start3A_20 = tpu.memref_squeeze %dma_start3A_19 : memref<1x16x128xi32, #tpu.memory_space<hbm>> -> memref<16x128xi32, #tpu.memory_space<hbm>>
      %dma_start3A_21 = arith.constant 0 : i32
      %dma_start3A_22 = arith.constant 0 : i32
      %dma_start3A_23 = tpu.memref_slice %arg2[%add3A, %dma_start3A_21, %dma_start3A_22] : memref<32x16x128xi32, #tpu.memory_space<hbm>> -> memref<1x16x128xi32, #tpu.memory_space<hbm>>
      %dma_start3A_24 = tpu.memref_squeeze %dma_start3A_23 : memref<1x16x128xi32, #tpu.memory_space<hbm>> -> memref<16x128xi32, #tpu.memory_space<hbm>>
      tpu.enqueue_dma source(%dma_start3A_24 : memref<16x128xi32, #tpu.memory_space<hbm>>) target(%arg5 : memref<16x128xi32, #tpu.memory_space<vmem>>) target_semaphore(%run_scoped3A : memref<!tpu.dma_semaphore, #tpu.memory_space<semaphore_mem>>)
      %dma_wait3A = arith.constant 0 : i32
      %dma_wait3A_25 = arith.constant 0 : i32
      %dma_wait3A_26 = tpu.memref_slice %arg2[%add3A, %dma_wait3A, %dma_wait3A_25] : memref<32x16x128xi32, #tpu.memory_space<hbm>> -> memref<1x16x128xi32, #tpu.memory_space<hbm>>
      %dma_wait3A_27 = tpu.memref_squeeze %dma_wait3A_26 : memref<1x16x128xi32, #tpu.memory_space<hbm>> -> memref<16x128xi32, #tpu.memory_space<hbm>>
      %dma_wait3A_28 = arith.constant 0 : i32
      %dma_wait3A_29 = arith.constant 0 : i32
      %dma_wait3A_30 = tpu.memref_slice %arg2[%add3A, %dma_wait3A_28, %dma_wait3A_29] : memref<32x16x128xi32, #tpu.memory_space<hbm>> -> memref<1x16x128xi32, #tpu.memory_space<hbm>>
      %dma_wait3A_31 = tpu.memref_squeeze %dma_wait3A_30 : memref<1x16x128xi32, #tpu.memory_space<hbm>> -> memref<16x128xi32, #tpu.memory_space<hbm>>
      tpu.wait_dma2 semaphore(%run_scoped3A : memref<!tpu.dma_semaphore, #tpu.memory_space<semaphore_mem>>) src(%dma_wait3A_31 : memref<16x128xi32, #tpu.memory_space<hbm>>) dst(%arg5 : memref<16x128xi32, #tpu.memory_space<vmem>>)
      tpu.yield
    }) : () -> ()
    %mul3A_1 = arith.constant 16 : i32
    %mul3A_2 = arith.muli %add3A, %mul3A_1 : i32
    %mul3A_3 = arith.constant 128 : i32
    %mul3A_4 = arith.muli %mul3A_2, %mul3A_3 : i32
    %dma_start3A = arith.constant 0 : i32
    %dma_start3A_5 = arith.constant 0 : i32
    %dma_start3A_6 = tpu.memref_slice %arg5[%dma_start3A, %dma_start3A_5] : memref<16x128xi32, #tpu.memory_space<vmem>> -> memref<1x128xi32, #tpu.memory_space<vmem>>
    %dma_start3A_7 = tpu.memref_squeeze %dma_start3A_6 : memref<1x128xi32, #tpu.memory_space<vmem>> -> memref<128xi32, #tpu.memory_space<vmem>>
    %dma_start3A_8 = arith.constant 0 : i32
    %dma_start3A_9 = arith.constant 0 : i32
    %dma_start3A_10 = tpu.memref_slice %arg3[%dma_start3A_8, %dma_start3A_9] : memref<16384x64xf32, #tpu.memory_space<hbm>> -> memref<16384x64xf32, #tpu.memory_space<hbm>>
    tpu.enqueue_indirect_dma source(%dma_start3A_10 : memref<16384x64xf32, #tpu.memory_space<hbm>>) target(%arg6 : memref<128x64xf32, #tpu.memory_space<vmem>>) offsets(%dma_start3A_7 : memref<128xi32, #tpu.memory_space<vmem>>) semaphore(%arg8 : memref<!tpu.dma_semaphore, #tpu.memory_space<semaphore_mem>>)
    %scan3A = arith.constant 0 : i32
    %scan3A_11 = arith.constant 0 : i32
    %scan3A_12 = arith.constant 8 : i32
    %scan3A_13 = arith.addi %scan3A_11, %scan3A_12 : i32
    %scan3A_14 = arith.constant 1 : i32
    %scan3A_15 = scf.for %scan3A_17 = %scan3A_11 to %scan3A_13 step %scan3A_14 iter_args(%scan3A_18 = %scan3A) -> (i32)  : i32 {
      %mul3A_19 = arith.constant 2 : i32
      %mul3A_20 = arith.muli %mul3A_19, %scan3A_17 : i32
      %add3A_21 = arith.constant 1 : i32
      %add3A_22 = arith.addi %mul3A_20, %add3A_21 : i32
      %dma_start3A_23 = arith.constant 0 : i32
      %dma_start3A_24 = tpu.memref_slice %arg5[%add3A_22, %dma_start3A_23] : memref<16x128xi32, #tpu.memory_space<vmem>> -> memref<1x128xi32, #tpu.memory_space<vmem>>
      %dma_start3A_25 = tpu.memref_squeeze %dma_start3A_24 : memref<1x128xi32, #tpu.memory_space<vmem>> -> memref<128xi32, #tpu.memory_space<vmem>>
      %dma_start3A_26 = arith.constant 0 : i32
      %dma_start3A_27 = arith.constant 0 : i32
      %dma_start3A_28 = tpu.memref_slice %arg3[%dma_start3A_26, %dma_start3A_27] : memref<16384x64xf32, #tpu.memory_space<hbm>> -> memref<16384x64xf32, #tpu.memory_space<hbm>>
      tpu.enqueue_indirect_dma source(%dma_start3A_28 : memref<16384x64xf32, #tpu.memory_space<hbm>>) target(%arg7 : memref<128x64xf32, #tpu.memory_space<vmem>>) offsets(%dma_start3A_25 : memref<128xi32, #tpu.memory_space<vmem>>) semaphore(%arg9 : memref<!tpu.dma_semaphore, #tpu.memory_space<semaphore_mem>>)
      %dma_wait3A = arith.constant 0 : i32
      %dma_wait3A_29 = arith.constant 0 : i32
      %dma_wait3A_30 = tpu.memref_slice %arg3[%dma_wait3A, %dma_wait3A_29] : memref<16384x64xf32, #tpu.memory_space<hbm>> -> memref<128x64xf32, #tpu.memory_space<hbm>>
      %dma_wait3A_31 = arith.constant 0 : i32
      %dma_wait3A_32 = arith.constant 0 : i32
      %dma_wait3A_33 = tpu.memref_slice %arg3[%dma_wait3A_31, %dma_wait3A_32] : memref<16384x64xf32, #tpu.memory_space<hbm>> -> memref<128x64xf32, #tpu.memory_space<hbm>>
      tpu.wait_dma2 semaphore(%arg8 : memref<!tpu.dma_semaphore, #tpu.memory_space<semaphore_mem>>) src(%dma_wait3A_33 : memref<128x64xf32, #tpu.memory_space<hbm>>) dst(%arg6 : memref<128x64xf32, #tpu.memory_space<vmem>>)
      %mul3A_34 = arith.constant 128 : i32
      %mul3A_35 = arith.muli %mul3A_20, %mul3A_34 : i32
      %add3A_36 = arith.addi %mul3A_4, %mul3A_35 : i32
      "tpu.region"() ({
        %run_scoped3A = tpu.sem_alloc : memref<!tpu.dma_semaphore, #tpu.memory_space<semaphore_mem>>
        %dma_start3A_51 = arith.constant 0 : i32
        %dma_start3A_52 = tpu.memref_slice %arg4[%add3A_36, %dma_start3A_51] : memref<65536x64xf32, #tpu.memory_space<hbm>> -> memref<128x64xf32, #tpu.memory_space<hbm>>
        %dma_start3A_53 = arith.constant 0 : i32
        %dma_start3A_54 = tpu.memref_slice %arg4[%add3A_36, %dma_start3A_53] : memref<65536x64xf32, #tpu.memory_space<hbm>> -> memref<128x64xf32, #tpu.memory_space<hbm>>
        tpu.enqueue_dma source(%arg6 : memref<128x64xf32, #tpu.memory_space<vmem>>) target(%dma_start3A_54 : memref<128x64xf32, #tpu.memory_space<hbm>>) target_semaphore(%run_scoped3A : memref<!tpu.dma_semaphore, #tpu.memory_space<semaphore_mem>>)
        %dma_wait3A_55 = arith.constant 0 : i32
        %dma_wait3A_56 = tpu.memref_slice %arg4[%add3A_36, %dma_wait3A_55] : memref<65536x64xf32, #tpu.memory_space<hbm>> -> memref<128x64xf32, #tpu.memory_space<hbm>>
        %dma_wait3A_57 = arith.constant 0 : i32
        %dma_wait3A_58 = tpu.memref_slice %arg4[%add3A_36, %dma_wait3A_57] : memref<65536x64xf32, #tpu.memory_space<hbm>> -> memref<128x64xf32, #tpu.memory_space<hbm>>
        tpu.wait_dma2 semaphore(%run_scoped3A : memref<!tpu.dma_semaphore, #tpu.memory_space<semaphore_mem>>) src(%arg6 : memref<128x64xf32, #tpu.memory_space<vmem>>) dst(%dma_wait3A_58 : memref<128x64xf32, #tpu.memory_space<hbm>>)
        tpu.yield
      }) : () -> ()
      %lt3A = arith.constant 7 : i32
      %lt3A_37 = arith.cmpi slt, %scan3A_17, %lt3A : i32
      %convert_element_type3A = arith.extui %lt3A_37 : i1 to i32
      %cond3A = arith.constant 0 : i32
      %cond3A_38 = arith.cmpi ne, %convert_element_type3A, %cond3A : i32
      scf.if %cond3A_38 {
        %add3A_51 = arith.constant 2 : i32
        %add3A_52 = arith.addi %mul3A_20, %add3A_51 : i32
        %dma_start3A_53 = arith.constant 0 : i32
        %dma_start3A_54 = tpu.memref_slice %arg5[%add3A_52, %dma_start3A_53] : memref<16x128xi32, #tpu.memory_space<vmem>> -> memref<1x128xi32, #tpu.memory_space<vmem>>
        %dma_start3A_55 = tpu.memref_squeeze %dma_start3A_54 : memref<1x128xi32, #tpu.memory_space<vmem>> -> memref<128xi32, #tpu.memory_space<vmem>>
        %dma_start3A_56 = arith.constant 0 : i32
        %dma_start3A_57 = arith.constant 0 : i32
        %dma_start3A_58 = tpu.memref_slice %arg3[%dma_start3A_56, %dma_start3A_57] : memref<16384x64xf32, #tpu.memory_space<hbm>> -> memref<16384x64xf32, #tpu.memory_space<hbm>>
        tpu.enqueue_indirect_dma source(%dma_start3A_58 : memref<16384x64xf32, #tpu.memory_space<hbm>>) target(%arg6 : memref<128x64xf32, #tpu.memory_space<vmem>>) offsets(%dma_start3A_55 : memref<128xi32, #tpu.memory_space<vmem>>) semaphore(%arg8 : memref<!tpu.dma_semaphore, #tpu.memory_space<semaphore_mem>>)
      } else {
      }
      %dma_wait3A_39 = arith.constant 0 : i32
      %dma_wait3A_40 = arith.constant 0 : i32
      %dma_wait3A_41 = tpu.memref_slice %arg3[%dma_wait3A_39, %dma_wait3A_40] : memref<16384x64xf32, #tpu.memory_space<hbm>> -> memref<128x64xf32, #tpu.memory_space<hbm>>
      %dma_wait3A_42 = arith.constant 0 : i32
      %dma_wait3A_43 = arith.constant 0 : i32
      %dma_wait3A_44 = tpu.memref_slice %arg3[%dma_wait3A_42, %dma_wait3A_43] : memref<16384x64xf32, #tpu.memory_space<hbm>> -> memref<128x64xf32, #tpu.memory_space<hbm>>
      tpu.wait_dma2 semaphore(%arg9 : memref<!tpu.dma_semaphore, #tpu.memory_space<semaphore_mem>>) src(%dma_wait3A_44 : memref<128x64xf32, #tpu.memory_space<hbm>>) dst(%arg7 : memref<128x64xf32, #tpu.memory_space<vmem>>)
      %add3A_45 = arith.constant 1 : i32
      %add3A_46 = arith.addi %mul3A_20, %add3A_45 : i32
      %mul3A_47 = arith.constant 128 : i32
      %mul3A_48 = arith.muli %add3A_46, %mul3A_47 : i32
      %add3A_49 = arith.addi %mul3A_4, %mul3A_48 : i32
      "tpu.region"() ({
        %run_scoped3A = tpu.sem_alloc : memref<!tpu.dma_semaphore, #tpu.memory_space<semaphore_mem>>
        %dma_start3A_51 = arith.constant 0 : i32
        %dma_start3A_52 = tpu.memref_slice %arg4[%add3A_49, %dma_start3A_51] : memref<65536x64xf32, #tpu.memory_space<hbm>> -> memref<128x64xf32, #tpu.memory_space<hbm>>
        %dma_start3A_53 = arith.constant 0 : i32
        %dma_start3A_54 = tpu.memref_slice %arg4[%add3A_49, %dma_start3A_53] : memref<65536x64xf32, #tpu.memory_space<hbm>> -> memref<128x64xf32, #tpu.memory_space<hbm>>
        tpu.enqueue_dma source(%arg7 : memref<128x64xf32, #tpu.memory_space<vmem>>) target(%dma_start3A_54 : memref<128x64xf32, #tpu.memory_space<hbm>>) target_semaphore(%run_scoped3A : memref<!tpu.dma_semaphore, #tpu.memory_space<semaphore_mem>>)
        %dma_wait3A_55 = arith.constant 0 : i32
        %dma_wait3A_56 = tpu.memref_slice %arg4[%add3A_49, %dma_wait3A_55] : memref<65536x64xf32, #tpu.memory_space<hbm>> -> memref<128x64xf32, #tpu.memory_space<hbm>>
        %dma_wait3A_57 = arith.constant 0 : i32
        %dma_wait3A_58 = tpu.memref_slice %arg4[%add3A_49, %dma_wait3A_57] : memref<65536x64xf32, #tpu.memory_space<hbm>> -> memref<128x64xf32, #tpu.memory_space<hbm>>
        tpu.wait_dma2 semaphore(%run_scoped3A : memref<!tpu.dma_semaphore, #tpu.memory_space<semaphore_mem>>) src(%arg7 : memref<128x64xf32, #tpu.memory_space<vmem>>) dst(%dma_wait3A_58 : memref<128x64xf32, #tpu.memory_space<hbm>>)
        tpu.yield
      }) : () -> ()
      %scan3A_50 = arith.constant 0 : i32
      scf.yield %scan3A_50 : i32
    }
    %scan3A_16 = arith.constant 8 : i32
    return
  }
}

module attributes {stable_mosaic.version = 14 : i64} {
  func.func @_fps_body(%arg0: i32, %arg1: memref<3x8x2048xf32, #tpu.memory_space<vmem>>, %arg2: memref<3x8x512xf32, #tpu.memory_space<vmem>>) attributes {dimension_semantics = [#tpu.dimension_semantics<arbitrary>], iteration_bounds = array<i64: 1>, scalar_prefetch = 0 : i64, scratch_operands = 0 : i64, tpu.core_type = #tpu.core_type<tc>, window_params = [{pipeline_mode = #tpu.pipeline_mode<synchronous>, transform_indices = @transform_0, window_bounds = array<i64: 3, 8, 2048>}, {pipeline_mode = #tpu.pipeline_mode<synchronous>, transform_indices = @transform_1, window_bounds = array<i64: 3, 8, 512>}]} {
    %get3A = arith.constant 0 : index
    %get3A_0 = arith.constant 0 : index
    %get3A_1 = arith.constant 0 : index
    %get3A_2 = vector.load %arg1[%get3A, %get3A_0, %get3A_1] : memref<3x8x2048xf32, #tpu.memory_space<vmem>>, vector<1x8x2048xf32>
    %get3A_3 = vector.shape_cast %get3A_2 : vector<1x8x2048xf32> to vector<8x2048xf32>
    %get3A_4 = arith.constant 1 : index
    %get3A_5 = arith.constant 0 : index
    %get3A_6 = arith.constant 0 : index
    %get3A_7 = vector.load %arg1[%get3A_4, %get3A_5, %get3A_6] : memref<3x8x2048xf32, #tpu.memory_space<vmem>>, vector<1x8x2048xf32>
    %get3A_8 = vector.shape_cast %get3A_7 : vector<1x8x2048xf32> to vector<8x2048xf32>
    %get3A_9 = arith.constant 2 : index
    %get3A_10 = arith.constant 0 : index
    %get3A_11 = arith.constant 0 : index
    %get3A_12 = vector.load %arg1[%get3A_9, %get3A_10, %get3A_11] : memref<3x8x2048xf32, #tpu.memory_space<vmem>>, vector<1x8x2048xf32>
    %get3A_13 = vector.shape_cast %get3A_12 : vector<1x8x2048xf32> to vector<8x2048xf32>
    %iota3A = tpu.iota {dimensions = array<i32: 1>} : vector<8x2048xi32>
    %iota3A_14 = tpu.iota {dimensions = array<i32: 1>} : vector<8x512xi32>
    %broadcast_in_dim3A = arith.constant 1.000000e+10 : f32
    %broadcast_in_dim3A_15 = vector.broadcast %broadcast_in_dim3A : f32 to vector<8x2048xf32>
    %broadcast_in_dim3A_16 = arith.constant 0 : i32
    %broadcast_in_dim3A_17 = vector.broadcast %broadcast_in_dim3A_16 : i32 to vector<8x1xi32>
    %broadcast_in_dim3A_18 = arith.constant 0.000000e+00 : f32
    %broadcast_in_dim3A_19 = vector.broadcast %broadcast_in_dim3A_18 : f32 to vector<8x512xf32>
    %broadcast_in_dim3A_20 = arith.constant 0.000000e+00 : f32
    %broadcast_in_dim3A_21 = vector.broadcast %broadcast_in_dim3A_20 : f32 to vector<8x512xf32>
    %broadcast_in_dim3A_22 = arith.constant 0.000000e+00 : f32
    %broadcast_in_dim3A_23 = vector.broadcast %broadcast_in_dim3A_22 : f32 to vector<8x512xf32>
    %scan3A = arith.constant 0 : i32
    %scan3A_24 = arith.constant 512 : i32
    %scan3A_25 = arith.addi %scan3A, %scan3A_24 : i32
    %scan3A_26 = arith.constant 1 : i32
    %scan3A_27:5 = scf.for %scan3A_46 = %scan3A to %scan3A_25 step %scan3A_26 iter_args(%scan3A_47 = %broadcast_in_dim3A_15, %scan3A_48 = %broadcast_in_dim3A_17, %scan3A_49 = %broadcast_in_dim3A_19, %scan3A_50 = %broadcast_in_dim3A_21, %scan3A_51 = %broadcast_in_dim3A_23) -> (vector<8x2048xf32>, vector<8x1xi32>, vector<8x512xf32>, vector<8x512xf32>, vector<8x512xf32>)  : i32 {
      %eq3A = vector.broadcast %scan3A_48 : vector<8x1xi32> to vector<8x2048xi32>
      %eq3A_52 = arith.cmpi eq, %iota3A, %eq3A : vector<8x2048xi32>
      %jit3A = arith.constant 0.000000e+00 : f32
      %broadcast_in_dim3A_53 = vector.broadcast %jit3A : f32 to vector<8x2048xf32>
      %select_n3A = arith.select %eq3A_52, %get3A_3, %broadcast_in_dim3A_53 : vector<8x2048xi1>, vector<8x2048xf32>
      %slice3A = vector.extract_strided_slice %select_n3A {offsets = [0, 0], sizes = [8, 1024], strides = [1, 1]} : vector<8x2048xf32> to vector<8x1024xf32>
      %slice3A_54 = vector.extract_strided_slice %select_n3A {offsets = [0, 1024], sizes = [8, 1024], strides = [1, 1]} : vector<8x2048xf32> to vector<8x1024xf32>
      %add3A = arith.addf %slice3A, %slice3A_54 : vector<8x1024xf32>
      %slice3A_55 = vector.extract_strided_slice %add3A {offsets = [0, 0], sizes = [8, 512], strides = [1, 1]} : vector<8x1024xf32> to vector<8x512xf32>
      %slice3A_56 = vector.extract_strided_slice %add3A {offsets = [0, 512], sizes = [8, 512], strides = [1, 1]} : vector<8x1024xf32> to vector<8x512xf32>
      %add3A_57 = arith.addf %slice3A_55, %slice3A_56 : vector<8x512xf32>
      %slice3A_58 = vector.extract_strided_slice %add3A_57 {offsets = [0, 0], sizes = [8, 256], strides = [1, 1]} : vector<8x512xf32> to vector<8x256xf32>
      %slice3A_59 = vector.extract_strided_slice %add3A_57 {offsets = [0, 256], sizes = [8, 256], strides = [1, 1]} : vector<8x512xf32> to vector<8x256xf32>
      %add3A_60 = arith.addf %slice3A_58, %slice3A_59 : vector<8x256xf32>
      %slice3A_61 = vector.extract_strided_slice %add3A_60 {offsets = [0, 0], sizes = [8, 128], strides = [1, 1]} : vector<8x256xf32> to vector<8x128xf32>
      %slice3A_62 = vector.extract_strided_slice %add3A_60 {offsets = [0, 128], sizes = [8, 128], strides = [1, 1]} : vector<8x256xf32> to vector<8x128xf32>
      %add3A_63 = arith.addf %slice3A_61, %slice3A_62 : vector<8x128xf32>
      %reduce_sum3A = arith.constant dense<0.000000e+00> : vector<8xf32>
      %reduce_sum3A_64 = vector.multi_reduction <add>, %add3A_63, %reduce_sum3A [1] : vector<8x128xf32> to vector<8xf32>
      %broadcast_in_dim3A_65 = vector.shape_cast %reduce_sum3A_64 : vector<8xf32> to vector<8x1xf32>
      %jit3A_66 = arith.constant 0.000000e+00 : f32
      %broadcast_in_dim3A_67 = vector.broadcast %jit3A_66 : f32 to vector<8x2048xf32>
      %select_n3A_68 = arith.select %eq3A_52, %get3A_8, %broadcast_in_dim3A_67 : vector<8x2048xi1>, vector<8x2048xf32>
      %slice3A_69 = vector.extract_strided_slice %select_n3A_68 {offsets = [0, 0], sizes = [8, 1024], strides = [1, 1]} : vector<8x2048xf32> to vector<8x1024xf32>
      %slice3A_70 = vector.extract_strided_slice %select_n3A_68 {offsets = [0, 1024], sizes = [8, 1024], strides = [1, 1]} : vector<8x2048xf32> to vector<8x1024xf32>
      %add3A_71 = arith.addf %slice3A_69, %slice3A_70 : vector<8x1024xf32>
      %slice3A_72 = vector.extract_strided_slice %add3A_71 {offsets = [0, 0], sizes = [8, 512], strides = [1, 1]} : vector<8x1024xf32> to vector<8x512xf32>
      %slice3A_73 = vector.extract_strided_slice %add3A_71 {offsets = [0, 512], sizes = [8, 512], strides = [1, 1]} : vector<8x1024xf32> to vector<8x512xf32>
      %add3A_74 = arith.addf %slice3A_72, %slice3A_73 : vector<8x512xf32>
      %slice3A_75 = vector.extract_strided_slice %add3A_74 {offsets = [0, 0], sizes = [8, 256], strides = [1, 1]} : vector<8x512xf32> to vector<8x256xf32>
      %slice3A_76 = vector.extract_strided_slice %add3A_74 {offsets = [0, 256], sizes = [8, 256], strides = [1, 1]} : vector<8x512xf32> to vector<8x256xf32>
      %add3A_77 = arith.addf %slice3A_75, %slice3A_76 : vector<8x256xf32>
      %slice3A_78 = vector.extract_strided_slice %add3A_77 {offsets = [0, 0], sizes = [8, 128], strides = [1, 1]} : vector<8x256xf32> to vector<8x128xf32>
      %slice3A_79 = vector.extract_strided_slice %add3A_77 {offsets = [0, 128], sizes = [8, 128], strides = [1, 1]} : vector<8x256xf32> to vector<8x128xf32>
      %add3A_80 = arith.addf %slice3A_78, %slice3A_79 : vector<8x128xf32>
      %reduce_sum3A_81 = arith.constant dense<0.000000e+00> : vector<8xf32>
      %reduce_sum3A_82 = vector.multi_reduction <add>, %add3A_80, %reduce_sum3A_81 [1] : vector<8x128xf32> to vector<8xf32>
      %broadcast_in_dim3A_83 = vector.shape_cast %reduce_sum3A_82 : vector<8xf32> to vector<8x1xf32>
      %jit3A_84 = arith.constant 0.000000e+00 : f32
      %broadcast_in_dim3A_85 = vector.broadcast %jit3A_84 : f32 to vector<8x2048xf32>
      %select_n3A_86 = arith.select %eq3A_52, %get3A_13, %broadcast_in_dim3A_85 : vector<8x2048xi1>, vector<8x2048xf32>
      %slice3A_87 = vector.extract_strided_slice %select_n3A_86 {offsets = [0, 0], sizes = [8, 1024], strides = [1, 1]} : vector<8x2048xf32> to vector<8x1024xf32>
      %slice3A_88 = vector.extract_strided_slice %select_n3A_86 {offsets = [0, 1024], sizes = [8, 1024], strides = [1, 1]} : vector<8x2048xf32> to vector<8x1024xf32>
      %add3A_89 = arith.addf %slice3A_87, %slice3A_88 : vector<8x1024xf32>
      %slice3A_90 = vector.extract_strided_slice %add3A_89 {offsets = [0, 0], sizes = [8, 512], strides = [1, 1]} : vector<8x1024xf32> to vector<8x512xf32>
      %slice3A_91 = vector.extract_strided_slice %add3A_89 {offsets = [0, 512], sizes = [8, 512], strides = [1, 1]} : vector<8x1024xf32> to vector<8x512xf32>
      %add3A_92 = arith.addf %slice3A_90, %slice3A_91 : vector<8x512xf32>
      %slice3A_93 = vector.extract_strided_slice %add3A_92 {offsets = [0, 0], sizes = [8, 256], strides = [1, 1]} : vector<8x512xf32> to vector<8x256xf32>
      %slice3A_94 = vector.extract_strided_slice %add3A_92 {offsets = [0, 256], sizes = [8, 256], strides = [1, 1]} : vector<8x512xf32> to vector<8x256xf32>
      %add3A_95 = arith.addf %slice3A_93, %slice3A_94 : vector<8x256xf32>
      %slice3A_96 = vector.extract_strided_slice %add3A_95 {offsets = [0, 0], sizes = [8, 128], strides = [1, 1]} : vector<8x256xf32> to vector<8x128xf32>
      %slice3A_97 = vector.extract_strided_slice %add3A_95 {offsets = [0, 128], sizes = [8, 128], strides = [1, 1]} : vector<8x256xf32> to vector<8x128xf32>
      %add3A_98 = arith.addf %slice3A_96, %slice3A_97 : vector<8x128xf32>
      %reduce_sum3A_99 = arith.constant dense<0.000000e+00> : vector<8xf32>
      %reduce_sum3A_100 = vector.multi_reduction <add>, %add3A_98, %reduce_sum3A_99 [1] : vector<8x128xf32> to vector<8xf32>
      %broadcast_in_dim3A_101 = vector.shape_cast %reduce_sum3A_100 : vector<8xf32> to vector<8x1xf32>
      %eq3A_102 = vector.broadcast %scan3A_46 : i32 to vector<8x512xi32>
      %eq3A_103 = arith.cmpi eq, %iota3A_14, %eq3A_102 : vector<8x512xi32>
      %broadcast_in_dim3A_104 = vector.shape_cast %broadcast_in_dim3A_65 : vector<8x1xf32> to vector<8x1xf32>
      %broadcast_in_dim3A_105 = vector.broadcast %broadcast_in_dim3A_104 : vector<8x1xf32> to vector<8x512xf32>
      %select_n3A_106 = arith.select %eq3A_103, %broadcast_in_dim3A_105, %scan3A_49 : vector<8x512xi1>, vector<8x512xf32>
      %broadcast_in_dim3A_107 = vector.shape_cast %broadcast_in_dim3A_83 : vector<8x1xf32> to vector<8x1xf32>
      %broadcast_in_dim3A_108 = vector.broadcast %broadcast_in_dim3A_107 : vector<8x1xf32> to vector<8x512xf32>
      %select_n3A_109 = arith.select %eq3A_103, %broadcast_in_dim3A_108, %scan3A_50 : vector<8x512xi1>, vector<8x512xf32>
      %broadcast_in_dim3A_110 = vector.shape_cast %broadcast_in_dim3A_101 : vector<8x1xf32> to vector<8x1xf32>
      %broadcast_in_dim3A_111 = vector.broadcast %broadcast_in_dim3A_110 : vector<8x1xf32> to vector<8x512xf32>
      %select_n3A_112 = arith.select %eq3A_103, %broadcast_in_dim3A_111, %scan3A_51 : vector<8x512xi1>, vector<8x512xf32>
      %sub3A = vector.broadcast %broadcast_in_dim3A_65 : vector<8x1xf32> to vector<8x2048xf32>
      %sub3A_113 = arith.subf %get3A_3, %sub3A : vector<8x2048xf32>
      %sub3A_114 = vector.broadcast %broadcast_in_dim3A_83 : vector<8x1xf32> to vector<8x2048xf32>
      %sub3A_115 = arith.subf %get3A_8, %sub3A_114 : vector<8x2048xf32>
      %sub3A_116 = vector.broadcast %broadcast_in_dim3A_101 : vector<8x1xf32> to vector<8x2048xf32>
      %sub3A_117 = arith.subf %get3A_13, %sub3A_116 : vector<8x2048xf32>
      %mul3A = arith.mulf %sub3A_113, %sub3A_113 : vector<8x2048xf32>
      %mul3A_118 = arith.mulf %sub3A_115, %sub3A_115 : vector<8x2048xf32>
      %add3A_119 = arith.addf %mul3A, %mul3A_118 : vector<8x2048xf32>
      %mul3A_120 = arith.mulf %sub3A_117, %sub3A_117 : vector<8x2048xf32>
      %add3A_121 = arith.addf %add3A_119, %mul3A_120 : vector<8x2048xf32>
      %min3A = arith.minimumf %scan3A_47, %add3A_121 : vector<8x2048xf32>
      %slice3A_122 = vector.extract_strided_slice %min3A {offsets = [0, 0], sizes = [8, 1024], strides = [1, 1]} : vector<8x2048xf32> to vector<8x1024xf32>
      %slice3A_123 = vector.extract_strided_slice %min3A {offsets = [0, 1024], sizes = [8, 1024], strides = [1, 1]} : vector<8x2048xf32> to vector<8x1024xf32>
      %max3A = arith.maximumf %slice3A_122, %slice3A_123 : vector<8x1024xf32>
      %slice3A_124 = vector.extract_strided_slice %max3A {offsets = [0, 0], sizes = [8, 512], strides = [1, 1]} : vector<8x1024xf32> to vector<8x512xf32>
      %slice3A_125 = vector.extract_strided_slice %max3A {offsets = [0, 512], sizes = [8, 512], strides = [1, 1]} : vector<8x1024xf32> to vector<8x512xf32>
      %max3A_126 = arith.maximumf %slice3A_124, %slice3A_125 : vector<8x512xf32>
      %slice3A_127 = vector.extract_strided_slice %max3A_126 {offsets = [0, 0], sizes = [8, 256], strides = [1, 1]} : vector<8x512xf32> to vector<8x256xf32>
      %slice3A_128 = vector.extract_strided_slice %max3A_126 {offsets = [0, 256], sizes = [8, 256], strides = [1, 1]} : vector<8x512xf32> to vector<8x256xf32>
      %max3A_129 = arith.maximumf %slice3A_127, %slice3A_128 : vector<8x256xf32>
      %slice3A_130 = vector.extract_strided_slice %max3A_129 {offsets = [0, 0], sizes = [8, 128], strides = [1, 1]} : vector<8x256xf32> to vector<8x128xf32>
      %slice3A_131 = vector.extract_strided_slice %max3A_129 {offsets = [0, 128], sizes = [8, 128], strides = [1, 1]} : vector<8x256xf32> to vector<8x128xf32>
      %max3A_132 = arith.maximumf %slice3A_130, %slice3A_131 : vector<8x128xf32>
      %reduce_max3A = arith.constant dense<0xFF800000> : vector<8xf32>
      %reduce_max3A_133 = vector.multi_reduction <maximumf>, %max3A_132, %reduce_max3A [1] : vector<8x128xf32> to vector<8xf32>
      %broadcast_in_dim3A_134 = vector.shape_cast %reduce_max3A_133 : vector<8xf32> to vector<8x1xf32>
      %eq3A_135 = vector.broadcast %broadcast_in_dim3A_134 : vector<8x1xf32> to vector<8x2048xf32>
      %eq3A_136 = arith.cmpf oeq, %min3A, %eq3A_135 : vector<8x2048xf32>
      %jit3A_137 = arith.constant 2048 : i32
      %broadcast_in_dim3A_138 = vector.broadcast %jit3A_137 : i32 to vector<8x2048xi32>
      %select_n3A_139 = arith.select %eq3A_136, %iota3A, %broadcast_in_dim3A_138 : vector<8x2048xi1>, vector<8x2048xi32>
      %slice3A_140 = vector.extract_strided_slice %select_n3A_139 {offsets = [0, 0], sizes = [8, 1024], strides = [1, 1]} : vector<8x2048xi32> to vector<8x1024xi32>
      %slice3A_141 = vector.extract_strided_slice %select_n3A_139 {offsets = [0, 1024], sizes = [8, 1024], strides = [1, 1]} : vector<8x2048xi32> to vector<8x1024xi32>
      %min3A_142 = arith.minsi %slice3A_140, %slice3A_141 : vector<8x1024xi32>
      %slice3A_143 = vector.extract_strided_slice %min3A_142 {offsets = [0, 0], sizes = [8, 512], strides = [1, 1]} : vector<8x1024xi32> to vector<8x512xi32>
      %slice3A_144 = vector.extract_strided_slice %min3A_142 {offsets = [0, 512], sizes = [8, 512], strides = [1, 1]} : vector<8x1024xi32> to vector<8x512xi32>
      %min3A_145 = arith.minsi %slice3A_143, %slice3A_144 : vector<8x512xi32>
      %slice3A_146 = vector.extract_strided_slice %min3A_145 {offsets = [0, 0], sizes = [8, 256], strides = [1, 1]} : vector<8x512xi32> to vector<8x256xi32>
      %slice3A_147 = vector.extract_strided_slice %min3A_145 {offsets = [0, 256], sizes = [8, 256], strides = [1, 1]} : vector<8x512xi32> to vector<8x256xi32>
      %min3A_148 = arith.minsi %slice3A_146, %slice3A_147 : vector<8x256xi32>
      %slice3A_149 = vector.extract_strided_slice %min3A_148 {offsets = [0, 0], sizes = [8, 128], strides = [1, 1]} : vector<8x256xi32> to vector<8x128xi32>
      %slice3A_150 = vector.extract_strided_slice %min3A_148 {offsets = [0, 128], sizes = [8, 128], strides = [1, 1]} : vector<8x256xi32> to vector<8x128xi32>
      %min3A_151 = arith.minsi %slice3A_149, %slice3A_150 : vector<8x128xi32>
      %reduce_min3A = arith.constant dense<2147483647> : vector<8xi32>
      %reduce_min3A_152 = vector.multi_reduction <minsi>, %min3A_151, %reduce_min3A [1] : vector<8x128xi32> to vector<8xi32>
      %broadcast_in_dim3A_153 = vector.shape_cast %reduce_min3A_152 : vector<8xi32> to vector<8x1xi32>
      scf.yield %min3A, %broadcast_in_dim3A_153, %select_n3A_106, %select_n3A_109, %select_n3A_112 : vector<8x2048xf32>, vector<8x1xi32>, vector<8x512xf32>, vector<8x512xf32>, vector<8x512xf32>
    }
    %scan3A_28 = arith.constant 512 : i32
    %swap3A = arith.constant 0 : index
    %swap3A_29 = arith.constant 0 : index
    %swap3A_30 = arith.constant 0 : index
    %swap3A_31 = vector.load %arg2[%swap3A, %swap3A_29, %swap3A_30] : memref<3x8x512xf32, #tpu.memory_space<vmem>>, vector<1x8x512xf32>
    %swap3A_32 = vector.shape_cast %swap3A_31 : vector<1x8x512xf32> to vector<8x512xf32>
    %swap3A_33 = vector.shape_cast %scan3A_27#2 : vector<8x512xf32> to vector<1x8x512xf32>
    tpu.vector_store %arg2[%swap3A, %swap3A_29, %swap3A_30], %swap3A_33 {strides = array<i32>} : memref<3x8x512xf32, #tpu.memory_space<vmem>>, vector<1x8x512xf32>,
    %swap3A_34 = arith.constant 1 : index
    %swap3A_35 = arith.constant 0 : index
    %swap3A_36 = arith.constant 0 : index
    %swap3A_37 = vector.load %arg2[%swap3A_34, %swap3A_35, %swap3A_36] : memref<3x8x512xf32, #tpu.memory_space<vmem>>, vector<1x8x512xf32>
    %swap3A_38 = vector.shape_cast %swap3A_37 : vector<1x8x512xf32> to vector<8x512xf32>
    %swap3A_39 = vector.shape_cast %scan3A_27#3 : vector<8x512xf32> to vector<1x8x512xf32>
    tpu.vector_store %arg2[%swap3A_34, %swap3A_35, %swap3A_36], %swap3A_39 {strides = array<i32>} : memref<3x8x512xf32, #tpu.memory_space<vmem>>, vector<1x8x512xf32>,
    %swap3A_40 = arith.constant 2 : index
    %swap3A_41 = arith.constant 0 : index
    %swap3A_42 = arith.constant 0 : index
    %swap3A_43 = vector.load %arg2[%swap3A_40, %swap3A_41, %swap3A_42] : memref<3x8x512xf32, #tpu.memory_space<vmem>>, vector<1x8x512xf32>
    %swap3A_44 = vector.shape_cast %swap3A_43 : vector<1x8x512xf32> to vector<8x512xf32>
    %swap3A_45 = vector.shape_cast %scan3A_27#4 : vector<8x512xf32> to vector<1x8x512xf32>
    tpu.vector_store %arg2[%swap3A_40, %swap3A_41, %swap3A_42], %swap3A_45 {strides = array<i32>} : memref<3x8x512xf32, #tpu.memory_space<vmem>>, vector<1x8x512xf32>,
    return
  }
  func.func @transform_0(%arg0: i32) -> (i32, i32, i32) {
    %c0_i32 = arith.constant 0 : i32
    %c0_i32_0 = arith.constant 0 : i32
    %c0_i32_1 = arith.constant 0 : i32
    %c0_i32_2 = arith.constant 0 : i32
    return %c0_i32, %c0_i32_0, %c0_i32_1 : i32, i32, i32
  }
  func.func @transform_1(%arg0: i32) -> (i32, i32, i32) {
    %c0_i32 = arith.constant 0 : i32
    %c0_i32_0 = arith.constant 0 : i32
    %c0_i32_1 = arith.constant 0 : i32
    %c0_i32_2 = arith.constant 0 : i32
    return %c0_i32, %c0_i32_0, %c0_i32_1 : i32, i32, i32
  }
}

module attributes {stable_mosaic.version = 14 : i64} {
  func.func @_bq_body(%arg0: i32, %arg1: i32, %arg2: memref<3x8x2048xf32, #tpu.memory_space<vmem>>, %arg3: memref<1x512x3xf32, #tpu.memory_space<vmem>>, %arg4: memref<1x512x32xi32, #tpu.memory_space<vmem>>) attributes {dimension_semantics = [#tpu.dimension_semantics<arbitrary>, #tpu.dimension_semantics<arbitrary>], iteration_bounds = array<i64: 4, 1>, scalar_prefetch = 0 : i64, scratch_operands = 0 : i64, tpu.core_type = #tpu.core_type<tc>, window_params = [{pipeline_mode = #tpu.pipeline_mode<synchronous>, transform_indices = @transform_0, window_bounds = array<i64: 3, 8, 2048>}, {transform_indices = @transform_1, window_bounds = array<i64: 1, 512, 3>}, {transform_indices = @transform_2, window_bounds = array<i64: 1, 512, 32>}]} {
    %add3A = arith.constant 0 : i32
    %add3A_0 = arith.addi %arg0, %add3A : i32
    %get3A = arith.constant 0 : index
    %get3A_1 = arith.index_cast %add3A_0 : i32 to index
    %get3A_2 = arith.constant 0 : index
    %get3A_3 = vector.load %arg2[%get3A, %get3A_1, %get3A_2] : memref<3x8x2048xf32, #tpu.memory_space<vmem>>, vector<1x1x2048xf32>
    %get3A_4 = vector.shape_cast %get3A_3 : vector<1x1x2048xf32> to vector<1x2048xf32>
    %get3A_5 = arith.constant 1 : index
    %get3A_6 = arith.index_cast %add3A_0 : i32 to index
    %get3A_7 = arith.constant 0 : index
    %get3A_8 = vector.load %arg2[%get3A_5, %get3A_6, %get3A_7] : memref<3x8x2048xf32, #tpu.memory_space<vmem>>, vector<1x1x2048xf32>
    %get3A_9 = vector.shape_cast %get3A_8 : vector<1x1x2048xf32> to vector<1x2048xf32>
    %get3A_10 = arith.constant 2 : index
    %get3A_11 = arith.index_cast %add3A_0 : i32 to index
    %get3A_12 = arith.constant 0 : index
    %get3A_13 = vector.load %arg2[%get3A_10, %get3A_11, %get3A_12] : memref<3x8x2048xf32, #tpu.memory_space<vmem>>, vector<1x1x2048xf32>
    %get3A_14 = vector.shape_cast %get3A_13 : vector<1x1x2048xf32> to vector<1x2048xf32>
    %get3A_15 = arith.constant 0 : index
    %get3A_16 = arith.constant 0 : index
    %get3A_17 = arith.constant 0 : index
    %get3A_18 = vector.load %arg3[%get3A_15, %get3A_16, %get3A_17] : memref<1x512x3xf32, #tpu.memory_space<vmem>>, vector<1x512x3xf32>
    %get3A_19 = vector.shape_cast %get3A_18 : vector<1x512x3xf32> to vector<512x3xf32>
    %slice3A = vector.extract_strided_slice %get3A_19 {offsets = [0, 0], sizes = [512, 1], strides = [1, 1]} : vector<512x3xf32> to vector<512x1xf32>
    %slice3A_20 = vector.extract_strided_slice %get3A_19 {offsets = [0, 1], sizes = [512, 1], strides = [1, 1]} : vector<512x3xf32> to vector<512x1xf32>
    %slice3A_21 = vector.extract_strided_slice %get3A_19 {offsets = [0, 2], sizes = [512, 1], strides = [1, 1]} : vector<512x3xf32> to vector<512x1xf32>
    %sub3A = vector.broadcast %get3A_4 : vector<1x2048xf32> to vector<512x2048xf32>
    %sub3A_22 = vector.broadcast %slice3A : vector<512x1xf32> to vector<512x2048xf32>
    %sub3A_23 = arith.subf %sub3A, %sub3A_22 : vector<512x2048xf32>
    %sub3A_24 = vector.broadcast %get3A_9 : vector<1x2048xf32> to vector<512x2048xf32>
    %sub3A_25 = vector.broadcast %slice3A_20 : vector<512x1xf32> to vector<512x2048xf32>
    %sub3A_26 = arith.subf %sub3A_24, %sub3A_25 : vector<512x2048xf32>
    %sub3A_27 = vector.broadcast %get3A_14 : vector<1x2048xf32> to vector<512x2048xf32>
    %sub3A_28 = vector.broadcast %slice3A_21 : vector<512x1xf32> to vector<512x2048xf32>
    %sub3A_29 = arith.subf %sub3A_27, %sub3A_28 : vector<512x2048xf32>
    %mul3A = arith.mulf %sub3A_23, %sub3A_23 : vector<512x2048xf32>
    %mul3A_30 = arith.mulf %sub3A_26, %sub3A_26 : vector<512x2048xf32>
    %add3A_31 = arith.addf %mul3A, %mul3A_30 : vector<512x2048xf32>
    %mul3A_32 = arith.mulf %sub3A_29, %sub3A_29 : vector<512x2048xf32>
    %add3A_33 = arith.addf %add3A_31, %mul3A_32 : vector<512x2048xf32>
    %iota3A = tpu.iota {dimensions = array<i32: 1>} : vector<512x2048xi32>
    %le3A = arith.constant 4.000000e-02 : f32
    %le3A_34 = vector.broadcast %le3A : f32 to vector<512x2048xf32>
    %le3A_35 = arith.cmpf ole, %add3A_33, %le3A_34 : vector<512x2048xf32>
    %jit3A = arith.constant 2048 : i32
    %broadcast_in_dim3A = vector.broadcast %jit3A : i32 to vector<512x2048xi32>
    %select_n3A = arith.select %le3A_35, %iota3A, %broadcast_in_dim3A : vector<512x2048xi1>, vector<512x2048xi32>
    %mul3A_36 = arith.constant 2048 : i32
    %mul3A_37 = arith.muli %add3A_0, %mul3A_36 : i32
    %slice3A_38 = vector.extract_strided_slice %select_n3A {offsets = [0, 0], sizes = [512, 1024], strides = [1, 1]} : vector<512x2048xi32> to vector<512x1024xi32>
    %slice3A_39 = vector.extract_strided_slice %select_n3A {offsets = [0, 1024], sizes = [512, 1024], strides = [1, 1]} : vector<512x2048xi32> to vector<512x1024xi32>
    %min3A = arith.minsi %slice3A_38, %slice3A_39 : vector<512x1024xi32>
    %slice3A_40 = vector.extract_strided_slice %min3A {offsets = [0, 0], sizes = [512, 512], strides = [1, 1]} : vector<512x1024xi32> to vector<512x512xi32>
    %slice3A_41 = vector.extract_strided_slice %min3A {offsets = [0, 512], sizes = [512, 512], strides = [1, 1]} : vector<512x1024xi32> to vector<512x512xi32>
    %min3A_42 = arith.minsi %slice3A_40, %slice3A_41 : vector<512x512xi32>
    %slice3A_43 = vector.extract_strided_slice %min3A_42 {offsets = [0, 0], sizes = [512, 256], strides = [1, 1]} : vector<512x512xi32> to vector<512x256xi32>
    %slice3A_44 = vector.extract_strided_slice %min3A_42 {offsets = [0, 256], sizes = [512, 256], strides = [1, 1]} : vector<512x512xi32> to vector<512x256xi32>
    %min3A_45 = arith.minsi %slice3A_43, %slice3A_44 : vector<512x256xi32>
    %slice3A_46 = vector.extract_strided_slice %min3A_45 {offsets = [0, 0], sizes = [512, 128], strides = [1, 1]} : vector<512x256xi32> to vector<512x128xi32>
    %slice3A_47 = vector.extract_strided_slice %min3A_45 {offsets = [0, 128], sizes = [512, 128], strides = [1, 1]} : vector<512x256xi32> to vector<512x128xi32>
    %min3A_48 = arith.minsi %slice3A_46, %slice3A_47 : vector<512x128xi32>
    %reduce_min3A = arith.constant dense<2147483647> : vector<512xi32>
    %reduce_min3A_49 = vector.multi_reduction <minsi>, %min3A_48, %reduce_min3A [1] : vector<512x128xi32> to vector<512xi32>
    %broadcast_in_dim3A_50 = vector.shape_cast %reduce_min3A_49 : vector<512xi32> to vector<512x1xi32>
    %add3A_51 = vector.broadcast %mul3A_37 : i32 to vector<512x1xi32>
    %add3A_52 = arith.addi %broadcast_in_dim3A_50, %add3A_51 : vector<512x1xi32>
    %swap3A = arith.constant 0 : index
    %swap3A_53 = arith.constant 0 : index
    %swap3A_54 = arith.constant 0 : index
    %swap3A_55 = vector.load %arg4[%swap3A, %swap3A_53, %swap3A_54] : memref<1x512x32xi32, #tpu.memory_space<vmem>>, vector<1x512x1xi32>
    %swap3A_56 = vector.shape_cast %swap3A_55 : vector<1x512x1xi32> to vector<512x1xi32>
    %swap3A_57 = vector.shape_cast %add3A_52 : vector<512x1xi32> to vector<1x512x1xi32>
    tpu.vector_store %arg4[%swap3A, %swap3A_53, %swap3A_54], %swap3A_57 {strides = array<i32>} : memref<1x512x32xi32, #tpu.memory_space<vmem>>, vector<1x512x1xi32>,
    %gt3A = vector.broadcast %broadcast_in_dim3A_50 : vector<512x1xi32> to vector<512x2048xi32>
    %gt3A_58 = arith.cmpi sgt, %iota3A, %gt3A : vector<512x2048xi32>
    %jit3A_59 = arith.constant 2048 : i32
    %broadcast_in_dim3A_60 = vector.broadcast %jit3A_59 : i32 to vector<512x2048xi32>
    %select_n3A_61 = arith.select %gt3A_58, %select_n3A, %broadcast_in_dim3A_60 : vector<512x2048xi1>, vector<512x2048xi32>
    %slice3A_62 = vector.extract_strided_slice %select_n3A_61 {offsets = [0, 0], sizes = [512, 1024], strides = [1, 1]} : vector<512x2048xi32> to vector<512x1024xi32>
    %slice3A_63 = vector.extract_strided_slice %select_n3A_61 {offsets = [0, 1024], sizes = [512, 1024], strides = [1, 1]} : vector<512x2048xi32> to vector<512x1024xi32>
    %min3A_64 = arith.minsi %slice3A_62, %slice3A_63 : vector<512x1024xi32>
    %slice3A_65 = vector.extract_strided_slice %min3A_64 {offsets = [0, 0], sizes = [512, 512], strides = [1, 1]} : vector<512x1024xi32> to vector<512x512xi32>
    %slice3A_66 = vector.extract_strided_slice %min3A_64 {offsets = [0, 512], sizes = [512, 512], strides = [1, 1]} : vector<512x1024xi32> to vector<512x512xi32>
    %min3A_67 = arith.minsi %slice3A_65, %slice3A_66 : vector<512x512xi32>
    %slice3A_68 = vector.extract_strided_slice %min3A_67 {offsets = [0, 0], sizes = [512, 256], strides = [1, 1]} : vector<512x512xi32> to vector<512x256xi32>
    %slice3A_69 = vector.extract_strided_slice %min3A_67 {offsets = [0, 256], sizes = [512, 256], strides = [1, 1]} : vector<512x512xi32> to vector<512x256xi32>
    %min3A_70 = arith.minsi %slice3A_68, %slice3A_69 : vector<512x256xi32>
    %slice3A_71 = vector.extract_strided_slice %min3A_70 {offsets = [0, 0], sizes = [512, 128], strides = [1, 1]} : vector<512x256xi32> to vector<512x128xi32>
    %slice3A_72 = vector.extract_strided_slice %min3A_70 {offsets = [0, 128], sizes = [512, 128], strides = [1, 1]} : vector<512x256xi32> to vector<512x128xi32>
    %min3A_73 = arith.minsi %slice3A_71, %slice3A_72 : vector<512x128xi32>
    %reduce_min3A_74 = arith.constant dense<2147483647> : vector<512xi32>
    %reduce_min3A_75 = vector.multi_reduction <minsi>, %min3A_73, %reduce_min3A_74 [1] : vector<512x128xi32> to vector<512xi32>
    %broadcast_in_dim3A_76 = vector.shape_cast %reduce_min3A_75 : vector<512xi32> to vector<512x1xi32>
    %eq3A = arith.constant 2048 : i32
    %eq3A_77 = vector.broadcast %eq3A : i32 to vector<512x1xi32>
    %eq3A_78 = arith.cmpi eq, %broadcast_in_dim3A_76, %eq3A_77 : vector<512x1xi32>
    %select_n3A_79 = arith.select %eq3A_78, %broadcast_in_dim3A_50, %broadcast_in_dim3A_76 : vector<512x1xi1>, vector<512x1xi32>
    %add3A_80 = vector.broadcast %mul3A_37 : i32 to vector<512x1xi32>
    %add3A_81 = arith.addi %select_n3A_79, %add3A_80 : vector<512x1xi32>
    %swap3A_82 = arith.constant 0 : index
    %swap3A_83 = arith.constant 0 : index
    %swap3A_84 = arith.constant 1 : index
    %swap3A_85 = vector.load %arg4[%swap3A_82, %swap3A_83, %swap3A_84] : memref<1x512x32xi32, #tpu.memory_space<vmem>>, vector<1x512x1xi32>
    %swap3A_86 = vector.shape_cast %swap3A_85 : vector<1x512x1xi32> to vector<512x1xi32>
    %swap3A_87 = vector.shape_cast %add3A_81 : vector<512x1xi32> to vector<1x512x1xi32>
    tpu.vector_store %arg4[%swap3A_82, %swap3A_83, %swap3A_84], %swap3A_87 {strides = array<i32>} : memref<1x512x32xi32, #tpu.memory_space<vmem>>, vector<1x512x1xi32>,
    %gt3A_88 = vector.broadcast %broadcast_in_dim3A_76 : vector<512x1xi32> to vector<512x2048xi32>
    %gt3A_89 = arith.cmpi sgt, %iota3A, %gt3A_88 : vector<512x2048xi32>
    %jit3A_90 = arith.constant 2048 : i32
    %broadcast_in_dim3A_91 = vector.broadcast %jit3A_90 : i32 to vector<512x2048xi32>
    %select_n3A_92 = arith.select %gt3A_89, %select_n3A, %broadcast_in_dim3A_91 : vector<512x2048xi1>, vector<512x2048xi32>
    %slice3A_93 = vector.extract_strided_slice %select_n3A_92 {offsets = [0, 0], sizes = [512, 1024], strides = [1, 1]} : vector<512x2048xi32> to vector<512x1024xi32>
    %slice3A_94 = vector.extract_strided_slice %select_n3A_92 {offsets = [0, 1024], sizes = [512, 1024], strides = [1, 1]} : vector<512x2048xi32> to vector<512x1024xi32>
    %min3A_95 = arith.minsi %slice3A_93, %slice3A_94 : vector<512x1024xi32>
    %slice3A_96 = vector.extract_strided_slice %min3A_95 {offsets = [0, 0], sizes = [512, 512], strides = [1, 1]} : vector<512x1024xi32> to vector<512x512xi32>
    %slice3A_97 = vector.extract_strided_slice %min3A_95 {offsets = [0, 512], sizes = [512, 512], strides = [1, 1]} : vector<512x1024xi32> to vector<512x512xi32>
    %min3A_98 = arith.minsi %slice3A_96, %slice3A_97 : vector<512x512xi32>
    %slice3A_99 = vector.extract_strided_slice %min3A_98 {offsets = [0, 0], sizes = [512, 256], strides = [1, 1]} : vector<512x512xi32> to vector<512x256xi32>
    %slice3A_100 = vector.extract_strided_slice %min3A_98 {offsets = [0, 256], sizes = [512, 256], strides = [1, 1]} : vector<512x512xi32> to vector<512x256xi32>
    %min3A_101 = arith.minsi %slice3A_99, %slice3A_100 : vector<512x256xi32>
    %slice3A_102 = vector.extract_strided_slice %min3A_101 {offsets = [0, 0], sizes = [512, 128], strides = [1, 1]} : vector<512x256xi32> to vector<512x128xi32>
    %slice3A_103 = vector.extract_strided_slice %min3A_101 {offsets = [0, 128], sizes = [512, 128], strides = [1, 1]} : vector<512x256xi32> to vector<512x128xi32>
    %min3A_104 = arith.minsi %slice3A_102, %slice3A_103 : vector<512x128xi32>
    %reduce_min3A_105 = arith.constant dense<2147483647> : vector<512xi32>
    %reduce_min3A_106 = vector.multi_reduction <minsi>, %min3A_104, %reduce_min3A_105 [1] : vector<512x128xi32> to vector<512xi32>
    %broadcast_in_dim3A_107 = vector.shape_cast %reduce_min3A_106 : vector<512xi32> to vector<512x1xi32>
    %eq3A_108 = arith.constant 2048 : i32
    %eq3A_109 = vector.broadcast %eq3A_108 : i32 to vector<512x1xi32>
    %eq3A_110 = arith.cmpi eq, %broadcast_in_dim3A_107, %eq3A_109 : vector<512x1xi32>
    %select_n3A_111 = arith.select %eq3A_110, %broadcast_in_dim3A_50, %broadcast_in_dim3A_107 : vector<512x1xi1>, vector<512x1xi32>
    %add3A_112 = vector.broadcast %mul3A_37 : i32 to vector<512x1xi32>
    %add3A_113 = arith.addi %select_n3A_111, %add3A_112 : vector<512x1xi32>
    %swap3A_114 = arith.constant 0 : index
    %swap3A_115 = arith.constant 0 : index
    %swap3A_116 = arith.constant 2 : index
    %swap3A_117 = vector.load %arg4[%swap3A_114, %swap3A_115, %swap3A_116] : memref<1x512x32xi32, #tpu.memory_space<vmem>>, vector<1x512x1xi32>
    %swap3A_118 = vector.shape_cast %swap3A_117 : vector<1x512x1xi32> to vector<512x1xi32>
    %swap3A_119 = vector.shape_cast %add3A_113 : vector<512x1xi32> to vector<1x512x1xi32>
    tpu.vector_store %arg4[%swap3A_114, %swap3A_115, %swap3A_116], %swap3A_119 {strides = array<i32>} : memref<1x512x32xi32, #tpu.memory_space<vmem>>, vector<1x512x1xi32>,
    %gt3A_120 = vector.broadcast %broadcast_in_dim3A_107 : vector<512x1xi32> to vector<512x2048xi32>
    %gt3A_121 = arith.cmpi sgt, %iota3A, %gt3A_120 : vector<512x2048xi32>
    %jit3A_122 = arith.constant 2048 : i32
    %broadcast_in_dim3A_123 = vector.broadcast %jit3A_122 : i32 to vector<512x2048xi32>
    %select_n3A_124 = arith.select %gt3A_121, %select_n3A, %broadcast_in_dim3A_123 : vector<512x2048xi1>, vector<512x2048xi32>
    %slice3A_125 = vector.extract_strided_slice %select_n3A_124 {offsets = [0, 0], sizes = [512, 1024], strides = [1, 1]} : vector<512x2048xi32> to vector<512x1024xi32>
    %slice3A_126 = vector.extract_strided_slice %select_n3A_124 {offsets = [0, 1024], sizes = [512, 1024], strides = [1, 1]} : vector<512x2048xi32> to vector<512x1024xi32>
    %min3A_127 = arith.minsi %slice3A_125, %slice3A_126 : vector<512x1024xi32>
    %slice3A_128 = vector.extract_strided_slice %min3A_127 {offsets = [0, 0], sizes = [512, 512], strides = [1, 1]} : vector<512x1024xi32> to vector<512x512xi32>
    %slice3A_129 = vector.extract_strided_slice %min3A_127 {offsets = [0, 512], sizes = [512, 512], strides = [1, 1]} : vector<512x1024xi32> to vector<512x512xi32>
    %min3A_130 = arith.minsi %slice3A_128, %slice3A_129 : vector<512x512xi32>
    %slice3A_131 = vector.extract_strided_slice %min3A_130 {offsets = [0, 0], sizes = [512, 256], strides = [1, 1]} : vector<512x512xi32> to vector<512x256xi32>
    %slice3A_132 = vector.extract_strided_slice %min3A_130 {offsets = [0, 256], sizes = [512, 256], strides = [1, 1]} : vector<512x512xi32> to vector<512x256xi32>
    %min3A_133 = arith.minsi %slice3A_131, %slice3A_132 : vector<512x256xi32>
    %slice3A_134 = vector.extract_strided_slice %min3A_133 {offsets = [0, 0], sizes = [512, 128], strides = [1, 1]} : vector<512x256xi32> to vector<512x128xi32>
    %slice3A_135 = vector.extract_strided_slice %min3A_133 {offsets = [0, 128], sizes = [512, 128], strides = [1, 1]} : vector<512x256xi32> to vector<512x128xi32>
    %min3A_136 = arith.minsi %slice3A_134, %slice3A_135 : vector<512x128xi32>
    %reduce_min3A_137 = arith.constant dense<2147483647> : vector<512xi32>
    %reduce_min3A_138 = vector.multi_reduction <minsi>, %min3A_136, %reduce_min3A_137 [1] : vector<512x128xi32> to vector<512xi32>
    %broadcast_in_dim3A_139 = vector.shape_cast %reduce_min3A_138 : vector<512xi32> to vector<512x1xi32>
    %eq3A_140 = arith.constant 2048 : i32
    %eq3A_141 = vector.broadcast %eq3A_140 : i32 to vector<512x1xi32>
    %eq3A_142 = arith.cmpi eq, %broadcast_in_dim3A_139, %eq3A_141 : vector<512x1xi32>
    %select_n3A_143 = arith.select %eq3A_142, %broadcast_in_dim3A_50, %broadcast_in_dim3A_139 : vector<512x1xi1>, vector<512x1xi32>
    %add3A_144 = vector.broadcast %mul3A_37 : i32 to vector<512x1xi32>
    %add3A_145 = arith.addi %select_n3A_143, %add3A_144 : vector<512x1xi32>
    %swap3A_146 = arith.constant 0 : index
    %swap3A_147 = arith.constant 0 : index
    %swap3A_148 = arith.constant 3 : index
    %swap3A_149 = vector.load %arg4[%swap3A_146, %swap3A_147, %swap3A_148] : memref<1x512x32xi32, #tpu.memory_space<vmem>>, vector<1x512x1xi32>
    %swap3A_150 = vector.shape_cast %swap3A_149 : vector<1x512x1xi32> to vector<512x1xi32>
    %swap3A_151 = vector.shape_cast %add3A_145 : vector<512x1xi32> to vector<1x512x1xi32>
    tpu.vector_store %arg4[%swap3A_146, %swap3A_147, %swap3A_148], %swap3A_151 {strides = array<i32>} : memref<1x512x32xi32, #tpu.memory_space<vmem>>, vector<1x512x1xi32>,
    %gt3A_152 = vector.broadcast %broadcast_in_dim3A_139 : vector<512x1xi32> to vector<512x2048xi32>
    %gt3A_153 = arith.cmpi sgt, %iota3A, %gt3A_152 : vector<512x2048xi32>
    %jit3A_154 = arith.constant 2048 : i32
    %broadcast_in_dim3A_155 = vector.broadcast %jit3A_154 : i32 to vector<512x2048xi32>
    %select_n3A_156 = arith.select %gt3A_153, %select_n3A, %broadcast_in_dim3A_155 : vector<512x2048xi1>, vector<512x2048xi32>
    %slice3A_157 = vector.extract_strided_slice %select_n3A_156 {offsets = [0, 0], sizes = [512, 1024], strides = [1, 1]} : vector<512x2048xi32> to vector<512x1024xi32>
    %slice3A_158 = vector.extract_strided_slice %select_n3A_156 {offsets = [0, 1024], sizes = [512, 1024], strides = [1, 1]} : vector<512x2048xi32> to vector<512x1024xi32>
    %min3A_159 = arith.minsi %slice3A_157, %slice3A_158 : vector<512x1024xi32>
    %slice3A_160 = vector.extract_strided_slice %min3A_159 {offsets = [0, 0], sizes = [512, 512], strides = [1, 1]} : vector<512x1024xi32> to vector<512x512xi32>
    %slice3A_161 = vector.extract_strided_slice %min3A_159 {offsets = [0, 512], sizes = [512, 512], strides = [1, 1]} : vector<512x1024xi32> to vector<512x512xi32>
    %min3A_162 = arith.minsi %slice3A_160, %slice3A_161 : vector<512x512xi32>
    %slice3A_163 = vector.extract_strided_slice %min3A_162 {offsets = [0, 0], sizes = [512, 256], strides = [1, 1]} : vector<512x512xi32> to vector<512x256xi32>
    %slice3A_164 = vector.extract_strided_slice %min3A_162 {offsets = [0, 256], sizes = [512, 256], strides = [1, 1]} : vector<512x512xi32> to vector<512x256xi32>
    %min3A_165 = arith.minsi %slice3A_163, %slice3A_164 : vector<512x256xi32>
    %slice3A_166 = vector.extract_strided_slice %min3A_165 {offsets = [0, 0], sizes = [512, 128], strides = [1, 1]} : vector<512x256xi32> to vector<512x128xi32>
    %slice3A_167 = vector.extract_strided_slice %min3A_165 {offsets = [0, 128], sizes = [512, 128], strides = [1, 1]} : vector<512x256xi32> to vector<512x128xi32>
    %min3A_168 = arith.minsi %slice3A_166, %slice3A_167 : vector<512x128xi32>
    %reduce_min3A_169 = arith.constant dense<2147483647> : vector<512xi32>
    %reduce_min3A_170 = vector.multi_reduction <minsi>, %min3A_168, %reduce_min3A_169 [1] : vector<512x128xi32> to vector<512xi32>
    %broadcast_in_dim3A_171 = vector.shape_cast %reduce_min3A_170 : vector<512xi32> to vector<512x1xi32>
    %eq3A_172 = arith.constant 2048 : i32
    %eq3A_173 = vector.broadcast %eq3A_172 : i32 to vector<512x1xi32>
    %eq3A_174 = arith.cmpi eq, %broadcast_in_dim3A_171, %eq3A_173 : vector<512x1xi32>
    %select_n3A_175 = arith.select %eq3A_174, %broadcast_in_dim3A_50, %broadcast_in_dim3A_171 : vector<512x1xi1>, vector<512x1xi32>
    %add3A_176 = vector.broadcast %mul3A_37 : i32 to vector<512x1xi32>
    %add3A_177 = arith.addi %select_n3A_175, %add3A_176 : vector<512x1xi32>
    %swap3A_178 = arith.constant 0 : index
    %swap3A_179 = arith.constant 0 : index
    %swap3A_180 = arith.constant 4 : index
    %swap3A_181 = vector.load %arg4[%swap3A_178, %swap3A_179, %swap3A_180] : memref<1x512x32xi32, #tpu.memory_space<vmem>>, vector<1x512x1xi32>
    %swap3A_182 = vector.shape_cast %swap3A_181 : vector<1x512x1xi32> to vector<512x1xi32>
    %swap3A_183 = vector.shape_cast %add3A_177 : vector<512x1xi32> to vector<1x512x1xi32>
    tpu.vector_store %arg4[%swap3A_178, %swap3A_179, %swap3A_180], %swap3A_183 {strides = array<i32>} : memref<1x512x32xi32, #tpu.memory_space<vmem>>, vector<1x512x1xi32>,
    %gt3A_184 = vector.broadcast %broadcast_in_dim3A_171 : vector<512x1xi32> to vector<512x2048xi32>
    %gt3A_185 = arith.cmpi sgt, %iota3A, %gt3A_184 : vector<512x2048xi32>
    %jit3A_186 = arith.constant 2048 : i32
    %broadcast_in_dim3A_187 = vector.broadcast %jit3A_186 : i32 to vector<512x2048xi32>
    %select_n3A_188 = arith.select %gt3A_185, %select_n3A, %broadcast_in_dim3A_187 : vector<512x2048xi1>, vector<512x2048xi32>
    %slice3A_189 = vector.extract_strided_slice %select_n3A_188 {offsets = [0, 0], sizes = [512, 1024], strides = [1, 1]} : vector<512x2048xi32> to vector<512x1024xi32>
    %slice3A_190 = vector.extract_strided_slice %select_n3A_188 {offsets = [0, 1024], sizes = [512, 1024], strides = [1, 1]} : vector<512x2048xi32> to vector<512x1024xi32>
    %min3A_191 = arith.minsi %slice3A_189, %slice3A_190 : vector<512x1024xi32>
    %slice3A_192 = vector.extract_strided_slice %min3A_191 {offsets = [0, 0], sizes = [512, 512], strides = [1, 1]} : vector<512x1024xi32> to vector<512x512xi32>
    %slice3A_193 = vector.extract_strided_slice %min3A_191 {offsets = [0, 512], sizes = [512, 512], strides = [1, 1]} : vector<512x1024xi32> to vector<512x512xi32>
    %min3A_194 = arith.minsi %slice3A_192, %slice3A_193 : vector<512x512xi32>
    %slice3A_195 = vector.extract_strided_slice %min3A_194 {offsets = [0, 0], sizes = [512, 256], strides = [1, 1]} : vector<512x512xi32> to vector<512x256xi32>
    %slice3A_196 = vector.extract_strided_slice %min3A_194 {offsets = [0, 256], sizes = [512, 256], strides = [1, 1]} : vector<512x512xi32> to vector<512x256xi32>
    %min3A_197 = arith.minsi %slice3A_195, %slice3A_196 : vector<512x256xi32>
    %slice3A_198 = vector.extract_strided_slice %min3A_197 {offsets = [0, 0], sizes = [512, 128], strides = [1, 1]} : vector<512x256xi32> to vector<512x128xi32>
    %slice3A_199 = vector.extract_strided_slice %min3A_197 {offsets = [0, 128], sizes = [512, 128], strides = [1, 1]} : vector<512x256xi32> to vector<512x128xi32>
    %min3A_200 = arith.minsi %slice3A_198, %slice3A_199 : vector<512x128xi32>
    %reduce_min3A_201 = arith.constant dense<2147483647> : vector<512xi32>
    %reduce_min3A_202 = vector.multi_reduction <minsi>, %min3A_200, %reduce_min3A_201 [1] : vector<512x128xi32> to vector<512xi32>
    %broadcast_in_dim3A_203 = vector.shape_cast %reduce_min3A_202 : vector<512xi32> to vector<512x1xi32>
    %eq3A_204 = arith.constant 2048 : i32
    %eq3A_205 = vector.broadcast %eq3A_204 : i32 to vector<512x1xi32>
    %eq3A_206 = arith.cmpi eq, %broadcast_in_dim3A_203, %eq3A_205 : vector<512x1xi32>
    %select_n3A_207 = arith.select %eq3A_206, %broadcast_in_dim3A_50, %broadcast_in_dim3A_203 : vector<512x1xi1>, vector<512x1xi32>
    %add3A_208 = vector.broadcast %mul3A_37 : i32 to vector<512x1xi32>
    %add3A_209 = arith.addi %select_n3A_207, %add3A_208 : vector<512x1xi32>
    %swap3A_210 = arith.constant 0 : index
    %swap3A_211 = arith.constant 0 : index
    %swap3A_212 = arith.constant 5 : index
    %swap3A_213 = vector.load %arg4[%swap3A_210, %swap3A_211, %swap3A_212] : memref<1x512x32xi32, #tpu.memory_space<vmem>>, vector<1x512x1xi32>
    %swap3A_214 = vector.shape_cast %swap3A_213 : vector<1x512x1xi32> to vector<512x1xi32>
    %swap3A_215 = vector.shape_cast %add3A_209 : vector<512x1xi32> to vector<1x512x1xi32>
    tpu.vector_store %arg4[%swap3A_210, %swap3A_211, %swap3A_212], %swap3A_215 {strides = array<i32>} : memref<1x512x32xi32, #tpu.memory_space<vmem>>, vector<1x512x1xi32>,
    %gt3A_216 = vector.broadcast %broadcast_in_dim3A_203 : vector<512x1xi32> to vector<512x2048xi32>
    %gt3A_217 = arith.cmpi sgt, %iota3A, %gt3A_216 : vector<512x2048xi32>
    %jit3A_218 = arith.constant 2048 : i32
    %broadcast_in_dim3A_219 = vector.broadcast %jit3A_218 : i32 to vector<512x2048xi32>
    %select_n3A_220 = arith.select %gt3A_217, %select_n3A, %broadcast_in_dim3A_219 : vector<512x2048xi1>, vector<512x2048xi32>
    %slice3A_221 = vector.extract_strided_slice %select_n3A_220 {offsets = [0, 0], sizes = [512, 1024], strides = [1, 1]} : vector<512x2048xi32> to vector<512x1024xi32>
    %slice3A_222 = vector.extract_strided_slice %select_n3A_220 {offsets = [0, 1024], sizes = [512, 1024], strides = [1, 1]} : vector<512x2048xi32> to vector<512x1024xi32>
    %min3A_223 = arith.minsi %slice3A_221, %slice3A_222 : vector<512x1024xi32>
    %slice3A_224 = vector.extract_strided_slice %min3A_223 {offsets = [0, 0], sizes = [512, 512], strides = [1, 1]} : vector<512x1024xi32> to vector<512x512xi32>
    %slice3A_225 = vector.extract_strided_slice %min3A_223 {offsets = [0, 512], sizes = [512, 512], strides = [1, 1]} : vector<512x1024xi32> to vector<512x512xi32>
    %min3A_226 = arith.minsi %slice3A_224, %slice3A_225 : vector<512x512xi32>
    %slice3A_227 = vector.extract_strided_slice %min3A_226 {offsets = [0, 0], sizes = [512, 256], strides = [1, 1]} : vector<512x512xi32> to vector<512x256xi32>
    %slice3A_228 = vector.extract_strided_slice %min3A_226 {offsets = [0, 256], sizes = [512, 256], strides = [1, 1]} : vector<512x512xi32> to vector<512x256xi32>
    %min3A_229 = arith.minsi %slice3A_227, %slice3A_228 : vector<512x256xi32>
    %slice3A_230 = vector.extract_strided_slice %min3A_229 {offsets = [0, 0], sizes = [512, 128], strides = [1, 1]} : vector<512x256xi32> to vector<512x128xi32>
    %slice3A_231 = vector.extract_strided_slice %min3A_229 {offsets = [0, 128], sizes = [512, 128], strides = [1, 1]} : vector<512x256xi32> to vector<512x128xi32>
    %min3A_232 = arith.minsi %slice3A_230, %slice3A_231 : vector<512x128xi32>
    %reduce_min3A_233 = arith.constant dense<2147483647> : vector<512xi32>
    %reduce_min3A_234 = vector.multi_reduction <minsi>, %min3A_232, %reduce_min3A_233 [1] : vector<512x128xi32> to vector<512xi32>
    %broadcast_in_dim3A_235 = vector.shape_cast %reduce_min3A_234 : vector<512xi32> to vector<512x1xi32>
    %eq3A_236 = arith.constant 2048 : i32
    %eq3A_237 = vector.broadcast %eq3A_236 : i32 to vector<512x1xi32>
    %eq3A_238 = arith.cmpi eq, %broadcast_in_dim3A_235, %eq3A_237 : vector<512x1xi32>
    %select_n3A_239 = arith.select %eq3A_238, %broadcast_in_dim3A_50, %broadcast_in_dim3A_235 : vector<512x1xi1>, vector<512x1xi32>
    %add3A_240 = vector.broadcast %mul3A_37 : i32 to vector<512x1xi32>
    %add3A_241 = arith.addi %select_n3A_239, %add3A_240 : vector<512x1xi32>
    %swap3A_242 = arith.constant 0 : index
    %swap3A_243 = arith.constant 0 : index
    %swap3A_244 = arith.constant 6 : index
    %swap3A_245 = vector.load %arg4[%swap3A_242, %swap3A_243, %swap3A_244] : memref<1x512x32xi32, #tpu.memory_space<vmem>>, vector<1x512x1xi32>
    %swap3A_246 = vector.shape_cast %swap3A_245 : vector<1x512x1xi32> to vector<512x1xi32>
    %swap3A_247 = vector.shape_cast %add3A_241 : vector<512x1xi32> to vector<1x512x1xi32>
    tpu.vector_store %arg4[%swap3A_242, %swap3A_243, %swap3A_244], %swap3A_247 {strides = array<i32>} : memref<1x512x32xi32, #tpu.memory_space<vmem>>, vector<1x512x1xi32>,
    %gt3A_248 = vector.broadcast %broadcast_in_dim3A_235 : vector<512x1xi32> to vector<512x2048xi32>
    %gt3A_249 = arith.cmpi sgt, %iota3A, %gt3A_248 : vector<512x2048xi32>
    %jit3A_250 = arith.constant 2048 : i32
    %broadcast_in_dim3A_251 = vector.broadcast %jit3A_250 : i32 to vector<512x2048xi32>
    %select_n3A_252 = arith.select %gt3A_249, %select_n3A, %broadcast_in_dim3A_251 : vector<512x2048xi1>, vector<512x2048xi32>
    %slice3A_253 = vector.extract_strided_slice %select_n3A_252 {offsets = [0, 0], sizes = [512, 1024], strides = [1, 1]} : vector<512x2048xi32> to vector<512x1024xi32>
    %slice3A_254 = vector.extract_strided_slice %select_n3A_252 {offsets = [0, 1024], sizes = [512, 1024], strides = [1, 1]} : vector<512x2048xi32> to vector<512x1024xi32>
    %min3A_255 = arith.minsi %slice3A_253, %slice3A_254 : vector<512x1024xi32>
    %slice3A_256 = vector.extract_strided_slice %min3A_255 {offsets = [0, 0], sizes = [512, 512], strides = [1, 1]} : vector<512x1024xi32> to vector<512x512xi32>
    %slice3A_257 = vector.extract_strided_slice %min3A_255 {offsets = [0, 512], sizes = [512, 512], strides = [1, 1]} : vector<512x1024xi32> to vector<512x512xi32>
    %min3A_258 = arith.minsi %slice3A_256, %slice3A_257 : vector<512x512xi32>
    %slice3A_259 = vector.extract_strided_slice %min3A_258 {offsets = [0, 0], sizes = [512, 256], strides = [1, 1]} : vector<512x512xi32> to vector<512x256xi32>
    %slice3A_260 = vector.extract_strided_slice %min3A_258 {offsets = [0, 256], sizes = [512, 256], strides = [1, 1]} : vector<512x512xi32> to vector<512x256xi32>
    %min3A_261 = arith.minsi %slice3A_259, %slice3A_260 : vector<512x256xi32>
    %slice3A_262 = vector.extract_strided_slice %min3A_261 {offsets = [0, 0], sizes = [512, 128], strides = [1, 1]} : vector<512x256xi32> to vector<512x128xi32>
    %slice3A_263 = vector.extract_strided_slice %min3A_261 {offsets = [0, 128], sizes = [512, 128], strides = [1, 1]} : vector<512x256xi32> to vector<512x128xi32>
    %min3A_264 = arith.minsi %slice3A_262, %slice3A_263 : vector<512x128xi32>
    %reduce_min3A_265 = arith.constant dense<2147483647> : vector<512xi32>
    %reduce_min3A_266 = vector.multi_reduction <minsi>, %min3A_264, %reduce_min3A_265 [1] : vector<512x128xi32> to vector<512xi32>
    %broadcast_in_dim3A_267 = vector.shape_cast %reduce_min3A_266 : vector<512xi32> to vector<512x1xi32>
    %eq3A_268 = arith.constant 2048 : i32
    %eq3A_269 = vector.broadcast %eq3A_268 : i32 to vector<512x1xi32>
    %eq3A_270 = arith.cmpi eq, %broadcast_in_dim3A_267, %eq3A_269 : vector<512x1xi32>
    %select_n3A_271 = arith.select %eq3A_270, %broadcast_in_dim3A_50, %broadcast_in_dim3A_267 : vector<512x1xi1>, vector<512x1xi32>
    %add3A_272 = vector.broadcast %mul3A_37 : i32 to vector<512x1xi32>
    %add3A_273 = arith.addi %select_n3A_271, %add3A_272 : vector<512x1xi32>
    %swap3A_274 = arith.constant 0 : index
    %swap3A_275 = arith.constant 0 : index
    %swap3A_276 = arith.constant 7 : index
    %swap3A_277 = vector.load %arg4[%swap3A_274, %swap3A_275, %swap3A_276] : memref<1x512x32xi32, #tpu.memory_space<vmem>>, vector<1x512x1xi32>
    %swap3A_278 = vector.shape_cast %swap3A_277 : vector<1x512x1xi32> to vector<512x1xi32>
    %swap3A_279 = vector.shape_cast %add3A_273 : vector<512x1xi32> to vector<1x512x1xi32>
    tpu.vector_store %arg4[%swap3A_274, %swap3A_275, %swap3A_276], %swap3A_279 {strides = array<i32>} : memref<1x512x32xi32, #tpu.memory_space<vmem>>, vector<1x512x1xi32>,
    %gt3A_280 = vector.broadcast %broadcast_in_dim3A_267 : vector<512x1xi32> to vector<512x2048xi32>
    %gt3A_281 = arith.cmpi sgt, %iota3A, %gt3A_280 : vector<512x2048xi32>
    %jit3A_282 = arith.constant 2048 : i32
    %broadcast_in_dim3A_283 = vector.broadcast %jit3A_282 : i32 to vector<512x2048xi32>
    %select_n3A_284 = arith.select %gt3A_281, %select_n3A, %broadcast_in_dim3A_283 : vector<512x2048xi1>, vector<512x2048xi32>
    %slice3A_285 = vector.extract_strided_slice %select_n3A_284 {offsets = [0, 0], sizes = [512, 1024], strides = [1, 1]} : vector<512x2048xi32> to vector<512x1024xi32>
    %slice3A_286 = vector.extract_strided_slice %select_n3A_284 {offsets = [0, 1024], sizes = [512, 1024], strides = [1, 1]} : vector<512x2048xi32> to vector<512x1024xi32>
    %min3A_287 = arith.minsi %slice3A_285, %slice3A_286 : vector<512x1024xi32>
    %slice3A_288 = vector.extract_strided_slice %min3A_287 {offsets = [0, 0], sizes = [512, 512], strides = [1, 1]} : vector<512x1024xi32> to vector<512x512xi32>
    %slice3A_289 = vector.extract_strided_slice %min3A_287 {offsets = [0, 512], sizes = [512, 512], strides = [1, 1]} : vector<512x1024xi32> to vector<512x512xi32>
    %min3A_290 = arith.minsi %slice3A_288, %slice3A_289 : vector<512x512xi32>
    %slice3A_291 = vector.extract_strided_slice %min3A_290 {offsets = [0, 0], sizes = [512, 256], strides = [1, 1]} : vector<512x512xi32> to vector<512x256xi32>
    %slice3A_292 = vector.extract_strided_slice %min3A_290 {offsets = [0, 256], sizes = [512, 256], strides = [1, 1]} : vector<512x512xi32> to vector<512x256xi32>
    %min3A_293 = arith.minsi %slice3A_291, %slice3A_292 : vector<512x256xi32>
    %slice3A_294 = vector.extract_strided_slice %min3A_293 {offsets = [0, 0], sizes = [512, 128], strides = [1, 1]} : vector<512x256xi32> to vector<512x128xi32>
    %slice3A_295 = vector.extract_strided_slice %min3A_293 {offsets = [0, 128], sizes = [512, 128], strides = [1, 1]} : vector<512x256xi32> to vector<512x128xi32>
    %min3A_296 = arith.minsi %slice3A_294, %slice3A_295 : vector<512x128xi32>
    %reduce_min3A_297 = arith.constant dense<2147483647> : vector<512xi32>
    %reduce_min3A_298 = vector.multi_reduction <minsi>, %min3A_296, %reduce_min3A_297 [1] : vector<512x128xi32> to vector<512xi32>
    %broadcast_in_dim3A_299 = vector.shape_cast %reduce_min3A_298 : vector<512xi32> to vector<512x1xi32>
    %eq3A_300 = arith.constant 2048 : i32
    %eq3A_301 = vector.broadcast %eq3A_300 : i32 to vector<512x1xi32>
    %eq3A_302 = arith.cmpi eq, %broadcast_in_dim3A_299, %eq3A_301 : vector<512x1xi32>
    %select_n3A_303 = arith.select %eq3A_302, %broadcast_in_dim3A_50, %broadcast_in_dim3A_299 : vector<512x1xi1>, vector<512x1xi32>
    %add3A_304 = vector.broadcast %mul3A_37 : i32 to vector<512x1xi32>
    %add3A_305 = arith.addi %select_n3A_303, %add3A_304 : vector<512x1xi32>
    %swap3A_306 = arith.constant 0 : index
    %swap3A_307 = arith.constant 0 : index
    %swap3A_308 = arith.constant 8 : index
    %swap3A_309 = vector.load %arg4[%swap3A_306, %swap3A_307, %swap3A_308] : memref<1x512x32xi32, #tpu.memory_space<vmem>>, vector<1x512x1xi32>
    %swap3A_310 = vector.shape_cast %swap3A_309 : vector<1x512x1xi32> to vector<512x1xi32>
    %swap3A_311 = vector.shape_cast %add3A_305 : vector<512x1xi32> to vector<1x512x1xi32>
    tpu.vector_store %arg4[%swap3A_306, %swap3A_307, %swap3A_308], %swap3A_311 {strides = array<i32>} : memref<1x512x32xi32, #tpu.memory_space<vmem>>, vector<1x512x1xi32>,
    %gt3A_312 = vector.broadcast %broadcast_in_dim3A_299 : vector<512x1xi32> to vector<512x2048xi32>
    %gt3A_313 = arith.cmpi sgt, %iota3A, %gt3A_312 : vector<512x2048xi32>
    %jit3A_314 = arith.constant 2048 : i32
    %broadcast_in_dim3A_315 = vector.broadcast %jit3A_314 : i32 to vector<512x2048xi32>
    %select_n3A_316 = arith.select %gt3A_313, %select_n3A, %broadcast_in_dim3A_315 : vector<512x2048xi1>, vector<512x2048xi32>
    %slice3A_317 = vector.extract_strided_slice %select_n3A_316 {offsets = [0, 0], sizes = [512, 1024], strides = [1, 1]} : vector<512x2048xi32> to vector<512x1024xi32>
    %slice3A_318 = vector.extract_strided_slice %select_n3A_316 {offsets = [0, 1024], sizes = [512, 1024], strides = [1, 1]} : vector<512x2048xi32> to vector<512x1024xi32>
    %min3A_319 = arith.minsi %slice3A_317, %slice3A_318 : vector<512x1024xi32>
    %slice3A_320 = vector.extract_strided_slice %min3A_319 {offsets = [0, 0], sizes = [512, 512], strides = [1, 1]} : vector<512x1024xi32> to vector<512x512xi32>
    %slice3A_321 = vector.extract_strided_slice %min3A_319 {offsets = [0, 512], sizes = [512, 512], strides = [1, 1]} : vector<512x1024xi32> to vector<512x512xi32>
    %min3A_322 = arith.minsi %slice3A_320, %slice3A_321 : vector<512x512xi32>
    %slice3A_323 = vector.extract_strided_slice %min3A_322 {offsets = [0, 0], sizes = [512, 256], strides = [1, 1]} : vector<512x512xi32> to vector<512x256xi32>
    %slice3A_324 = vector.extract_strided_slice %min3A_322 {offsets = [0, 256], sizes = [512, 256], strides = [1, 1]} : vector<512x512xi32> to vector<512x256xi32>
    %min3A_325 = arith.minsi %slice3A_323, %slice3A_324 : vector<512x256xi32>
    %slice3A_326 = vector.extract_strided_slice %min3A_325 {offsets = [0, 0], sizes = [512, 128], strides = [1, 1]} : vector<512x256xi32> to vector<512x128xi32>
    %slice3A_327 = vector.extract_strided_slice %min3A_325 {offsets = [0, 128], sizes = [512, 128], strides = [1, 1]} : vector<512x256xi32> to vector<512x128xi32>
    %min3A_328 = arith.minsi %slice3A_326, %slice3A_327 : vector<512x128xi32>
    %reduce_min3A_329 = arith.constant dense<2147483647> : vector<512xi32>
    %reduce_min3A_330 = vector.multi_reduction <minsi>, %min3A_328, %reduce_min3A_329 [1] : vector<512x128xi32> to vector<512xi32>
    %broadcast_in_dim3A_331 = vector.shape_cast %reduce_min3A_330 : vector<512xi32> to vector<512x1xi32>
    %eq3A_332 = arith.constant 2048 : i32
    %eq3A_333 = vector.broadcast %eq3A_332 : i32 to vector<512x1xi32>
    %eq3A_334 = arith.cmpi eq, %broadcast_in_dim3A_331, %eq3A_333 : vector<512x1xi32>
    %select_n3A_335 = arith.select %eq3A_334, %broadcast_in_dim3A_50, %broadcast_in_dim3A_331 : vector<512x1xi1>, vector<512x1xi32>
    %add3A_336 = vector.broadcast %mul3A_37 : i32 to vector<512x1xi32>
    %add3A_337 = arith.addi %select_n3A_335, %add3A_336 : vector<512x1xi32>
    %swap3A_338 = arith.constant 0 : index
    %swap3A_339 = arith.constant 0 : index
    %swap3A_340 = arith.constant 9 : index
    %swap3A_341 = vector.load %arg4[%swap3A_338, %swap3A_339, %swap3A_340] : memref<1x512x32xi32, #tpu.memory_space<vmem>>, vector<1x512x1xi32>
    %swap3A_342 = vector.shape_cast %swap3A_341 : vector<1x512x1xi32> to vector<512x1xi32>
    %swap3A_343 = vector.shape_cast %add3A_337 : vector<512x1xi32> to vector<1x512x1xi32>
    tpu.vector_store %arg4[%swap3A_338, %swap3A_339, %swap3A_340], %swap3A_343 {strides = array<i32>} : memref<1x512x32xi32, #tpu.memory_space<vmem>>, vector<1x512x1xi32>,
    %gt3A_344 = vector.broadcast %broadcast_in_dim3A_331 : vector<512x1xi32> to vector<512x2048xi32>
    %gt3A_345 = arith.cmpi sgt, %iota3A, %gt3A_344 : vector<512x2048xi32>
    %jit3A_346 = arith.constant 2048 : i32
    %broadcast_in_dim3A_347 = vector.broadcast %jit3A_346 : i32 to vector<512x2048xi32>
    %select_n3A_348 = arith.select %gt3A_345, %select_n3A, %broadcast_in_dim3A_347 : vector<512x2048xi1>, vector<512x2048xi32>
    %slice3A_349 = vector.extract_strided_slice %select_n3A_348 {offsets = [0, 0], sizes = [512, 1024], strides = [1, 1]} : vector<512x2048xi32> to vector<512x1024xi32>
    %slice3A_350 = vector.extract_strided_slice %select_n3A_348 {offsets = [0, 1024], sizes = [512, 1024], strides = [1, 1]} : vector<512x2048xi32> to vector<512x1024xi32>
    %min3A_351 = arith.minsi %slice3A_349, %slice3A_350 : vector<512x1024xi32>
    %slice3A_352 = vector.extract_strided_slice %min3A_351 {offsets = [0, 0], sizes = [512, 512], strides = [1, 1]} : vector<512x1024xi32> to vector<512x512xi32>
    %slice3A_353 = vector.extract_strided_slice %min3A_351 {offsets = [0, 512], sizes = [512, 512], strides = [1, 1]} : vector<512x1024xi32> to vector<512x512xi32>
    %min3A_354 = arith.minsi %slice3A_352, %slice3A_353 : vector<512x512xi32>
    %slice3A_355 = vector.extract_strided_slice %min3A_354 {offsets = [0, 0], sizes = [512, 256], strides = [1, 1]} : vector<512x512xi32> to vector<512x256xi32>
    %slice3A_356 = vector.extract_strided_slice %min3A_354 {offsets = [0, 256], sizes = [512, 256], strides = [1, 1]} : vector<512x512xi32> to vector<512x256xi32>
    %min3A_357 = arith.minsi %slice3A_355, %slice3A_356 : vector<512x256xi32>
    %slice3A_358 = vector.extract_strided_slice %min3A_357 {offsets = [0, 0], sizes = [512, 128], strides = [1, 1]} : vector<512x256xi32> to vector<512x128xi32>
    %slice3A_359 = vector.extract_strided_slice %min3A_357 {offsets = [0, 128], sizes = [512, 128], strides = [1, 1]} : vector<512x256xi32> to vector<512x128xi32>
    %min3A_360 = arith.minsi %slice3A_358, %slice3A_359 : vector<512x128xi32>
    %reduce_min3A_361 = arith.constant dense<2147483647> : vector<512xi32>
    %reduce_min3A_362 = vector.multi_reduction <minsi>, %min3A_360, %reduce_min3A_361 [1] : vector<512x128xi32> to vector<512xi32>
    %broadcast_in_dim3A_363 = vector.shape_cast %reduce_min3A_362 : vector<512xi32> to vector<512x1xi32>
    %eq3A_364 = arith.constant 2048 : i32
    %eq3A_365 = vector.broadcast %eq3A_364 : i32 to vector<512x1xi32>
    %eq3A_366 = arith.cmpi eq, %broadcast_in_dim3A_363, %eq3A_365 : vector<512x1xi32>
    %select_n3A_367 = arith.select %eq3A_366, %broadcast_in_dim3A_50, %broadcast_in_dim3A_363 : vector<512x1xi1>, vector<512x1xi32>
    %add3A_368 = vector.broadcast %mul3A_37 : i32 to vector<512x1xi32>
    %add3A_369 = arith.addi %select_n3A_367, %add3A_368 : vector<512x1xi32>
    %swap3A_370 = arith.constant 0 : index
    %swap3A_371 = arith.constant 0 : index
    %swap3A_372 = arith.constant 10 : index
    %swap3A_373 = vector.load %arg4[%swap3A_370, %swap3A_371, %swap3A_372] : memref<1x512x32xi32, #tpu.memory_space<vmem>>, vector<1x512x1xi32>
    %swap3A_374 = vector.shape_cast %swap3A_373 : vector<1x512x1xi32> to vector<512x1xi32>
    %swap3A_375 = vector.shape_cast %add3A_369 : vector<512x1xi32> to vector<1x512x1xi32>
    tpu.vector_store %arg4[%swap3A_370, %swap3A_371, %swap3A_372], %swap3A_375 {strides = array<i32>} : memref<1x512x32xi32, #tpu.memory_space<vmem>>, vector<1x512x1xi32>,
    %gt3A_376 = vector.broadcast %broadcast_in_dim3A_363 : vector<512x1xi32> to vector<512x2048xi32>
    %gt3A_377 = arith.cmpi sgt, %iota3A, %gt3A_376 : vector<512x2048xi32>
    %jit3A_378 = arith.constant 2048 : i32
    %broadcast_in_dim3A_379 = vector.broadcast %jit3A_378 : i32 to vector<512x2048xi32>
    %select_n3A_380 = arith.select %gt3A_377, %select_n3A, %broadcast_in_dim3A_379 : vector<512x2048xi1>, vector<512x2048xi32>
    %slice3A_381 = vector.extract_strided_slice %select_n3A_380 {offsets = [0, 0], sizes = [512, 1024], strides = [1, 1]} : vector<512x2048xi32> to vector<512x1024xi32>
    %slice3A_382 = vector.extract_strided_slice %select_n3A_380 {offsets = [0, 1024], sizes = [512, 1024], strides = [1, 1]} : vector<512x2048xi32> to vector<512x1024xi32>
    %min3A_383 = arith.minsi %slice3A_381, %slice3A_382 : vector<512x1024xi32>
    %slice3A_384 = vector.extract_strided_slice %min3A_383 {offsets = [0, 0], sizes = [512, 512], strides = [1, 1]} : vector<512x1024xi32> to vector<512x512xi32>
    %slice3A_385 = vector.extract_strided_slice %min3A_383 {offsets = [0, 512], sizes = [512, 512], strides = [1, 1]} : vector<512x1024xi32> to vector<512x512xi32>
    %min3A_386 = arith.minsi %slice3A_384, %slice3A_385 : vector<512x512xi32>
    %slice3A_387 = vector.extract_strided_slice %min3A_386 {offsets = [0, 0], sizes = [512, 256], strides = [1, 1]} : vector<512x512xi32> to vector<512x256xi32>
    %slice3A_388 = vector.extract_strided_slice %min3A_386 {offsets = [0, 256], sizes = [512, 256], strides = [1, 1]} : vector<512x512xi32> to vector<512x256xi32>
    %min3A_389 = arith.minsi %slice3A_387, %slice3A_388 : vector<512x256xi32>
    %slice3A_390 = vector.extract_strided_slice %min3A_389 {offsets = [0, 0], sizes = [512, 128], strides = [1, 1]} : vector<512x256xi32> to vector<512x128xi32>
    %slice3A_391 = vector.extract_strided_slice %min3A_389 {offsets = [0, 128], sizes = [512, 128], strides = [1, 1]} : vector<512x256xi32> to vector<512x128xi32>
    %min3A_392 = arith.minsi %slice3A_390, %slice3A_391 : vector<512x128xi32>
    %reduce_min3A_393 = arith.constant dense<2147483647> : vector<512xi32>
    %reduce_min3A_394 = vector.multi_reduction <minsi>, %min3A_392, %reduce_min3A_393 [1] : vector<512x128xi32> to vector<512xi32>
    %broadcast_in_dim3A_395 = vector.shape_cast %reduce_min3A_394 : vector<512xi32> to vector<512x1xi32>
    %eq3A_396 = arith.constant 2048 : i32
    %eq3A_397 = vector.broadcast %eq3A_396 : i32 to vector<512x1xi32>
    %eq3A_398 = arith.cmpi eq, %broadcast_in_dim3A_395, %eq3A_397 : vector<512x1xi32>
    %select_n3A_399 = arith.select %eq3A_398, %broadcast_in_dim3A_50, %broadcast_in_dim3A_395 : vector<512x1xi1>, vector<512x1xi32>
    %add3A_400 = vector.broadcast %mul3A_37 : i32 to vector<512x1xi32>
    %add3A_401 = arith.addi %select_n3A_399, %add3A_400 : vector<512x1xi32>
    %swap3A_402 = arith.constant 0 : index
    %swap3A_403 = arith.constant 0 : index
    %swap3A_404 = arith.constant 11 : index
    %swap3A_405 = vector.load %arg4[%swap3A_402, %swap3A_403, %swap3A_404] : memref<1x512x32xi32, #tpu.memory_space<vmem>>, vector<1x512x1xi32>
    %swap3A_406 = vector.shape_cast %swap3A_405 : vector<1x512x1xi32> to vector<512x1xi32>
    %swap3A_407 = vector.shape_cast %add3A_401 : vector<512x1xi32> to vector<1x512x1xi32>
    tpu.vector_store %arg4[%swap3A_402, %swap3A_403, %swap3A_404], %swap3A_407 {strides = array<i32>} : memref<1x512x32xi32, #tpu.memory_space<vmem>>, vector<1x512x1xi32>,
    %gt3A_408 = vector.broadcast %broadcast_in_dim3A_395 : vector<512x1xi32> to vector<512x2048xi32>
    %gt3A_409 = arith.cmpi sgt, %iota3A, %gt3A_408 : vector<512x2048xi32>
    %jit3A_410 = arith.constant 2048 : i32
    %broadcast_in_dim3A_411 = vector.broadcast %jit3A_410 : i32 to vector<512x2048xi32>
    %select_n3A_412 = arith.select %gt3A_409, %select_n3A, %broadcast_in_dim3A_411 : vector<512x2048xi1>, vector<512x2048xi32>
    %slice3A_413 = vector.extract_strided_slice %select_n3A_412 {offsets = [0, 0], sizes = [512, 1024], strides = [1, 1]} : vector<512x2048xi32> to vector<512x1024xi32>
    %slice3A_414 = vector.extract_strided_slice %select_n3A_412 {offsets = [0, 1024], sizes = [512, 1024], strides = [1, 1]} : vector<512x2048xi32> to vector<512x1024xi32>
    %min3A_415 = arith.minsi %slice3A_413, %slice3A_414 : vector<512x1024xi32>
    %slice3A_416 = vector.extract_strided_slice %min3A_415 {offsets = [0, 0], sizes = [512, 512], strides = [1, 1]} : vector<512x1024xi32> to vector<512x512xi32>
    %slice3A_417 = vector.extract_strided_slice %min3A_415 {offsets = [0, 512], sizes = [512, 512], strides = [1, 1]} : vector<512x1024xi32> to vector<512x512xi32>
    %min3A_418 = arith.minsi %slice3A_416, %slice3A_417 : vector<512x512xi32>
    %slice3A_419 = vector.extract_strided_slice %min3A_418 {offsets = [0, 0], sizes = [512, 256], strides = [1, 1]} : vector<512x512xi32> to vector<512x256xi32>
    %slice3A_420 = vector.extract_strided_slice %min3A_418 {offsets = [0, 256], sizes = [512, 256], strides = [1, 1]} : vector<512x512xi32> to vector<512x256xi32>
    %min3A_421 = arith.minsi %slice3A_419, %slice3A_420 : vector<512x256xi32>
    %slice3A_422 = vector.extract_strided_slice %min3A_421 {offsets = [0, 0], sizes = [512, 128], strides = [1, 1]} : vector<512x256xi32> to vector<512x128xi32>
    %slice3A_423 = vector.extract_strided_slice %min3A_421 {offsets = [0, 128], sizes = [512, 128], strides = [1, 1]} : vector<512x256xi32> to vector<512x128xi32>
    %min3A_424 = arith.minsi %slice3A_422, %slice3A_423 : vector<512x128xi32>
    %reduce_min3A_425 = arith.constant dense<2147483647> : vector<512xi32>
    %reduce_min3A_426 = vector.multi_reduction <minsi>, %min3A_424, %reduce_min3A_425 [1] : vector<512x128xi32> to vector<512xi32>
    %broadcast_in_dim3A_427 = vector.shape_cast %reduce_min3A_426 : vector<512xi32> to vector<512x1xi32>
    %eq3A_428 = arith.constant 2048 : i32
    %eq3A_429 = vector.broadcast %eq3A_428 : i32 to vector<512x1xi32>
    %eq3A_430 = arith.cmpi eq, %broadcast_in_dim3A_427, %eq3A_429 : vector<512x1xi32>
    %select_n3A_431 = arith.select %eq3A_430, %broadcast_in_dim3A_50, %broadcast_in_dim3A_427 : vector<512x1xi1>, vector<512x1xi32>
    %add3A_432 = vector.broadcast %mul3A_37 : i32 to vector<512x1xi32>
    %add3A_433 = arith.addi %select_n3A_431, %add3A_432 : vector<512x1xi32>
    %swap3A_434 = arith.constant 0 : index
    %swap3A_435 = arith.constant 0 : index
    %swap3A_436 = arith.constant 12 : index
    %swap3A_437 = vector.load %arg4[%swap3A_434, %swap3A_435, %swap3A_436] : memref<1x512x32xi32, #tpu.memory_space<vmem>>, vector<1x512x1xi32>
    %swap3A_438 = vector.shape_cast %swap3A_437 : vector<1x512x1xi32> to vector<512x1xi32>
    %swap3A_439 = vector.shape_cast %add3A_433 : vector<512x1xi32> to vector<1x512x1xi32>
    tpu.vector_store %arg4[%swap3A_434, %swap3A_435, %swap3A_436], %swap3A_439 {strides = array<i32>} : memref<1x512x32xi32, #tpu.memory_space<vmem>>, vector<1x512x1xi32>,
    %gt3A_440 = vector.broadcast %broadcast_in_dim3A_427 : vector<512x1xi32> to vector<512x2048xi32>
    %gt3A_441 = arith.cmpi sgt, %iota3A, %gt3A_440 : vector<512x2048xi32>
    %jit3A_442 = arith.constant 2048 : i32
    %broadcast_in_dim3A_443 = vector.broadcast %jit3A_442 : i32 to vector<512x2048xi32>
    %select_n3A_444 = arith.select %gt3A_441, %select_n3A, %broadcast_in_dim3A_443 : vector<512x2048xi1>, vector<512x2048xi32>
    %slice3A_445 = vector.extract_strided_slice %select_n3A_444 {offsets = [0, 0], sizes = [512, 1024], strides = [1, 1]} : vector<512x2048xi32> to vector<512x1024xi32>
    %slice3A_446 = vector.extract_strided_slice %select_n3A_444 {offsets = [0, 1024], sizes = [512, 1024], strides = [1, 1]} : vector<512x2048xi32> to vector<512x1024xi32>
    %min3A_447 = arith.minsi %slice3A_445, %slice3A_446 : vector<512x1024xi32>
    %slice3A_448 = vector.extract_strided_slice %min3A_447 {offsets = [0, 0], sizes = [512, 512], strides = [1, 1]} : vector<512x1024xi32> to vector<512x512xi32>
    %slice3A_449 = vector.extract_strided_slice %min3A_447 {offsets = [0, 512], sizes = [512, 512], strides = [1, 1]} : vector<512x1024xi32> to vector<512x512xi32>
    %min3A_450 = arith.minsi %slice3A_448, %slice3A_449 : vector<512x512xi32>
    %slice3A_451 = vector.extract_strided_slice %min3A_450 {offsets = [0, 0], sizes = [512, 256], strides = [1, 1]} : vector<512x512xi32> to vector<512x256xi32>
    %slice3A_452 = vector.extract_strided_slice %min3A_450 {offsets = [0, 256], sizes = [512, 256], strides = [1, 1]} : vector<512x512xi32> to vector<512x256xi32>
    %min3A_453 = arith.minsi %slice3A_451, %slice3A_452 : vector<512x256xi32>
    %slice3A_454 = vector.extract_strided_slice %min3A_453 {offsets = [0, 0], sizes = [512, 128], strides = [1, 1]} : vector<512x256xi32> to vector<512x128xi32>
    %slice3A_455 = vector.extract_strided_slice %min3A_453 {offsets = [0, 128], sizes = [512, 128], strides = [1, 1]} : vector<512x256xi32> to vector<512x128xi32>
    %min3A_456 = arith.minsi %slice3A_454, %slice3A_455 : vector<512x128xi32>
    %reduce_min3A_457 = arith.constant dense<2147483647> : vector<512xi32>
    %reduce_min3A_458 = vector.multi_reduction <minsi>, %min3A_456, %reduce_min3A_457 [1] : vector<512x128xi32> to vector<512xi32>
    %broadcast_in_dim3A_459 = vector.shape_cast %reduce_min3A_458 : vector<512xi32> to vector<512x1xi32>
    %eq3A_460 = arith.constant 2048 : i32
    %eq3A_461 = vector.broadcast %eq3A_460 : i32 to vector<512x1xi32>
    %eq3A_462 = arith.cmpi eq, %broadcast_in_dim3A_459, %eq3A_461 : vector<512x1xi32>
    %select_n3A_463 = arith.select %eq3A_462, %broadcast_in_dim3A_50, %broadcast_in_dim3A_459 : vector<512x1xi1>, vector<512x1xi32>
    %add3A_464 = vector.broadcast %mul3A_37 : i32 to vector<512x1xi32>
    %add3A_465 = arith.addi %select_n3A_463, %add3A_464 : vector<512x1xi32>
    %swap3A_466 = arith.constant 0 : index
    %swap3A_467 = arith.constant 0 : index
    %swap3A_468 = arith.constant 13 : index
    %swap3A_469 = vector.load %arg4[%swap3A_466, %swap3A_467, %swap3A_468] : memref<1x512x32xi32, #tpu.memory_space<vmem>>, vector<1x512x1xi32>
    %swap3A_470 = vector.shape_cast %swap3A_469 : vector<1x512x1xi32> to vector<512x1xi32>
    %swap3A_471 = vector.shape_cast %add3A_465 : vector<512x1xi32> to vector<1x512x1xi32>
    tpu.vector_store %arg4[%swap3A_466, %swap3A_467, %swap3A_468], %swap3A_471 {strides = array<i32>} : memref<1x512x32xi32, #tpu.memory_space<vmem>>, vector<1x512x1xi32>,
    %gt3A_472 = vector.broadcast %broadcast_in_dim3A_459 : vector<512x1xi32> to vector<512x2048xi32>
    %gt3A_473 = arith.cmpi sgt, %iota3A, %gt3A_472 : vector<512x2048xi32>
    %jit3A_474 = arith.constant 2048 : i32
    %broadcast_in_dim3A_475 = vector.broadcast %jit3A_474 : i32 to vector<512x2048xi32>
    %select_n3A_476 = arith.select %gt3A_473, %select_n3A, %broadcast_in_dim3A_475 : vector<512x2048xi1>, vector<512x2048xi32>
    %slice3A_477 = vector.extract_strided_slice %select_n3A_476 {offsets = [0, 0], sizes = [512, 1024], strides = [1, 1]} : vector<512x2048xi32> to vector<512x1024xi32>
    %slice3A_478 = vector.extract_strided_slice %select_n3A_476 {offsets = [0, 1024], sizes = [512, 1024], strides = [1, 1]} : vector<512x2048xi32> to vector<512x1024xi32>
    %min3A_479 = arith.minsi %slice3A_477, %slice3A_478 : vector<512x1024xi32>
    %slice3A_480 = vector.extract_strided_slice %min3A_479 {offsets = [0, 0], sizes = [512, 512], strides = [1, 1]} : vector<512x1024xi32> to vector<512x512xi32>
    %slice3A_481 = vector.extract_strided_slice %min3A_479 {offsets = [0, 512], sizes = [512, 512], strides = [1, 1]} : vector<512x1024xi32> to vector<512x512xi32>
    %min3A_482 = arith.minsi %slice3A_480, %slice3A_481 : vector<512x512xi32>
    %slice3A_483 = vector.extract_strided_slice %min3A_482 {offsets = [0, 0], sizes = [512, 256], strides = [1, 1]} : vector<512x512xi32> to vector<512x256xi32>
    %slice3A_484 = vector.extract_strided_slice %min3A_482 {offsets = [0, 256], sizes = [512, 256], strides = [1, 1]} : vector<512x512xi32> to vector<512x256xi32>
    %min3A_485 = arith.minsi %slice3A_483, %slice3A_484 : vector<512x256xi32>
    %slice3A_486 = vector.extract_strided_slice %min3A_485 {offsets = [0, 0], sizes = [512, 128], strides = [1, 1]} : vector<512x256xi32> to vector<512x128xi32>
    %slice3A_487 = vector.extract_strided_slice %min3A_485 {offsets = [0, 128], sizes = [512, 128], strides = [1, 1]} : vector<512x256xi32> to vector<512x128xi32>
    %min3A_488 = arith.minsi %slice3A_486, %slice3A_487 : vector<512x128xi32>
    %reduce_min3A_489 = arith.constant dense<2147483647> : vector<512xi32>
    %reduce_min3A_490 = vector.multi_reduction <minsi>, %min3A_488, %reduce_min3A_489 [1] : vector<512x128xi32> to vector<512xi32>
    %broadcast_in_dim3A_491 = vector.shape_cast %reduce_min3A_490 : vector<512xi32> to vector<512x1xi32>
    %eq3A_492 = arith.constant 2048 : i32
    %eq3A_493 = vector.broadcast %eq3A_492 : i32 to vector<512x1xi32>
    %eq3A_494 = arith.cmpi eq, %broadcast_in_dim3A_491, %eq3A_493 : vector<512x1xi32>
    %select_n3A_495 = arith.select %eq3A_494, %broadcast_in_dim3A_50, %broadcast_in_dim3A_491 : vector<512x1xi1>, vector<512x1xi32>
    %add3A_496 = vector.broadcast %mul3A_37 : i32 to vector<512x1xi32>
    %add3A_497 = arith.addi %select_n3A_495, %add3A_496 : vector<512x1xi32>
    %swap3A_498 = arith.constant 0 : index
    %swap3A_499 = arith.constant 0 : index
    %swap3A_500 = arith.constant 14 : index
    %swap3A_501 = vector.load %arg4[%swap3A_498, %swap3A_499, %swap3A_500] : memref<1x512x32xi32, #tpu.memory_space<vmem>>, vector<1x512x1xi32>
    %swap3A_502 = vector.shape_cast %swap3A_501 : vector<1x512x1xi32> to vector<512x1xi32>
    %swap3A_503 = vector.shape_cast %add3A_497 : vector<512x1xi32> to vector<1x512x1xi32>
    tpu.vector_store %arg4[%swap3A_498, %swap3A_499, %swap3A_500], %swap3A_503 {strides = array<i32>} : memref<1x512x32xi32, #tpu.memory_space<vmem>>, vector<1x512x1xi32>,
    %gt3A_504 = vector.broadcast %broadcast_in_dim3A_491 : vector<512x1xi32> to vector<512x2048xi32>
    %gt3A_505 = arith.cmpi sgt, %iota3A, %gt3A_504 : vector<512x2048xi32>
    %jit3A_506 = arith.constant 2048 : i32
    %broadcast_in_dim3A_507 = vector.broadcast %jit3A_506 : i32 to vector<512x2048xi32>
    %select_n3A_508 = arith.select %gt3A_505, %select_n3A, %broadcast_in_dim3A_507 : vector<512x2048xi1>, vector<512x2048xi32>
    %slice3A_509 = vector.extract_strided_slice %select_n3A_508 {offsets = [0, 0], sizes = [512, 1024], strides = [1, 1]} : vector<512x2048xi32> to vector<512x1024xi32>
    %slice3A_510 = vector.extract_strided_slice %select_n3A_508 {offsets = [0, 1024], sizes = [512, 1024], strides = [1, 1]} : vector<512x2048xi32> to vector<512x1024xi32>
    %min3A_511 = arith.minsi %slice3A_509, %slice3A_510 : vector<512x1024xi32>
    %slice3A_512 = vector.extract_strided_slice %min3A_511 {offsets = [0, 0], sizes = [512, 512], strides = [1, 1]} : vector<512x1024xi32> to vector<512x512xi32>
    %slice3A_513 = vector.extract_strided_slice %min3A_511 {offsets = [0, 512], sizes = [512, 512], strides = [1, 1]} : vector<512x1024xi32> to vector<512x512xi32>
    %min3A_514 = arith.minsi %slice3A_512, %slice3A_513 : vector<512x512xi32>
    %slice3A_515 = vector.extract_strided_slice %min3A_514 {offsets = [0, 0], sizes = [512, 256], strides = [1, 1]} : vector<512x512xi32> to vector<512x256xi32>
    %slice3A_516 = vector.extract_strided_slice %min3A_514 {offsets = [0, 256], sizes = [512, 256], strides = [1, 1]} : vector<512x512xi32> to vector<512x256xi32>
    %min3A_517 = arith.minsi %slice3A_515, %slice3A_516 : vector<512x256xi32>
    %slice3A_518 = vector.extract_strided_slice %min3A_517 {offsets = [0, 0], sizes = [512, 128], strides = [1, 1]} : vector<512x256xi32> to vector<512x128xi32>
    %slice3A_519 = vector.extract_strided_slice %min3A_517 {offsets = [0, 128], sizes = [512, 128], strides = [1, 1]} : vector<512x256xi32> to vector<512x128xi32>
    %min3A_520 = arith.minsi %slice3A_518, %slice3A_519 : vector<512x128xi32>
    %reduce_min3A_521 = arith.constant dense<2147483647> : vector<512xi32>
    %reduce_min3A_522 = vector.multi_reduction <minsi>, %min3A_520, %reduce_min3A_521 [1] : vector<512x128xi32> to vector<512xi32>
    %broadcast_in_dim3A_523 = vector.shape_cast %reduce_min3A_522 : vector<512xi32> to vector<512x1xi32>
    %eq3A_524 = arith.constant 2048 : i32
    %eq3A_525 = vector.broadcast %eq3A_524 : i32 to vector<512x1xi32>
    %eq3A_526 = arith.cmpi eq, %broadcast_in_dim3A_523, %eq3A_525 : vector<512x1xi32>
    %select_n3A_527 = arith.select %eq3A_526, %broadcast_in_dim3A_50, %broadcast_in_dim3A_523 : vector<512x1xi1>, vector<512x1xi32>
    %add3A_528 = vector.broadcast %mul3A_37 : i32 to vector<512x1xi32>
    %add3A_529 = arith.addi %select_n3A_527, %add3A_528 : vector<512x1xi32>
    %swap3A_530 = arith.constant 0 : index
    %swap3A_531 = arith.constant 0 : index
    %swap3A_532 = arith.constant 15 : index
    %swap3A_533 = vector.load %arg4[%swap3A_530, %swap3A_531, %swap3A_532] : memref<1x512x32xi32, #tpu.memory_space<vmem>>, vector<1x512x1xi32>
    %swap3A_534 = vector.shape_cast %swap3A_533 : vector<1x512x1xi32> to vector<512x1xi32>
    %swap3A_535 = vector.shape_cast %add3A_529 : vector<512x1xi32> to vector<1x512x1xi32>
    tpu.vector_store %arg4[%swap3A_530, %swap3A_531, %swap3A_532], %swap3A_535 {strides = array<i32>} : memref<1x512x32xi32, #tpu.memory_space<vmem>>, vector<1x512x1xi32>,
    %gt3A_536 = vector.broadcast %broadcast_in_dim3A_523 : vector<512x1xi32> to vector<512x2048xi32>
    %gt3A_537 = arith.cmpi sgt, %iota3A, %gt3A_536 : vector<512x2048xi32>
    %jit3A_538 = arith.constant 2048 : i32
    %broadcast_in_dim3A_539 = vector.broadcast %jit3A_538 : i32 to vector<512x2048xi32>
    %select_n3A_540 = arith.select %gt3A_537, %select_n3A, %broadcast_in_dim3A_539 : vector<512x2048xi1>, vector<512x2048xi32>
    %slice3A_541 = vector.extract_strided_slice %select_n3A_540 {offsets = [0, 0], sizes = [512, 1024], strides = [1, 1]} : vector<512x2048xi32> to vector<512x1024xi32>
    %slice3A_542 = vector.extract_strided_slice %select_n3A_540 {offsets = [0, 1024], sizes = [512, 1024], strides = [1, 1]} : vector<512x2048xi32> to vector<512x1024xi32>
    %min3A_543 = arith.minsi %slice3A_541, %slice3A_542 : vector<512x1024xi32>
    %slice3A_544 = vector.extract_strided_slice %min3A_543 {offsets = [0, 0], sizes = [512, 512], strides = [1, 1]} : vector<512x1024xi32> to vector<512x512xi32>
    %slice3A_545 = vector.extract_strided_slice %min3A_543 {offsets = [0, 512], sizes = [512, 512], strides = [1, 1]} : vector<512x1024xi32> to vector<512x512xi32>
    %min3A_546 = arith.minsi %slice3A_544, %slice3A_545 : vector<512x512xi32>
    %slice3A_547 = vector.extract_strided_slice %min3A_546 {offsets = [0, 0], sizes = [512, 256], strides = [1, 1]} : vector<512x512xi32> to vector<512x256xi32>
    %slice3A_548 = vector.extract_strided_slice %min3A_546 {offsets = [0, 256], sizes = [512, 256], strides = [1, 1]} : vector<512x512xi32> to vector<512x256xi32>
    %min3A_549 = arith.minsi %slice3A_547, %slice3A_548 : vector<512x256xi32>
    %slice3A_550 = vector.extract_strided_slice %min3A_549 {offsets = [0, 0], sizes = [512, 128], strides = [1, 1]} : vector<512x256xi32> to vector<512x128xi32>
    %slice3A_551 = vector.extract_strided_slice %min3A_549 {offsets = [0, 128], sizes = [512, 128], strides = [1, 1]} : vector<512x256xi32> to vector<512x128xi32>
    %min3A_552 = arith.minsi %slice3A_550, %slice3A_551 : vector<512x128xi32>
    %reduce_min3A_553 = arith.constant dense<2147483647> : vector<512xi32>
    %reduce_min3A_554 = vector.multi_reduction <minsi>, %min3A_552, %reduce_min3A_553 [1] : vector<512x128xi32> to vector<512xi32>
    %broadcast_in_dim3A_555 = vector.shape_cast %reduce_min3A_554 : vector<512xi32> to vector<512x1xi32>
    %eq3A_556 = arith.constant 2048 : i32
    %eq3A_557 = vector.broadcast %eq3A_556 : i32 to vector<512x1xi32>
    %eq3A_558 = arith.cmpi eq, %broadcast_in_dim3A_555, %eq3A_557 : vector<512x1xi32>
    %select_n3A_559 = arith.select %eq3A_558, %broadcast_in_dim3A_50, %broadcast_in_dim3A_555 : vector<512x1xi1>, vector<512x1xi32>
    %add3A_560 = vector.broadcast %mul3A_37 : i32 to vector<512x1xi32>
    %add3A_561 = arith.addi %select_n3A_559, %add3A_560 : vector<512x1xi32>
    %swap3A_562 = arith.constant 0 : index
    %swap3A_563 = arith.constant 0 : index
    %swap3A_564 = arith.constant 16 : index
    %swap3A_565 = vector.load %arg4[%swap3A_562, %swap3A_563, %swap3A_564] : memref<1x512x32xi32, #tpu.memory_space<vmem>>, vector<1x512x1xi32>
    %swap3A_566 = vector.shape_cast %swap3A_565 : vector<1x512x1xi32> to vector<512x1xi32>
    %swap3A_567 = vector.shape_cast %add3A_561 : vector<512x1xi32> to vector<1x512x1xi32>
    tpu.vector_store %arg4[%swap3A_562, %swap3A_563, %swap3A_564], %swap3A_567 {strides = array<i32>} : memref<1x512x32xi32, #tpu.memory_space<vmem>>, vector<1x512x1xi32>,
    %gt3A_568 = vector.broadcast %broadcast_in_dim3A_555 : vector<512x1xi32> to vector<512x2048xi32>
    %gt3A_569 = arith.cmpi sgt, %iota3A, %gt3A_568 : vector<512x2048xi32>
    %jit3A_570 = arith.constant 2048 : i32
    %broadcast_in_dim3A_571 = vector.broadcast %jit3A_570 : i32 to vector<512x2048xi32>
    %select_n3A_572 = arith.select %gt3A_569, %select_n3A, %broadcast_in_dim3A_571 : vector<512x2048xi1>, vector<512x2048xi32>
    %slice3A_573 = vector.extract_strided_slice %select_n3A_572 {offsets = [0, 0], sizes = [512, 1024], strides = [1, 1]} : vector<512x2048xi32> to vector<512x1024xi32>
    %slice3A_574 = vector.extract_strided_slice %select_n3A_572 {offsets = [0, 1024], sizes = [512, 1024], strides = [1, 1]} : vector<512x2048xi32> to vector<512x1024xi32>
    %min3A_575 = arith.minsi %slice3A_573, %slice3A_574 : vector<512x1024xi32>
    %slice3A_576 = vector.extract_strided_slice %min3A_575 {offsets = [0, 0], sizes = [512, 512], strides = [1, 1]} : vector<512x1024xi32> to vector<512x512xi32>
    %slice3A_577 = vector.extract_strided_slice %min3A_575 {offsets = [0, 512], sizes = [512, 512], strides = [1, 1]} : vector<512x1024xi32> to vector<512x512xi32>
    %min3A_578 = arith.minsi %slice3A_576, %slice3A_577 : vector<512x512xi32>
    %slice3A_579 = vector.extract_strided_slice %min3A_578 {offsets = [0, 0], sizes = [512, 256], strides = [1, 1]} : vector<512x512xi32> to vector<512x256xi32>
    %slice3A_580 = vector.extract_strided_slice %min3A_578 {offsets = [0, 256], sizes = [512, 256], strides = [1, 1]} : vector<512x512xi32> to vector<512x256xi32>
    %min3A_581 = arith.minsi %slice3A_579, %slice3A_580 : vector<512x256xi32>
    %slice3A_582 = vector.extract_strided_slice %min3A_581 {offsets = [0, 0], sizes = [512, 128], strides = [1, 1]} : vector<512x256xi32> to vector<512x128xi32>
    %slice3A_583 = vector.extract_strided_slice %min3A_581 {offsets = [0, 128], sizes = [512, 128], strides = [1, 1]} : vector<512x256xi32> to vector<512x128xi32>
    %min3A_584 = arith.minsi %slice3A_582, %slice3A_583 : vector<512x128xi32>
    %reduce_min3A_585 = arith.constant dense<2147483647> : vector<512xi32>
    %reduce_min3A_586 = vector.multi_reduction <minsi>, %min3A_584, %reduce_min3A_585 [1] : vector<512x128xi32> to vector<512xi32>
    %broadcast_in_dim3A_587 = vector.shape_cast %reduce_min3A_586 : vector<512xi32> to vector<512x1xi32>
    %eq3A_588 = arith.constant 2048 : i32
    %eq3A_589 = vector.broadcast %eq3A_588 : i32 to vector<512x1xi32>
    %eq3A_590 = arith.cmpi eq, %broadcast_in_dim3A_587, %eq3A_589 : vector<512x1xi32>
    %select_n3A_591 = arith.select %eq3A_590, %broadcast_in_dim3A_50, %broadcast_in_dim3A_587 : vector<512x1xi1>, vector<512x1xi32>
    %add3A_592 = vector.broadcast %mul3A_37 : i32 to vector<512x1xi32>
    %add3A_593 = arith.addi %select_n3A_591, %add3A_592 : vector<512x1xi32>
    %swap3A_594 = arith.constant 0 : index
    %swap3A_595 = arith.constant 0 : index
    %swap3A_596 = arith.constant 17 : index
    %swap3A_597 = vector.load %arg4[%swap3A_594, %swap3A_595, %swap3A_596] : memref<1x512x32xi32, #tpu.memory_space<vmem>>, vector<1x512x1xi32>
    %swap3A_598 = vector.shape_cast %swap3A_597 : vector<1x512x1xi32> to vector<512x1xi32>
    %swap3A_599 = vector.shape_cast %add3A_593 : vector<512x1xi32> to vector<1x512x1xi32>
    tpu.vector_store %arg4[%swap3A_594, %swap3A_595, %swap3A_596], %swap3A_599 {strides = array<i32>} : memref<1x512x32xi32, #tpu.memory_space<vmem>>, vector<1x512x1xi32>,
    %gt3A_600 = vector.broadcast %broadcast_in_dim3A_587 : vector<512x1xi32> to vector<512x2048xi32>
    %gt3A_601 = arith.cmpi sgt, %iota3A, %gt3A_600 : vector<512x2048xi32>
    %jit3A_602 = arith.constant 2048 : i32
    %broadcast_in_dim3A_603 = vector.broadcast %jit3A_602 : i32 to vector<512x2048xi32>
    %select_n3A_604 = arith.select %gt3A_601, %select_n3A, %broadcast_in_dim3A_603 : vector<512x2048xi1>, vector<512x2048xi32>
    %slice3A_605 = vector.extract_strided_slice %select_n3A_604 {offsets = [0, 0], sizes = [512, 1024], strides = [1, 1]} : vector<512x2048xi32> to vector<512x1024xi32>
    %slice3A_606 = vector.extract_strided_slice %select_n3A_604 {offsets = [0, 1024], sizes = [512, 1024], strides = [1, 1]} : vector<512x2048xi32> to vector<512x1024xi32>
    %min3A_607 = arith.minsi %slice3A_605, %slice3A_606 : vector<512x1024xi32>
    %slice3A_608 = vector.extract_strided_slice %min3A_607 {offsets = [0, 0], sizes = [512, 512], strides = [1, 1]} : vector<512x1024xi32> to vector<512x512xi32>
    %slice3A_609 = vector.extract_strided_slice %min3A_607 {offsets = [0, 512], sizes = [512, 512], strides = [1, 1]} : vector<512x1024xi32> to vector<512x512xi32>
    %min3A_610 = arith.minsi %slice3A_608, %slice3A_609 : vector<512x512xi32>
    %slice3A_611 = vector.extract_strided_slice %min3A_610 {offsets = [0, 0], sizes = [512, 256], strides = [1, 1]} : vector<512x512xi32> to vector<512x256xi32>
    %slice3A_612 = vector.extract_strided_slice %min3A_610 {offsets = [0, 256], sizes = [512, 256], strides = [1, 1]} : vector<512x512xi32> to vector<512x256xi32>
    %min3A_613 = arith.minsi %slice3A_611, %slice3A_612 : vector<512x256xi32>
    %slice3A_614 = vector.extract_strided_slice %min3A_613 {offsets = [0, 0], sizes = [512, 128], strides = [1, 1]} : vector<512x256xi32> to vector<512x128xi32>
    %slice3A_615 = vector.extract_strided_slice %min3A_613 {offsets = [0, 128], sizes = [512, 128], strides = [1, 1]} : vector<512x256xi32> to vector<512x128xi32>
    %min3A_616 = arith.minsi %slice3A_614, %slice3A_615 : vector<512x128xi32>
    %reduce_min3A_617 = arith.constant dense<2147483647> : vector<512xi32>
    %reduce_min3A_618 = vector.multi_reduction <minsi>, %min3A_616, %reduce_min3A_617 [1] : vector<512x128xi32> to vector<512xi32>
    %broadcast_in_dim3A_619 = vector.shape_cast %reduce_min3A_618 : vector<512xi32> to vector<512x1xi32>
    %eq3A_620 = arith.constant 2048 : i32
    %eq3A_621 = vector.broadcast %eq3A_620 : i32 to vector<512x1xi32>
    %eq3A_622 = arith.cmpi eq, %broadcast_in_dim3A_619, %eq3A_621 : vector<512x1xi32>
    %select_n3A_623 = arith.select %eq3A_622, %broadcast_in_dim3A_50, %broadcast_in_dim3A_619 : vector<512x1xi1>, vector<512x1xi32>
    %add3A_624 = vector.broadcast %mul3A_37 : i32 to vector<512x1xi32>
    %add3A_625 = arith.addi %select_n3A_623, %add3A_624 : vector<512x1xi32>
    %swap3A_626 = arith.constant 0 : index
    %swap3A_627 = arith.constant 0 : index
    %swap3A_628 = arith.constant 18 : index
    %swap3A_629 = vector.load %arg4[%swap3A_626, %swap3A_627, %swap3A_628] : memref<1x512x32xi32, #tpu.memory_space<vmem>>, vector<1x512x1xi32>
    %swap3A_630 = vector.shape_cast %swap3A_629 : vector<1x512x1xi32> to vector<512x1xi32>
    %swap3A_631 = vector.shape_cast %add3A_625 : vector<512x1xi32> to vector<1x512x1xi32>
    tpu.vector_store %arg4[%swap3A_626, %swap3A_627, %swap3A_628], %swap3A_631 {strides = array<i32>} : memref<1x512x32xi32, #tpu.memory_space<vmem>>, vector<1x512x1xi32>,
    %gt3A_632 = vector.broadcast %broadcast_in_dim3A_619 : vector<512x1xi32> to vector<512x2048xi32>
    %gt3A_633 = arith.cmpi sgt, %iota3A, %gt3A_632 : vector<512x2048xi32>
    %jit3A_634 = arith.constant 2048 : i32
    %broadcast_in_dim3A_635 = vector.broadcast %jit3A_634 : i32 to vector<512x2048xi32>
    %select_n3A_636 = arith.select %gt3A_633, %select_n3A, %broadcast_in_dim3A_635 : vector<512x2048xi1>, vector<512x2048xi32>
    %slice3A_637 = vector.extract_strided_slice %select_n3A_636 {offsets = [0, 0], sizes = [512, 1024], strides = [1, 1]} : vector<512x2048xi32> to vector<512x1024xi32>
    %slice3A_638 = vector.extract_strided_slice %select_n3A_636 {offsets = [0, 1024], sizes = [512, 1024], strides = [1, 1]} : vector<512x2048xi32> to vector<512x1024xi32>
    %min3A_639 = arith.minsi %slice3A_637, %slice3A_638 : vector<512x1024xi32>
    %slice3A_640 = vector.extract_strided_slice %min3A_639 {offsets = [0, 0], sizes = [512, 512], strides = [1, 1]} : vector<512x1024xi32> to vector<512x512xi32>
    %slice3A_641 = vector.extract_strided_slice %min3A_639 {offsets = [0, 512], sizes = [512, 512], strides = [1, 1]} : vector<512x1024xi32> to vector<512x512xi32>
    %min3A_642 = arith.minsi %slice3A_640, %slice3A_641 : vector<512x512xi32>
    %slice3A_643 = vector.extract_strided_slice %min3A_642 {offsets = [0, 0], sizes = [512, 256], strides = [1, 1]} : vector<512x512xi32> to vector<512x256xi32>
    %slice3A_644 = vector.extract_strided_slice %min3A_642 {offsets = [0, 256], sizes = [512, 256], strides = [1, 1]} : vector<512x512xi32> to vector<512x256xi32>
    %min3A_645 = arith.minsi %slice3A_643, %slice3A_644 : vector<512x256xi32>
    %slice3A_646 = vector.extract_strided_slice %min3A_645 {offsets = [0, 0], sizes = [512, 128], strides = [1, 1]} : vector<512x256xi32> to vector<512x128xi32>
    %slice3A_647 = vector.extract_strided_slice %min3A_645 {offsets = [0, 128], sizes = [512, 128], strides = [1, 1]} : vector<512x256xi32> to vector<512x128xi32>
    %min3A_648 = arith.minsi %slice3A_646, %slice3A_647 : vector<512x128xi32>
    %reduce_min3A_649 = arith.constant dense<2147483647> : vector<512xi32>
    %reduce_min3A_650 = vector.multi_reduction <minsi>, %min3A_648, %reduce_min3A_649 [1] : vector<512x128xi32> to vector<512xi32>
    %broadcast_in_dim3A_651 = vector.shape_cast %reduce_min3A_650 : vector<512xi32> to vector<512x1xi32>
    %eq3A_652 = arith.constant 2048 : i32
    %eq3A_653 = vector.broadcast %eq3A_652 : i32 to vector<512x1xi32>
    %eq3A_654 = arith.cmpi eq, %broadcast_in_dim3A_651, %eq3A_653 : vector<512x1xi32>
    %select_n3A_655 = arith.select %eq3A_654, %broadcast_in_dim3A_50, %broadcast_in_dim3A_651 : vector<512x1xi1>, vector<512x1xi32>
    %add3A_656 = vector.broadcast %mul3A_37 : i32 to vector<512x1xi32>
    %add3A_657 = arith.addi %select_n3A_655, %add3A_656 : vector<512x1xi32>
    %swap3A_658 = arith.constant 0 : index
    %swap3A_659 = arith.constant 0 : index
    %swap3A_660 = arith.constant 19 : index
    %swap3A_661 = vector.load %arg4[%swap3A_658, %swap3A_659, %swap3A_660] : memref<1x512x32xi32, #tpu.memory_space<vmem>>, vector<1x512x1xi32>
    %swap3A_662 = vector.shape_cast %swap3A_661 : vector<1x512x1xi32> to vector<512x1xi32>
    %swap3A_663 = vector.shape_cast %add3A_657 : vector<512x1xi32> to vector<1x512x1xi32>
    tpu.vector_store %arg4[%swap3A_658, %swap3A_659, %swap3A_660], %swap3A_663 {strides = array<i32>} : memref<1x512x32xi32, #tpu.memory_space<vmem>>, vector<1x512x1xi32>,
    %gt3A_664 = vector.broadcast %broadcast_in_dim3A_651 : vector<512x1xi32> to vector<512x2048xi32>
    %gt3A_665 = arith.cmpi sgt, %iota3A, %gt3A_664 : vector<512x2048xi32>
    %jit3A_666 = arith.constant 2048 : i32
    %broadcast_in_dim3A_667 = vector.broadcast %jit3A_666 : i32 to vector<512x2048xi32>
    %select_n3A_668 = arith.select %gt3A_665, %select_n3A, %broadcast_in_dim3A_667 : vector<512x2048xi1>, vector<512x2048xi32>
    %slice3A_669 = vector.extract_strided_slice %select_n3A_668 {offsets = [0, 0], sizes = [512, 1024], strides = [1, 1]} : vector<512x2048xi32> to vector<512x1024xi32>
    %slice3A_670 = vector.extract_strided_slice %select_n3A_668 {offsets = [0, 1024], sizes = [512, 1024], strides = [1, 1]} : vector<512x2048xi32> to vector<512x1024xi32>
    %min3A_671 = arith.minsi %slice3A_669, %slice3A_670 : vector<512x1024xi32>
    %slice3A_672 = vector.extract_strided_slice %min3A_671 {offsets = [0, 0], sizes = [512, 512], strides = [1, 1]} : vector<512x1024xi32> to vector<512x512xi32>
    %slice3A_673 = vector.extract_strided_slice %min3A_671 {offsets = [0, 512], sizes = [512, 512], strides = [1, 1]} : vector<512x1024xi32> to vector<512x512xi32>
    %min3A_674 = arith.minsi %slice3A_672, %slice3A_673 : vector<512x512xi32>
    %slice3A_675 = vector.extract_strided_slice %min3A_674 {offsets = [0, 0], sizes = [512, 256], strides = [1, 1]} : vector<512x512xi32> to vector<512x256xi32>
    %slice3A_676 = vector.extract_strided_slice %min3A_674 {offsets = [0, 256], sizes = [512, 256], strides = [1, 1]} : vector<512x512xi32> to vector<512x256xi32>
    %min3A_677 = arith.minsi %slice3A_675, %slice3A_676 : vector<512x256xi32>
    %slice3A_678 = vector.extract_strided_slice %min3A_677 {offsets = [0, 0], sizes = [512, 128], strides = [1, 1]} : vector<512x256xi32> to vector<512x128xi32>
    %slice3A_679 = vector.extract_strided_slice %min3A_677 {offsets = [0, 128], sizes = [512, 128], strides = [1, 1]} : vector<512x256xi32> to vector<512x128xi32>
    %min3A_680 = arith.minsi %slice3A_678, %slice3A_679 : vector<512x128xi32>
    %reduce_min3A_681 = arith.constant dense<2147483647> : vector<512xi32>
    %reduce_min3A_682 = vector.multi_reduction <minsi>, %min3A_680, %reduce_min3A_681 [1] : vector<512x128xi32> to vector<512xi32>
    %broadcast_in_dim3A_683 = vector.shape_cast %reduce_min3A_682 : vector<512xi32> to vector<512x1xi32>
    %eq3A_684 = arith.constant 2048 : i32
    %eq3A_685 = vector.broadcast %eq3A_684 : i32 to vector<512x1xi32>
    %eq3A_686 = arith.cmpi eq, %broadcast_in_dim3A_683, %eq3A_685 : vector<512x1xi32>
    %select_n3A_687 = arith.select %eq3A_686, %broadcast_in_dim3A_50, %broadcast_in_dim3A_683 : vector<512x1xi1>, vector<512x1xi32>
    %add3A_688 = vector.broadcast %mul3A_37 : i32 to vector<512x1xi32>
    %add3A_689 = arith.addi %select_n3A_687, %add3A_688 : vector<512x1xi32>
    %swap3A_690 = arith.constant 0 : index
    %swap3A_691 = arith.constant 0 : index
    %swap3A_692 = arith.constant 20 : index
    %swap3A_693 = vector.load %arg4[%swap3A_690, %swap3A_691, %swap3A_692] : memref<1x512x32xi32, #tpu.memory_space<vmem>>, vector<1x512x1xi32>
    %swap3A_694 = vector.shape_cast %swap3A_693 : vector<1x512x1xi32> to vector<512x1xi32>
    %swap3A_695 = vector.shape_cast %add3A_689 : vector<512x1xi32> to vector<1x512x1xi32>
    tpu.vector_store %arg4[%swap3A_690, %swap3A_691, %swap3A_692], %swap3A_695 {strides = array<i32>} : memref<1x512x32xi32, #tpu.memory_space<vmem>>, vector<1x512x1xi32>,
    %gt3A_696 = vector.broadcast %broadcast_in_dim3A_683 : vector<512x1xi32> to vector<512x2048xi32>
    %gt3A_697 = arith.cmpi sgt, %iota3A, %gt3A_696 : vector<512x2048xi32>
    %jit3A_698 = arith.constant 2048 : i32
    %broadcast_in_dim3A_699 = vector.broadcast %jit3A_698 : i32 to vector<512x2048xi32>
    %select_n3A_700 = arith.select %gt3A_697, %select_n3A, %broadcast_in_dim3A_699 : vector<512x2048xi1>, vector<512x2048xi32>
    %slice3A_701 = vector.extract_strided_slice %select_n3A_700 {offsets = [0, 0], sizes = [512, 1024], strides = [1, 1]} : vector<512x2048xi32> to vector<512x1024xi32>
    %slice3A_702 = vector.extract_strided_slice %select_n3A_700 {offsets = [0, 1024], sizes = [512, 1024], strides = [1, 1]} : vector<512x2048xi32> to vector<512x1024xi32>
    %min3A_703 = arith.minsi %slice3A_701, %slice3A_702 : vector<512x1024xi32>
    %slice3A_704 = vector.extract_strided_slice %min3A_703 {offsets = [0, 0], sizes = [512, 512], strides = [1, 1]} : vector<512x1024xi32> to vector<512x512xi32>
    %slice3A_705 = vector.extract_strided_slice %min3A_703 {offsets = [0, 512], sizes = [512, 512], strides = [1, 1]} : vector<512x1024xi32> to vector<512x512xi32>
    %min3A_706 = arith.minsi %slice3A_704, %slice3A_705 : vector<512x512xi32>
    %slice3A_707 = vector.extract_strided_slice %min3A_706 {offsets = [0, 0], sizes = [512, 256], strides = [1, 1]} : vector<512x512xi32> to vector<512x256xi32>
    %slice3A_708 = vector.extract_strided_slice %min3A_706 {offsets = [0, 256], sizes = [512, 256], strides = [1, 1]} : vector<512x512xi32> to vector<512x256xi32>
    %min3A_709 = arith.minsi %slice3A_707, %slice3A_708 : vector<512x256xi32>
    %slice3A_710 = vector.extract_strided_slice %min3A_709 {offsets = [0, 0], sizes = [512, 128], strides = [1, 1]} : vector<512x256xi32> to vector<512x128xi32>
    %slice3A_711 = vector.extract_strided_slice %min3A_709 {offsets = [0, 128], sizes = [512, 128], strides = [1, 1]} : vector<512x256xi32> to vector<512x128xi32>
    %min3A_712 = arith.minsi %slice3A_710, %slice3A_711 : vector<512x128xi32>
    %reduce_min3A_713 = arith.constant dense<2147483647> : vector<512xi32>
    %reduce_min3A_714 = vector.multi_reduction <minsi>, %min3A_712, %reduce_min3A_713 [1] : vector<512x128xi32> to vector<512xi32>
    %broadcast_in_dim3A_715 = vector.shape_cast %reduce_min3A_714 : vector<512xi32> to vector<512x1xi32>
    %eq3A_716 = arith.constant 2048 : i32
    %eq3A_717 = vector.broadcast %eq3A_716 : i32 to vector<512x1xi32>
    %eq3A_718 = arith.cmpi eq, %broadcast_in_dim3A_715, %eq3A_717 : vector<512x1xi32>
    %select_n3A_719 = arith.select %eq3A_718, %broadcast_in_dim3A_50, %broadcast_in_dim3A_715 : vector<512x1xi1>, vector<512x1xi32>
    %add3A_720 = vector.broadcast %mul3A_37 : i32 to vector<512x1xi32>
    %add3A_721 = arith.addi %select_n3A_719, %add3A_720 : vector<512x1xi32>
    %swap3A_722 = arith.constant 0 : index
    %swap3A_723 = arith.constant 0 : index
    %swap3A_724 = arith.constant 21 : index
    %swap3A_725 = vector.load %arg4[%swap3A_722, %swap3A_723, %swap3A_724] : memref<1x512x32xi32, #tpu.memory_space<vmem>>, vector<1x512x1xi32>
    %swap3A_726 = vector.shape_cast %swap3A_725 : vector<1x512x1xi32> to vector<512x1xi32>
    %swap3A_727 = vector.shape_cast %add3A_721 : vector<512x1xi32> to vector<1x512x1xi32>
    tpu.vector_store %arg4[%swap3A_722, %swap3A_723, %swap3A_724], %swap3A_727 {strides = array<i32>} : memref<1x512x32xi32, #tpu.memory_space<vmem>>, vector<1x512x1xi32>,
    %gt3A_728 = vector.broadcast %broadcast_in_dim3A_715 : vector<512x1xi32> to vector<512x2048xi32>
    %gt3A_729 = arith.cmpi sgt, %iota3A, %gt3A_728 : vector<512x2048xi32>
    %jit3A_730 = arith.constant 2048 : i32
    %broadcast_in_dim3A_731 = vector.broadcast %jit3A_730 : i32 to vector<512x2048xi32>
    %select_n3A_732 = arith.select %gt3A_729, %select_n3A, %broadcast_in_dim3A_731 : vector<512x2048xi1>, vector<512x2048xi32>
    %slice3A_733 = vector.extract_strided_slice %select_n3A_732 {offsets = [0, 0], sizes = [512, 1024], strides = [1, 1]} : vector<512x2048xi32> to vector<512x1024xi32>
    %slice3A_734 = vector.extract_strided_slice %select_n3A_732 {offsets = [0, 1024], sizes = [512, 1024], strides = [1, 1]} : vector<512x2048xi32> to vector<512x1024xi32>
    %min3A_735 = arith.minsi %slice3A_733, %slice3A_734 : vector<512x1024xi32>
    %slice3A_736 = vector.extract_strided_slice %min3A_735 {offsets = [0, 0], sizes = [512, 512], strides = [1, 1]} : vector<512x1024xi32> to vector<512x512xi32>
    %slice3A_737 = vector.extract_strided_slice %min3A_735 {offsets = [0, 512], sizes = [512, 512], strides = [1, 1]} : vector<512x1024xi32> to vector<512x512xi32>
    %min3A_738 = arith.minsi %slice3A_736, %slice3A_737 : vector<512x512xi32>
    %slice3A_739 = vector.extract_strided_slice %min3A_738 {offsets = [0, 0], sizes = [512, 256], strides = [1, 1]} : vector<512x512xi32> to vector<512x256xi32>
    %slice3A_740 = vector.extract_strided_slice %min3A_738 {offsets = [0, 256], sizes = [512, 256], strides = [1, 1]} : vector<512x512xi32> to vector<512x256xi32>
    %min3A_741 = arith.minsi %slice3A_739, %slice3A_740 : vector<512x256xi32>
    %slice3A_742 = vector.extract_strided_slice %min3A_741 {offsets = [0, 0], sizes = [512, 128], strides = [1, 1]} : vector<512x256xi32> to vector<512x128xi32>
    %slice3A_743 = vector.extract_strided_slice %min3A_741 {offsets = [0, 128], sizes = [512, 128], strides = [1, 1]} : vector<512x256xi32> to vector<512x128xi32>
    %min3A_744 = arith.minsi %slice3A_742, %slice3A_743 : vector<512x128xi32>
    %reduce_min3A_745 = arith.constant dense<2147483647> : vector<512xi32>
    %reduce_min3A_746 = vector.multi_reduction <minsi>, %min3A_744, %reduce_min3A_745 [1] : vector<512x128xi32> to vector<512xi32>
    %broadcast_in_dim3A_747 = vector.shape_cast %reduce_min3A_746 : vector<512xi32> to vector<512x1xi32>
    %eq3A_748 = arith.constant 2048 : i32
    %eq3A_749 = vector.broadcast %eq3A_748 : i32 to vector<512x1xi32>
    %eq3A_750 = arith.cmpi eq, %broadcast_in_dim3A_747, %eq3A_749 : vector<512x1xi32>
    %select_n3A_751 = arith.select %eq3A_750, %broadcast_in_dim3A_50, %broadcast_in_dim3A_747 : vector<512x1xi1>, vector<512x1xi32>
    %add3A_752 = vector.broadcast %mul3A_37 : i32 to vector<512x1xi32>
    %add3A_753 = arith.addi %select_n3A_751, %add3A_752 : vector<512x1xi32>
    %swap3A_754 = arith.constant 0 : index
    %swap3A_755 = arith.constant 0 : index
    %swap3A_756 = arith.constant 22 : index
    %swap3A_757 = vector.load %arg4[%swap3A_754, %swap3A_755, %swap3A_756] : memref<1x512x32xi32, #tpu.memory_space<vmem>>, vector<1x512x1xi32>
    %swap3A_758 = vector.shape_cast %swap3A_757 : vector<1x512x1xi32> to vector<512x1xi32>
    %swap3A_759 = vector.shape_cast %add3A_753 : vector<512x1xi32> to vector<1x512x1xi32>
    tpu.vector_store %arg4[%swap3A_754, %swap3A_755, %swap3A_756], %swap3A_759 {strides = array<i32>} : memref<1x512x32xi32, #tpu.memory_space<vmem>>, vector<1x512x1xi32>,
    %gt3A_760 = vector.broadcast %broadcast_in_dim3A_747 : vector<512x1xi32> to vector<512x2048xi32>
    %gt3A_761 = arith.cmpi sgt, %iota3A, %gt3A_760 : vector<512x2048xi32>
    %jit3A_762 = arith.constant 2048 : i32
    %broadcast_in_dim3A_763 = vector.broadcast %jit3A_762 : i32 to vector<512x2048xi32>
    %select_n3A_764 = arith.select %gt3A_761, %select_n3A, %broadcast_in_dim3A_763 : vector<512x2048xi1>, vector<512x2048xi32>
    %slice3A_765 = vector.extract_strided_slice %select_n3A_764 {offsets = [0, 0], sizes = [512, 1024], strides = [1, 1]} : vector<512x2048xi32> to vector<512x1024xi32>
    %slice3A_766 = vector.extract_strided_slice %select_n3A_764 {offsets = [0, 1024], sizes = [512, 1024], strides = [1, 1]} : vector<512x2048xi32> to vector<512x1024xi32>
    %min3A_767 = arith.minsi %slice3A_765, %slice3A_766 : vector<512x1024xi32>
    %slice3A_768 = vector.extract_strided_slice %min3A_767 {offsets = [0, 0], sizes = [512, 512], strides = [1, 1]} : vector<512x1024xi32> to vector<512x512xi32>
    %slice3A_769 = vector.extract_strided_slice %min3A_767 {offsets = [0, 512], sizes = [512, 512], strides = [1, 1]} : vector<512x1024xi32> to vector<512x512xi32>
    %min3A_770 = arith.minsi %slice3A_768, %slice3A_769 : vector<512x512xi32>
    %slice3A_771 = vector.extract_strided_slice %min3A_770 {offsets = [0, 0], sizes = [512, 256], strides = [1, 1]} : vector<512x512xi32> to vector<512x256xi32>
    %slice3A_772 = vector.extract_strided_slice %min3A_770 {offsets = [0, 256], sizes = [512, 256], strides = [1, 1]} : vector<512x512xi32> to vector<512x256xi32>
    %min3A_773 = arith.minsi %slice3A_771, %slice3A_772 : vector<512x256xi32>
    %slice3A_774 = vector.extract_strided_slice %min3A_773 {offsets = [0, 0], sizes = [512, 128], strides = [1, 1]} : vector<512x256xi32> to vector<512x128xi32>
    %slice3A_775 = vector.extract_strided_slice %min3A_773 {offsets = [0, 128], sizes = [512, 128], strides = [1, 1]} : vector<512x256xi32> to vector<512x128xi32>
    %min3A_776 = arith.minsi %slice3A_774, %slice3A_775 : vector<512x128xi32>
    %reduce_min3A_777 = arith.constant dense<2147483647> : vector<512xi32>
    %reduce_min3A_778 = vector.multi_reduction <minsi>, %min3A_776, %reduce_min3A_777 [1] : vector<512x128xi32> to vector<512xi32>
    %broadcast_in_dim3A_779 = vector.shape_cast %reduce_min3A_778 : vector<512xi32> to vector<512x1xi32>
    %eq3A_780 = arith.constant 2048 : i32
    %eq3A_781 = vector.broadcast %eq3A_780 : i32 to vector<512x1xi32>
    %eq3A_782 = arith.cmpi eq, %broadcast_in_dim3A_779, %eq3A_781 : vector<512x1xi32>
    %select_n3A_783 = arith.select %eq3A_782, %broadcast_in_dim3A_50, %broadcast_in_dim3A_779 : vector<512x1xi1>, vector<512x1xi32>
    %add3A_784 = vector.broadcast %mul3A_37 : i32 to vector<512x1xi32>
    %add3A_785 = arith.addi %select_n3A_783, %add3A_784 : vector<512x1xi32>
    %swap3A_786 = arith.constant 0 : index
    %swap3A_787 = arith.constant 0 : index
    %swap3A_788 = arith.constant 23 : index
    %swap3A_789 = vector.load %arg4[%swap3A_786, %swap3A_787, %swap3A_788] : memref<1x512x32xi32, #tpu.memory_space<vmem>>, vector<1x512x1xi32>
    %swap3A_790 = vector.shape_cast %swap3A_789 : vector<1x512x1xi32> to vector<512x1xi32>
    %swap3A_791 = vector.shape_cast %add3A_785 : vector<512x1xi32> to vector<1x512x1xi32>
    tpu.vector_store %arg4[%swap3A_786, %swap3A_787, %swap3A_788], %swap3A_791 {strides = array<i32>} : memref<1x512x32xi32, #tpu.memory_space<vmem>>, vector<1x512x1xi32>,
    %gt3A_792 = vector.broadcast %broadcast_in_dim3A_779 : vector<512x1xi32> to vector<512x2048xi32>
    %gt3A_793 = arith.cmpi sgt, %iota3A, %gt3A_792 : vector<512x2048xi32>
    %jit3A_794 = arith.constant 2048 : i32
    %broadcast_in_dim3A_795 = vector.broadcast %jit3A_794 : i32 to vector<512x2048xi32>
    %select_n3A_796 = arith.select %gt3A_793, %select_n3A, %broadcast_in_dim3A_795 : vector<512x2048xi1>, vector<512x2048xi32>
    %slice3A_797 = vector.extract_strided_slice %select_n3A_796 {offsets = [0, 0], sizes = [512, 1024], strides = [1, 1]} : vector<512x2048xi32> to vector<512x1024xi32>
    %slice3A_798 = vector.extract_strided_slice %select_n3A_796 {offsets = [0, 1024], sizes = [512, 1024], strides = [1, 1]} : vector<512x2048xi32> to vector<512x1024xi32>
    %min3A_799 = arith.minsi %slice3A_797, %slice3A_798 : vector<512x1024xi32>
    %slice3A_800 = vector.extract_strided_slice %min3A_799 {offsets = [0, 0], sizes = [512, 512], strides = [1, 1]} : vector<512x1024xi32> to vector<512x512xi32>
    %slice3A_801 = vector.extract_strided_slice %min3A_799 {offsets = [0, 512], sizes = [512, 512], strides = [1, 1]} : vector<512x1024xi32> to vector<512x512xi32>
    %min3A_802 = arith.minsi %slice3A_800, %slice3A_801 : vector<512x512xi32>
    %slice3A_803 = vector.extract_strided_slice %min3A_802 {offsets = [0, 0], sizes = [512, 256], strides = [1, 1]} : vector<512x512xi32> to vector<512x256xi32>
    %slice3A_804 = vector.extract_strided_slice %min3A_802 {offsets = [0, 256], sizes = [512, 256], strides = [1, 1]} : vector<512x512xi32> to vector<512x256xi32>
    %min3A_805 = arith.minsi %slice3A_803, %slice3A_804 : vector<512x256xi32>
    %slice3A_806 = vector.extract_strided_slice %min3A_805 {offsets = [0, 0], sizes = [512, 128], strides = [1, 1]} : vector<512x256xi32> to vector<512x128xi32>
    %slice3A_807 = vector.extract_strided_slice %min3A_805 {offsets = [0, 128], sizes = [512, 128], strides = [1, 1]} : vector<512x256xi32> to vector<512x128xi32>
    %min3A_808 = arith.minsi %slice3A_806, %slice3A_807 : vector<512x128xi32>
    %reduce_min3A_809 = arith.constant dense<2147483647> : vector<512xi32>
    %reduce_min3A_810 = vector.multi_reduction <minsi>, %min3A_808, %reduce_min3A_809 [1] : vector<512x128xi32> to vector<512xi32>
    %broadcast_in_dim3A_811 = vector.shape_cast %reduce_min3A_810 : vector<512xi32> to vector<512x1xi32>
    %eq3A_812 = arith.constant 2048 : i32
    %eq3A_813 = vector.broadcast %eq3A_812 : i32 to vector<512x1xi32>
    %eq3A_814 = arith.cmpi eq, %broadcast_in_dim3A_811, %eq3A_813 : vector<512x1xi32>
    %select_n3A_815 = arith.select %eq3A_814, %broadcast_in_dim3A_50, %broadcast_in_dim3A_811 : vector<512x1xi1>, vector<512x1xi32>
    %add3A_816 = vector.broadcast %mul3A_37 : i32 to vector<512x1xi32>
    %add3A_817 = arith.addi %select_n3A_815, %add3A_816 : vector<512x1xi32>
    %swap3A_818 = arith.constant 0 : index
    %swap3A_819 = arith.constant 0 : index
    %swap3A_820 = arith.constant 24 : index
    %swap3A_821 = vector.load %arg4[%swap3A_818, %swap3A_819, %swap3A_820] : memref<1x512x32xi32, #tpu.memory_space<vmem>>, vector<1x512x1xi32>
    %swap3A_822 = vector.shape_cast %swap3A_821 : vector<1x512x1xi32> to vector<512x1xi32>
    %swap3A_823 = vector.shape_cast %add3A_817 : vector<512x1xi32> to vector<1x512x1xi32>
    tpu.vector_store %arg4[%swap3A_818, %swap3A_819, %swap3A_820], %swap3A_823 {strides = array<i32>} : memref<1x512x32xi32, #tpu.memory_space<vmem>>, vector<1x512x1xi32>,
    %gt3A_824 = vector.broadcast %broadcast_in_dim3A_811 : vector<512x1xi32> to vector<512x2048xi32>
    %gt3A_825 = arith.cmpi sgt, %iota3A, %gt3A_824 : vector<512x2048xi32>
    %jit3A_826 = arith.constant 2048 : i32
    %broadcast_in_dim3A_827 = vector.broadcast %jit3A_826 : i32 to vector<512x2048xi32>
    %select_n3A_828 = arith.select %gt3A_825, %select_n3A, %broadcast_in_dim3A_827 : vector<512x2048xi1>, vector<512x2048xi32>
    %slice3A_829 = vector.extract_strided_slice %select_n3A_828 {offsets = [0, 0], sizes = [512, 1024], strides = [1, 1]} : vector<512x2048xi32> to vector<512x1024xi32>
    %slice3A_830 = vector.extract_strided_slice %select_n3A_828 {offsets = [0, 1024], sizes = [512, 1024], strides = [1, 1]} : vector<512x2048xi32> to vector<512x1024xi32>
    %min3A_831 = arith.minsi %slice3A_829, %slice3A_830 : vector<512x1024xi32>
    %slice3A_832 = vector.extract_strided_slice %min3A_831 {offsets = [0, 0], sizes = [512, 512], strides = [1, 1]} : vector<512x1024xi32> to vector<512x512xi32>
    %slice3A_833 = vector.extract_strided_slice %min3A_831 {offsets = [0, 512], sizes = [512, 512], strides = [1, 1]} : vector<512x1024xi32> to vector<512x512xi32>
    %min3A_834 = arith.minsi %slice3A_832, %slice3A_833 : vector<512x512xi32>
    %slice3A_835 = vector.extract_strided_slice %min3A_834 {offsets = [0, 0], sizes = [512, 256], strides = [1, 1]} : vector<512x512xi32> to vector<512x256xi32>
    %slice3A_836 = vector.extract_strided_slice %min3A_834 {offsets = [0, 256], sizes = [512, 256], strides = [1, 1]} : vector<512x512xi32> to vector<512x256xi32>
    %min3A_837 = arith.minsi %slice3A_835, %slice3A_836 : vector<512x256xi32>
    %slice3A_838 = vector.extract_strided_slice %min3A_837 {offsets = [0, 0], sizes = [512, 128], strides = [1, 1]} : vector<512x256xi32> to vector<512x128xi32>
    %slice3A_839 = vector.extract_strided_slice %min3A_837 {offsets = [0, 128], sizes = [512, 128], strides = [1, 1]} : vector<512x256xi32> to vector<512x128xi32>
    %min3A_840 = arith.minsi %slice3A_838, %slice3A_839 : vector<512x128xi32>
    %reduce_min3A_841 = arith.constant dense<2147483647> : vector<512xi32>
    %reduce_min3A_842 = vector.multi_reduction <minsi>, %min3A_840, %reduce_min3A_841 [1] : vector<512x128xi32> to vector<512xi32>
    %broadcast_in_dim3A_843 = vector.shape_cast %reduce_min3A_842 : vector<512xi32> to vector<512x1xi32>
    %eq3A_844 = arith.constant 2048 : i32
    %eq3A_845 = vector.broadcast %eq3A_844 : i32 to vector<512x1xi32>
    %eq3A_846 = arith.cmpi eq, %broadcast_in_dim3A_843, %eq3A_845 : vector<512x1xi32>
    %select_n3A_847 = arith.select %eq3A_846, %broadcast_in_dim3A_50, %broadcast_in_dim3A_843 : vector<512x1xi1>, vector<512x1xi32>
    %add3A_848 = vector.broadcast %mul3A_37 : i32 to vector<512x1xi32>
    %add3A_849 = arith.addi %select_n3A_847, %add3A_848 : vector<512x1xi32>
    %swap3A_850 = arith.constant 0 : index
    %swap3A_851 = arith.constant 0 : index
    %swap3A_852 = arith.constant 25 : index
    %swap3A_853 = vector.load %arg4[%swap3A_850, %swap3A_851, %swap3A_852] : memref<1x512x32xi32, #tpu.memory_space<vmem>>, vector<1x512x1xi32>
    %swap3A_854 = vector.shape_cast %swap3A_853 : vector<1x512x1xi32> to vector<512x1xi32>
    %swap3A_855 = vector.shape_cast %add3A_849 : vector<512x1xi32> to vector<1x512x1xi32>
    tpu.vector_store %arg4[%swap3A_850, %swap3A_851, %swap3A_852], %swap3A_855 {strides = array<i32>} : memref<1x512x32xi32, #tpu.memory_space<vmem>>, vector<1x512x1xi32>,
    %gt3A_856 = vector.broadcast %broadcast_in_dim3A_843 : vector<512x1xi32> to vector<512x2048xi32>
    %gt3A_857 = arith.cmpi sgt, %iota3A, %gt3A_856 : vector<512x2048xi32>
    %jit3A_858 = arith.constant 2048 : i32
    %broadcast_in_dim3A_859 = vector.broadcast %jit3A_858 : i32 to vector<512x2048xi32>
    %select_n3A_860 = arith.select %gt3A_857, %select_n3A, %broadcast_in_dim3A_859 : vector<512x2048xi1>, vector<512x2048xi32>
    %slice3A_861 = vector.extract_strided_slice %select_n3A_860 {offsets = [0, 0], sizes = [512, 1024], strides = [1, 1]} : vector<512x2048xi32> to vector<512x1024xi32>
    %slice3A_862 = vector.extract_strided_slice %select_n3A_860 {offsets = [0, 1024], sizes = [512, 1024], strides = [1, 1]} : vector<512x2048xi32> to vector<512x1024xi32>
    %min3A_863 = arith.minsi %slice3A_861, %slice3A_862 : vector<512x1024xi32>
    %slice3A_864 = vector.extract_strided_slice %min3A_863 {offsets = [0, 0], sizes = [512, 512], strides = [1, 1]} : vector<512x1024xi32> to vector<512x512xi32>
    %slice3A_865 = vector.extract_strided_slice %min3A_863 {offsets = [0, 512], sizes = [512, 512], strides = [1, 1]} : vector<512x1024xi32> to vector<512x512xi32>
    %min3A_866 = arith.minsi %slice3A_864, %slice3A_865 : vector<512x512xi32>
    %slice3A_867 = vector.extract_strided_slice %min3A_866 {offsets = [0, 0], sizes = [512, 256], strides = [1, 1]} : vector<512x512xi32> to vector<512x256xi32>
    %slice3A_868 = vector.extract_strided_slice %min3A_866 {offsets = [0, 256], sizes = [512, 256], strides = [1, 1]} : vector<512x512xi32> to vector<512x256xi32>
    %min3A_869 = arith.minsi %slice3A_867, %slice3A_868 : vector<512x256xi32>
    %slice3A_870 = vector.extract_strided_slice %min3A_869 {offsets = [0, 0], sizes = [512, 128], strides = [1, 1]} : vector<512x256xi32> to vector<512x128xi32>
    %slice3A_871 = vector.extract_strided_slice %min3A_869 {offsets = [0, 128], sizes = [512, 128], strides = [1, 1]} : vector<512x256xi32> to vector<512x128xi32>
    %min3A_872 = arith.minsi %slice3A_870, %slice3A_871 : vector<512x128xi32>
    %reduce_min3A_873 = arith.constant dense<2147483647> : vector<512xi32>
    %reduce_min3A_874 = vector.multi_reduction <minsi>, %min3A_872, %reduce_min3A_873 [1] : vector<512x128xi32> to vector<512xi32>
    %broadcast_in_dim3A_875 = vector.shape_cast %reduce_min3A_874 : vector<512xi32> to vector<512x1xi32>
    %eq3A_876 = arith.constant 2048 : i32
    %eq3A_877 = vector.broadcast %eq3A_876 : i32 to vector<512x1xi32>
    %eq3A_878 = arith.cmpi eq, %broadcast_in_dim3A_875, %eq3A_877 : vector<512x1xi32>
    %select_n3A_879 = arith.select %eq3A_878, %broadcast_in_dim3A_50, %broadcast_in_dim3A_875 : vector<512x1xi1>, vector<512x1xi32>
    %add3A_880 = vector.broadcast %mul3A_37 : i32 to vector<512x1xi32>
    %add3A_881 = arith.addi %select_n3A_879, %add3A_880 : vector<512x1xi32>
    %swap3A_882 = arith.constant 0 : index
    %swap3A_883 = arith.constant 0 : index
    %swap3A_884 = arith.constant 26 : index
    %swap3A_885 = vector.load %arg4[%swap3A_882, %swap3A_883, %swap3A_884] : memref<1x512x32xi32, #tpu.memory_space<vmem>>, vector<1x512x1xi32>
    %swap3A_886 = vector.shape_cast %swap3A_885 : vector<1x512x1xi32> to vector<512x1xi32>
    %swap3A_887 = vector.shape_cast %add3A_881 : vector<512x1xi32> to vector<1x512x1xi32>
    tpu.vector_store %arg4[%swap3A_882, %swap3A_883, %swap3A_884], %swap3A_887 {strides = array<i32>} : memref<1x512x32xi32, #tpu.memory_space<vmem>>, vector<1x512x1xi32>,
    %gt3A_888 = vector.broadcast %broadcast_in_dim3A_875 : vector<512x1xi32> to vector<512x2048xi32>
    %gt3A_889 = arith.cmpi sgt, %iota3A, %gt3A_888 : vector<512x2048xi32>
    %jit3A_890 = arith.constant 2048 : i32
    %broadcast_in_dim3A_891 = vector.broadcast %jit3A_890 : i32 to vector<512x2048xi32>
    %select_n3A_892 = arith.select %gt3A_889, %select_n3A, %broadcast_in_dim3A_891 : vector<512x2048xi1>, vector<512x2048xi32>
    %slice3A_893 = vector.extract_strided_slice %select_n3A_892 {offsets = [0, 0], sizes = [512, 1024], strides = [1, 1]} : vector<512x2048xi32> to vector<512x1024xi32>
    %slice3A_894 = vector.extract_strided_slice %select_n3A_892 {offsets = [0, 1024], sizes = [512, 1024], strides = [1, 1]} : vector<512x2048xi32> to vector<512x1024xi32>
    %min3A_895 = arith.minsi %slice3A_893, %slice3A_894 : vector<512x1024xi32>
    %slice3A_896 = vector.extract_strided_slice %min3A_895 {offsets = [0, 0], sizes = [512, 512], strides = [1, 1]} : vector<512x1024xi32> to vector<512x512xi32>
    %slice3A_897 = vector.extract_strided_slice %min3A_895 {offsets = [0, 512], sizes = [512, 512], strides = [1, 1]} : vector<512x1024xi32> to vector<512x512xi32>
    %min3A_898 = arith.minsi %slice3A_896, %slice3A_897 : vector<512x512xi32>
    %slice3A_899 = vector.extract_strided_slice %min3A_898 {offsets = [0, 0], sizes = [512, 256], strides = [1, 1]} : vector<512x512xi32> to vector<512x256xi32>
    %slice3A_900 = vector.extract_strided_slice %min3A_898 {offsets = [0, 256], sizes = [512, 256], strides = [1, 1]} : vector<512x512xi32> to vector<512x256xi32>
    %min3A_901 = arith.minsi %slice3A_899, %slice3A_900 : vector<512x256xi32>
    %slice3A_902 = vector.extract_strided_slice %min3A_901 {offsets = [0, 0], sizes = [512, 128], strides = [1, 1]} : vector<512x256xi32> to vector<512x128xi32>
    %slice3A_903 = vector.extract_strided_slice %min3A_901 {offsets = [0, 128], sizes = [512, 128], strides = [1, 1]} : vector<512x256xi32> to vector<512x128xi32>
    %min3A_904 = arith.minsi %slice3A_902, %slice3A_903 : vector<512x128xi32>
    %reduce_min3A_905 = arith.constant dense<2147483647> : vector<512xi32>
    %reduce_min3A_906 = vector.multi_reduction <minsi>, %min3A_904, %reduce_min3A_905 [1] : vector<512x128xi32> to vector<512xi32>
    %broadcast_in_dim3A_907 = vector.shape_cast %reduce_min3A_906 : vector<512xi32> to vector<512x1xi32>
    %eq3A_908 = arith.constant 2048 : i32
    %eq3A_909 = vector.broadcast %eq3A_908 : i32 to vector<512x1xi32>
    %eq3A_910 = arith.cmpi eq, %broadcast_in_dim3A_907, %eq3A_909 : vector<512x1xi32>
    %select_n3A_911 = arith.select %eq3A_910, %broadcast_in_dim3A_50, %broadcast_in_dim3A_907 : vector<512x1xi1>, vector<512x1xi32>
    %add3A_912 = vector.broadcast %mul3A_37 : i32 to vector<512x1xi32>
    %add3A_913 = arith.addi %select_n3A_911, %add3A_912 : vector<512x1xi32>
    %swap3A_914 = arith.constant 0 : index
    %swap3A_915 = arith.constant 0 : index
    %swap3A_916 = arith.constant 27 : index
    %swap3A_917 = vector.load %arg4[%swap3A_914, %swap3A_915, %swap3A_916] : memref<1x512x32xi32, #tpu.memory_space<vmem>>, vector<1x512x1xi32>
    %swap3A_918 = vector.shape_cast %swap3A_917 : vector<1x512x1xi32> to vector<512x1xi32>
    %swap3A_919 = vector.shape_cast %add3A_913 : vector<512x1xi32> to vector<1x512x1xi32>
    tpu.vector_store %arg4[%swap3A_914, %swap3A_915, %swap3A_916], %swap3A_919 {strides = array<i32>} : memref<1x512x32xi32, #tpu.memory_space<vmem>>, vector<1x512x1xi32>,
    %gt3A_920 = vector.broadcast %broadcast_in_dim3A_907 : vector<512x1xi32> to vector<512x2048xi32>
    %gt3A_921 = arith.cmpi sgt, %iota3A, %gt3A_920 : vector<512x2048xi32>
    %jit3A_922 = arith.constant 2048 : i32
    %broadcast_in_dim3A_923 = vector.broadcast %jit3A_922 : i32 to vector<512x2048xi32>
    %select_n3A_924 = arith.select %gt3A_921, %select_n3A, %broadcast_in_dim3A_923 : vector<512x2048xi1>, vector<512x2048xi32>
    %slice3A_925 = vector.extract_strided_slice %select_n3A_924 {offsets = [0, 0], sizes = [512, 1024], strides = [1, 1]} : vector<512x2048xi32> to vector<512x1024xi32>
    %slice3A_926 = vector.extract_strided_slice %select_n3A_924 {offsets = [0, 1024], sizes = [512, 1024], strides = [1, 1]} : vector<512x2048xi32> to vector<512x1024xi32>
    %min3A_927 = arith.minsi %slice3A_925, %slice3A_926 : vector<512x1024xi32>
    %slice3A_928 = vector.extract_strided_slice %min3A_927 {offsets = [0, 0], sizes = [512, 512], strides = [1, 1]} : vector<512x1024xi32> to vector<512x512xi32>
    %slice3A_929 = vector.extract_strided_slice %min3A_927 {offsets = [0, 512], sizes = [512, 512], strides = [1, 1]} : vector<512x1024xi32> to vector<512x512xi32>
    %min3A_930 = arith.minsi %slice3A_928, %slice3A_929 : vector<512x512xi32>
    %slice3A_931 = vector.extract_strided_slice %min3A_930 {offsets = [0, 0], sizes = [512, 256], strides = [1, 1]} : vector<512x512xi32> to vector<512x256xi32>
    %slice3A_932 = vector.extract_strided_slice %min3A_930 {offsets = [0, 256], sizes = [512, 256], strides = [1, 1]} : vector<512x512xi32> to vector<512x256xi32>
    %min3A_933 = arith.minsi %slice3A_931, %slice3A_932 : vector<512x256xi32>
    %slice3A_934 = vector.extract_strided_slice %min3A_933 {offsets = [0, 0], sizes = [512, 128], strides = [1, 1]} : vector<512x256xi32> to vector<512x128xi32>
    %slice3A_935 = vector.extract_strided_slice %min3A_933 {offsets = [0, 128], sizes = [512, 128], strides = [1, 1]} : vector<512x256xi32> to vector<512x128xi32>
    %min3A_936 = arith.minsi %slice3A_934, %slice3A_935 : vector<512x128xi32>
    %reduce_min3A_937 = arith.constant dense<2147483647> : vector<512xi32>
    %reduce_min3A_938 = vector.multi_reduction <minsi>, %min3A_936, %reduce_min3A_937 [1] : vector<512x128xi32> to vector<512xi32>
    %broadcast_in_dim3A_939 = vector.shape_cast %reduce_min3A_938 : vector<512xi32> to vector<512x1xi32>
    %eq3A_940 = arith.constant 2048 : i32
    %eq3A_941 = vector.broadcast %eq3A_940 : i32 to vector<512x1xi32>
    %eq3A_942 = arith.cmpi eq, %broadcast_in_dim3A_939, %eq3A_941 : vector<512x1xi32>
    %select_n3A_943 = arith.select %eq3A_942, %broadcast_in_dim3A_50, %broadcast_in_dim3A_939 : vector<512x1xi1>, vector<512x1xi32>
    %add3A_944 = vector.broadcast %mul3A_37 : i32 to vector<512x1xi32>
    %add3A_945 = arith.addi %select_n3A_943, %add3A_944 : vector<512x1xi32>
    %swap3A_946 = arith.constant 0 : index
    %swap3A_947 = arith.constant 0 : index
    %swap3A_948 = arith.constant 28 : index
    %swap3A_949 = vector.load %arg4[%swap3A_946, %swap3A_947, %swap3A_948] : memref<1x512x32xi32, #tpu.memory_space<vmem>>, vector<1x512x1xi32>
    %swap3A_950 = vector.shape_cast %swap3A_949 : vector<1x512x1xi32> to vector<512x1xi32>
    %swap3A_951 = vector.shape_cast %add3A_945 : vector<512x1xi32> to vector<1x512x1xi32>
    tpu.vector_store %arg4[%swap3A_946, %swap3A_947, %swap3A_948], %swap3A_951 {strides = array<i32>} : memref<1x512x32xi32, #tpu.memory_space<vmem>>, vector<1x512x1xi32>,
    %gt3A_952 = vector.broadcast %broadcast_in_dim3A_939 : vector<512x1xi32> to vector<512x2048xi32>
    %gt3A_953 = arith.cmpi sgt, %iota3A, %gt3A_952 : vector<512x2048xi32>
    %jit3A_954 = arith.constant 2048 : i32
    %broadcast_in_dim3A_955 = vector.broadcast %jit3A_954 : i32 to vector<512x2048xi32>
    %select_n3A_956 = arith.select %gt3A_953, %select_n3A, %broadcast_in_dim3A_955 : vector<512x2048xi1>, vector<512x2048xi32>
    %slice3A_957 = vector.extract_strided_slice %select_n3A_956 {offsets = [0, 0], sizes = [512, 1024], strides = [1, 1]} : vector<512x2048xi32> to vector<512x1024xi32>
    %slice3A_958 = vector.extract_strided_slice %select_n3A_956 {offsets = [0, 1024], sizes = [512, 1024], strides = [1, 1]} : vector<512x2048xi32> to vector<512x1024xi32>
    %min3A_959 = arith.minsi %slice3A_957, %slice3A_958 : vector<512x1024xi32>
    %slice3A_960 = vector.extract_strided_slice %min3A_959 {offsets = [0, 0], sizes = [512, 512], strides = [1, 1]} : vector<512x1024xi32> to vector<512x512xi32>
    %slice3A_961 = vector.extract_strided_slice %min3A_959 {offsets = [0, 512], sizes = [512, 512], strides = [1, 1]} : vector<512x1024xi32> to vector<512x512xi32>
    %min3A_962 = arith.minsi %slice3A_960, %slice3A_961 : vector<512x512xi32>
    %slice3A_963 = vector.extract_strided_slice %min3A_962 {offsets = [0, 0], sizes = [512, 256], strides = [1, 1]} : vector<512x512xi32> to vector<512x256xi32>
    %slice3A_964 = vector.extract_strided_slice %min3A_962 {offsets = [0, 256], sizes = [512, 256], strides = [1, 1]} : vector<512x512xi32> to vector<512x256xi32>
    %min3A_965 = arith.minsi %slice3A_963, %slice3A_964 : vector<512x256xi32>
    %slice3A_966 = vector.extract_strided_slice %min3A_965 {offsets = [0, 0], sizes = [512, 128], strides = [1, 1]} : vector<512x256xi32> to vector<512x128xi32>
    %slice3A_967 = vector.extract_strided_slice %min3A_965 {offsets = [0, 128], sizes = [512, 128], strides = [1, 1]} : vector<512x256xi32> to vector<512x128xi32>
    %min3A_968 = arith.minsi %slice3A_966, %slice3A_967 : vector<512x128xi32>
    %reduce_min3A_969 = arith.constant dense<2147483647> : vector<512xi32>
    %reduce_min3A_970 = vector.multi_reduction <minsi>, %min3A_968, %reduce_min3A_969 [1] : vector<512x128xi32> to vector<512xi32>
    %broadcast_in_dim3A_971 = vector.shape_cast %reduce_min3A_970 : vector<512xi32> to vector<512x1xi32>
    %eq3A_972 = arith.constant 2048 : i32
    %eq3A_973 = vector.broadcast %eq3A_972 : i32 to vector<512x1xi32>
    %eq3A_974 = arith.cmpi eq, %broadcast_in_dim3A_971, %eq3A_973 : vector<512x1xi32>
    %select_n3A_975 = arith.select %eq3A_974, %broadcast_in_dim3A_50, %broadcast_in_dim3A_971 : vector<512x1xi1>, vector<512x1xi32>
    %add3A_976 = vector.broadcast %mul3A_37 : i32 to vector<512x1xi32>
    %add3A_977 = arith.addi %select_n3A_975, %add3A_976 : vector<512x1xi32>
    %swap3A_978 = arith.constant 0 : index
    %swap3A_979 = arith.constant 0 : index
    %swap3A_980 = arith.constant 29 : index
    %swap3A_981 = vector.load %arg4[%swap3A_978, %swap3A_979, %swap3A_980] : memref<1x512x32xi32, #tpu.memory_space<vmem>>, vector<1x512x1xi32>
    %swap3A_982 = vector.shape_cast %swap3A_981 : vector<1x512x1xi32> to vector<512x1xi32>
    %swap3A_983 = vector.shape_cast %add3A_977 : vector<512x1xi32> to vector<1x512x1xi32>
    tpu.vector_store %arg4[%swap3A_978, %swap3A_979, %swap3A_980], %swap3A_983 {strides = array<i32>} : memref<1x512x32xi32, #tpu.memory_space<vmem>>, vector<1x512x1xi32>,
    %gt3A_984 = vector.broadcast %broadcast_in_dim3A_971 : vector<512x1xi32> to vector<512x2048xi32>
    %gt3A_985 = arith.cmpi sgt, %iota3A, %gt3A_984 : vector<512x2048xi32>
    %jit3A_986 = arith.constant 2048 : i32
    %broadcast_in_dim3A_987 = vector.broadcast %jit3A_986 : i32 to vector<512x2048xi32>
    %select_n3A_988 = arith.select %gt3A_985, %select_n3A, %broadcast_in_dim3A_987 : vector<512x2048xi1>, vector<512x2048xi32>
    %slice3A_989 = vector.extract_strided_slice %select_n3A_988 {offsets = [0, 0], sizes = [512, 1024], strides = [1, 1]} : vector<512x2048xi32> to vector<512x1024xi32>
    %slice3A_990 = vector.extract_strided_slice %select_n3A_988 {offsets = [0, 1024], sizes = [512, 1024], strides = [1, 1]} : vector<512x2048xi32> to vector<512x1024xi32>
    %min3A_991 = arith.minsi %slice3A_989, %slice3A_990 : vector<512x1024xi32>
    %slice3A_992 = vector.extract_strided_slice %min3A_991 {offsets = [0, 0], sizes = [512, 512], strides = [1, 1]} : vector<512x1024xi32> to vector<512x512xi32>
    %slice3A_993 = vector.extract_strided_slice %min3A_991 {offsets = [0, 512], sizes = [512, 512], strides = [1, 1]} : vector<512x1024xi32> to vector<512x512xi32>
    %min3A_994 = arith.minsi %slice3A_992, %slice3A_993 : vector<512x512xi32>
    %slice3A_995 = vector.extract_strided_slice %min3A_994 {offsets = [0, 0], sizes = [512, 256], strides = [1, 1]} : vector<512x512xi32> to vector<512x256xi32>
    %slice3A_996 = vector.extract_strided_slice %min3A_994 {offsets = [0, 256], sizes = [512, 256], strides = [1, 1]} : vector<512x512xi32> to vector<512x256xi32>
    %min3A_997 = arith.minsi %slice3A_995, %slice3A_996 : vector<512x256xi32>
    %slice3A_998 = vector.extract_strided_slice %min3A_997 {offsets = [0, 0], sizes = [512, 128], strides = [1, 1]} : vector<512x256xi32> to vector<512x128xi32>
    %slice3A_999 = vector.extract_strided_slice %min3A_997 {offsets = [0, 128], sizes = [512, 128], strides = [1, 1]} : vector<512x256xi32> to vector<512x128xi32>
    %min3A_1000 = arith.minsi %slice3A_998, %slice3A_999 : vector<512x128xi32>
    %reduce_min3A_1001 = arith.constant dense<2147483647> : vector<512xi32>
    %reduce_min3A_1002 = vector.multi_reduction <minsi>, %min3A_1000, %reduce_min3A_1001 [1] : vector<512x128xi32> to vector<512xi32>
    %broadcast_in_dim3A_1003 = vector.shape_cast %reduce_min3A_1002 : vector<512xi32> to vector<512x1xi32>
    %eq3A_1004 = arith.constant 2048 : i32
    %eq3A_1005 = vector.broadcast %eq3A_1004 : i32 to vector<512x1xi32>
    %eq3A_1006 = arith.cmpi eq, %broadcast_in_dim3A_1003, %eq3A_1005 : vector<512x1xi32>
    %select_n3A_1007 = arith.select %eq3A_1006, %broadcast_in_dim3A_50, %broadcast_in_dim3A_1003 : vector<512x1xi1>, vector<512x1xi32>
    %add3A_1008 = vector.broadcast %mul3A_37 : i32 to vector<512x1xi32>
    %add3A_1009 = arith.addi %select_n3A_1007, %add3A_1008 : vector<512x1xi32>
    %swap3A_1010 = arith.constant 0 : index
    %swap3A_1011 = arith.constant 0 : index
    %swap3A_1012 = arith.constant 30 : index
    %swap3A_1013 = vector.load %arg4[%swap3A_1010, %swap3A_1011, %swap3A_1012] : memref<1x512x32xi32, #tpu.memory_space<vmem>>, vector<1x512x1xi32>
    %swap3A_1014 = vector.shape_cast %swap3A_1013 : vector<1x512x1xi32> to vector<512x1xi32>
    %swap3A_1015 = vector.shape_cast %add3A_1009 : vector<512x1xi32> to vector<1x512x1xi32>
    tpu.vector_store %arg4[%swap3A_1010, %swap3A_1011, %swap3A_1012], %swap3A_1015 {strides = array<i32>} : memref<1x512x32xi32, #tpu.memory_space<vmem>>, vector<1x512x1xi32>,
    %gt3A_1016 = vector.broadcast %broadcast_in_dim3A_1003 : vector<512x1xi32> to vector<512x2048xi32>
    %gt3A_1017 = arith.cmpi sgt, %iota3A, %gt3A_1016 : vector<512x2048xi32>
    %jit3A_1018 = arith.constant 2048 : i32
    %broadcast_in_dim3A_1019 = vector.broadcast %jit3A_1018 : i32 to vector<512x2048xi32>
    %select_n3A_1020 = arith.select %gt3A_1017, %select_n3A, %broadcast_in_dim3A_1019 : vector<512x2048xi1>, vector<512x2048xi32>
    %slice3A_1021 = vector.extract_strided_slice %select_n3A_1020 {offsets = [0, 0], sizes = [512, 1024], strides = [1, 1]} : vector<512x2048xi32> to vector<512x1024xi32>
    %slice3A_1022 = vector.extract_strided_slice %select_n3A_1020 {offsets = [0, 1024], sizes = [512, 1024], strides = [1, 1]} : vector<512x2048xi32> to vector<512x1024xi32>
    %min3A_1023 = arith.minsi %slice3A_1021, %slice3A_1022 : vector<512x1024xi32>
    %slice3A_1024 = vector.extract_strided_slice %min3A_1023 {offsets = [0, 0], sizes = [512, 512], strides = [1, 1]} : vector<512x1024xi32> to vector<512x512xi32>
    %slice3A_1025 = vector.extract_strided_slice %min3A_1023 {offsets = [0, 512], sizes = [512, 512], strides = [1, 1]} : vector<512x1024xi32> to vector<512x512xi32>
    %min3A_1026 = arith.minsi %slice3A_1024, %slice3A_1025 : vector<512x512xi32>
    %slice3A_1027 = vector.extract_strided_slice %min3A_1026 {offsets = [0, 0], sizes = [512, 256], strides = [1, 1]} : vector<512x512xi32> to vector<512x256xi32>
    %slice3A_1028 = vector.extract_strided_slice %min3A_1026 {offsets = [0, 256], sizes = [512, 256], strides = [1, 1]} : vector<512x512xi32> to vector<512x256xi32>
    %min3A_1029 = arith.minsi %slice3A_1027, %slice3A_1028 : vector<512x256xi32>
    %slice3A_1030 = vector.extract_strided_slice %min3A_1029 {offsets = [0, 0], sizes = [512, 128], strides = [1, 1]} : vector<512x256xi32> to vector<512x128xi32>
    %slice3A_1031 = vector.extract_strided_slice %min3A_1029 {offsets = [0, 128], sizes = [512, 128], strides = [1, 1]} : vector<512x256xi32> to vector<512x128xi32>
    %min3A_1032 = arith.minsi %slice3A_1030, %slice3A_1031 : vector<512x128xi32>
    %reduce_min3A_1033 = arith.constant dense<2147483647> : vector<512xi32>
    %reduce_min3A_1034 = vector.multi_reduction <minsi>, %min3A_1032, %reduce_min3A_1033 [1] : vector<512x128xi32> to vector<512xi32>
    %broadcast_in_dim3A_1035 = vector.shape_cast %reduce_min3A_1034 : vector<512xi32> to vector<512x1xi32>
    %eq3A_1036 = arith.constant 2048 : i32
    %eq3A_1037 = vector.broadcast %eq3A_1036 : i32 to vector<512x1xi32>
    %eq3A_1038 = arith.cmpi eq, %broadcast_in_dim3A_1035, %eq3A_1037 : vector<512x1xi32>
    %select_n3A_1039 = arith.select %eq3A_1038, %broadcast_in_dim3A_50, %broadcast_in_dim3A_1035 : vector<512x1xi1>, vector<512x1xi32>
    %add3A_1040 = vector.broadcast %mul3A_37 : i32 to vector<512x1xi32>
    %add3A_1041 = arith.addi %select_n3A_1039, %add3A_1040 : vector<512x1xi32>
    %swap3A_1042 = arith.constant 0 : index
    %swap3A_1043 = arith.constant 0 : index
    %swap3A_1044 = arith.constant 31 : index
    %swap3A_1045 = vector.load %arg4[%swap3A_1042, %swap3A_1043, %swap3A_1044] : memref<1x512x32xi32, #tpu.memory_space<vmem>>, vector<1x512x1xi32>
    %swap3A_1046 = vector.shape_cast %swap3A_1045 : vector<1x512x1xi32> to vector<512x1xi32>
    %swap3A_1047 = vector.shape_cast %add3A_1041 : vector<512x1xi32> to vector<1x512x1xi32>
    tpu.vector_store %arg4[%swap3A_1042, %swap3A_1043, %swap3A_1044], %swap3A_1047 {strides = array<i32>} : memref<1x512x32xi32, #tpu.memory_space<vmem>>, vector<1x512x1xi32>,
    return
  }
  func.func @transform_0(%arg0: i32, %arg1: i32) -> (i32, i32, i32) {
    %c0_i32 = arith.constant 0 : i32
    %c0_i32_0 = arith.constant 0 : i32
    %c0_i32_1 = arith.constant 0 : i32
    %c0_i32_2 = arith.constant 0 : i32
    return %c0_i32, %c0_i32_0, %c0_i32_1 : i32, i32, i32
  }
  func.func @transform_1(%arg0: i32, %arg1: i32) -> (i32, i32, i32) {
    %add3A = arith.constant 0 : i32
    %add3A_0 = arith.addi %arg0, %add3A : i32
    %c0_i32 = arith.constant 0 : i32
    %c0_i32_1 = arith.constant 0 : i32
    return %add3A_0, %arg1, %c0_i32 : i32, i32, i32
  }
  func.func @transform_2(%arg0: i32, %arg1: i32) -> (i32, i32, i32) {
    %c0_i32 = arith.constant 0 : i32
    %c0_i32_0 = arith.constant 0 : i32
    return %arg0, %arg1, %c0_i32 : i32, i32, i32
  }
}

module attributes {stable_mosaic.version = 14 : i64} {
  func.func @_t0_body(%arg0: i32, %arg1: memref<1x2048x64xf32, #tpu.memory_space<vmem>>, %arg2: memref<1x2048x3xf32, #tpu.memory_space<vmem>>, %arg3: memref<64x64xf32, #tpu.memory_space<vmem>>, %arg4: memref<3x64xf32, #tpu.memory_space<vmem>>, %arg5: memref<2048x64xf32, #tpu.memory_space<vmem>>) attributes {dimension_semantics = [#tpu.dimension_semantics<arbitrary>], iteration_bounds = array<i64: 8>, scalar_prefetch = 0 : i64, scratch_operands = 0 : i64, tpu.core_type = #tpu.core_type<tc>, window_params = [{transform_indices = @transform_0, window_bounds = array<i64: 1, 2048, 64>}, {transform_indices = @transform_1, window_bounds = array<i64: 1, 2048, 3>}, {pipeline_mode = #tpu.pipeline_mode<synchronous>, transform_indices = @transform_2, window_bounds = array<i64: 64, 64>}, {pipeline_mode = #tpu.pipeline_mode<synchronous>, transform_indices = @transform_3, window_bounds = array<i64: 3, 64>}, {transform_indices = @transform_4, window_bounds = array<i64: 2048, 64>}]} {
    %get3A = arith.constant 0 : index
    %get3A_0 = arith.constant 0 : index
    %get3A_1 = arith.constant 0 : index
    %get3A_2 = vector.load %arg1[%get3A, %get3A_0, %get3A_1] : memref<1x2048x64xf32, #tpu.memory_space<vmem>>, vector<1x2048x64xf32>
    %get3A_3 = vector.shape_cast %get3A_2 : vector<1x2048x64xf32> to vector<2048x64xf32>
    %get3A_4 = arith.constant 0 : index
    %get3A_5 = arith.constant 0 : index
    %get3A_6 = vector.load %arg3[%get3A_4, %get3A_5] : memref<64x64xf32, #tpu.memory_space<vmem>>, vector<64x64xf32>
    %dot_general3A = arith.constant dense<0.000000e+00> : vector<2048x64xf32>
    %dot_general3A_7 = tpu.matmul %get3A_3, %get3A_6, %dot_general3A {dimension_numbers = #tpu.dot_dimension_numbers<[1], [0], [0], [1], [0, 0, 1, 1], [], []>, transpose_lhs_hint = false} : vector<2048x64xf32>, vector<64x64xf32>, vector<2048x64xf32> -> vector<2048x64xf32>
    %get3A_8 = arith.constant 0 : index
    %get3A_9 = arith.constant 0 : index
    %get3A_10 = arith.constant 0 : index
    %get3A_11 = vector.load %arg2[%get3A_8, %get3A_9, %get3A_10] : memref<1x2048x3xf32, #tpu.memory_space<vmem>>, vector<1x2048x3xf32>
    %get3A_12 = vector.shape_cast %get3A_11 : vector<1x2048x3xf32> to vector<2048x3xf32>
    %get3A_13 = arith.constant 0 : index
    %get3A_14 = arith.constant 0 : index
    %get3A_15 = vector.load %arg4[%get3A_13, %get3A_14] : memref<3x64xf32, #tpu.memory_space<vmem>>, vector<3x64xf32>
    %dot_general3A_16 = arith.constant dense<0.000000e+00> : vector<2048x64xf32>
    %dot_general3A_17 = tpu.matmul %get3A_12, %get3A_15, %dot_general3A_16 {dimension_numbers = #tpu.dot_dimension_numbers<[1], [0], [0], [1], [0, 0, 1, 1], [], []>, transpose_lhs_hint = false} : vector<2048x3xf32>, vector<3x64xf32>, vector<2048x64xf32> -> vector<2048x64xf32>
    %add3A = arith.addf %dot_general3A_7, %dot_general3A_17 : vector<2048x64xf32>
    %swap3A = arith.constant 0 : index
    %swap3A_18 = arith.constant 0 : index
    %swap3A_19 = vector.load %arg5[%swap3A, %swap3A_18] : memref<2048x64xf32, #tpu.memory_space<vmem>>, vector<2048x64xf32>
    tpu.vector_store %arg5[%swap3A, %swap3A_18], %add3A {strides = array<i32>} : memref<2048x64xf32, #tpu.memory_space<vmem>>, vector<2048x64xf32>,
    return
  }
  func.func @transform_0(%arg0: i32) -> (i32, i32, i32) {
    %c0_i32 = arith.constant 0 : i32
    %c0_i32_0 = arith.constant 0 : i32
    %c0_i32_1 = arith.constant 0 : i32
    return %arg0, %c0_i32, %c0_i32_0 : i32, i32, i32
  }
  func.func @transform_1(%arg0: i32) -> (i32, i32, i32) {
    %c0_i32 = arith.constant 0 : i32
    %c0_i32_0 = arith.constant 0 : i32
    %c0_i32_1 = arith.constant 0 : i32
    return %arg0, %c0_i32, %c0_i32_0 : i32, i32, i32
  }
  func.func @transform_2(%arg0: i32) -> (i32, i32) {
    %c0_i32 = arith.constant 0 : i32
    %c0_i32_0 = arith.constant 0 : i32
    %c0_i32_1 = arith.constant 0 : i32
    return %c0_i32, %c0_i32_0 : i32, i32
  }
  func.func @transform_3(%arg0: i32) -> (i32, i32) {
    %c0_i32 = arith.constant 0 : i32
    %c0_i32_0 = arith.constant 0 : i32
    %c0_i32_1 = arith.constant 0 : i32
    return %c0_i32, %c0_i32_0 : i32, i32
  }
  func.func @transform_4(%arg0: i32) -> (i32, i32) {
    %c0_i32 = arith.constant 0 : i32
    %c0_i32_0 = arith.constant 0 : i32
    return %arg0, %c0_i32 : i32, i32
  }
}

module attributes {stable_mosaic.version = 14 : i64} {
  func.func @_bq_body(%arg0: i32, %arg1: i32, %arg2: memref<3x8x2048xf32, #tpu.memory_space<vmem>>, %arg3: memref<1x512x3xf32, #tpu.memory_space<vmem>>, %arg4: memref<1x512x32xi32, #tpu.memory_space<vmem>>) attributes {dimension_semantics = [#tpu.dimension_semantics<arbitrary>, #tpu.dimension_semantics<arbitrary>], iteration_bounds = array<i64: 4, 1>, scalar_prefetch = 0 : i64, scratch_operands = 0 : i64, tpu.core_type = #tpu.core_type<tc>, window_params = [{pipeline_mode = #tpu.pipeline_mode<synchronous>, transform_indices = @transform_0, window_bounds = array<i64: 3, 8, 2048>}, {transform_indices = @transform_1, window_bounds = array<i64: 1, 512, 3>}, {transform_indices = @transform_2, window_bounds = array<i64: 1, 512, 32>}]} {
    %add3A = arith.constant 4 : i32
    %add3A_0 = arith.addi %arg0, %add3A : i32
    %get3A = arith.constant 0 : index
    %get3A_1 = arith.index_cast %add3A_0 : i32 to index
    %get3A_2 = arith.constant 0 : index
    %get3A_3 = vector.load %arg2[%get3A, %get3A_1, %get3A_2] : memref<3x8x2048xf32, #tpu.memory_space<vmem>>, vector<1x1x2048xf32>
    %get3A_4 = vector.shape_cast %get3A_3 : vector<1x1x2048xf32> to vector<1x2048xf32>
    %get3A_5 = arith.constant 1 : index
    %get3A_6 = arith.index_cast %add3A_0 : i32 to index
    %get3A_7 = arith.constant 0 : index
    %get3A_8 = vector.load %arg2[%get3A_5, %get3A_6, %get3A_7] : memref<3x8x2048xf32, #tpu.memory_space<vmem>>, vector<1x1x2048xf32>
    %get3A_9 = vector.shape_cast %get3A_8 : vector<1x1x2048xf32> to vector<1x2048xf32>
    %get3A_10 = arith.constant 2 : index
    %get3A_11 = arith.index_cast %add3A_0 : i32 to index
    %get3A_12 = arith.constant 0 : index
    %get3A_13 = vector.load %arg2[%get3A_10, %get3A_11, %get3A_12] : memref<3x8x2048xf32, #tpu.memory_space<vmem>>, vector<1x1x2048xf32>
    %get3A_14 = vector.shape_cast %get3A_13 : vector<1x1x2048xf32> to vector<1x2048xf32>
    %get3A_15 = arith.constant 0 : index
    %get3A_16 = arith.constant 0 : index
    %get3A_17 = arith.constant 0 : index
    %get3A_18 = vector.load %arg3[%get3A_15, %get3A_16, %get3A_17] : memref<1x512x3xf32, #tpu.memory_space<vmem>>, vector<1x512x3xf32>
    %get3A_19 = vector.shape_cast %get3A_18 : vector<1x512x3xf32> to vector<512x3xf32>
    %slice3A = vector.extract_strided_slice %get3A_19 {offsets = [0, 0], sizes = [512, 1], strides = [1, 1]} : vector<512x3xf32> to vector<512x1xf32>
    %slice3A_20 = vector.extract_strided_slice %get3A_19 {offsets = [0, 1], sizes = [512, 1], strides = [1, 1]} : vector<512x3xf32> to vector<512x1xf32>
    %slice3A_21 = vector.extract_strided_slice %get3A_19 {offsets = [0, 2], sizes = [512, 1], strides = [1, 1]} : vector<512x3xf32> to vector<512x1xf32>
    %sub3A = vector.broadcast %get3A_4 : vector<1x2048xf32> to vector<512x2048xf32>
    %sub3A_22 = vector.broadcast %slice3A : vector<512x1xf32> to vector<512x2048xf32>
    %sub3A_23 = arith.subf %sub3A, %sub3A_22 : vector<512x2048xf32>
    %sub3A_24 = vector.broadcast %get3A_9 : vector<1x2048xf32> to vector<512x2048xf32>
    %sub3A_25 = vector.broadcast %slice3A_20 : vector<512x1xf32> to vector<512x2048xf32>
    %sub3A_26 = arith.subf %sub3A_24, %sub3A_25 : vector<512x2048xf32>
    %sub3A_27 = vector.broadcast %get3A_14 : vector<1x2048xf32> to vector<512x2048xf32>
    %sub3A_28 = vector.broadcast %slice3A_21 : vector<512x1xf32> to vector<512x2048xf32>
    %sub3A_29 = arith.subf %sub3A_27, %sub3A_28 : vector<512x2048xf32>
    %mul3A = arith.mulf %sub3A_23, %sub3A_23 : vector<512x2048xf32>
    %mul3A_30 = arith.mulf %sub3A_26, %sub3A_26 : vector<512x2048xf32>
    %add3A_31 = arith.addf %mul3A, %mul3A_30 : vector<512x2048xf32>
    %mul3A_32 = arith.mulf %sub3A_29, %sub3A_29 : vector<512x2048xf32>
    %add3A_33 = arith.addf %add3A_31, %mul3A_32 : vector<512x2048xf32>
    %iota3A = tpu.iota {dimensions = array<i32: 1>} : vector<512x2048xi32>
    %le3A = arith.constant 4.000000e-02 : f32
    %le3A_34 = vector.broadcast %le3A : f32 to vector<512x2048xf32>
    %le3A_35 = arith.cmpf ole, %add3A_33, %le3A_34 : vector<512x2048xf32>
    %jit3A = arith.constant 2048 : i32
    %broadcast_in_dim3A = vector.broadcast %jit3A : i32 to vector<512x2048xi32>
    %select_n3A = arith.select %le3A_35, %iota3A, %broadcast_in_dim3A : vector<512x2048xi1>, vector<512x2048xi32>
    %mul3A_36 = arith.constant 2048 : i32
    %mul3A_37 = arith.muli %add3A_0, %mul3A_36 : i32
    %slice3A_38 = vector.extract_strided_slice %select_n3A {offsets = [0, 0], sizes = [512, 1024], strides = [1, 1]} : vector<512x2048xi32> to vector<512x1024xi32>
    %slice3A_39 = vector.extract_strided_slice %select_n3A {offsets = [0, 1024], sizes = [512, 1024], strides = [1, 1]} : vector<512x2048xi32> to vector<512x1024xi32>
    %min3A = arith.minsi %slice3A_38, %slice3A_39 : vector<512x1024xi32>
    %slice3A_40 = vector.extract_strided_slice %min3A {offsets = [0, 0], sizes = [512, 512], strides = [1, 1]} : vector<512x1024xi32> to vector<512x512xi32>
    %slice3A_41 = vector.extract_strided_slice %min3A {offsets = [0, 512], sizes = [512, 512], strides = [1, 1]} : vector<512x1024xi32> to vector<512x512xi32>
    %min3A_42 = arith.minsi %slice3A_40, %slice3A_41 : vector<512x512xi32>
    %slice3A_43 = vector.extract_strided_slice %min3A_42 {offsets = [0, 0], sizes = [512, 256], strides = [1, 1]} : vector<512x512xi32> to vector<512x256xi32>
    %slice3A_44 = vector.extract_strided_slice %min3A_42 {offsets = [0, 256], sizes = [512, 256], strides = [1, 1]} : vector<512x512xi32> to vector<512x256xi32>
    %min3A_45 = arith.minsi %slice3A_43, %slice3A_44 : vector<512x256xi32>
    %slice3A_46 = vector.extract_strided_slice %min3A_45 {offsets = [0, 0], sizes = [512, 128], strides = [1, 1]} : vector<512x256xi32> to vector<512x128xi32>
    %slice3A_47 = vector.extract_strided_slice %min3A_45 {offsets = [0, 128], sizes = [512, 128], strides = [1, 1]} : vector<512x256xi32> to vector<512x128xi32>
    %min3A_48 = arith.minsi %slice3A_46, %slice3A_47 : vector<512x128xi32>
    %reduce_min3A = arith.constant dense<2147483647> : vector<512xi32>
    %reduce_min3A_49 = vector.multi_reduction <minsi>, %min3A_48, %reduce_min3A [1] : vector<512x128xi32> to vector<512xi32>
    %broadcast_in_dim3A_50 = vector.shape_cast %reduce_min3A_49 : vector<512xi32> to vector<512x1xi32>
    %add3A_51 = vector.broadcast %mul3A_37 : i32 to vector<512x1xi32>
    %add3A_52 = arith.addi %broadcast_in_dim3A_50, %add3A_51 : vector<512x1xi32>
    %swap3A = arith.constant 0 : index
    %swap3A_53 = arith.constant 0 : index
    %swap3A_54 = arith.constant 0 : index
    %swap3A_55 = vector.load %arg4[%swap3A, %swap3A_53, %swap3A_54] : memref<1x512x32xi32, #tpu.memory_space<vmem>>, vector<1x512x1xi32>
    %swap3A_56 = vector.shape_cast %swap3A_55 : vector<1x512x1xi32> to vector<512x1xi32>
    %swap3A_57 = vector.shape_cast %add3A_52 : vector<512x1xi32> to vector<1x512x1xi32>
    tpu.vector_store %arg4[%swap3A, %swap3A_53, %swap3A_54], %swap3A_57 {strides = array<i32>} : memref<1x512x32xi32, #tpu.memory_space<vmem>>, vector<1x512x1xi32>,
    %gt3A = vector.broadcast %broadcast_in_dim3A_50 : vector<512x1xi32> to vector<512x2048xi32>
    %gt3A_58 = arith.cmpi sgt, %iota3A, %gt3A : vector<512x2048xi32>
    %jit3A_59 = arith.constant 2048 : i32
    %broadcast_in_dim3A_60 = vector.broadcast %jit3A_59 : i32 to vector<512x2048xi32>
    %select_n3A_61 = arith.select %gt3A_58, %select_n3A, %broadcast_in_dim3A_60 : vector<512x2048xi1>, vector<512x2048xi32>
    %slice3A_62 = vector.extract_strided_slice %select_n3A_61 {offsets = [0, 0], sizes = [512, 1024], strides = [1, 1]} : vector<512x2048xi32> to vector<512x1024xi32>
    %slice3A_63 = vector.extract_strided_slice %select_n3A_61 {offsets = [0, 1024], sizes = [512, 1024], strides = [1, 1]} : vector<512x2048xi32> to vector<512x1024xi32>
    %min3A_64 = arith.minsi %slice3A_62, %slice3A_63 : vector<512x1024xi32>
    %slice3A_65 = vector.extract_strided_slice %min3A_64 {offsets = [0, 0], sizes = [512, 512], strides = [1, 1]} : vector<512x1024xi32> to vector<512x512xi32>
    %slice3A_66 = vector.extract_strided_slice %min3A_64 {offsets = [0, 512], sizes = [512, 512], strides = [1, 1]} : vector<512x1024xi32> to vector<512x512xi32>
    %min3A_67 = arith.minsi %slice3A_65, %slice3A_66 : vector<512x512xi32>
    %slice3A_68 = vector.extract_strided_slice %min3A_67 {offsets = [0, 0], sizes = [512, 256], strides = [1, 1]} : vector<512x512xi32> to vector<512x256xi32>
    %slice3A_69 = vector.extract_strided_slice %min3A_67 {offsets = [0, 256], sizes = [512, 256], strides = [1, 1]} : vector<512x512xi32> to vector<512x256xi32>
    %min3A_70 = arith.minsi %slice3A_68, %slice3A_69 : vector<512x256xi32>
    %slice3A_71 = vector.extract_strided_slice %min3A_70 {offsets = [0, 0], sizes = [512, 128], strides = [1, 1]} : vector<512x256xi32> to vector<512x128xi32>
    %slice3A_72 = vector.extract_strided_slice %min3A_70 {offsets = [0, 128], sizes = [512, 128], strides = [1, 1]} : vector<512x256xi32> to vector<512x128xi32>
    %min3A_73 = arith.minsi %slice3A_71, %slice3A_72 : vector<512x128xi32>
    %reduce_min3A_74 = arith.constant dense<2147483647> : vector<512xi32>
    %reduce_min3A_75 = vector.multi_reduction <minsi>, %min3A_73, %reduce_min3A_74 [1] : vector<512x128xi32> to vector<512xi32>
    %broadcast_in_dim3A_76 = vector.shape_cast %reduce_min3A_75 : vector<512xi32> to vector<512x1xi32>
    %eq3A = arith.constant 2048 : i32
    %eq3A_77 = vector.broadcast %eq3A : i32 to vector<512x1xi32>
    %eq3A_78 = arith.cmpi eq, %broadcast_in_dim3A_76, %eq3A_77 : vector<512x1xi32>
    %select_n3A_79 = arith.select %eq3A_78, %broadcast_in_dim3A_50, %broadcast_in_dim3A_76 : vector<512x1xi1>, vector<512x1xi32>
    %add3A_80 = vector.broadcast %mul3A_37 : i32 to vector<512x1xi32>
    %add3A_81 = arith.addi %select_n3A_79, %add3A_80 : vector<512x1xi32>
    %swap3A_82 = arith.constant 0 : index
    %swap3A_83 = arith.constant 0 : index
    %swap3A_84 = arith.constant 1 : index
    %swap3A_85 = vector.load %arg4[%swap3A_82, %swap3A_83, %swap3A_84] : memref<1x512x32xi32, #tpu.memory_space<vmem>>, vector<1x512x1xi32>
    %swap3A_86 = vector.shape_cast %swap3A_85 : vector<1x512x1xi32> to vector<512x1xi32>
    %swap3A_87 = vector.shape_cast %add3A_81 : vector<512x1xi32> to vector<1x512x1xi32>
    tpu.vector_store %arg4[%swap3A_82, %swap3A_83, %swap3A_84], %swap3A_87 {strides = array<i32>} : memref<1x512x32xi32, #tpu.memory_space<vmem>>, vector<1x512x1xi32>,
    %gt3A_88 = vector.broadcast %broadcast_in_dim3A_76 : vector<512x1xi32> to vector<512x2048xi32>
    %gt3A_89 = arith.cmpi sgt, %iota3A, %gt3A_88 : vector<512x2048xi32>
    %jit3A_90 = arith.constant 2048 : i32
    %broadcast_in_dim3A_91 = vector.broadcast %jit3A_90 : i32 to vector<512x2048xi32>
    %select_n3A_92 = arith.select %gt3A_89, %select_n3A, %broadcast_in_dim3A_91 : vector<512x2048xi1>, vector<512x2048xi32>
    %slice3A_93 = vector.extract_strided_slice %select_n3A_92 {offsets = [0, 0], sizes = [512, 1024], strides = [1, 1]} : vector<512x2048xi32> to vector<512x1024xi32>
    %slice3A_94 = vector.extract_strided_slice %select_n3A_92 {offsets = [0, 1024], sizes = [512, 1024], strides = [1, 1]} : vector<512x2048xi32> to vector<512x1024xi32>
    %min3A_95 = arith.minsi %slice3A_93, %slice3A_94 : vector<512x1024xi32>
    %slice3A_96 = vector.extract_strided_slice %min3A_95 {offsets = [0, 0], sizes = [512, 512], strides = [1, 1]} : vector<512x1024xi32> to vector<512x512xi32>
    %slice3A_97 = vector.extract_strided_slice %min3A_95 {offsets = [0, 512], sizes = [512, 512], strides = [1, 1]} : vector<512x1024xi32> to vector<512x512xi32>
    %min3A_98 = arith.minsi %slice3A_96, %slice3A_97 : vector<512x512xi32>
    %slice3A_99 = vector.extract_strided_slice %min3A_98 {offsets = [0, 0], sizes = [512, 256], strides = [1, 1]} : vector<512x512xi32> to vector<512x256xi32>
    %slice3A_100 = vector.extract_strided_slice %min3A_98 {offsets = [0, 256], sizes = [512, 256], strides = [1, 1]} : vector<512x512xi32> to vector<512x256xi32>
    %min3A_101 = arith.minsi %slice3A_99, %slice3A_100 : vector<512x256xi32>
    %slice3A_102 = vector.extract_strided_slice %min3A_101 {offsets = [0, 0], sizes = [512, 128], strides = [1, 1]} : vector<512x256xi32> to vector<512x128xi32>
    %slice3A_103 = vector.extract_strided_slice %min3A_101 {offsets = [0, 128], sizes = [512, 128], strides = [1, 1]} : vector<512x256xi32> to vector<512x128xi32>
    %min3A_104 = arith.minsi %slice3A_102, %slice3A_103 : vector<512x128xi32>
    %reduce_min3A_105 = arith.constant dense<2147483647> : vector<512xi32>
    %reduce_min3A_106 = vector.multi_reduction <minsi>, %min3A_104, %reduce_min3A_105 [1] : vector<512x128xi32> to vector<512xi32>
    %broadcast_in_dim3A_107 = vector.shape_cast %reduce_min3A_106 : vector<512xi32> to vector<512x1xi32>
    %eq3A_108 = arith.constant 2048 : i32
    %eq3A_109 = vector.broadcast %eq3A_108 : i32 to vector<512x1xi32>
    %eq3A_110 = arith.cmpi eq, %broadcast_in_dim3A_107, %eq3A_109 : vector<512x1xi32>
    %select_n3A_111 = arith.select %eq3A_110, %broadcast_in_dim3A_50, %broadcast_in_dim3A_107 : vector<512x1xi1>, vector<512x1xi32>
    %add3A_112 = vector.broadcast %mul3A_37 : i32 to vector<512x1xi32>
    %add3A_113 = arith.addi %select_n3A_111, %add3A_112 : vector<512x1xi32>
    %swap3A_114 = arith.constant 0 : index
    %swap3A_115 = arith.constant 0 : index
    %swap3A_116 = arith.constant 2 : index
    %swap3A_117 = vector.load %arg4[%swap3A_114, %swap3A_115, %swap3A_116] : memref<1x512x32xi32, #tpu.memory_space<vmem>>, vector<1x512x1xi32>
    %swap3A_118 = vector.shape_cast %swap3A_117 : vector<1x512x1xi32> to vector<512x1xi32>
    %swap3A_119 = vector.shape_cast %add3A_113 : vector<512x1xi32> to vector<1x512x1xi32>
    tpu.vector_store %arg4[%swap3A_114, %swap3A_115, %swap3A_116], %swap3A_119 {strides = array<i32>} : memref<1x512x32xi32, #tpu.memory_space<vmem>>, vector<1x512x1xi32>,
    %gt3A_120 = vector.broadcast %broadcast_in_dim3A_107 : vector<512x1xi32> to vector<512x2048xi32>
    %gt3A_121 = arith.cmpi sgt, %iota3A, %gt3A_120 : vector<512x2048xi32>
    %jit3A_122 = arith.constant 2048 : i32
    %broadcast_in_dim3A_123 = vector.broadcast %jit3A_122 : i32 to vector<512x2048xi32>
    %select_n3A_124 = arith.select %gt3A_121, %select_n3A, %broadcast_in_dim3A_123 : vector<512x2048xi1>, vector<512x2048xi32>
    %slice3A_125 = vector.extract_strided_slice %select_n3A_124 {offsets = [0, 0], sizes = [512, 1024], strides = [1, 1]} : vector<512x2048xi32> to vector<512x1024xi32>
    %slice3A_126 = vector.extract_strided_slice %select_n3A_124 {offsets = [0, 1024], sizes = [512, 1024], strides = [1, 1]} : vector<512x2048xi32> to vector<512x1024xi32>
    %min3A_127 = arith.minsi %slice3A_125, %slice3A_126 : vector<512x1024xi32>
    %slice3A_128 = vector.extract_strided_slice %min3A_127 {offsets = [0, 0], sizes = [512, 512], strides = [1, 1]} : vector<512x1024xi32> to vector<512x512xi32>
    %slice3A_129 = vector.extract_strided_slice %min3A_127 {offsets = [0, 512], sizes = [512, 512], strides = [1, 1]} : vector<512x1024xi32> to vector<512x512xi32>
    %min3A_130 = arith.minsi %slice3A_128, %slice3A_129 : vector<512x512xi32>
    %slice3A_131 = vector.extract_strided_slice %min3A_130 {offsets = [0, 0], sizes = [512, 256], strides = [1, 1]} : vector<512x512xi32> to vector<512x256xi32>
    %slice3A_132 = vector.extract_strided_slice %min3A_130 {offsets = [0, 256], sizes = [512, 256], strides = [1, 1]} : vector<512x512xi32> to vector<512x256xi32>
    %min3A_133 = arith.minsi %slice3A_131, %slice3A_132 : vector<512x256xi32>
    %slice3A_134 = vector.extract_strided_slice %min3A_133 {offsets = [0, 0], sizes = [512, 128], strides = [1, 1]} : vector<512x256xi32> to vector<512x128xi32>
    %slice3A_135 = vector.extract_strided_slice %min3A_133 {offsets = [0, 128], sizes = [512, 128], strides = [1, 1]} : vector<512x256xi32> to vector<512x128xi32>
    %min3A_136 = arith.minsi %slice3A_134, %slice3A_135 : vector<512x128xi32>
    %reduce_min3A_137 = arith.constant dense<2147483647> : vector<512xi32>
    %reduce_min3A_138 = vector.multi_reduction <minsi>, %min3A_136, %reduce_min3A_137 [1] : vector<512x128xi32> to vector<512xi32>
    %broadcast_in_dim3A_139 = vector.shape_cast %reduce_min3A_138 : vector<512xi32> to vector<512x1xi32>
    %eq3A_140 = arith.constant 2048 : i32
    %eq3A_141 = vector.broadcast %eq3A_140 : i32 to vector<512x1xi32>
    %eq3A_142 = arith.cmpi eq, %broadcast_in_dim3A_139, %eq3A_141 : vector<512x1xi32>
    %select_n3A_143 = arith.select %eq3A_142, %broadcast_in_dim3A_50, %broadcast_in_dim3A_139 : vector<512x1xi1>, vector<512x1xi32>
    %add3A_144 = vector.broadcast %mul3A_37 : i32 to vector<512x1xi32>
    %add3A_145 = arith.addi %select_n3A_143, %add3A_144 : vector<512x1xi32>
    %swap3A_146 = arith.constant 0 : index
    %swap3A_147 = arith.constant 0 : index
    %swap3A_148 = arith.constant 3 : index
    %swap3A_149 = vector.load %arg4[%swap3A_146, %swap3A_147, %swap3A_148] : memref<1x512x32xi32, #tpu.memory_space<vmem>>, vector<1x512x1xi32>
    %swap3A_150 = vector.shape_cast %swap3A_149 : vector<1x512x1xi32> to vector<512x1xi32>
    %swap3A_151 = vector.shape_cast %add3A_145 : vector<512x1xi32> to vector<1x512x1xi32>
    tpu.vector_store %arg4[%swap3A_146, %swap3A_147, %swap3A_148], %swap3A_151 {strides = array<i32>} : memref<1x512x32xi32, #tpu.memory_space<vmem>>, vector<1x512x1xi32>,
    %gt3A_152 = vector.broadcast %broadcast_in_dim3A_139 : vector<512x1xi32> to vector<512x2048xi32>
    %gt3A_153 = arith.cmpi sgt, %iota3A, %gt3A_152 : vector<512x2048xi32>
    %jit3A_154 = arith.constant 2048 : i32
    %broadcast_in_dim3A_155 = vector.broadcast %jit3A_154 : i32 to vector<512x2048xi32>
    %select_n3A_156 = arith.select %gt3A_153, %select_n3A, %broadcast_in_dim3A_155 : vector<512x2048xi1>, vector<512x2048xi32>
    %slice3A_157 = vector.extract_strided_slice %select_n3A_156 {offsets = [0, 0], sizes = [512, 1024], strides = [1, 1]} : vector<512x2048xi32> to vector<512x1024xi32>
    %slice3A_158 = vector.extract_strided_slice %select_n3A_156 {offsets = [0, 1024], sizes = [512, 1024], strides = [1, 1]} : vector<512x2048xi32> to vector<512x1024xi32>
    %min3A_159 = arith.minsi %slice3A_157, %slice3A_158 : vector<512x1024xi32>
    %slice3A_160 = vector.extract_strided_slice %min3A_159 {offsets = [0, 0], sizes = [512, 512], strides = [1, 1]} : vector<512x1024xi32> to vector<512x512xi32>
    %slice3A_161 = vector.extract_strided_slice %min3A_159 {offsets = [0, 512], sizes = [512, 512], strides = [1, 1]} : vector<512x1024xi32> to vector<512x512xi32>
    %min3A_162 = arith.minsi %slice3A_160, %slice3A_161 : vector<512x512xi32>
    %slice3A_163 = vector.extract_strided_slice %min3A_162 {offsets = [0, 0], sizes = [512, 256], strides = [1, 1]} : vector<512x512xi32> to vector<512x256xi32>
    %slice3A_164 = vector.extract_strided_slice %min3A_162 {offsets = [0, 256], sizes = [512, 256], strides = [1, 1]} : vector<512x512xi32> to vector<512x256xi32>
    %min3A_165 = arith.minsi %slice3A_163, %slice3A_164 : vector<512x256xi32>
    %slice3A_166 = vector.extract_strided_slice %min3A_165 {offsets = [0, 0], sizes = [512, 128], strides = [1, 1]} : vector<512x256xi32> to vector<512x128xi32>
    %slice3A_167 = vector.extract_strided_slice %min3A_165 {offsets = [0, 128], sizes = [512, 128], strides = [1, 1]} : vector<512x256xi32> to vector<512x128xi32>
    %min3A_168 = arith.minsi %slice3A_166, %slice3A_167 : vector<512x128xi32>
    %reduce_min3A_169 = arith.constant dense<2147483647> : vector<512xi32>
    %reduce_min3A_170 = vector.multi_reduction <minsi>, %min3A_168, %reduce_min3A_169 [1] : vector<512x128xi32> to vector<512xi32>
    %broadcast_in_dim3A_171 = vector.shape_cast %reduce_min3A_170 : vector<512xi32> to vector<512x1xi32>
    %eq3A_172 = arith.constant 2048 : i32
    %eq3A_173 = vector.broadcast %eq3A_172 : i32 to vector<512x1xi32>
    %eq3A_174 = arith.cmpi eq, %broadcast_in_dim3A_171, %eq3A_173 : vector<512x1xi32>
    %select_n3A_175 = arith.select %eq3A_174, %broadcast_in_dim3A_50, %broadcast_in_dim3A_171 : vector<512x1xi1>, vector<512x1xi32>
    %add3A_176 = vector.broadcast %mul3A_37 : i32 to vector<512x1xi32>
    %add3A_177 = arith.addi %select_n3A_175, %add3A_176 : vector<512x1xi32>
    %swap3A_178 = arith.constant 0 : index
    %swap3A_179 = arith.constant 0 : index
    %swap3A_180 = arith.constant 4 : index
    %swap3A_181 = vector.load %arg4[%swap3A_178, %swap3A_179, %swap3A_180] : memref<1x512x32xi32, #tpu.memory_space<vmem>>, vector<1x512x1xi32>
    %swap3A_182 = vector.shape_cast %swap3A_181 : vector<1x512x1xi32> to vector<512x1xi32>
    %swap3A_183 = vector.shape_cast %add3A_177 : vector<512x1xi32> to vector<1x512x1xi32>
    tpu.vector_store %arg4[%swap3A_178, %swap3A_179, %swap3A_180], %swap3A_183 {strides = array<i32>} : memref<1x512x32xi32, #tpu.memory_space<vmem>>, vector<1x512x1xi32>,
    %gt3A_184 = vector.broadcast %broadcast_in_dim3A_171 : vector<512x1xi32> to vector<512x2048xi32>
    %gt3A_185 = arith.cmpi sgt, %iota3A, %gt3A_184 : vector<512x2048xi32>
    %jit3A_186 = arith.constant 2048 : i32
    %broadcast_in_dim3A_187 = vector.broadcast %jit3A_186 : i32 to vector<512x2048xi32>
    %select_n3A_188 = arith.select %gt3A_185, %select_n3A, %broadcast_in_dim3A_187 : vector<512x2048xi1>, vector<512x2048xi32>
    %slice3A_189 = vector.extract_strided_slice %select_n3A_188 {offsets = [0, 0], sizes = [512, 1024], strides = [1, 1]} : vector<512x2048xi32> to vector<512x1024xi32>
    %slice3A_190 = vector.extract_strided_slice %select_n3A_188 {offsets = [0, 1024], sizes = [512, 1024], strides = [1, 1]} : vector<512x2048xi32> to vector<512x1024xi32>
    %min3A_191 = arith.minsi %slice3A_189, %slice3A_190 : vector<512x1024xi32>
    %slice3A_192 = vector.extract_strided_slice %min3A_191 {offsets = [0, 0], sizes = [512, 512], strides = [1, 1]} : vector<512x1024xi32> to vector<512x512xi32>
    %slice3A_193 = vector.extract_strided_slice %min3A_191 {offsets = [0, 512], sizes = [512, 512], strides = [1, 1]} : vector<512x1024xi32> to vector<512x512xi32>
    %min3A_194 = arith.minsi %slice3A_192, %slice3A_193 : vector<512x512xi32>
    %slice3A_195 = vector.extract_strided_slice %min3A_194 {offsets = [0, 0], sizes = [512, 256], strides = [1, 1]} : vector<512x512xi32> to vector<512x256xi32>
    %slice3A_196 = vector.extract_strided_slice %min3A_194 {offsets = [0, 256], sizes = [512, 256], strides = [1, 1]} : vector<512x512xi32> to vector<512x256xi32>
    %min3A_197 = arith.minsi %slice3A_195, %slice3A_196 : vector<512x256xi32>
    %slice3A_198 = vector.extract_strided_slice %min3A_197 {offsets = [0, 0], sizes = [512, 128], strides = [1, 1]} : vector<512x256xi32> to vector<512x128xi32>
    %slice3A_199 = vector.extract_strided_slice %min3A_197 {offsets = [0, 128], sizes = [512, 128], strides = [1, 1]} : vector<512x256xi32> to vector<512x128xi32>
    %min3A_200 = arith.minsi %slice3A_198, %slice3A_199 : vector<512x128xi32>
    %reduce_min3A_201 = arith.constant dense<2147483647> : vector<512xi32>
    %reduce_min3A_202 = vector.multi_reduction <minsi>, %min3A_200, %reduce_min3A_201 [1] : vector<512x128xi32> to vector<512xi32>
    %broadcast_in_dim3A_203 = vector.shape_cast %reduce_min3A_202 : vector<512xi32> to vector<512x1xi32>
    %eq3A_204 = arith.constant 2048 : i32
    %eq3A_205 = vector.broadcast %eq3A_204 : i32 to vector<512x1xi32>
    %eq3A_206 = arith.cmpi eq, %broadcast_in_dim3A_203, %eq3A_205 : vector<512x1xi32>
    %select_n3A_207 = arith.select %eq3A_206, %broadcast_in_dim3A_50, %broadcast_in_dim3A_203 : vector<512x1xi1>, vector<512x1xi32>
    %add3A_208 = vector.broadcast %mul3A_37 : i32 to vector<512x1xi32>
    %add3A_209 = arith.addi %select_n3A_207, %add3A_208 : vector<512x1xi32>
    %swap3A_210 = arith.constant 0 : index
    %swap3A_211 = arith.constant 0 : index
    %swap3A_212 = arith.constant 5 : index
    %swap3A_213 = vector.load %arg4[%swap3A_210, %swap3A_211, %swap3A_212] : memref<1x512x32xi32, #tpu.memory_space<vmem>>, vector<1x512x1xi32>
    %swap3A_214 = vector.shape_cast %swap3A_213 : vector<1x512x1xi32> to vector<512x1xi32>
    %swap3A_215 = vector.shape_cast %add3A_209 : vector<512x1xi32> to vector<1x512x1xi32>
    tpu.vector_store %arg4[%swap3A_210, %swap3A_211, %swap3A_212], %swap3A_215 {strides = array<i32>} : memref<1x512x32xi32, #tpu.memory_space<vmem>>, vector<1x512x1xi32>,
    %gt3A_216 = vector.broadcast %broadcast_in_dim3A_203 : vector<512x1xi32> to vector<512x2048xi32>
    %gt3A_217 = arith.cmpi sgt, %iota3A, %gt3A_216 : vector<512x2048xi32>
    %jit3A_218 = arith.constant 2048 : i32
    %broadcast_in_dim3A_219 = vector.broadcast %jit3A_218 : i32 to vector<512x2048xi32>
    %select_n3A_220 = arith.select %gt3A_217, %select_n3A, %broadcast_in_dim3A_219 : vector<512x2048xi1>, vector<512x2048xi32>
    %slice3A_221 = vector.extract_strided_slice %select_n3A_220 {offsets = [0, 0], sizes = [512, 1024], strides = [1, 1]} : vector<512x2048xi32> to vector<512x1024xi32>
    %slice3A_222 = vector.extract_strided_slice %select_n3A_220 {offsets = [0, 1024], sizes = [512, 1024], strides = [1, 1]} : vector<512x2048xi32> to vector<512x1024xi32>
    %min3A_223 = arith.minsi %slice3A_221, %slice3A_222 : vector<512x1024xi32>
    %slice3A_224 = vector.extract_strided_slice %min3A_223 {offsets = [0, 0], sizes = [512, 512], strides = [1, 1]} : vector<512x1024xi32> to vector<512x512xi32>
    %slice3A_225 = vector.extract_strided_slice %min3A_223 {offsets = [0, 512], sizes = [512, 512], strides = [1, 1]} : vector<512x1024xi32> to vector<512x512xi32>
    %min3A_226 = arith.minsi %slice3A_224, %slice3A_225 : vector<512x512xi32>
    %slice3A_227 = vector.extract_strided_slice %min3A_226 {offsets = [0, 0], sizes = [512, 256], strides = [1, 1]} : vector<512x512xi32> to vector<512x256xi32>
    %slice3A_228 = vector.extract_strided_slice %min3A_226 {offsets = [0, 256], sizes = [512, 256], strides = [1, 1]} : vector<512x512xi32> to vector<512x256xi32>
    %min3A_229 = arith.minsi %slice3A_227, %slice3A_228 : vector<512x256xi32>
    %slice3A_230 = vector.extract_strided_slice %min3A_229 {offsets = [0, 0], sizes = [512, 128], strides = [1, 1]} : vector<512x256xi32> to vector<512x128xi32>
    %slice3A_231 = vector.extract_strided_slice %min3A_229 {offsets = [0, 128], sizes = [512, 128], strides = [1, 1]} : vector<512x256xi32> to vector<512x128xi32>
    %min3A_232 = arith.minsi %slice3A_230, %slice3A_231 : vector<512x128xi32>
    %reduce_min3A_233 = arith.constant dense<2147483647> : vector<512xi32>
    %reduce_min3A_234 = vector.multi_reduction <minsi>, %min3A_232, %reduce_min3A_233 [1] : vector<512x128xi32> to vector<512xi32>
    %broadcast_in_dim3A_235 = vector.shape_cast %reduce_min3A_234 : vector<512xi32> to vector<512x1xi32>
    %eq3A_236 = arith.constant 2048 : i32
    %eq3A_237 = vector.broadcast %eq3A_236 : i32 to vector<512x1xi32>
    %eq3A_238 = arith.cmpi eq, %broadcast_in_dim3A_235, %eq3A_237 : vector<512x1xi32>
    %select_n3A_239 = arith.select %eq3A_238, %broadcast_in_dim3A_50, %broadcast_in_dim3A_235 : vector<512x1xi1>, vector<512x1xi32>
    %add3A_240 = vector.broadcast %mul3A_37 : i32 to vector<512x1xi32>
    %add3A_241 = arith.addi %select_n3A_239, %add3A_240 : vector<512x1xi32>
    %swap3A_242 = arith.constant 0 : index
    %swap3A_243 = arith.constant 0 : index
    %swap3A_244 = arith.constant 6 : index
    %swap3A_245 = vector.load %arg4[%swap3A_242, %swap3A_243, %swap3A_244] : memref<1x512x32xi32, #tpu.memory_space<vmem>>, vector<1x512x1xi32>
    %swap3A_246 = vector.shape_cast %swap3A_245 : vector<1x512x1xi32> to vector<512x1xi32>
    %swap3A_247 = vector.shape_cast %add3A_241 : vector<512x1xi32> to vector<1x512x1xi32>
    tpu.vector_store %arg4[%swap3A_242, %swap3A_243, %swap3A_244], %swap3A_247 {strides = array<i32>} : memref<1x512x32xi32, #tpu.memory_space<vmem>>, vector<1x512x1xi32>,
    %gt3A_248 = vector.broadcast %broadcast_in_dim3A_235 : vector<512x1xi32> to vector<512x2048xi32>
    %gt3A_249 = arith.cmpi sgt, %iota3A, %gt3A_248 : vector<512x2048xi32>
    %jit3A_250 = arith.constant 2048 : i32
    %broadcast_in_dim3A_251 = vector.broadcast %jit3A_250 : i32 to vector<512x2048xi32>
    %select_n3A_252 = arith.select %gt3A_249, %select_n3A, %broadcast_in_dim3A_251 : vector<512x2048xi1>, vector<512x2048xi32>
    %slice3A_253 = vector.extract_strided_slice %select_n3A_252 {offsets = [0, 0], sizes = [512, 1024], strides = [1, 1]} : vector<512x2048xi32> to vector<512x1024xi32>
    %slice3A_254 = vector.extract_strided_slice %select_n3A_252 {offsets = [0, 1024], sizes = [512, 1024], strides = [1, 1]} : vector<512x2048xi32> to vector<512x1024xi32>
    %min3A_255 = arith.minsi %slice3A_253, %slice3A_254 : vector<512x1024xi32>
    %slice3A_256 = vector.extract_strided_slice %min3A_255 {offsets = [0, 0], sizes = [512, 512], strides = [1, 1]} : vector<512x1024xi32> to vector<512x512xi32>
    %slice3A_257 = vector.extract_strided_slice %min3A_255 {offsets = [0, 512], sizes = [512, 512], strides = [1, 1]} : vector<512x1024xi32> to vector<512x512xi32>
    %min3A_258 = arith.minsi %slice3A_256, %slice3A_257 : vector<512x512xi32>
    %slice3A_259 = vector.extract_strided_slice %min3A_258 {offsets = [0, 0], sizes = [512, 256], strides = [1, 1]} : vector<512x512xi32> to vector<512x256xi32>
    %slice3A_260 = vector.extract_strided_slice %min3A_258 {offsets = [0, 256], sizes = [512, 256], strides = [1, 1]} : vector<512x512xi32> to vector<512x256xi32>
    %min3A_261 = arith.minsi %slice3A_259, %slice3A_260 : vector<512x256xi32>
    %slice3A_262 = vector.extract_strided_slice %min3A_261 {offsets = [0, 0], sizes = [512, 128], strides = [1, 1]} : vector<512x256xi32> to vector<512x128xi32>
    %slice3A_263 = vector.extract_strided_slice %min3A_261 {offsets = [0, 128], sizes = [512, 128], strides = [1, 1]} : vector<512x256xi32> to vector<512x128xi32>
    %min3A_264 = arith.minsi %slice3A_262, %slice3A_263 : vector<512x128xi32>
    %reduce_min3A_265 = arith.constant dense<2147483647> : vector<512xi32>
    %reduce_min3A_266 = vector.multi_reduction <minsi>, %min3A_264, %reduce_min3A_265 [1] : vector<512x128xi32> to vector<512xi32>
    %broadcast_in_dim3A_267 = vector.shape_cast %reduce_min3A_266 : vector<512xi32> to vector<512x1xi32>
    %eq3A_268 = arith.constant 2048 : i32
    %eq3A_269 = vector.broadcast %eq3A_268 : i32 to vector<512x1xi32>
    %eq3A_270 = arith.cmpi eq, %broadcast_in_dim3A_267, %eq3A_269 : vector<512x1xi32>
    %select_n3A_271 = arith.select %eq3A_270, %broadcast_in_dim3A_50, %broadcast_in_dim3A_267 : vector<512x1xi1>, vector<512x1xi32>
    %add3A_272 = vector.broadcast %mul3A_37 : i32 to vector<512x1xi32>
    %add3A_273 = arith.addi %select_n3A_271, %add3A_272 : vector<512x1xi32>
    %swap3A_274 = arith.constant 0 : index
    %swap3A_275 = arith.constant 0 : index
    %swap3A_276 = arith.constant 7 : index
    %swap3A_277 = vector.load %arg4[%swap3A_274, %swap3A_275, %swap3A_276] : memref<1x512x32xi32, #tpu.memory_space<vmem>>, vector<1x512x1xi32>
    %swap3A_278 = vector.shape_cast %swap3A_277 : vector<1x512x1xi32> to vector<512x1xi32>
    %swap3A_279 = vector.shape_cast %add3A_273 : vector<512x1xi32> to vector<1x512x1xi32>
    tpu.vector_store %arg4[%swap3A_274, %swap3A_275, %swap3A_276], %swap3A_279 {strides = array<i32>} : memref<1x512x32xi32, #tpu.memory_space<vmem>>, vector<1x512x1xi32>,
    %gt3A_280 = vector.broadcast %broadcast_in_dim3A_267 : vector<512x1xi32> to vector<512x2048xi32>
    %gt3A_281 = arith.cmpi sgt, %iota3A, %gt3A_280 : vector<512x2048xi32>
    %jit3A_282 = arith.constant 2048 : i32
    %broadcast_in_dim3A_283 = vector.broadcast %jit3A_282 : i32 to vector<512x2048xi32>
    %select_n3A_284 = arith.select %gt3A_281, %select_n3A, %broadcast_in_dim3A_283 : vector<512x2048xi1>, vector<512x2048xi32>
    %slice3A_285 = vector.extract_strided_slice %select_n3A_284 {offsets = [0, 0], sizes = [512, 1024], strides = [1, 1]} : vector<512x2048xi32> to vector<512x1024xi32>
    %slice3A_286 = vector.extract_strided_slice %select_n3A_284 {offsets = [0, 1024], sizes = [512, 1024], strides = [1, 1]} : vector<512x2048xi32> to vector<512x1024xi32>
    %min3A_287 = arith.minsi %slice3A_285, %slice3A_286 : vector<512x1024xi32>
    %slice3A_288 = vector.extract_strided_slice %min3A_287 {offsets = [0, 0], sizes = [512, 512], strides = [1, 1]} : vector<512x1024xi32> to vector<512x512xi32>
    %slice3A_289 = vector.extract_strided_slice %min3A_287 {offsets = [0, 512], sizes = [512, 512], strides = [1, 1]} : vector<512x1024xi32> to vector<512x512xi32>
    %min3A_290 = arith.minsi %slice3A_288, %slice3A_289 : vector<512x512xi32>
    %slice3A_291 = vector.extract_strided_slice %min3A_290 {offsets = [0, 0], sizes = [512, 256], strides = [1, 1]} : vector<512x512xi32> to vector<512x256xi32>
    %slice3A_292 = vector.extract_strided_slice %min3A_290 {offsets = [0, 256], sizes = [512, 256], strides = [1, 1]} : vector<512x512xi32> to vector<512x256xi32>
    %min3A_293 = arith.minsi %slice3A_291, %slice3A_292 : vector<512x256xi32>
    %slice3A_294 = vector.extract_strided_slice %min3A_293 {offsets = [0, 0], sizes = [512, 128], strides = [1, 1]} : vector<512x256xi32> to vector<512x128xi32>
    %slice3A_295 = vector.extract_strided_slice %min3A_293 {offsets = [0, 128], sizes = [512, 128], strides = [1, 1]} : vector<512x256xi32> to vector<512x128xi32>
    %min3A_296 = arith.minsi %slice3A_294, %slice3A_295 : vector<512x128xi32>
    %reduce_min3A_297 = arith.constant dense<2147483647> : vector<512xi32>
    %reduce_min3A_298 = vector.multi_reduction <minsi>, %min3A_296, %reduce_min3A_297 [1] : vector<512x128xi32> to vector<512xi32>
    %broadcast_in_dim3A_299 = vector.shape_cast %reduce_min3A_298 : vector<512xi32> to vector<512x1xi32>
    %eq3A_300 = arith.constant 2048 : i32
    %eq3A_301 = vector.broadcast %eq3A_300 : i32 to vector<512x1xi32>
    %eq3A_302 = arith.cmpi eq, %broadcast_in_dim3A_299, %eq3A_301 : vector<512x1xi32>
    %select_n3A_303 = arith.select %eq3A_302, %broadcast_in_dim3A_50, %broadcast_in_dim3A_299 : vector<512x1xi1>, vector<512x1xi32>
    %add3A_304 = vector.broadcast %mul3A_37 : i32 to vector<512x1xi32>
    %add3A_305 = arith.addi %select_n3A_303, %add3A_304 : vector<512x1xi32>
    %swap3A_306 = arith.constant 0 : index
    %swap3A_307 = arith.constant 0 : index
    %swap3A_308 = arith.constant 8 : index
    %swap3A_309 = vector.load %arg4[%swap3A_306, %swap3A_307, %swap3A_308] : memref<1x512x32xi32, #tpu.memory_space<vmem>>, vector<1x512x1xi32>
    %swap3A_310 = vector.shape_cast %swap3A_309 : vector<1x512x1xi32> to vector<512x1xi32>
    %swap3A_311 = vector.shape_cast %add3A_305 : vector<512x1xi32> to vector<1x512x1xi32>
    tpu.vector_store %arg4[%swap3A_306, %swap3A_307, %swap3A_308], %swap3A_311 {strides = array<i32>} : memref<1x512x32xi32, #tpu.memory_space<vmem>>, vector<1x512x1xi32>,
    %gt3A_312 = vector.broadcast %broadcast_in_dim3A_299 : vector<512x1xi32> to vector<512x2048xi32>
    %gt3A_313 = arith.cmpi sgt, %iota3A, %gt3A_312 : vector<512x2048xi32>
    %jit3A_314 = arith.constant 2048 : i32
    %broadcast_in_dim3A_315 = vector.broadcast %jit3A_314 : i32 to vector<512x2048xi32>
    %select_n3A_316 = arith.select %gt3A_313, %select_n3A, %broadcast_in_dim3A_315 : vector<512x2048xi1>, vector<512x2048xi32>
    %slice3A_317 = vector.extract_strided_slice %select_n3A_316 {offsets = [0, 0], sizes = [512, 1024], strides = [1, 1]} : vector<512x2048xi32> to vector<512x1024xi32>
    %slice3A_318 = vector.extract_strided_slice %select_n3A_316 {offsets = [0, 1024], sizes = [512, 1024], strides = [1, 1]} : vector<512x2048xi32> to vector<512x1024xi32>
    %min3A_319 = arith.minsi %slice3A_317, %slice3A_318 : vector<512x1024xi32>
    %slice3A_320 = vector.extract_strided_slice %min3A_319 {offsets = [0, 0], sizes = [512, 512], strides = [1, 1]} : vector<512x1024xi32> to vector<512x512xi32>
    %slice3A_321 = vector.extract_strided_slice %min3A_319 {offsets = [0, 512], sizes = [512, 512], strides = [1, 1]} : vector<512x1024xi32> to vector<512x512xi32>
    %min3A_322 = arith.minsi %slice3A_320, %slice3A_321 : vector<512x512xi32>
    %slice3A_323 = vector.extract_strided_slice %min3A_322 {offsets = [0, 0], sizes = [512, 256], strides = [1, 1]} : vector<512x512xi32> to vector<512x256xi32>
    %slice3A_324 = vector.extract_strided_slice %min3A_322 {offsets = [0, 256], sizes = [512, 256], strides = [1, 1]} : vector<512x512xi32> to vector<512x256xi32>
    %min3A_325 = arith.minsi %slice3A_323, %slice3A_324 : vector<512x256xi32>
    %slice3A_326 = vector.extract_strided_slice %min3A_325 {offsets = [0, 0], sizes = [512, 128], strides = [1, 1]} : vector<512x256xi32> to vector<512x128xi32>
    %slice3A_327 = vector.extract_strided_slice %min3A_325 {offsets = [0, 128], sizes = [512, 128], strides = [1, 1]} : vector<512x256xi32> to vector<512x128xi32>
    %min3A_328 = arith.minsi %slice3A_326, %slice3A_327 : vector<512x128xi32>
    %reduce_min3A_329 = arith.constant dense<2147483647> : vector<512xi32>
    %reduce_min3A_330 = vector.multi_reduction <minsi>, %min3A_328, %reduce_min3A_329 [1] : vector<512x128xi32> to vector<512xi32>
    %broadcast_in_dim3A_331 = vector.shape_cast %reduce_min3A_330 : vector<512xi32> to vector<512x1xi32>
    %eq3A_332 = arith.constant 2048 : i32
    %eq3A_333 = vector.broadcast %eq3A_332 : i32 to vector<512x1xi32>
    %eq3A_334 = arith.cmpi eq, %broadcast_in_dim3A_331, %eq3A_333 : vector<512x1xi32>
    %select_n3A_335 = arith.select %eq3A_334, %broadcast_in_dim3A_50, %broadcast_in_dim3A_331 : vector<512x1xi1>, vector<512x1xi32>
    %add3A_336 = vector.broadcast %mul3A_37 : i32 to vector<512x1xi32>
    %add3A_337 = arith.addi %select_n3A_335, %add3A_336 : vector<512x1xi32>
    %swap3A_338 = arith.constant 0 : index
    %swap3A_339 = arith.constant 0 : index
    %swap3A_340 = arith.constant 9 : index
    %swap3A_341 = vector.load %arg4[%swap3A_338, %swap3A_339, %swap3A_340] : memref<1x512x32xi32, #tpu.memory_space<vmem>>, vector<1x512x1xi32>
    %swap3A_342 = vector.shape_cast %swap3A_341 : vector<1x512x1xi32> to vector<512x1xi32>
    %swap3A_343 = vector.shape_cast %add3A_337 : vector<512x1xi32> to vector<1x512x1xi32>
    tpu.vector_store %arg4[%swap3A_338, %swap3A_339, %swap3A_340], %swap3A_343 {strides = array<i32>} : memref<1x512x32xi32, #tpu.memory_space<vmem>>, vector<1x512x1xi32>,
    %gt3A_344 = vector.broadcast %broadcast_in_dim3A_331 : vector<512x1xi32> to vector<512x2048xi32>
    %gt3A_345 = arith.cmpi sgt, %iota3A, %gt3A_344 : vector<512x2048xi32>
    %jit3A_346 = arith.constant 2048 : i32
    %broadcast_in_dim3A_347 = vector.broadcast %jit3A_346 : i32 to vector<512x2048xi32>
    %select_n3A_348 = arith.select %gt3A_345, %select_n3A, %broadcast_in_dim3A_347 : vector<512x2048xi1>, vector<512x2048xi32>
    %slice3A_349 = vector.extract_strided_slice %select_n3A_348 {offsets = [0, 0], sizes = [512, 1024], strides = [1, 1]} : vector<512x2048xi32> to vector<512x1024xi32>
    %slice3A_350 = vector.extract_strided_slice %select_n3A_348 {offsets = [0, 1024], sizes = [512, 1024], strides = [1, 1]} : vector<512x2048xi32> to vector<512x1024xi32>
    %min3A_351 = arith.minsi %slice3A_349, %slice3A_350 : vector<512x1024xi32>
    %slice3A_352 = vector.extract_strided_slice %min3A_351 {offsets = [0, 0], sizes = [512, 512], strides = [1, 1]} : vector<512x1024xi32> to vector<512x512xi32>
    %slice3A_353 = vector.extract_strided_slice %min3A_351 {offsets = [0, 512], sizes = [512, 512], strides = [1, 1]} : vector<512x1024xi32> to vector<512x512xi32>
    %min3A_354 = arith.minsi %slice3A_352, %slice3A_353 : vector<512x512xi32>
    %slice3A_355 = vector.extract_strided_slice %min3A_354 {offsets = [0, 0], sizes = [512, 256], strides = [1, 1]} : vector<512x512xi32> to vector<512x256xi32>
    %slice3A_356 = vector.extract_strided_slice %min3A_354 {offsets = [0, 256], sizes = [512, 256], strides = [1, 1]} : vector<512x512xi32> to vector<512x256xi32>
    %min3A_357 = arith.minsi %slice3A_355, %slice3A_356 : vector<512x256xi32>
    %slice3A_358 = vector.extract_strided_slice %min3A_357 {offsets = [0, 0], sizes = [512, 128], strides = [1, 1]} : vector<512x256xi32> to vector<512x128xi32>
    %slice3A_359 = vector.extract_strided_slice %min3A_357 {offsets = [0, 128], sizes = [512, 128], strides = [1, 1]} : vector<512x256xi32> to vector<512x128xi32>
    %min3A_360 = arith.minsi %slice3A_358, %slice3A_359 : vector<512x128xi32>
    %reduce_min3A_361 = arith.constant dense<2147483647> : vector<512xi32>
    %reduce_min3A_362 = vector.multi_reduction <minsi>, %min3A_360, %reduce_min3A_361 [1] : vector<512x128xi32> to vector<512xi32>
    %broadcast_in_dim3A_363 = vector.shape_cast %reduce_min3A_362 : vector<512xi32> to vector<512x1xi32>
    %eq3A_364 = arith.constant 2048 : i32
    %eq3A_365 = vector.broadcast %eq3A_364 : i32 to vector<512x1xi32>
    %eq3A_366 = arith.cmpi eq, %broadcast_in_dim3A_363, %eq3A_365 : vector<512x1xi32>
    %select_n3A_367 = arith.select %eq3A_366, %broadcast_in_dim3A_50, %broadcast_in_dim3A_363 : vector<512x1xi1>, vector<512x1xi32>
    %add3A_368 = vector.broadcast %mul3A_37 : i32 to vector<512x1xi32>
    %add3A_369 = arith.addi %select_n3A_367, %add3A_368 : vector<512x1xi32>
    %swap3A_370 = arith.constant 0 : index
    %swap3A_371 = arith.constant 0 : index
    %swap3A_372 = arith.constant 10 : index
    %swap3A_373 = vector.load %arg4[%swap3A_370, %swap3A_371, %swap3A_372] : memref<1x512x32xi32, #tpu.memory_space<vmem>>, vector<1x512x1xi32>
    %swap3A_374 = vector.shape_cast %swap3A_373 : vector<1x512x1xi32> to vector<512x1xi32>
    %swap3A_375 = vector.shape_cast %add3A_369 : vector<512x1xi32> to vector<1x512x1xi32>
    tpu.vector_store %arg4[%swap3A_370, %swap3A_371, %swap3A_372], %swap3A_375 {strides = array<i32>} : memref<1x512x32xi32, #tpu.memory_space<vmem>>, vector<1x512x1xi32>,
    %gt3A_376 = vector.broadcast %broadcast_in_dim3A_363 : vector<512x1xi32> to vector<512x2048xi32>
    %gt3A_377 = arith.cmpi sgt, %iota3A, %gt3A_376 : vector<512x2048xi32>
    %jit3A_378 = arith.constant 2048 : i32
    %broadcast_in_dim3A_379 = vector.broadcast %jit3A_378 : i32 to vector<512x2048xi32>
    %select_n3A_380 = arith.select %gt3A_377, %select_n3A, %broadcast_in_dim3A_379 : vector<512x2048xi1>, vector<512x2048xi32>
    %slice3A_381 = vector.extract_strided_slice %select_n3A_380 {offsets = [0, 0], sizes = [512, 1024], strides = [1, 1]} : vector<512x2048xi32> to vector<512x1024xi32>
    %slice3A_382 = vector.extract_strided_slice %select_n3A_380 {offsets = [0, 1024], sizes = [512, 1024], strides = [1, 1]} : vector<512x2048xi32> to vector<512x1024xi32>
    %min3A_383 = arith.minsi %slice3A_381, %slice3A_382 : vector<512x1024xi32>
    %slice3A_384 = vector.extract_strided_slice %min3A_383 {offsets = [0, 0], sizes = [512, 512], strides = [1, 1]} : vector<512x1024xi32> to vector<512x512xi32>
    %slice3A_385 = vector.extract_strided_slice %min3A_383 {offsets = [0, 512], sizes = [512, 512], strides = [1, 1]} : vector<512x1024xi32> to vector<512x512xi32>
    %min3A_386 = arith.minsi %slice3A_384, %slice3A_385 : vector<512x512xi32>
    %slice3A_387 = vector.extract_strided_slice %min3A_386 {offsets = [0, 0], sizes = [512, 256], strides = [1, 1]} : vector<512x512xi32> to vector<512x256xi32>
    %slice3A_388 = vector.extract_strided_slice %min3A_386 {offsets = [0, 256], sizes = [512, 256], strides = [1, 1]} : vector<512x512xi32> to vector<512x256xi32>
    %min3A_389 = arith.minsi %slice3A_387, %slice3A_388 : vector<512x256xi32>
    %slice3A_390 = vector.extract_strided_slice %min3A_389 {offsets = [0, 0], sizes = [512, 128], strides = [1, 1]} : vector<512x256xi32> to vector<512x128xi32>
    %slice3A_391 = vector.extract_strided_slice %min3A_389 {offsets = [0, 128], sizes = [512, 128], strides = [1, 1]} : vector<512x256xi32> to vector<512x128xi32>
    %min3A_392 = arith.minsi %slice3A_390, %slice3A_391 : vector<512x128xi32>
    %reduce_min3A_393 = arith.constant dense<2147483647> : vector<512xi32>
    %reduce_min3A_394 = vector.multi_reduction <minsi>, %min3A_392, %reduce_min3A_393 [1] : vector<512x128xi32> to vector<512xi32>
    %broadcast_in_dim3A_395 = vector.shape_cast %reduce_min3A_394 : vector<512xi32> to vector<512x1xi32>
    %eq3A_396 = arith.constant 2048 : i32
    %eq3A_397 = vector.broadcast %eq3A_396 : i32 to vector<512x1xi32>
    %eq3A_398 = arith.cmpi eq, %broadcast_in_dim3A_395, %eq3A_397 : vector<512x1xi32>
    %select_n3A_399 = arith.select %eq3A_398, %broadcast_in_dim3A_50, %broadcast_in_dim3A_395 : vector<512x1xi1>, vector<512x1xi32>
    %add3A_400 = vector.broadcast %mul3A_37 : i32 to vector<512x1xi32>
    %add3A_401 = arith.addi %select_n3A_399, %add3A_400 : vector<512x1xi32>
    %swap3A_402 = arith.constant 0 : index
    %swap3A_403 = arith.constant 0 : index
    %swap3A_404 = arith.constant 11 : index
    %swap3A_405 = vector.load %arg4[%swap3A_402, %swap3A_403, %swap3A_404] : memref<1x512x32xi32, #tpu.memory_space<vmem>>, vector<1x512x1xi32>
    %swap3A_406 = vector.shape_cast %swap3A_405 : vector<1x512x1xi32> to vector<512x1xi32>
    %swap3A_407 = vector.shape_cast %add3A_401 : vector<512x1xi32> to vector<1x512x1xi32>
    tpu.vector_store %arg4[%swap3A_402, %swap3A_403, %swap3A_404], %swap3A_407 {strides = array<i32>} : memref<1x512x32xi32, #tpu.memory_space<vmem>>, vector<1x512x1xi32>,
    %gt3A_408 = vector.broadcast %broadcast_in_dim3A_395 : vector<512x1xi32> to vector<512x2048xi32>
    %gt3A_409 = arith.cmpi sgt, %iota3A, %gt3A_408 : vector<512x2048xi32>
    %jit3A_410 = arith.constant 2048 : i32
    %broadcast_in_dim3A_411 = vector.broadcast %jit3A_410 : i32 to vector<512x2048xi32>
    %select_n3A_412 = arith.select %gt3A_409, %select_n3A, %broadcast_in_dim3A_411 : vector<512x2048xi1>, vector<512x2048xi32>
    %slice3A_413 = vector.extract_strided_slice %select_n3A_412 {offsets = [0, 0], sizes = [512, 1024], strides = [1, 1]} : vector<512x2048xi32> to vector<512x1024xi32>
    %slice3A_414 = vector.extract_strided_slice %select_n3A_412 {offsets = [0, 1024], sizes = [512, 1024], strides = [1, 1]} : vector<512x2048xi32> to vector<512x1024xi32>
    %min3A_415 = arith.minsi %slice3A_413, %slice3A_414 : vector<512x1024xi32>
    %slice3A_416 = vector.extract_strided_slice %min3A_415 {offsets = [0, 0], sizes = [512, 512], strides = [1, 1]} : vector<512x1024xi32> to vector<512x512xi32>
    %slice3A_417 = vector.extract_strided_slice %min3A_415 {offsets = [0, 512], sizes = [512, 512], strides = [1, 1]} : vector<512x1024xi32> to vector<512x512xi32>
    %min3A_418 = arith.minsi %slice3A_416, %slice3A_417 : vector<512x512xi32>
    %slice3A_419 = vector.extract_strided_slice %min3A_418 {offsets = [0, 0], sizes = [512, 256], strides = [1, 1]} : vector<512x512xi32> to vector<512x256xi32>
    %slice3A_420 = vector.extract_strided_slice %min3A_418 {offsets = [0, 256], sizes = [512, 256], strides = [1, 1]} : vector<512x512xi32> to vector<512x256xi32>
    %min3A_421 = arith.minsi %slice3A_419, %slice3A_420 : vector<512x256xi32>
    %slice3A_422 = vector.extract_strided_slice %min3A_421 {offsets = [0, 0], sizes = [512, 128], strides = [1, 1]} : vector<512x256xi32> to vector<512x128xi32>
    %slice3A_423 = vector.extract_strided_slice %min3A_421 {offsets = [0, 128], sizes = [512, 128], strides = [1, 1]} : vector<512x256xi32> to vector<512x128xi32>
    %min3A_424 = arith.minsi %slice3A_422, %slice3A_423 : vector<512x128xi32>
    %reduce_min3A_425 = arith.constant dense<2147483647> : vector<512xi32>
    %reduce_min3A_426 = vector.multi_reduction <minsi>, %min3A_424, %reduce_min3A_425 [1] : vector<512x128xi32> to vector<512xi32>
    %broadcast_in_dim3A_427 = vector.shape_cast %reduce_min3A_426 : vector<512xi32> to vector<512x1xi32>
    %eq3A_428 = arith.constant 2048 : i32
    %eq3A_429 = vector.broadcast %eq3A_428 : i32 to vector<512x1xi32>
    %eq3A_430 = arith.cmpi eq, %broadcast_in_dim3A_427, %eq3A_429 : vector<512x1xi32>
    %select_n3A_431 = arith.select %eq3A_430, %broadcast_in_dim3A_50, %broadcast_in_dim3A_427 : vector<512x1xi1>, vector<512x1xi32>
    %add3A_432 = vector.broadcast %mul3A_37 : i32 to vector<512x1xi32>
    %add3A_433 = arith.addi %select_n3A_431, %add3A_432 : vector<512x1xi32>
    %swap3A_434 = arith.constant 0 : index
    %swap3A_435 = arith.constant 0 : index
    %swap3A_436 = arith.constant 12 : index
    %swap3A_437 = vector.load %arg4[%swap3A_434, %swap3A_435, %swap3A_436] : memref<1x512x32xi32, #tpu.memory_space<vmem>>, vector<1x512x1xi32>
    %swap3A_438 = vector.shape_cast %swap3A_437 : vector<1x512x1xi32> to vector<512x1xi32>
    %swap3A_439 = vector.shape_cast %add3A_433 : vector<512x1xi32> to vector<1x512x1xi32>
    tpu.vector_store %arg4[%swap3A_434, %swap3A_435, %swap3A_436], %swap3A_439 {strides = array<i32>} : memref<1x512x32xi32, #tpu.memory_space<vmem>>, vector<1x512x1xi32>,
    %gt3A_440 = vector.broadcast %broadcast_in_dim3A_427 : vector<512x1xi32> to vector<512x2048xi32>
    %gt3A_441 = arith.cmpi sgt, %iota3A, %gt3A_440 : vector<512x2048xi32>
    %jit3A_442 = arith.constant 2048 : i32
    %broadcast_in_dim3A_443 = vector.broadcast %jit3A_442 : i32 to vector<512x2048xi32>
    %select_n3A_444 = arith.select %gt3A_441, %select_n3A, %broadcast_in_dim3A_443 : vector<512x2048xi1>, vector<512x2048xi32>
    %slice3A_445 = vector.extract_strided_slice %select_n3A_444 {offsets = [0, 0], sizes = [512, 1024], strides = [1, 1]} : vector<512x2048xi32> to vector<512x1024xi32>
    %slice3A_446 = vector.extract_strided_slice %select_n3A_444 {offsets = [0, 1024], sizes = [512, 1024], strides = [1, 1]} : vector<512x2048xi32> to vector<512x1024xi32>
    %min3A_447 = arith.minsi %slice3A_445, %slice3A_446 : vector<512x1024xi32>
    %slice3A_448 = vector.extract_strided_slice %min3A_447 {offsets = [0, 0], sizes = [512, 512], strides = [1, 1]} : vector<512x1024xi32> to vector<512x512xi32>
    %slice3A_449 = vector.extract_strided_slice %min3A_447 {offsets = [0, 512], sizes = [512, 512], strides = [1, 1]} : vector<512x1024xi32> to vector<512x512xi32>
    %min3A_450 = arith.minsi %slice3A_448, %slice3A_449 : vector<512x512xi32>
    %slice3A_451 = vector.extract_strided_slice %min3A_450 {offsets = [0, 0], sizes = [512, 256], strides = [1, 1]} : vector<512x512xi32> to vector<512x256xi32>
    %slice3A_452 = vector.extract_strided_slice %min3A_450 {offsets = [0, 256], sizes = [512, 256], strides = [1, 1]} : vector<512x512xi32> to vector<512x256xi32>
    %min3A_453 = arith.minsi %slice3A_451, %slice3A_452 : vector<512x256xi32>
    %slice3A_454 = vector.extract_strided_slice %min3A_453 {offsets = [0, 0], sizes = [512, 128], strides = [1, 1]} : vector<512x256xi32> to vector<512x128xi32>
    %slice3A_455 = vector.extract_strided_slice %min3A_453 {offsets = [0, 128], sizes = [512, 128], strides = [1, 1]} : vector<512x256xi32> to vector<512x128xi32>
    %min3A_456 = arith.minsi %slice3A_454, %slice3A_455 : vector<512x128xi32>
    %reduce_min3A_457 = arith.constant dense<2147483647> : vector<512xi32>
    %reduce_min3A_458 = vector.multi_reduction <minsi>, %min3A_456, %reduce_min3A_457 [1] : vector<512x128xi32> to vector<512xi32>
    %broadcast_in_dim3A_459 = vector.shape_cast %reduce_min3A_458 : vector<512xi32> to vector<512x1xi32>
    %eq3A_460 = arith.constant 2048 : i32
    %eq3A_461 = vector.broadcast %eq3A_460 : i32 to vector<512x1xi32>
    %eq3A_462 = arith.cmpi eq, %broadcast_in_dim3A_459, %eq3A_461 : vector<512x1xi32>
    %select_n3A_463 = arith.select %eq3A_462, %broadcast_in_dim3A_50, %broadcast_in_dim3A_459 : vector<512x1xi1>, vector<512x1xi32>
    %add3A_464 = vector.broadcast %mul3A_37 : i32 to vector<512x1xi32>
    %add3A_465 = arith.addi %select_n3A_463, %add3A_464 : vector<512x1xi32>
    %swap3A_466 = arith.constant 0 : index
    %swap3A_467 = arith.constant 0 : index
    %swap3A_468 = arith.constant 13 : index
    %swap3A_469 = vector.load %arg4[%swap3A_466, %swap3A_467, %swap3A_468] : memref<1x512x32xi32, #tpu.memory_space<vmem>>, vector<1x512x1xi32>
    %swap3A_470 = vector.shape_cast %swap3A_469 : vector<1x512x1xi32> to vector<512x1xi32>
    %swap3A_471 = vector.shape_cast %add3A_465 : vector<512x1xi32> to vector<1x512x1xi32>
    tpu.vector_store %arg4[%swap3A_466, %swap3A_467, %swap3A_468], %swap3A_471 {strides = array<i32>} : memref<1x512x32xi32, #tpu.memory_space<vmem>>, vector<1x512x1xi32>,
    %gt3A_472 = vector.broadcast %broadcast_in_dim3A_459 : vector<512x1xi32> to vector<512x2048xi32>
    %gt3A_473 = arith.cmpi sgt, %iota3A, %gt3A_472 : vector<512x2048xi32>
    %jit3A_474 = arith.constant 2048 : i32
    %broadcast_in_dim3A_475 = vector.broadcast %jit3A_474 : i32 to vector<512x2048xi32>
    %select_n3A_476 = arith.select %gt3A_473, %select_n3A, %broadcast_in_dim3A_475 : vector<512x2048xi1>, vector<512x2048xi32>
    %slice3A_477 = vector.extract_strided_slice %select_n3A_476 {offsets = [0, 0], sizes = [512, 1024], strides = [1, 1]} : vector<512x2048xi32> to vector<512x1024xi32>
    %slice3A_478 = vector.extract_strided_slice %select_n3A_476 {offsets = [0, 1024], sizes = [512, 1024], strides = [1, 1]} : vector<512x2048xi32> to vector<512x1024xi32>
    %min3A_479 = arith.minsi %slice3A_477, %slice3A_478 : vector<512x1024xi32>
    %slice3A_480 = vector.extract_strided_slice %min3A_479 {offsets = [0, 0], sizes = [512, 512], strides = [1, 1]} : vector<512x1024xi32> to vector<512x512xi32>
    %slice3A_481 = vector.extract_strided_slice %min3A_479 {offsets = [0, 512], sizes = [512, 512], strides = [1, 1]} : vector<512x1024xi32> to vector<512x512xi32>
    %min3A_482 = arith.minsi %slice3A_480, %slice3A_481 : vector<512x512xi32>
    %slice3A_483 = vector.extract_strided_slice %min3A_482 {offsets = [0, 0], sizes = [512, 256], strides = [1, 1]} : vector<512x512xi32> to vector<512x256xi32>
    %slice3A_484 = vector.extract_strided_slice %min3A_482 {offsets = [0, 256], sizes = [512, 256], strides = [1, 1]} : vector<512x512xi32> to vector<512x256xi32>
    %min3A_485 = arith.minsi %slice3A_483, %slice3A_484 : vector<512x256xi32>
    %slice3A_486 = vector.extract_strided_slice %min3A_485 {offsets = [0, 0], sizes = [512, 128], strides = [1, 1]} : vector<512x256xi32> to vector<512x128xi32>
    %slice3A_487 = vector.extract_strided_slice %min3A_485 {offsets = [0, 128], sizes = [512, 128], strides = [1, 1]} : vector<512x256xi32> to vector<512x128xi32>
    %min3A_488 = arith.minsi %slice3A_486, %slice3A_487 : vector<512x128xi32>
    %reduce_min3A_489 = arith.constant dense<2147483647> : vector<512xi32>
    %reduce_min3A_490 = vector.multi_reduction <minsi>, %min3A_488, %reduce_min3A_489 [1] : vector<512x128xi32> to vector<512xi32>
    %broadcast_in_dim3A_491 = vector.shape_cast %reduce_min3A_490 : vector<512xi32> to vector<512x1xi32>
    %eq3A_492 = arith.constant 2048 : i32
    %eq3A_493 = vector.broadcast %eq3A_492 : i32 to vector<512x1xi32>
    %eq3A_494 = arith.cmpi eq, %broadcast_in_dim3A_491, %eq3A_493 : vector<512x1xi32>
    %select_n3A_495 = arith.select %eq3A_494, %broadcast_in_dim3A_50, %broadcast_in_dim3A_491 : vector<512x1xi1>, vector<512x1xi32>
    %add3A_496 = vector.broadcast %mul3A_37 : i32 to vector<512x1xi32>
    %add3A_497 = arith.addi %select_n3A_495, %add3A_496 : vector<512x1xi32>
    %swap3A_498 = arith.constant 0 : index
    %swap3A_499 = arith.constant 0 : index
    %swap3A_500 = arith.constant 14 : index
    %swap3A_501 = vector.load %arg4[%swap3A_498, %swap3A_499, %swap3A_500] : memref<1x512x32xi32, #tpu.memory_space<vmem>>, vector<1x512x1xi32>
    %swap3A_502 = vector.shape_cast %swap3A_501 : vector<1x512x1xi32> to vector<512x1xi32>
    %swap3A_503 = vector.shape_cast %add3A_497 : vector<512x1xi32> to vector<1x512x1xi32>
    tpu.vector_store %arg4[%swap3A_498, %swap3A_499, %swap3A_500], %swap3A_503 {strides = array<i32>} : memref<1x512x32xi32, #tpu.memory_space<vmem>>, vector<1x512x1xi32>,
    %gt3A_504 = vector.broadcast %broadcast_in_dim3A_491 : vector<512x1xi32> to vector<512x2048xi32>
    %gt3A_505 = arith.cmpi sgt, %iota3A, %gt3A_504 : vector<512x2048xi32>
    %jit3A_506 = arith.constant 2048 : i32
    %broadcast_in_dim3A_507 = vector.broadcast %jit3A_506 : i32 to vector<512x2048xi32>
    %select_n3A_508 = arith.select %gt3A_505, %select_n3A, %broadcast_in_dim3A_507 : vector<512x2048xi1>, vector<512x2048xi32>
    %slice3A_509 = vector.extract_strided_slice %select_n3A_508 {offsets = [0, 0], sizes = [512, 1024], strides = [1, 1]} : vector<512x2048xi32> to vector<512x1024xi32>
    %slice3A_510 = vector.extract_strided_slice %select_n3A_508 {offsets = [0, 1024], sizes = [512, 1024], strides = [1, 1]} : vector<512x2048xi32> to vector<512x1024xi32>
    %min3A_511 = arith.minsi %slice3A_509, %slice3A_510 : vector<512x1024xi32>
    %slice3A_512 = vector.extract_strided_slice %min3A_511 {offsets = [0, 0], sizes = [512, 512], strides = [1, 1]} : vector<512x1024xi32> to vector<512x512xi32>
    %slice3A_513 = vector.extract_strided_slice %min3A_511 {offsets = [0, 512], sizes = [512, 512], strides = [1, 1]} : vector<512x1024xi32> to vector<512x512xi32>
    %min3A_514 = arith.minsi %slice3A_512, %slice3A_513 : vector<512x512xi32>
    %slice3A_515 = vector.extract_strided_slice %min3A_514 {offsets = [0, 0], sizes = [512, 256], strides = [1, 1]} : vector<512x512xi32> to vector<512x256xi32>
    %slice3A_516 = vector.extract_strided_slice %min3A_514 {offsets = [0, 256], sizes = [512, 256], strides = [1, 1]} : vector<512x512xi32> to vector<512x256xi32>
    %min3A_517 = arith.minsi %slice3A_515, %slice3A_516 : vector<512x256xi32>
    %slice3A_518 = vector.extract_strided_slice %min3A_517 {offsets = [0, 0], sizes = [512, 128], strides = [1, 1]} : vector<512x256xi32> to vector<512x128xi32>
    %slice3A_519 = vector.extract_strided_slice %min3A_517 {offsets = [0, 128], sizes = [512, 128], strides = [1, 1]} : vector<512x256xi32> to vector<512x128xi32>
    %min3A_520 = arith.minsi %slice3A_518, %slice3A_519 : vector<512x128xi32>
    %reduce_min3A_521 = arith.constant dense<2147483647> : vector<512xi32>
    %reduce_min3A_522 = vector.multi_reduction <minsi>, %min3A_520, %reduce_min3A_521 [1] : vector<512x128xi32> to vector<512xi32>
    %broadcast_in_dim3A_523 = vector.shape_cast %reduce_min3A_522 : vector<512xi32> to vector<512x1xi32>
    %eq3A_524 = arith.constant 2048 : i32
    %eq3A_525 = vector.broadcast %eq3A_524 : i32 to vector<512x1xi32>
    %eq3A_526 = arith.cmpi eq, %broadcast_in_dim3A_523, %eq3A_525 : vector<512x1xi32>
    %select_n3A_527 = arith.select %eq3A_526, %broadcast_in_dim3A_50, %broadcast_in_dim3A_523 : vector<512x1xi1>, vector<512x1xi32>
    %add3A_528 = vector.broadcast %mul3A_37 : i32 to vector<512x1xi32>
    %add3A_529 = arith.addi %select_n3A_527, %add3A_528 : vector<512x1xi32>
    %swap3A_530 = arith.constant 0 : index
    %swap3A_531 = arith.constant 0 : index
    %swap3A_532 = arith.constant 15 : index
    %swap3A_533 = vector.load %arg4[%swap3A_530, %swap3A_531, %swap3A_532] : memref<1x512x32xi32, #tpu.memory_space<vmem>>, vector<1x512x1xi32>
    %swap3A_534 = vector.shape_cast %swap3A_533 : vector<1x512x1xi32> to vector<512x1xi32>
    %swap3A_535 = vector.shape_cast %add3A_529 : vector<512x1xi32> to vector<1x512x1xi32>
    tpu.vector_store %arg4[%swap3A_530, %swap3A_531, %swap3A_532], %swap3A_535 {strides = array<i32>} : memref<1x512x32xi32, #tpu.memory_space<vmem>>, vector<1x512x1xi32>,
    %gt3A_536 = vector.broadcast %broadcast_in_dim3A_523 : vector<512x1xi32> to vector<512x2048xi32>
    %gt3A_537 = arith.cmpi sgt, %iota3A, %gt3A_536 : vector<512x2048xi32>
    %jit3A_538 = arith.constant 2048 : i32
    %broadcast_in_dim3A_539 = vector.broadcast %jit3A_538 : i32 to vector<512x2048xi32>
    %select_n3A_540 = arith.select %gt3A_537, %select_n3A, %broadcast_in_dim3A_539 : vector<512x2048xi1>, vector<512x2048xi32>
    %slice3A_541 = vector.extract_strided_slice %select_n3A_540 {offsets = [0, 0], sizes = [512, 1024], strides = [1, 1]} : vector<512x2048xi32> to vector<512x1024xi32>
    %slice3A_542 = vector.extract_strided_slice %select_n3A_540 {offsets = [0, 1024], sizes = [512, 1024], strides = [1, 1]} : vector<512x2048xi32> to vector<512x1024xi32>
    %min3A_543 = arith.minsi %slice3A_541, %slice3A_542 : vector<512x1024xi32>
    %slice3A_544 = vector.extract_strided_slice %min3A_543 {offsets = [0, 0], sizes = [512, 512], strides = [1, 1]} : vector<512x1024xi32> to vector<512x512xi32>
    %slice3A_545 = vector.extract_strided_slice %min3A_543 {offsets = [0, 512], sizes = [512, 512], strides = [1, 1]} : vector<512x1024xi32> to vector<512x512xi32>
    %min3A_546 = arith.minsi %slice3A_544, %slice3A_545 : vector<512x512xi32>
    %slice3A_547 = vector.extract_strided_slice %min3A_546 {offsets = [0, 0], sizes = [512, 256], strides = [1, 1]} : vector<512x512xi32> to vector<512x256xi32>
    %slice3A_548 = vector.extract_strided_slice %min3A_546 {offsets = [0, 256], sizes = [512, 256], strides = [1, 1]} : vector<512x512xi32> to vector<512x256xi32>
    %min3A_549 = arith.minsi %slice3A_547, %slice3A_548 : vector<512x256xi32>
    %slice3A_550 = vector.extract_strided_slice %min3A_549 {offsets = [0, 0], sizes = [512, 128], strides = [1, 1]} : vector<512x256xi32> to vector<512x128xi32>
    %slice3A_551 = vector.extract_strided_slice %min3A_549 {offsets = [0, 128], sizes = [512, 128], strides = [1, 1]} : vector<512x256xi32> to vector<512x128xi32>
    %min3A_552 = arith.minsi %slice3A_550, %slice3A_551 : vector<512x128xi32>
    %reduce_min3A_553 = arith.constant dense<2147483647> : vector<512xi32>
    %reduce_min3A_554 = vector.multi_reduction <minsi>, %min3A_552, %reduce_min3A_553 [1] : vector<512x128xi32> to vector<512xi32>
    %broadcast_in_dim3A_555 = vector.shape_cast %reduce_min3A_554 : vector<512xi32> to vector<512x1xi32>
    %eq3A_556 = arith.constant 2048 : i32
    %eq3A_557 = vector.broadcast %eq3A_556 : i32 to vector<512x1xi32>
    %eq3A_558 = arith.cmpi eq, %broadcast_in_dim3A_555, %eq3A_557 : vector<512x1xi32>
    %select_n3A_559 = arith.select %eq3A_558, %broadcast_in_dim3A_50, %broadcast_in_dim3A_555 : vector<512x1xi1>, vector<512x1xi32>
    %add3A_560 = vector.broadcast %mul3A_37 : i32 to vector<512x1xi32>
    %add3A_561 = arith.addi %select_n3A_559, %add3A_560 : vector<512x1xi32>
    %swap3A_562 = arith.constant 0 : index
    %swap3A_563 = arith.constant 0 : index
    %swap3A_564 = arith.constant 16 : index
    %swap3A_565 = vector.load %arg4[%swap3A_562, %swap3A_563, %swap3A_564] : memref<1x512x32xi32, #tpu.memory_space<vmem>>, vector<1x512x1xi32>
    %swap3A_566 = vector.shape_cast %swap3A_565 : vector<1x512x1xi32> to vector<512x1xi32>
    %swap3A_567 = vector.shape_cast %add3A_561 : vector<512x1xi32> to vector<1x512x1xi32>
    tpu.vector_store %arg4[%swap3A_562, %swap3A_563, %swap3A_564], %swap3A_567 {strides = array<i32>} : memref<1x512x32xi32, #tpu.memory_space<vmem>>, vector<1x512x1xi32>,
    %gt3A_568 = vector.broadcast %broadcast_in_dim3A_555 : vector<512x1xi32> to vector<512x2048xi32>
    %gt3A_569 = arith.cmpi sgt, %iota3A, %gt3A_568 : vector<512x2048xi32>
    %jit3A_570 = arith.constant 2048 : i32
    %broadcast_in_dim3A_571 = vector.broadcast %jit3A_570 : i32 to vector<512x2048xi32>
    %select_n3A_572 = arith.select %gt3A_569, %select_n3A, %broadcast_in_dim3A_571 : vector<512x2048xi1>, vector<512x2048xi32>
    %slice3A_573 = vector.extract_strided_slice %select_n3A_572 {offsets = [0, 0], sizes = [512, 1024], strides = [1, 1]} : vector<512x2048xi32> to vector<512x1024xi32>
    %slice3A_574 = vector.extract_strided_slice %select_n3A_572 {offsets = [0, 1024], sizes = [512, 1024], strides = [1, 1]} : vector<512x2048xi32> to vector<512x1024xi32>
    %min3A_575 = arith.minsi %slice3A_573, %slice3A_574 : vector<512x1024xi32>
    %slice3A_576 = vector.extract_strided_slice %min3A_575 {offsets = [0, 0], sizes = [512, 512], strides = [1, 1]} : vector<512x1024xi32> to vector<512x512xi32>
    %slice3A_577 = vector.extract_strided_slice %min3A_575 {offsets = [0, 512], sizes = [512, 512], strides = [1, 1]} : vector<512x1024xi32> to vector<512x512xi32>
    %min3A_578 = arith.minsi %slice3A_576, %slice3A_577 : vector<512x512xi32>
    %slice3A_579 = vector.extract_strided_slice %min3A_578 {offsets = [0, 0], sizes = [512, 256], strides = [1, 1]} : vector<512x512xi32> to vector<512x256xi32>
    %slice3A_580 = vector.extract_strided_slice %min3A_578 {offsets = [0, 256], sizes = [512, 256], strides = [1, 1]} : vector<512x512xi32> to vector<512x256xi32>
    %min3A_581 = arith.minsi %slice3A_579, %slice3A_580 : vector<512x256xi32>
    %slice3A_582 = vector.extract_strided_slice %min3A_581 {offsets = [0, 0], sizes = [512, 128], strides = [1, 1]} : vector<512x256xi32> to vector<512x128xi32>
    %slice3A_583 = vector.extract_strided_slice %min3A_581 {offsets = [0, 128], sizes = [512, 128], strides = [1, 1]} : vector<512x256xi32> to vector<512x128xi32>
    %min3A_584 = arith.minsi %slice3A_582, %slice3A_583 : vector<512x128xi32>
    %reduce_min3A_585 = arith.constant dense<2147483647> : vector<512xi32>
    %reduce_min3A_586 = vector.multi_reduction <minsi>, %min3A_584, %reduce_min3A_585 [1] : vector<512x128xi32> to vector<512xi32>
    %broadcast_in_dim3A_587 = vector.shape_cast %reduce_min3A_586 : vector<512xi32> to vector<512x1xi32>
    %eq3A_588 = arith.constant 2048 : i32
    %eq3A_589 = vector.broadcast %eq3A_588 : i32 to vector<512x1xi32>
    %eq3A_590 = arith.cmpi eq, %broadcast_in_dim3A_587, %eq3A_589 : vector<512x1xi32>
    %select_n3A_591 = arith.select %eq3A_590, %broadcast_in_dim3A_50, %broadcast_in_dim3A_587 : vector<512x1xi1>, vector<512x1xi32>
    %add3A_592 = vector.broadcast %mul3A_37 : i32 to vector<512x1xi32>
    %add3A_593 = arith.addi %select_n3A_591, %add3A_592 : vector<512x1xi32>
    %swap3A_594 = arith.constant 0 : index
    %swap3A_595 = arith.constant 0 : index
    %swap3A_596 = arith.constant 17 : index
    %swap3A_597 = vector.load %arg4[%swap3A_594, %swap3A_595, %swap3A_596] : memref<1x512x32xi32, #tpu.memory_space<vmem>>, vector<1x512x1xi32>
    %swap3A_598 = vector.shape_cast %swap3A_597 : vector<1x512x1xi32> to vector<512x1xi32>
    %swap3A_599 = vector.shape_cast %add3A_593 : vector<512x1xi32> to vector<1x512x1xi32>
    tpu.vector_store %arg4[%swap3A_594, %swap3A_595, %swap3A_596], %swap3A_599 {strides = array<i32>} : memref<1x512x32xi32, #tpu.memory_space<vmem>>, vector<1x512x1xi32>,
    %gt3A_600 = vector.broadcast %broadcast_in_dim3A_587 : vector<512x1xi32> to vector<512x2048xi32>
    %gt3A_601 = arith.cmpi sgt, %iota3A, %gt3A_600 : vector<512x2048xi32>
    %jit3A_602 = arith.constant 2048 : i32
    %broadcast_in_dim3A_603 = vector.broadcast %jit3A_602 : i32 to vector<512x2048xi32>
    %select_n3A_604 = arith.select %gt3A_601, %select_n3A, %broadcast_in_dim3A_603 : vector<512x2048xi1>, vector<512x2048xi32>
    %slice3A_605 = vector.extract_strided_slice %select_n3A_604 {offsets = [0, 0], sizes = [512, 1024], strides = [1, 1]} : vector<512x2048xi32> to vector<512x1024xi32>
    %slice3A_606 = vector.extract_strided_slice %select_n3A_604 {offsets = [0, 1024], sizes = [512, 1024], strides = [1, 1]} : vector<512x2048xi32> to vector<512x1024xi32>
    %min3A_607 = arith.minsi %slice3A_605, %slice3A_606 : vector<512x1024xi32>
    %slice3A_608 = vector.extract_strided_slice %min3A_607 {offsets = [0, 0], sizes = [512, 512], strides = [1, 1]} : vector<512x1024xi32> to vector<512x512xi32>
    %slice3A_609 = vector.extract_strided_slice %min3A_607 {offsets = [0, 512], sizes = [512, 512], strides = [1, 1]} : vector<512x1024xi32> to vector<512x512xi32>
    %min3A_610 = arith.minsi %slice3A_608, %slice3A_609 : vector<512x512xi32>
    %slice3A_611 = vector.extract_strided_slice %min3A_610 {offsets = [0, 0], sizes = [512, 256], strides = [1, 1]} : vector<512x512xi32> to vector<512x256xi32>
    %slice3A_612 = vector.extract_strided_slice %min3A_610 {offsets = [0, 256], sizes = [512, 256], strides = [1, 1]} : vector<512x512xi32> to vector<512x256xi32>
    %min3A_613 = arith.minsi %slice3A_611, %slice3A_612 : vector<512x256xi32>
    %slice3A_614 = vector.extract_strided_slice %min3A_613 {offsets = [0, 0], sizes = [512, 128], strides = [1, 1]} : vector<512x256xi32> to vector<512x128xi32>
    %slice3A_615 = vector.extract_strided_slice %min3A_613 {offsets = [0, 128], sizes = [512, 128], strides = [1, 1]} : vector<512x256xi32> to vector<512x128xi32>
    %min3A_616 = arith.minsi %slice3A_614, %slice3A_615 : vector<512x128xi32>
    %reduce_min3A_617 = arith.constant dense<2147483647> : vector<512xi32>
    %reduce_min3A_618 = vector.multi_reduction <minsi>, %min3A_616, %reduce_min3A_617 [1] : vector<512x128xi32> to vector<512xi32>
    %broadcast_in_dim3A_619 = vector.shape_cast %reduce_min3A_618 : vector<512xi32> to vector<512x1xi32>
    %eq3A_620 = arith.constant 2048 : i32
    %eq3A_621 = vector.broadcast %eq3A_620 : i32 to vector<512x1xi32>
    %eq3A_622 = arith.cmpi eq, %broadcast_in_dim3A_619, %eq3A_621 : vector<512x1xi32>
    %select_n3A_623 = arith.select %eq3A_622, %broadcast_in_dim3A_50, %broadcast_in_dim3A_619 : vector<512x1xi1>, vector<512x1xi32>
    %add3A_624 = vector.broadcast %mul3A_37 : i32 to vector<512x1xi32>
    %add3A_625 = arith.addi %select_n3A_623, %add3A_624 : vector<512x1xi32>
    %swap3A_626 = arith.constant 0 : index
    %swap3A_627 = arith.constant 0 : index
    %swap3A_628 = arith.constant 18 : index
    %swap3A_629 = vector.load %arg4[%swap3A_626, %swap3A_627, %swap3A_628] : memref<1x512x32xi32, #tpu.memory_space<vmem>>, vector<1x512x1xi32>
    %swap3A_630 = vector.shape_cast %swap3A_629 : vector<1x512x1xi32> to vector<512x1xi32>
    %swap3A_631 = vector.shape_cast %add3A_625 : vector<512x1xi32> to vector<1x512x1xi32>
    tpu.vector_store %arg4[%swap3A_626, %swap3A_627, %swap3A_628], %swap3A_631 {strides = array<i32>} : memref<1x512x32xi32, #tpu.memory_space<vmem>>, vector<1x512x1xi32>,
    %gt3A_632 = vector.broadcast %broadcast_in_dim3A_619 : vector<512x1xi32> to vector<512x2048xi32>
    %gt3A_633 = arith.cmpi sgt, %iota3A, %gt3A_632 : vector<512x2048xi32>
    %jit3A_634 = arith.constant 2048 : i32
    %broadcast_in_dim3A_635 = vector.broadcast %jit3A_634 : i32 to vector<512x2048xi32>
    %select_n3A_636 = arith.select %gt3A_633, %select_n3A, %broadcast_in_dim3A_635 : vector<512x2048xi1>, vector<512x2048xi32>
    %slice3A_637 = vector.extract_strided_slice %select_n3A_636 {offsets = [0, 0], sizes = [512, 1024], strides = [1, 1]} : vector<512x2048xi32> to vector<512x1024xi32>
    %slice3A_638 = vector.extract_strided_slice %select_n3A_636 {offsets = [0, 1024], sizes = [512, 1024], strides = [1, 1]} : vector<512x2048xi32> to vector<512x1024xi32>
    %min3A_639 = arith.minsi %slice3A_637, %slice3A_638 : vector<512x1024xi32>
    %slice3A_640 = vector.extract_strided_slice %min3A_639 {offsets = [0, 0], sizes = [512, 512], strides = [1, 1]} : vector<512x1024xi32> to vector<512x512xi32>
    %slice3A_641 = vector.extract_strided_slice %min3A_639 {offsets = [0, 512], sizes = [512, 512], strides = [1, 1]} : vector<512x1024xi32> to vector<512x512xi32>
    %min3A_642 = arith.minsi %slice3A_640, %slice3A_641 : vector<512x512xi32>
    %slice3A_643 = vector.extract_strided_slice %min3A_642 {offsets = [0, 0], sizes = [512, 256], strides = [1, 1]} : vector<512x512xi32> to vector<512x256xi32>
    %slice3A_644 = vector.extract_strided_slice %min3A_642 {offsets = [0, 256], sizes = [512, 256], strides = [1, 1]} : vector<512x512xi32> to vector<512x256xi32>
    %min3A_645 = arith.minsi %slice3A_643, %slice3A_644 : vector<512x256xi32>
    %slice3A_646 = vector.extract_strided_slice %min3A_645 {offsets = [0, 0], sizes = [512, 128], strides = [1, 1]} : vector<512x256xi32> to vector<512x128xi32>
    %slice3A_647 = vector.extract_strided_slice %min3A_645 {offsets = [0, 128], sizes = [512, 128], strides = [1, 1]} : vector<512x256xi32> to vector<512x128xi32>
    %min3A_648 = arith.minsi %slice3A_646, %slice3A_647 : vector<512x128xi32>
    %reduce_min3A_649 = arith.constant dense<2147483647> : vector<512xi32>
    %reduce_min3A_650 = vector.multi_reduction <minsi>, %min3A_648, %reduce_min3A_649 [1] : vector<512x128xi32> to vector<512xi32>
    %broadcast_in_dim3A_651 = vector.shape_cast %reduce_min3A_650 : vector<512xi32> to vector<512x1xi32>
    %eq3A_652 = arith.constant 2048 : i32
    %eq3A_653 = vector.broadcast %eq3A_652 : i32 to vector<512x1xi32>
    %eq3A_654 = arith.cmpi eq, %broadcast_in_dim3A_651, %eq3A_653 : vector<512x1xi32>
    %select_n3A_655 = arith.select %eq3A_654, %broadcast_in_dim3A_50, %broadcast_in_dim3A_651 : vector<512x1xi1>, vector<512x1xi32>
    %add3A_656 = vector.broadcast %mul3A_37 : i32 to vector<512x1xi32>
    %add3A_657 = arith.addi %select_n3A_655, %add3A_656 : vector<512x1xi32>
    %swap3A_658 = arith.constant 0 : index
    %swap3A_659 = arith.constant 0 : index
    %swap3A_660 = arith.constant 19 : index
    %swap3A_661 = vector.load %arg4[%swap3A_658, %swap3A_659, %swap3A_660] : memref<1x512x32xi32, #tpu.memory_space<vmem>>, vector<1x512x1xi32>
    %swap3A_662 = vector.shape_cast %swap3A_661 : vector<1x512x1xi32> to vector<512x1xi32>
    %swap3A_663 = vector.shape_cast %add3A_657 : vector<512x1xi32> to vector<1x512x1xi32>
    tpu.vector_store %arg4[%swap3A_658, %swap3A_659, %swap3A_660], %swap3A_663 {strides = array<i32>} : memref<1x512x32xi32, #tpu.memory_space<vmem>>, vector<1x512x1xi32>,
    %gt3A_664 = vector.broadcast %broadcast_in_dim3A_651 : vector<512x1xi32> to vector<512x2048xi32>
    %gt3A_665 = arith.cmpi sgt, %iota3A, %gt3A_664 : vector<512x2048xi32>
    %jit3A_666 = arith.constant 2048 : i32
    %broadcast_in_dim3A_667 = vector.broadcast %jit3A_666 : i32 to vector<512x2048xi32>
    %select_n3A_668 = arith.select %gt3A_665, %select_n3A, %broadcast_in_dim3A_667 : vector<512x2048xi1>, vector<512x2048xi32>
    %slice3A_669 = vector.extract_strided_slice %select_n3A_668 {offsets = [0, 0], sizes = [512, 1024], strides = [1, 1]} : vector<512x2048xi32> to vector<512x1024xi32>
    %slice3A_670 = vector.extract_strided_slice %select_n3A_668 {offsets = [0, 1024], sizes = [512, 1024], strides = [1, 1]} : vector<512x2048xi32> to vector<512x1024xi32>
    %min3A_671 = arith.minsi %slice3A_669, %slice3A_670 : vector<512x1024xi32>
    %slice3A_672 = vector.extract_strided_slice %min3A_671 {offsets = [0, 0], sizes = [512, 512], strides = [1, 1]} : vector<512x1024xi32> to vector<512x512xi32>
    %slice3A_673 = vector.extract_strided_slice %min3A_671 {offsets = [0, 512], sizes = [512, 512], strides = [1, 1]} : vector<512x1024xi32> to vector<512x512xi32>
    %min3A_674 = arith.minsi %slice3A_672, %slice3A_673 : vector<512x512xi32>
    %slice3A_675 = vector.extract_strided_slice %min3A_674 {offsets = [0, 0], sizes = [512, 256], strides = [1, 1]} : vector<512x512xi32> to vector<512x256xi32>
    %slice3A_676 = vector.extract_strided_slice %min3A_674 {offsets = [0, 256], sizes = [512, 256], strides = [1, 1]} : vector<512x512xi32> to vector<512x256xi32>
    %min3A_677 = arith.minsi %slice3A_675, %slice3A_676 : vector<512x256xi32>
    %slice3A_678 = vector.extract_strided_slice %min3A_677 {offsets = [0, 0], sizes = [512, 128], strides = [1, 1]} : vector<512x256xi32> to vector<512x128xi32>
    %slice3A_679 = vector.extract_strided_slice %min3A_677 {offsets = [0, 128], sizes = [512, 128], strides = [1, 1]} : vector<512x256xi32> to vector<512x128xi32>
    %min3A_680 = arith.minsi %slice3A_678, %slice3A_679 : vector<512x128xi32>
    %reduce_min3A_681 = arith.constant dense<2147483647> : vector<512xi32>
    %reduce_min3A_682 = vector.multi_reduction <minsi>, %min3A_680, %reduce_min3A_681 [1] : vector<512x128xi32> to vector<512xi32>
    %broadcast_in_dim3A_683 = vector.shape_cast %reduce_min3A_682 : vector<512xi32> to vector<512x1xi32>
    %eq3A_684 = arith.constant 2048 : i32
    %eq3A_685 = vector.broadcast %eq3A_684 : i32 to vector<512x1xi32>
    %eq3A_686 = arith.cmpi eq, %broadcast_in_dim3A_683, %eq3A_685 : vector<512x1xi32>
    %select_n3A_687 = arith.select %eq3A_686, %broadcast_in_dim3A_50, %broadcast_in_dim3A_683 : vector<512x1xi1>, vector<512x1xi32>
    %add3A_688 = vector.broadcast %mul3A_37 : i32 to vector<512x1xi32>
    %add3A_689 = arith.addi %select_n3A_687, %add3A_688 : vector<512x1xi32>
    %swap3A_690 = arith.constant 0 : index
    %swap3A_691 = arith.constant 0 : index
    %swap3A_692 = arith.constant 20 : index
    %swap3A_693 = vector.load %arg4[%swap3A_690, %swap3A_691, %swap3A_692] : memref<1x512x32xi32, #tpu.memory_space<vmem>>, vector<1x512x1xi32>
    %swap3A_694 = vector.shape_cast %swap3A_693 : vector<1x512x1xi32> to vector<512x1xi32>
    %swap3A_695 = vector.shape_cast %add3A_689 : vector<512x1xi32> to vector<1x512x1xi32>
    tpu.vector_store %arg4[%swap3A_690, %swap3A_691, %swap3A_692], %swap3A_695 {strides = array<i32>} : memref<1x512x32xi32, #tpu.memory_space<vmem>>, vector<1x512x1xi32>,
    %gt3A_696 = vector.broadcast %broadcast_in_dim3A_683 : vector<512x1xi32> to vector<512x2048xi32>
    %gt3A_697 = arith.cmpi sgt, %iota3A, %gt3A_696 : vector<512x2048xi32>
    %jit3A_698 = arith.constant 2048 : i32
    %broadcast_in_dim3A_699 = vector.broadcast %jit3A_698 : i32 to vector<512x2048xi32>
    %select_n3A_700 = arith.select %gt3A_697, %select_n3A, %broadcast_in_dim3A_699 : vector<512x2048xi1>, vector<512x2048xi32>
    %slice3A_701 = vector.extract_strided_slice %select_n3A_700 {offsets = [0, 0], sizes = [512, 1024], strides = [1, 1]} : vector<512x2048xi32> to vector<512x1024xi32>
    %slice3A_702 = vector.extract_strided_slice %select_n3A_700 {offsets = [0, 1024], sizes = [512, 1024], strides = [1, 1]} : vector<512x2048xi32> to vector<512x1024xi32>
    %min3A_703 = arith.minsi %slice3A_701, %slice3A_702 : vector<512x1024xi32>
    %slice3A_704 = vector.extract_strided_slice %min3A_703 {offsets = [0, 0], sizes = [512, 512], strides = [1, 1]} : vector<512x1024xi32> to vector<512x512xi32>
    %slice3A_705 = vector.extract_strided_slice %min3A_703 {offsets = [0, 512], sizes = [512, 512], strides = [1, 1]} : vector<512x1024xi32> to vector<512x512xi32>
    %min3A_706 = arith.minsi %slice3A_704, %slice3A_705 : vector<512x512xi32>
    %slice3A_707 = vector.extract_strided_slice %min3A_706 {offsets = [0, 0], sizes = [512, 256], strides = [1, 1]} : vector<512x512xi32> to vector<512x256xi32>
    %slice3A_708 = vector.extract_strided_slice %min3A_706 {offsets = [0, 256], sizes = [512, 256], strides = [1, 1]} : vector<512x512xi32> to vector<512x256xi32>
    %min3A_709 = arith.minsi %slice3A_707, %slice3A_708 : vector<512x256xi32>
    %slice3A_710 = vector.extract_strided_slice %min3A_709 {offsets = [0, 0], sizes = [512, 128], strides = [1, 1]} : vector<512x256xi32> to vector<512x128xi32>
    %slice3A_711 = vector.extract_strided_slice %min3A_709 {offsets = [0, 128], sizes = [512, 128], strides = [1, 1]} : vector<512x256xi32> to vector<512x128xi32>
    %min3A_712 = arith.minsi %slice3A_710, %slice3A_711 : vector<512x128xi32>
    %reduce_min3A_713 = arith.constant dense<2147483647> : vector<512xi32>
    %reduce_min3A_714 = vector.multi_reduction <minsi>, %min3A_712, %reduce_min3A_713 [1] : vector<512x128xi32> to vector<512xi32>
    %broadcast_in_dim3A_715 = vector.shape_cast %reduce_min3A_714 : vector<512xi32> to vector<512x1xi32>
    %eq3A_716 = arith.constant 2048 : i32
    %eq3A_717 = vector.broadcast %eq3A_716 : i32 to vector<512x1xi32>
    %eq3A_718 = arith.cmpi eq, %broadcast_in_dim3A_715, %eq3A_717 : vector<512x1xi32>
    %select_n3A_719 = arith.select %eq3A_718, %broadcast_in_dim3A_50, %broadcast_in_dim3A_715 : vector<512x1xi1>, vector<512x1xi32>
    %add3A_720 = vector.broadcast %mul3A_37 : i32 to vector<512x1xi32>
    %add3A_721 = arith.addi %select_n3A_719, %add3A_720 : vector<512x1xi32>
    %swap3A_722 = arith.constant 0 : index
    %swap3A_723 = arith.constant 0 : index
    %swap3A_724 = arith.constant 21 : index
    %swap3A_725 = vector.load %arg4[%swap3A_722, %swap3A_723, %swap3A_724] : memref<1x512x32xi32, #tpu.memory_space<vmem>>, vector<1x512x1xi32>
    %swap3A_726 = vector.shape_cast %swap3A_725 : vector<1x512x1xi32> to vector<512x1xi32>
    %swap3A_727 = vector.shape_cast %add3A_721 : vector<512x1xi32> to vector<1x512x1xi32>
    tpu.vector_store %arg4[%swap3A_722, %swap3A_723, %swap3A_724], %swap3A_727 {strides = array<i32>} : memref<1x512x32xi32, #tpu.memory_space<vmem>>, vector<1x512x1xi32>,
    %gt3A_728 = vector.broadcast %broadcast_in_dim3A_715 : vector<512x1xi32> to vector<512x2048xi32>
    %gt3A_729 = arith.cmpi sgt, %iota3A, %gt3A_728 : vector<512x2048xi32>
    %jit3A_730 = arith.constant 2048 : i32
    %broadcast_in_dim3A_731 = vector.broadcast %jit3A_730 : i32 to vector<512x2048xi32>
    %select_n3A_732 = arith.select %gt3A_729, %select_n3A, %broadcast_in_dim3A_731 : vector<512x2048xi1>, vector<512x2048xi32>
    %slice3A_733 = vector.extract_strided_slice %select_n3A_732 {offsets = [0, 0], sizes = [512, 1024], strides = [1, 1]} : vector<512x2048xi32> to vector<512x1024xi32>
    %slice3A_734 = vector.extract_strided_slice %select_n3A_732 {offsets = [0, 1024], sizes = [512, 1024], strides = [1, 1]} : vector<512x2048xi32> to vector<512x1024xi32>
    %min3A_735 = arith.minsi %slice3A_733, %slice3A_734 : vector<512x1024xi32>
    %slice3A_736 = vector.extract_strided_slice %min3A_735 {offsets = [0, 0], sizes = [512, 512], strides = [1, 1]} : vector<512x1024xi32> to vector<512x512xi32>
    %slice3A_737 = vector.extract_strided_slice %min3A_735 {offsets = [0, 512], sizes = [512, 512], strides = [1, 1]} : vector<512x1024xi32> to vector<512x512xi32>
    %min3A_738 = arith.minsi %slice3A_736, %slice3A_737 : vector<512x512xi32>
    %slice3A_739 = vector.extract_strided_slice %min3A_738 {offsets = [0, 0], sizes = [512, 256], strides = [1, 1]} : vector<512x512xi32> to vector<512x256xi32>
    %slice3A_740 = vector.extract_strided_slice %min3A_738 {offsets = [0, 256], sizes = [512, 256], strides = [1, 1]} : vector<512x512xi32> to vector<512x256xi32>
    %min3A_741 = arith.minsi %slice3A_739, %slice3A_740 : vector<512x256xi32>
    %slice3A_742 = vector.extract_strided_slice %min3A_741 {offsets = [0, 0], sizes = [512, 128], strides = [1, 1]} : vector<512x256xi32> to vector<512x128xi32>
    %slice3A_743 = vector.extract_strided_slice %min3A_741 {offsets = [0, 128], sizes = [512, 128], strides = [1, 1]} : vector<512x256xi32> to vector<512x128xi32>
    %min3A_744 = arith.minsi %slice3A_742, %slice3A_743 : vector<512x128xi32>
    %reduce_min3A_745 = arith.constant dense<2147483647> : vector<512xi32>
    %reduce_min3A_746 = vector.multi_reduction <minsi>, %min3A_744, %reduce_min3A_745 [1] : vector<512x128xi32> to vector<512xi32>
    %broadcast_in_dim3A_747 = vector.shape_cast %reduce_min3A_746 : vector<512xi32> to vector<512x1xi32>
    %eq3A_748 = arith.constant 2048 : i32
    %eq3A_749 = vector.broadcast %eq3A_748 : i32 to vector<512x1xi32>
    %eq3A_750 = arith.cmpi eq, %broadcast_in_dim3A_747, %eq3A_749 : vector<512x1xi32>
    %select_n3A_751 = arith.select %eq3A_750, %broadcast_in_dim3A_50, %broadcast_in_dim3A_747 : vector<512x1xi1>, vector<512x1xi32>
    %add3A_752 = vector.broadcast %mul3A_37 : i32 to vector<512x1xi32>
    %add3A_753 = arith.addi %select_n3A_751, %add3A_752 : vector<512x1xi32>
    %swap3A_754 = arith.constant 0 : index
    %swap3A_755 = arith.constant 0 : index
    %swap3A_756 = arith.constant 22 : index
    %swap3A_757 = vector.load %arg4[%swap3A_754, %swap3A_755, %swap3A_756] : memref<1x512x32xi32, #tpu.memory_space<vmem>>, vector<1x512x1xi32>
    %swap3A_758 = vector.shape_cast %swap3A_757 : vector<1x512x1xi32> to vector<512x1xi32>
    %swap3A_759 = vector.shape_cast %add3A_753 : vector<512x1xi32> to vector<1x512x1xi32>
    tpu.vector_store %arg4[%swap3A_754, %swap3A_755, %swap3A_756], %swap3A_759 {strides = array<i32>} : memref<1x512x32xi32, #tpu.memory_space<vmem>>, vector<1x512x1xi32>,
    %gt3A_760 = vector.broadcast %broadcast_in_dim3A_747 : vector<512x1xi32> to vector<512x2048xi32>
    %gt3A_761 = arith.cmpi sgt, %iota3A, %gt3A_760 : vector<512x2048xi32>
    %jit3A_762 = arith.constant 2048 : i32
    %broadcast_in_dim3A_763 = vector.broadcast %jit3A_762 : i32 to vector<512x2048xi32>
    %select_n3A_764 = arith.select %gt3A_761, %select_n3A, %broadcast_in_dim3A_763 : vector<512x2048xi1>, vector<512x2048xi32>
    %slice3A_765 = vector.extract_strided_slice %select_n3A_764 {offsets = [0, 0], sizes = [512, 1024], strides = [1, 1]} : vector<512x2048xi32> to vector<512x1024xi32>
    %slice3A_766 = vector.extract_strided_slice %select_n3A_764 {offsets = [0, 1024], sizes = [512, 1024], strides = [1, 1]} : vector<512x2048xi32> to vector<512x1024xi32>
    %min3A_767 = arith.minsi %slice3A_765, %slice3A_766 : vector<512x1024xi32>
    %slice3A_768 = vector.extract_strided_slice %min3A_767 {offsets = [0, 0], sizes = [512, 512], strides = [1, 1]} : vector<512x1024xi32> to vector<512x512xi32>
    %slice3A_769 = vector.extract_strided_slice %min3A_767 {offsets = [0, 512], sizes = [512, 512], strides = [1, 1]} : vector<512x1024xi32> to vector<512x512xi32>
    %min3A_770 = arith.minsi %slice3A_768, %slice3A_769 : vector<512x512xi32>
    %slice3A_771 = vector.extract_strided_slice %min3A_770 {offsets = [0, 0], sizes = [512, 256], strides = [1, 1]} : vector<512x512xi32> to vector<512x256xi32>
    %slice3A_772 = vector.extract_strided_slice %min3A_770 {offsets = [0, 256], sizes = [512, 256], strides = [1, 1]} : vector<512x512xi32> to vector<512x256xi32>
    %min3A_773 = arith.minsi %slice3A_771, %slice3A_772 : vector<512x256xi32>
    %slice3A_774 = vector.extract_strided_slice %min3A_773 {offsets = [0, 0], sizes = [512, 128], strides = [1, 1]} : vector<512x256xi32> to vector<512x128xi32>
    %slice3A_775 = vector.extract_strided_slice %min3A_773 {offsets = [0, 128], sizes = [512, 128], strides = [1, 1]} : vector<512x256xi32> to vector<512x128xi32>
    %min3A_776 = arith.minsi %slice3A_774, %slice3A_775 : vector<512x128xi32>
    %reduce_min3A_777 = arith.constant dense<2147483647> : vector<512xi32>
    %reduce_min3A_778 = vector.multi_reduction <minsi>, %min3A_776, %reduce_min3A_777 [1] : vector<512x128xi32> to vector<512xi32>
    %broadcast_in_dim3A_779 = vector.shape_cast %reduce_min3A_778 : vector<512xi32> to vector<512x1xi32>
    %eq3A_780 = arith.constant 2048 : i32
    %eq3A_781 = vector.broadcast %eq3A_780 : i32 to vector<512x1xi32>
    %eq3A_782 = arith.cmpi eq, %broadcast_in_dim3A_779, %eq3A_781 : vector<512x1xi32>
    %select_n3A_783 = arith.select %eq3A_782, %broadcast_in_dim3A_50, %broadcast_in_dim3A_779 : vector<512x1xi1>, vector<512x1xi32>
    %add3A_784 = vector.broadcast %mul3A_37 : i32 to vector<512x1xi32>
    %add3A_785 = arith.addi %select_n3A_783, %add3A_784 : vector<512x1xi32>
    %swap3A_786 = arith.constant 0 : index
    %swap3A_787 = arith.constant 0 : index
    %swap3A_788 = arith.constant 23 : index
    %swap3A_789 = vector.load %arg4[%swap3A_786, %swap3A_787, %swap3A_788] : memref<1x512x32xi32, #tpu.memory_space<vmem>>, vector<1x512x1xi32>
    %swap3A_790 = vector.shape_cast %swap3A_789 : vector<1x512x1xi32> to vector<512x1xi32>
    %swap3A_791 = vector.shape_cast %add3A_785 : vector<512x1xi32> to vector<1x512x1xi32>
    tpu.vector_store %arg4[%swap3A_786, %swap3A_787, %swap3A_788], %swap3A_791 {strides = array<i32>} : memref<1x512x32xi32, #tpu.memory_space<vmem>>, vector<1x512x1xi32>,
    %gt3A_792 = vector.broadcast %broadcast_in_dim3A_779 : vector<512x1xi32> to vector<512x2048xi32>
    %gt3A_793 = arith.cmpi sgt, %iota3A, %gt3A_792 : vector<512x2048xi32>
    %jit3A_794 = arith.constant 2048 : i32
    %broadcast_in_dim3A_795 = vector.broadcast %jit3A_794 : i32 to vector<512x2048xi32>
    %select_n3A_796 = arith.select %gt3A_793, %select_n3A, %broadcast_in_dim3A_795 : vector<512x2048xi1>, vector<512x2048xi32>
    %slice3A_797 = vector.extract_strided_slice %select_n3A_796 {offsets = [0, 0], sizes = [512, 1024], strides = [1, 1]} : vector<512x2048xi32> to vector<512x1024xi32>
    %slice3A_798 = vector.extract_strided_slice %select_n3A_796 {offsets = [0, 1024], sizes = [512, 1024], strides = [1, 1]} : vector<512x2048xi32> to vector<512x1024xi32>
    %min3A_799 = arith.minsi %slice3A_797, %slice3A_798 : vector<512x1024xi32>
    %slice3A_800 = vector.extract_strided_slice %min3A_799 {offsets = [0, 0], sizes = [512, 512], strides = [1, 1]} : vector<512x1024xi32> to vector<512x512xi32>
    %slice3A_801 = vector.extract_strided_slice %min3A_799 {offsets = [0, 512], sizes = [512, 512], strides = [1, 1]} : vector<512x1024xi32> to vector<512x512xi32>
    %min3A_802 = arith.minsi %slice3A_800, %slice3A_801 : vector<512x512xi32>
    %slice3A_803 = vector.extract_strided_slice %min3A_802 {offsets = [0, 0], sizes = [512, 256], strides = [1, 1]} : vector<512x512xi32> to vector<512x256xi32>
    %slice3A_804 = vector.extract_strided_slice %min3A_802 {offsets = [0, 256], sizes = [512, 256], strides = [1, 1]} : vector<512x512xi32> to vector<512x256xi32>
    %min3A_805 = arith.minsi %slice3A_803, %slice3A_804 : vector<512x256xi32>
    %slice3A_806 = vector.extract_strided_slice %min3A_805 {offsets = [0, 0], sizes = [512, 128], strides = [1, 1]} : vector<512x256xi32> to vector<512x128xi32>
    %slice3A_807 = vector.extract_strided_slice %min3A_805 {offsets = [0, 128], sizes = [512, 128], strides = [1, 1]} : vector<512x256xi32> to vector<512x128xi32>
    %min3A_808 = arith.minsi %slice3A_806, %slice3A_807 : vector<512x128xi32>
    %reduce_min3A_809 = arith.constant dense<2147483647> : vector<512xi32>
    %reduce_min3A_810 = vector.multi_reduction <minsi>, %min3A_808, %reduce_min3A_809 [1] : vector<512x128xi32> to vector<512xi32>
    %broadcast_in_dim3A_811 = vector.shape_cast %reduce_min3A_810 : vector<512xi32> to vector<512x1xi32>
    %eq3A_812 = arith.constant 2048 : i32
    %eq3A_813 = vector.broadcast %eq3A_812 : i32 to vector<512x1xi32>
    %eq3A_814 = arith.cmpi eq, %broadcast_in_dim3A_811, %eq3A_813 : vector<512x1xi32>
    %select_n3A_815 = arith.select %eq3A_814, %broadcast_in_dim3A_50, %broadcast_in_dim3A_811 : vector<512x1xi1>, vector<512x1xi32>
    %add3A_816 = vector.broadcast %mul3A_37 : i32 to vector<512x1xi32>
    %add3A_817 = arith.addi %select_n3A_815, %add3A_816 : vector<512x1xi32>
    %swap3A_818 = arith.constant 0 : index
    %swap3A_819 = arith.constant 0 : index
    %swap3A_820 = arith.constant 24 : index
    %swap3A_821 = vector.load %arg4[%swap3A_818, %swap3A_819, %swap3A_820] : memref<1x512x32xi32, #tpu.memory_space<vmem>>, vector<1x512x1xi32>
    %swap3A_822 = vector.shape_cast %swap3A_821 : vector<1x512x1xi32> to vector<512x1xi32>
    %swap3A_823 = vector.shape_cast %add3A_817 : vector<512x1xi32> to vector<1x512x1xi32>
    tpu.vector_store %arg4[%swap3A_818, %swap3A_819, %swap3A_820], %swap3A_823 {strides = array<i32>} : memref<1x512x32xi32, #tpu.memory_space<vmem>>, vector<1x512x1xi32>,
    %gt3A_824 = vector.broadcast %broadcast_in_dim3A_811 : vector<512x1xi32> to vector<512x2048xi32>
    %gt3A_825 = arith.cmpi sgt, %iota3A, %gt3A_824 : vector<512x2048xi32>
    %jit3A_826 = arith.constant 2048 : i32
    %broadcast_in_dim3A_827 = vector.broadcast %jit3A_826 : i32 to vector<512x2048xi32>
    %select_n3A_828 = arith.select %gt3A_825, %select_n3A, %broadcast_in_dim3A_827 : vector<512x2048xi1>, vector<512x2048xi32>
    %slice3A_829 = vector.extract_strided_slice %select_n3A_828 {offsets = [0, 0], sizes = [512, 1024], strides = [1, 1]} : vector<512x2048xi32> to vector<512x1024xi32>
    %slice3A_830 = vector.extract_strided_slice %select_n3A_828 {offsets = [0, 1024], sizes = [512, 1024], strides = [1, 1]} : vector<512x2048xi32> to vector<512x1024xi32>
    %min3A_831 = arith.minsi %slice3A_829, %slice3A_830 : vector<512x1024xi32>
    %slice3A_832 = vector.extract_strided_slice %min3A_831 {offsets = [0, 0], sizes = [512, 512], strides = [1, 1]} : vector<512x1024xi32> to vector<512x512xi32>
    %slice3A_833 = vector.extract_strided_slice %min3A_831 {offsets = [0, 512], sizes = [512, 512], strides = [1, 1]} : vector<512x1024xi32> to vector<512x512xi32>
    %min3A_834 = arith.minsi %slice3A_832, %slice3A_833 : vector<512x512xi32>
    %slice3A_835 = vector.extract_strided_slice %min3A_834 {offsets = [0, 0], sizes = [512, 256], strides = [1, 1]} : vector<512x512xi32> to vector<512x256xi32>
    %slice3A_836 = vector.extract_strided_slice %min3A_834 {offsets = [0, 256], sizes = [512, 256], strides = [1, 1]} : vector<512x512xi32> to vector<512x256xi32>
    %min3A_837 = arith.minsi %slice3A_835, %slice3A_836 : vector<512x256xi32>
    %slice3A_838 = vector.extract_strided_slice %min3A_837 {offsets = [0, 0], sizes = [512, 128], strides = [1, 1]} : vector<512x256xi32> to vector<512x128xi32>
    %slice3A_839 = vector.extract_strided_slice %min3A_837 {offsets = [0, 128], sizes = [512, 128], strides = [1, 1]} : vector<512x256xi32> to vector<512x128xi32>
    %min3A_840 = arith.minsi %slice3A_838, %slice3A_839 : vector<512x128xi32>
    %reduce_min3A_841 = arith.constant dense<2147483647> : vector<512xi32>
    %reduce_min3A_842 = vector.multi_reduction <minsi>, %min3A_840, %reduce_min3A_841 [1] : vector<512x128xi32> to vector<512xi32>
    %broadcast_in_dim3A_843 = vector.shape_cast %reduce_min3A_842 : vector<512xi32> to vector<512x1xi32>
    %eq3A_844 = arith.constant 2048 : i32
    %eq3A_845 = vector.broadcast %eq3A_844 : i32 to vector<512x1xi32>
    %eq3A_846 = arith.cmpi eq, %broadcast_in_dim3A_843, %eq3A_845 : vector<512x1xi32>
    %select_n3A_847 = arith.select %eq3A_846, %broadcast_in_dim3A_50, %broadcast_in_dim3A_843 : vector<512x1xi1>, vector<512x1xi32>
    %add3A_848 = vector.broadcast %mul3A_37 : i32 to vector<512x1xi32>
    %add3A_849 = arith.addi %select_n3A_847, %add3A_848 : vector<512x1xi32>
    %swap3A_850 = arith.constant 0 : index
    %swap3A_851 = arith.constant 0 : index
    %swap3A_852 = arith.constant 25 : index
    %swap3A_853 = vector.load %arg4[%swap3A_850, %swap3A_851, %swap3A_852] : memref<1x512x32xi32, #tpu.memory_space<vmem>>, vector<1x512x1xi32>
    %swap3A_854 = vector.shape_cast %swap3A_853 : vector<1x512x1xi32> to vector<512x1xi32>
    %swap3A_855 = vector.shape_cast %add3A_849 : vector<512x1xi32> to vector<1x512x1xi32>
    tpu.vector_store %arg4[%swap3A_850, %swap3A_851, %swap3A_852], %swap3A_855 {strides = array<i32>} : memref<1x512x32xi32, #tpu.memory_space<vmem>>, vector<1x512x1xi32>,
    %gt3A_856 = vector.broadcast %broadcast_in_dim3A_843 : vector<512x1xi32> to vector<512x2048xi32>
    %gt3A_857 = arith.cmpi sgt, %iota3A, %gt3A_856 : vector<512x2048xi32>
    %jit3A_858 = arith.constant 2048 : i32
    %broadcast_in_dim3A_859 = vector.broadcast %jit3A_858 : i32 to vector<512x2048xi32>
    %select_n3A_860 = arith.select %gt3A_857, %select_n3A, %broadcast_in_dim3A_859 : vector<512x2048xi1>, vector<512x2048xi32>
    %slice3A_861 = vector.extract_strided_slice %select_n3A_860 {offsets = [0, 0], sizes = [512, 1024], strides = [1, 1]} : vector<512x2048xi32> to vector<512x1024xi32>
    %slice3A_862 = vector.extract_strided_slice %select_n3A_860 {offsets = [0, 1024], sizes = [512, 1024], strides = [1, 1]} : vector<512x2048xi32> to vector<512x1024xi32>
    %min3A_863 = arith.minsi %slice3A_861, %slice3A_862 : vector<512x1024xi32>
    %slice3A_864 = vector.extract_strided_slice %min3A_863 {offsets = [0, 0], sizes = [512, 512], strides = [1, 1]} : vector<512x1024xi32> to vector<512x512xi32>
    %slice3A_865 = vector.extract_strided_slice %min3A_863 {offsets = [0, 512], sizes = [512, 512], strides = [1, 1]} : vector<512x1024xi32> to vector<512x512xi32>
    %min3A_866 = arith.minsi %slice3A_864, %slice3A_865 : vector<512x512xi32>
    %slice3A_867 = vector.extract_strided_slice %min3A_866 {offsets = [0, 0], sizes = [512, 256], strides = [1, 1]} : vector<512x512xi32> to vector<512x256xi32>
    %slice3A_868 = vector.extract_strided_slice %min3A_866 {offsets = [0, 256], sizes = [512, 256], strides = [1, 1]} : vector<512x512xi32> to vector<512x256xi32>
    %min3A_869 = arith.minsi %slice3A_867, %slice3A_868 : vector<512x256xi32>
    %slice3A_870 = vector.extract_strided_slice %min3A_869 {offsets = [0, 0], sizes = [512, 128], strides = [1, 1]} : vector<512x256xi32> to vector<512x128xi32>
    %slice3A_871 = vector.extract_strided_slice %min3A_869 {offsets = [0, 128], sizes = [512, 128], strides = [1, 1]} : vector<512x256xi32> to vector<512x128xi32>
    %min3A_872 = arith.minsi %slice3A_870, %slice3A_871 : vector<512x128xi32>
    %reduce_min3A_873 = arith.constant dense<2147483647> : vector<512xi32>
    %reduce_min3A_874 = vector.multi_reduction <minsi>, %min3A_872, %reduce_min3A_873 [1] : vector<512x128xi32> to vector<512xi32>
    %broadcast_in_dim3A_875 = vector.shape_cast %reduce_min3A_874 : vector<512xi32> to vector<512x1xi32>
    %eq3A_876 = arith.constant 2048 : i32
    %eq3A_877 = vector.broadcast %eq3A_876 : i32 to vector<512x1xi32>
    %eq3A_878 = arith.cmpi eq, %broadcast_in_dim3A_875, %eq3A_877 : vector<512x1xi32>
    %select_n3A_879 = arith.select %eq3A_878, %broadcast_in_dim3A_50, %broadcast_in_dim3A_875 : vector<512x1xi1>, vector<512x1xi32>
    %add3A_880 = vector.broadcast %mul3A_37 : i32 to vector<512x1xi32>
    %add3A_881 = arith.addi %select_n3A_879, %add3A_880 : vector<512x1xi32>
    %swap3A_882 = arith.constant 0 : index
    %swap3A_883 = arith.constant 0 : index
    %swap3A_884 = arith.constant 26 : index
    %swap3A_885 = vector.load %arg4[%swap3A_882, %swap3A_883, %swap3A_884] : memref<1x512x32xi32, #tpu.memory_space<vmem>>, vector<1x512x1xi32>
    %swap3A_886 = vector.shape_cast %swap3A_885 : vector<1x512x1xi32> to vector<512x1xi32>
    %swap3A_887 = vector.shape_cast %add3A_881 : vector<512x1xi32> to vector<1x512x1xi32>
    tpu.vector_store %arg4[%swap3A_882, %swap3A_883, %swap3A_884], %swap3A_887 {strides = array<i32>} : memref<1x512x32xi32, #tpu.memory_space<vmem>>, vector<1x512x1xi32>,
    %gt3A_888 = vector.broadcast %broadcast_in_dim3A_875 : vector<512x1xi32> to vector<512x2048xi32>
    %gt3A_889 = arith.cmpi sgt, %iota3A, %gt3A_888 : vector<512x2048xi32>
    %jit3A_890 = arith.constant 2048 : i32
    %broadcast_in_dim3A_891 = vector.broadcast %jit3A_890 : i32 to vector<512x2048xi32>
    %select_n3A_892 = arith.select %gt3A_889, %select_n3A, %broadcast_in_dim3A_891 : vector<512x2048xi1>, vector<512x2048xi32>
    %slice3A_893 = vector.extract_strided_slice %select_n3A_892 {offsets = [0, 0], sizes = [512, 1024], strides = [1, 1]} : vector<512x2048xi32> to vector<512x1024xi32>
    %slice3A_894 = vector.extract_strided_slice %select_n3A_892 {offsets = [0, 1024], sizes = [512, 1024], strides = [1, 1]} : vector<512x2048xi32> to vector<512x1024xi32>
    %min3A_895 = arith.minsi %slice3A_893, %slice3A_894 : vector<512x1024xi32>
    %slice3A_896 = vector.extract_strided_slice %min3A_895 {offsets = [0, 0], sizes = [512, 512], strides = [1, 1]} : vector<512x1024xi32> to vector<512x512xi32>
    %slice3A_897 = vector.extract_strided_slice %min3A_895 {offsets = [0, 512], sizes = [512, 512], strides = [1, 1]} : vector<512x1024xi32> to vector<512x512xi32>
    %min3A_898 = arith.minsi %slice3A_896, %slice3A_897 : vector<512x512xi32>
    %slice3A_899 = vector.extract_strided_slice %min3A_898 {offsets = [0, 0], sizes = [512, 256], strides = [1, 1]} : vector<512x512xi32> to vector<512x256xi32>
    %slice3A_900 = vector.extract_strided_slice %min3A_898 {offsets = [0, 256], sizes = [512, 256], strides = [1, 1]} : vector<512x512xi32> to vector<512x256xi32>
    %min3A_901 = arith.minsi %slice3A_899, %slice3A_900 : vector<512x256xi32>
    %slice3A_902 = vector.extract_strided_slice %min3A_901 {offsets = [0, 0], sizes = [512, 128], strides = [1, 1]} : vector<512x256xi32> to vector<512x128xi32>
    %slice3A_903 = vector.extract_strided_slice %min3A_901 {offsets = [0, 128], sizes = [512, 128], strides = [1, 1]} : vector<512x256xi32> to vector<512x128xi32>
    %min3A_904 = arith.minsi %slice3A_902, %slice3A_903 : vector<512x128xi32>
    %reduce_min3A_905 = arith.constant dense<2147483647> : vector<512xi32>
    %reduce_min3A_906 = vector.multi_reduction <minsi>, %min3A_904, %reduce_min3A_905 [1] : vector<512x128xi32> to vector<512xi32>
    %broadcast_in_dim3A_907 = vector.shape_cast %reduce_min3A_906 : vector<512xi32> to vector<512x1xi32>
    %eq3A_908 = arith.constant 2048 : i32
    %eq3A_909 = vector.broadcast %eq3A_908 : i32 to vector<512x1xi32>
    %eq3A_910 = arith.cmpi eq, %broadcast_in_dim3A_907, %eq3A_909 : vector<512x1xi32>
    %select_n3A_911 = arith.select %eq3A_910, %broadcast_in_dim3A_50, %broadcast_in_dim3A_907 : vector<512x1xi1>, vector<512x1xi32>
    %add3A_912 = vector.broadcast %mul3A_37 : i32 to vector<512x1xi32>
    %add3A_913 = arith.addi %select_n3A_911, %add3A_912 : vector<512x1xi32>
    %swap3A_914 = arith.constant 0 : index
    %swap3A_915 = arith.constant 0 : index
    %swap3A_916 = arith.constant 27 : index
    %swap3A_917 = vector.load %arg4[%swap3A_914, %swap3A_915, %swap3A_916] : memref<1x512x32xi32, #tpu.memory_space<vmem>>, vector<1x512x1xi32>
    %swap3A_918 = vector.shape_cast %swap3A_917 : vector<1x512x1xi32> to vector<512x1xi32>
    %swap3A_919 = vector.shape_cast %add3A_913 : vector<512x1xi32> to vector<1x512x1xi32>
    tpu.vector_store %arg4[%swap3A_914, %swap3A_915, %swap3A_916], %swap3A_919 {strides = array<i32>} : memref<1x512x32xi32, #tpu.memory_space<vmem>>, vector<1x512x1xi32>,
    %gt3A_920 = vector.broadcast %broadcast_in_dim3A_907 : vector<512x1xi32> to vector<512x2048xi32>
    %gt3A_921 = arith.cmpi sgt, %iota3A, %gt3A_920 : vector<512x2048xi32>
    %jit3A_922 = arith.constant 2048 : i32
    %broadcast_in_dim3A_923 = vector.broadcast %jit3A_922 : i32 to vector<512x2048xi32>
    %select_n3A_924 = arith.select %gt3A_921, %select_n3A, %broadcast_in_dim3A_923 : vector<512x2048xi1>, vector<512x2048xi32>
    %slice3A_925 = vector.extract_strided_slice %select_n3A_924 {offsets = [0, 0], sizes = [512, 1024], strides = [1, 1]} : vector<512x2048xi32> to vector<512x1024xi32>
    %slice3A_926 = vector.extract_strided_slice %select_n3A_924 {offsets = [0, 1024], sizes = [512, 1024], strides = [1, 1]} : vector<512x2048xi32> to vector<512x1024xi32>
    %min3A_927 = arith.minsi %slice3A_925, %slice3A_926 : vector<512x1024xi32>
    %slice3A_928 = vector.extract_strided_slice %min3A_927 {offsets = [0, 0], sizes = [512, 512], strides = [1, 1]} : vector<512x1024xi32> to vector<512x512xi32>
    %slice3A_929 = vector.extract_strided_slice %min3A_927 {offsets = [0, 512], sizes = [512, 512], strides = [1, 1]} : vector<512x1024xi32> to vector<512x512xi32>
    %min3A_930 = arith.minsi %slice3A_928, %slice3A_929 : vector<512x512xi32>
    %slice3A_931 = vector.extract_strided_slice %min3A_930 {offsets = [0, 0], sizes = [512, 256], strides = [1, 1]} : vector<512x512xi32> to vector<512x256xi32>
    %slice3A_932 = vector.extract_strided_slice %min3A_930 {offsets = [0, 256], sizes = [512, 256], strides = [1, 1]} : vector<512x512xi32> to vector<512x256xi32>
    %min3A_933 = arith.minsi %slice3A_931, %slice3A_932 : vector<512x256xi32>
    %slice3A_934 = vector.extract_strided_slice %min3A_933 {offsets = [0, 0], sizes = [512, 128], strides = [1, 1]} : vector<512x256xi32> to vector<512x128xi32>
    %slice3A_935 = vector.extract_strided_slice %min3A_933 {offsets = [0, 128], sizes = [512, 128], strides = [1, 1]} : vector<512x256xi32> to vector<512x128xi32>
    %min3A_936 = arith.minsi %slice3A_934, %slice3A_935 : vector<512x128xi32>
    %reduce_min3A_937 = arith.constant dense<2147483647> : vector<512xi32>
    %reduce_min3A_938 = vector.multi_reduction <minsi>, %min3A_936, %reduce_min3A_937 [1] : vector<512x128xi32> to vector<512xi32>
    %broadcast_in_dim3A_939 = vector.shape_cast %reduce_min3A_938 : vector<512xi32> to vector<512x1xi32>
    %eq3A_940 = arith.constant 2048 : i32
    %eq3A_941 = vector.broadcast %eq3A_940 : i32 to vector<512x1xi32>
    %eq3A_942 = arith.cmpi eq, %broadcast_in_dim3A_939, %eq3A_941 : vector<512x1xi32>
    %select_n3A_943 = arith.select %eq3A_942, %broadcast_in_dim3A_50, %broadcast_in_dim3A_939 : vector<512x1xi1>, vector<512x1xi32>
    %add3A_944 = vector.broadcast %mul3A_37 : i32 to vector<512x1xi32>
    %add3A_945 = arith.addi %select_n3A_943, %add3A_944 : vector<512x1xi32>
    %swap3A_946 = arith.constant 0 : index
    %swap3A_947 = arith.constant 0 : index
    %swap3A_948 = arith.constant 28 : index
    %swap3A_949 = vector.load %arg4[%swap3A_946, %swap3A_947, %swap3A_948] : memref<1x512x32xi32, #tpu.memory_space<vmem>>, vector<1x512x1xi32>
    %swap3A_950 = vector.shape_cast %swap3A_949 : vector<1x512x1xi32> to vector<512x1xi32>
    %swap3A_951 = vector.shape_cast %add3A_945 : vector<512x1xi32> to vector<1x512x1xi32>
    tpu.vector_store %arg4[%swap3A_946, %swap3A_947, %swap3A_948], %swap3A_951 {strides = array<i32>} : memref<1x512x32xi32, #tpu.memory_space<vmem>>, vector<1x512x1xi32>,
    %gt3A_952 = vector.broadcast %broadcast_in_dim3A_939 : vector<512x1xi32> to vector<512x2048xi32>
    %gt3A_953 = arith.cmpi sgt, %iota3A, %gt3A_952 : vector<512x2048xi32>
    %jit3A_954 = arith.constant 2048 : i32
    %broadcast_in_dim3A_955 = vector.broadcast %jit3A_954 : i32 to vector<512x2048xi32>
    %select_n3A_956 = arith.select %gt3A_953, %select_n3A, %broadcast_in_dim3A_955 : vector<512x2048xi1>, vector<512x2048xi32>
    %slice3A_957 = vector.extract_strided_slice %select_n3A_956 {offsets = [0, 0], sizes = [512, 1024], strides = [1, 1]} : vector<512x2048xi32> to vector<512x1024xi32>
    %slice3A_958 = vector.extract_strided_slice %select_n3A_956 {offsets = [0, 1024], sizes = [512, 1024], strides = [1, 1]} : vector<512x2048xi32> to vector<512x1024xi32>
    %min3A_959 = arith.minsi %slice3A_957, %slice3A_958 : vector<512x1024xi32>
    %slice3A_960 = vector.extract_strided_slice %min3A_959 {offsets = [0, 0], sizes = [512, 512], strides = [1, 1]} : vector<512x1024xi32> to vector<512x512xi32>
    %slice3A_961 = vector.extract_strided_slice %min3A_959 {offsets = [0, 512], sizes = [512, 512], strides = [1, 1]} : vector<512x1024xi32> to vector<512x512xi32>
    %min3A_962 = arith.minsi %slice3A_960, %slice3A_961 : vector<512x512xi32>
    %slice3A_963 = vector.extract_strided_slice %min3A_962 {offsets = [0, 0], sizes = [512, 256], strides = [1, 1]} : vector<512x512xi32> to vector<512x256xi32>
    %slice3A_964 = vector.extract_strided_slice %min3A_962 {offsets = [0, 256], sizes = [512, 256], strides = [1, 1]} : vector<512x512xi32> to vector<512x256xi32>
    %min3A_965 = arith.minsi %slice3A_963, %slice3A_964 : vector<512x256xi32>
    %slice3A_966 = vector.extract_strided_slice %min3A_965 {offsets = [0, 0], sizes = [512, 128], strides = [1, 1]} : vector<512x256xi32> to vector<512x128xi32>
    %slice3A_967 = vector.extract_strided_slice %min3A_965 {offsets = [0, 128], sizes = [512, 128], strides = [1, 1]} : vector<512x256xi32> to vector<512x128xi32>
    %min3A_968 = arith.minsi %slice3A_966, %slice3A_967 : vector<512x128xi32>
    %reduce_min3A_969 = arith.constant dense<2147483647> : vector<512xi32>
    %reduce_min3A_970 = vector.multi_reduction <minsi>, %min3A_968, %reduce_min3A_969 [1] : vector<512x128xi32> to vector<512xi32>
    %broadcast_in_dim3A_971 = vector.shape_cast %reduce_min3A_970 : vector<512xi32> to vector<512x1xi32>
    %eq3A_972 = arith.constant 2048 : i32
    %eq3A_973 = vector.broadcast %eq3A_972 : i32 to vector<512x1xi32>
    %eq3A_974 = arith.cmpi eq, %broadcast_in_dim3A_971, %eq3A_973 : vector<512x1xi32>
    %select_n3A_975 = arith.select %eq3A_974, %broadcast_in_dim3A_50, %broadcast_in_dim3A_971 : vector<512x1xi1>, vector<512x1xi32>
    %add3A_976 = vector.broadcast %mul3A_37 : i32 to vector<512x1xi32>
    %add3A_977 = arith.addi %select_n3A_975, %add3A_976 : vector<512x1xi32>
    %swap3A_978 = arith.constant 0 : index
    %swap3A_979 = arith.constant 0 : index
    %swap3A_980 = arith.constant 29 : index
    %swap3A_981 = vector.load %arg4[%swap3A_978, %swap3A_979, %swap3A_980] : memref<1x512x32xi32, #tpu.memory_space<vmem>>, vector<1x512x1xi32>
    %swap3A_982 = vector.shape_cast %swap3A_981 : vector<1x512x1xi32> to vector<512x1xi32>
    %swap3A_983 = vector.shape_cast %add3A_977 : vector<512x1xi32> to vector<1x512x1xi32>
    tpu.vector_store %arg4[%swap3A_978, %swap3A_979, %swap3A_980], %swap3A_983 {strides = array<i32>} : memref<1x512x32xi32, #tpu.memory_space<vmem>>, vector<1x512x1xi32>,
    %gt3A_984 = vector.broadcast %broadcast_in_dim3A_971 : vector<512x1xi32> to vector<512x2048xi32>
    %gt3A_985 = arith.cmpi sgt, %iota3A, %gt3A_984 : vector<512x2048xi32>
    %jit3A_986 = arith.constant 2048 : i32
    %broadcast_in_dim3A_987 = vector.broadcast %jit3A_986 : i32 to vector<512x2048xi32>
    %select_n3A_988 = arith.select %gt3A_985, %select_n3A, %broadcast_in_dim3A_987 : vector<512x2048xi1>, vector<512x2048xi32>
    %slice3A_989 = vector.extract_strided_slice %select_n3A_988 {offsets = [0, 0], sizes = [512, 1024], strides = [1, 1]} : vector<512x2048xi32> to vector<512x1024xi32>
    %slice3A_990 = vector.extract_strided_slice %select_n3A_988 {offsets = [0, 1024], sizes = [512, 1024], strides = [1, 1]} : vector<512x2048xi32> to vector<512x1024xi32>
    %min3A_991 = arith.minsi %slice3A_989, %slice3A_990 : vector<512x1024xi32>
    %slice3A_992 = vector.extract_strided_slice %min3A_991 {offsets = [0, 0], sizes = [512, 512], strides = [1, 1]} : vector<512x1024xi32> to vector<512x512xi32>
    %slice3A_993 = vector.extract_strided_slice %min3A_991 {offsets = [0, 512], sizes = [512, 512], strides = [1, 1]} : vector<512x1024xi32> to vector<512x512xi32>
    %min3A_994 = arith.minsi %slice3A_992, %slice3A_993 : vector<512x512xi32>
    %slice3A_995 = vector.extract_strided_slice %min3A_994 {offsets = [0, 0], sizes = [512, 256], strides = [1, 1]} : vector<512x512xi32> to vector<512x256xi32>
    %slice3A_996 = vector.extract_strided_slice %min3A_994 {offsets = [0, 256], sizes = [512, 256], strides = [1, 1]} : vector<512x512xi32> to vector<512x256xi32>
    %min3A_997 = arith.minsi %slice3A_995, %slice3A_996 : vector<512x256xi32>
    %slice3A_998 = vector.extract_strided_slice %min3A_997 {offsets = [0, 0], sizes = [512, 128], strides = [1, 1]} : vector<512x256xi32> to vector<512x128xi32>
    %slice3A_999 = vector.extract_strided_slice %min3A_997 {offsets = [0, 128], sizes = [512, 128], strides = [1, 1]} : vector<512x256xi32> to vector<512x128xi32>
    %min3A_1000 = arith.minsi %slice3A_998, %slice3A_999 : vector<512x128xi32>
    %reduce_min3A_1001 = arith.constant dense<2147483647> : vector<512xi32>
    %reduce_min3A_1002 = vector.multi_reduction <minsi>, %min3A_1000, %reduce_min3A_1001 [1] : vector<512x128xi32> to vector<512xi32>
    %broadcast_in_dim3A_1003 = vector.shape_cast %reduce_min3A_1002 : vector<512xi32> to vector<512x1xi32>
    %eq3A_1004 = arith.constant 2048 : i32
    %eq3A_1005 = vector.broadcast %eq3A_1004 : i32 to vector<512x1xi32>
    %eq3A_1006 = arith.cmpi eq, %broadcast_in_dim3A_1003, %eq3A_1005 : vector<512x1xi32>
    %select_n3A_1007 = arith.select %eq3A_1006, %broadcast_in_dim3A_50, %broadcast_in_dim3A_1003 : vector<512x1xi1>, vector<512x1xi32>
    %add3A_1008 = vector.broadcast %mul3A_37 : i32 to vector<512x1xi32>
    %add3A_1009 = arith.addi %select_n3A_1007, %add3A_1008 : vector<512x1xi32>
    %swap3A_1010 = arith.constant 0 : index
    %swap3A_1011 = arith.constant 0 : index
    %swap3A_1012 = arith.constant 30 : index
    %swap3A_1013 = vector.load %arg4[%swap3A_1010, %swap3A_1011, %swap3A_1012] : memref<1x512x32xi32, #tpu.memory_space<vmem>>, vector<1x512x1xi32>
    %swap3A_1014 = vector.shape_cast %swap3A_1013 : vector<1x512x1xi32> to vector<512x1xi32>
    %swap3A_1015 = vector.shape_cast %add3A_1009 : vector<512x1xi32> to vector<1x512x1xi32>
    tpu.vector_store %arg4[%swap3A_1010, %swap3A_1011, %swap3A_1012], %swap3A_1015 {strides = array<i32>} : memref<1x512x32xi32, #tpu.memory_space<vmem>>, vector<1x512x1xi32>,
    %gt3A_1016 = vector.broadcast %broadcast_in_dim3A_1003 : vector<512x1xi32> to vector<512x2048xi32>
    %gt3A_1017 = arith.cmpi sgt, %iota3A, %gt3A_1016 : vector<512x2048xi32>
    %jit3A_1018 = arith.constant 2048 : i32
    %broadcast_in_dim3A_1019 = vector.broadcast %jit3A_1018 : i32 to vector<512x2048xi32>
    %select_n3A_1020 = arith.select %gt3A_1017, %select_n3A, %broadcast_in_dim3A_1019 : vector<512x2048xi1>, vector<512x2048xi32>
    %slice3A_1021 = vector.extract_strided_slice %select_n3A_1020 {offsets = [0, 0], sizes = [512, 1024], strides = [1, 1]} : vector<512x2048xi32> to vector<512x1024xi32>
    %slice3A_1022 = vector.extract_strided_slice %select_n3A_1020 {offsets = [0, 1024], sizes = [512, 1024], strides = [1, 1]} : vector<512x2048xi32> to vector<512x1024xi32>
    %min3A_1023 = arith.minsi %slice3A_1021, %slice3A_1022 : vector<512x1024xi32>
    %slice3A_1024 = vector.extract_strided_slice %min3A_1023 {offsets = [0, 0], sizes = [512, 512], strides = [1, 1]} : vector<512x1024xi32> to vector<512x512xi32>
    %slice3A_1025 = vector.extract_strided_slice %min3A_1023 {offsets = [0, 512], sizes = [512, 512], strides = [1, 1]} : vector<512x1024xi32> to vector<512x512xi32>
    %min3A_1026 = arith.minsi %slice3A_1024, %slice3A_1025 : vector<512x512xi32>
    %slice3A_1027 = vector.extract_strided_slice %min3A_1026 {offsets = [0, 0], sizes = [512, 256], strides = [1, 1]} : vector<512x512xi32> to vector<512x256xi32>
    %slice3A_1028 = vector.extract_strided_slice %min3A_1026 {offsets = [0, 256], sizes = [512, 256], strides = [1, 1]} : vector<512x512xi32> to vector<512x256xi32>
    %min3A_1029 = arith.minsi %slice3A_1027, %slice3A_1028 : vector<512x256xi32>
    %slice3A_1030 = vector.extract_strided_slice %min3A_1029 {offsets = [0, 0], sizes = [512, 128], strides = [1, 1]} : vector<512x256xi32> to vector<512x128xi32>
    %slice3A_1031 = vector.extract_strided_slice %min3A_1029 {offsets = [0, 128], sizes = [512, 128], strides = [1, 1]} : vector<512x256xi32> to vector<512x128xi32>
    %min3A_1032 = arith.minsi %slice3A_1030, %slice3A_1031 : vector<512x128xi32>
    %reduce_min3A_1033 = arith.constant dense<2147483647> : vector<512xi32>
    %reduce_min3A_1034 = vector.multi_reduction <minsi>, %min3A_1032, %reduce_min3A_1033 [1] : vector<512x128xi32> to vector<512xi32>
    %broadcast_in_dim3A_1035 = vector.shape_cast %reduce_min3A_1034 : vector<512xi32> to vector<512x1xi32>
    %eq3A_1036 = arith.constant 2048 : i32
    %eq3A_1037 = vector.broadcast %eq3A_1036 : i32 to vector<512x1xi32>
    %eq3A_1038 = arith.cmpi eq, %broadcast_in_dim3A_1035, %eq3A_1037 : vector<512x1xi32>
    %select_n3A_1039 = arith.select %eq3A_1038, %broadcast_in_dim3A_50, %broadcast_in_dim3A_1035 : vector<512x1xi1>, vector<512x1xi32>
    %add3A_1040 = vector.broadcast %mul3A_37 : i32 to vector<512x1xi32>
    %add3A_1041 = arith.addi %select_n3A_1039, %add3A_1040 : vector<512x1xi32>
    %swap3A_1042 = arith.constant 0 : index
    %swap3A_1043 = arith.constant 0 : index
    %swap3A_1044 = arith.constant 31 : index
    %swap3A_1045 = vector.load %arg4[%swap3A_1042, %swap3A_1043, %swap3A_1044] : memref<1x512x32xi32, #tpu.memory_space<vmem>>, vector<1x512x1xi32>
    %swap3A_1046 = vector.shape_cast %swap3A_1045 : vector<1x512x1xi32> to vector<512x1xi32>
    %swap3A_1047 = vector.shape_cast %add3A_1041 : vector<512x1xi32> to vector<1x512x1xi32>
    tpu.vector_store %arg4[%swap3A_1042, %swap3A_1043, %swap3A_1044], %swap3A_1047 {strides = array<i32>} : memref<1x512x32xi32, #tpu.memory_space<vmem>>, vector<1x512x1xi32>,
    return
  }
  func.func @transform_0(%arg0: i32, %arg1: i32) -> (i32, i32, i32) {
    %c0_i32 = arith.constant 0 : i32
    %c0_i32_0 = arith.constant 0 : i32
    %c0_i32_1 = arith.constant 0 : i32
    %c0_i32_2 = arith.constant 0 : i32
    return %c0_i32, %c0_i32_0, %c0_i32_1 : i32, i32, i32
  }
  func.func @transform_1(%arg0: i32, %arg1: i32) -> (i32, i32, i32) {
    %add3A = arith.constant 4 : i32
    %add3A_0 = arith.addi %arg0, %add3A : i32
    %c0_i32 = arith.constant 0 : i32
    %c0_i32_1 = arith.constant 0 : i32
    return %add3A_0, %arg1, %c0_i32 : i32, i32, i32
  }
  func.func @transform_2(%arg0: i32, %arg1: i32) -> (i32, i32, i32) {
    %c0_i32 = arith.constant 0 : i32
    %c0_i32_0 = arith.constant 0 : i32
    return %arg0, %arg1, %c0_i32 : i32, i32, i32
  }
}

module attributes {stable_mosaic.version = 14 : i64} {
  func.func @_mlp_body(%arg0: i32, %arg1: memref<4096x64xf32, #tpu.memory_space<vmem>>, %arg2: memref<128x3xf32, #tpu.memory_space<vmem>>, %arg3: memref<3x64xf32, #tpu.memory_space<vmem>>, %arg4: memref<1x64xf32, #tpu.memory_space<vmem>>, %arg5: memref<64x64xf32, #tpu.memory_space<vmem>>, %arg6: memref<1x64xf32, #tpu.memory_space<vmem>>, %arg7: memref<64x128xf32, #tpu.memory_space<vmem>>, %arg8: memref<1x128xf32, #tpu.memory_space<vmem>>, %arg9: memref<128x128xf32, #tpu.memory_space<vmem>>) attributes {dimension_semantics = [#tpu.dimension_semantics<arbitrary>], iteration_bounds = array<i64: 16>, scalar_prefetch = 0 : i64, scratch_operands = 0 : i64, tpu.core_type = #tpu.core_type<tc>, window_params = [{transform_indices = @transform_0, window_bounds = array<i64: 4096, 64>}, {transform_indices = @transform_1, window_bounds = array<i64: 128, 3>}, {pipeline_mode = #tpu.pipeline_mode<synchronous>, transform_indices = @transform_2, window_bounds = array<i64: 3, 64>}, {pipeline_mode = #tpu.pipeline_mode<synchronous>, transform_indices = @transform_3, window_bounds = array<i64: 1, 64>}, {pipeline_mode = #tpu.pipeline_mode<synchronous>, transform_indices = @transform_4, window_bounds = array<i64: 64, 64>}, {pipeline_mode = #tpu.pipeline_mode<synchronous>, transform_indices = @transform_5, window_bounds = array<i64: 1, 64>}, {pipeline_mode = #tpu.pipeline_mode<synchronous>, transform_indices = @transform_6, window_bounds = array<i64: 64, 128>}, {pipeline_mode = #tpu.pipeline_mode<synchronous>, transform_indices = @transform_7, window_bounds = array<i64: 1, 128>}, {transform_indices = @transform_8, window_bounds = array<i64: 128, 128>}]} {
    %get3A = arith.constant 0 : index
    %get3A_0 = arith.constant 0 : index
    %get3A_1 = vector.load %arg1[%get3A, %get3A_0] : memref<4096x64xf32, #tpu.memory_space<vmem>>, vector<4096x64xf32>
    %get3A_2 = arith.constant 0 : index
    %get3A_3 = arith.constant 0 : index
    %get3A_4 = vector.load %arg2[%get3A_2, %get3A_3] : memref<128x3xf32, #tpu.memory_space<vmem>>, vector<128x3xf32>
    %get3A_5 = arith.constant 0 : index
    %get3A_6 = arith.constant 0 : index
    %get3A_7 = vector.load %arg3[%get3A_5, %get3A_6] : memref<3x64xf32, #tpu.memory_space<vmem>>, vector<3x64xf32>
    %dot_general3A = arith.constant dense<0.000000e+00> : vector<128x64xf32>
    %dot_general3A_8 = tpu.matmul %get3A_4, %get3A_7, %dot_general3A {dimension_numbers = #tpu.dot_dimension_numbers<[1], [0], [0], [1], [0, 0, 1, 1], [], []>, transpose_lhs_hint = false} : vector<128x3xf32>, vector<3x64xf32>, vector<128x64xf32> -> vector<128x64xf32>
    %get3A_9 = arith.constant 0 : index
    %get3A_10 = arith.constant 0 : index
    %get3A_11 = vector.load %arg4[%get3A_9, %get3A_10] : memref<1x64xf32, #tpu.memory_space<vmem>>, vector<1x64xf32>
    %sub3A = vector.broadcast %get3A_11 : vector<1x64xf32> to vector<128x64xf32>
    %sub3A_12 = arith.subf %dot_general3A_8, %sub3A : vector<128x64xf32>
    %reshape3A = vector.shape_cast %get3A_1 : vector<4096x64xf32> to vector<128x32x64xf32>
    %broadcast_in_dim3A = vector.shape_cast %sub3A_12 : vector<128x64xf32> to vector<128x1x64xf32>
    %sub3A_13 = vector.broadcast %broadcast_in_dim3A : vector<128x1x64xf32> to vector<128x32x64xf32>
    %sub3A_14 = arith.subf %reshape3A, %sub3A_13 : vector<128x32x64xf32>
    %reshape3A_15 = vector.shape_cast %sub3A_14 : vector<128x32x64xf32> to vector<4096x64xf32>
    %max3A = arith.constant 0.000000e+00 : f32
    %max3A_16 = vector.broadcast %max3A : f32 to vector<4096x64xf32>
    %max3A_17 = arith.maximumf %reshape3A_15, %max3A_16 : vector<4096x64xf32>
    %get3A_18 = arith.constant 0 : index
    %get3A_19 = arith.constant 0 : index
    %get3A_20 = vector.load %arg5[%get3A_18, %get3A_19] : memref<64x64xf32, #tpu.memory_space<vmem>>, vector<64x64xf32>
    %dot_general3A_21 = arith.constant dense<0.000000e+00> : vector<4096x64xf32>
    %dot_general3A_22 = tpu.matmul %max3A_17, %get3A_20, %dot_general3A_21 {dimension_numbers = #tpu.dot_dimension_numbers<[1], [0], [0], [1], [0, 0, 1, 1], [], []>, transpose_lhs_hint = false} : vector<4096x64xf32>, vector<64x64xf32>, vector<4096x64xf32> -> vector<4096x64xf32>
    %get3A_23 = arith.constant 0 : index
    %get3A_24 = arith.constant 0 : index
    %get3A_25 = vector.load %arg6[%get3A_23, %get3A_24] : memref<1x64xf32, #tpu.memory_space<vmem>>, vector<1x64xf32>
    %add3A = vector.broadcast %get3A_25 : vector<1x64xf32> to vector<4096x64xf32>
    %add3A_26 = arith.addf %dot_general3A_22, %add3A : vector<4096x64xf32>
    %max3A_27 = arith.constant 0.000000e+00 : f32
    %max3A_28 = vector.broadcast %max3A_27 : f32 to vector<4096x64xf32>
    %max3A_29 = arith.maximumf %add3A_26, %max3A_28 : vector<4096x64xf32>
    %get3A_30 = arith.constant 0 : index
    %get3A_31 = arith.constant 0 : index
    %get3A_32 = vector.load %arg7[%get3A_30, %get3A_31] : memref<64x128xf32, #tpu.memory_space<vmem>>, vector<64x128xf32>
    %dot_general3A_33 = arith.constant dense<0.000000e+00> : vector<4096x128xf32>
    %dot_general3A_34 = tpu.matmul %max3A_29, %get3A_32, %dot_general3A_33 {dimension_numbers = #tpu.dot_dimension_numbers<[1], [0], [0], [1], [0, 0, 1, 1], [], []>, transpose_lhs_hint = false} : vector<4096x64xf32>, vector<64x128xf32>, vector<4096x128xf32> -> vector<4096x128xf32>
    %get3A_35 = arith.constant 0 : index
    %get3A_36 = arith.constant 0 : index
    %get3A_37 = vector.load %arg8[%get3A_35, %get3A_36] : memref<1x128xf32, #tpu.memory_space<vmem>>, vector<1x128xf32>
    %add3A_38 = vector.broadcast %get3A_37 : vector<1x128xf32> to vector<4096x128xf32>
    %add3A_39 = arith.addf %dot_general3A_34, %add3A_38 : vector<4096x128xf32>
    %max3A_40 = arith.constant 0.000000e+00 : f32
    %max3A_41 = vector.broadcast %max3A_40 : f32 to vector<4096x128xf32>
    %max3A_42 = arith.maximumf %add3A_39, %max3A_41 : vector<4096x128xf32>
    %reshape3A_43 = vector.shape_cast %max3A_42 : vector<4096x128xf32> to vector<128x32x128xf32>
    %reduce_max3A = arith.constant dense<0xFF800000> : vector<128x128xf32>
    %reduce_max3A_44 = vector.multi_reduction <maximumf>, %reshape3A_43, %reduce_max3A [1] : vector<128x32x128xf32> to vector<128x128xf32>
    %swap3A = arith.constant 0 : index
    %swap3A_45 = arith.constant 0 : index
    %swap3A_46 = vector.load %arg9[%swap3A, %swap3A_45] : memref<128x128xf32, #tpu.memory_space<vmem>>, vector<128x128xf32>
    tpu.vector_store %arg9[%swap3A, %swap3A_45], %reduce_max3A_44 {strides = array<i32>} : memref<128x128xf32, #tpu.memory_space<vmem>>, vector<128x128xf32>,
    return
  }
  func.func @transform_0(%arg0: i32) -> (i32, i32) {
    %c0_i32 = arith.constant 0 : i32
    %c0_i32_0 = arith.constant 0 : i32
    return %arg0, %c0_i32 : i32, i32
  }
  func.func @transform_1(%arg0: i32) -> (i32, i32) {
    %c0_i32 = arith.constant 0 : i32
    %c0_i32_0 = arith.constant 0 : i32
    return %arg0, %c0_i32 : i32, i32
  }
  func.func @transform_2(%arg0: i32) -> (i32, i32) {
    %c0_i32 = arith.constant 0 : i32
    %c0_i32_0 = arith.constant 0 : i32
    %c0_i32_1 = arith.constant 0 : i32
    return %c0_i32, %c0_i32_0 : i32, i32
  }
  func.func @transform_3(%arg0: i32) -> (i32, i32) {
    %c0_i32 = arith.constant 0 : i32
    %c0_i32_0 = arith.constant 0 : i32
    %c0_i32_1 = arith.constant 0 : i32
    return %c0_i32, %c0_i32_0 : i32, i32
  }
  func.func @transform_4(%arg0: i32) -> (i32, i32) {
    %c0_i32 = arith.constant 0 : i32
    %c0_i32_0 = arith.constant 0 : i32
    %c0_i32_1 = arith.constant 0 : i32
    return %c0_i32, %c0_i32_0 : i32, i32
  }
  func.func @transform_5(%arg0: i32) -> (i32, i32) {
    %c0_i32 = arith.constant 0 : i32
    %c0_i32_0 = arith.constant 0 : i32
    %c0_i32_1 = arith.constant 0 : i32
    return %c0_i32, %c0_i32_0 : i32, i32
  }
  func.func @transform_6(%arg0: i32) -> (i32, i32) {
    %c0_i32 = arith.constant 0 : i32
    %c0_i32_0 = arith.constant 0 : i32
    %c0_i32_1 = arith.constant 0 : i32
    return %c0_i32, %c0_i32_0 : i32, i32
  }
  func.func @transform_7(%arg0: i32) -> (i32, i32) {
    %c0_i32 = arith.constant 0 : i32
    %c0_i32_0 = arith.constant 0 : i32
    %c0_i32_1 = arith.constant 0 : i32
    return %c0_i32, %c0_i32_0 : i32, i32
  }
  func.func @transform_8(%arg0: i32) -> (i32, i32) {
    %c0_i32 = arith.constant 0 : i32
    %c0_i32_0 = arith.constant 0 : i32
    return %arg0, %c0_i32 : i32, i32
  }
}

</mosaic_0001>

<sc_bundles>
// kernel: kernel.10.cloned.1.call-start
scs
__scs_entry_jumppad:
0x0: {  	(pc) =	sbr.rel $0x88, $3  }
0x1: {  	(tag) =	ssettag $0x0;
	lr =	simm.s32 $0x1  }
0x2: {  	[smem:$0x3F99] =	sst lr;
	_ =	strace $0xD0000000  }
0x3: {  	_ = 	snop  }
0x4: {  	_ = 	snop  }
0x5: {  	_ = 	snop  }
0x6: {  	_ = 	snop  }
0x7: {  	_ = 	snop  }
__scs_overlays_trampoline_lowered:
0x8: {  	[smem:$0x3FA8] =	sst s0  }
0x9: {  	[smem:$0x3FA9] =	sst s1  }
0xa: {  	[smem:$0x3FAA] =	sst s2  }
0xb: {  	[smem:$0x3FAB] =	sst s3  }
0xc: {  	[smem:$0x3FAC] =	sst s4  }
0xd: {  	[smem:$0x3FAD] =	sst s5  }
0xe: {  	[smem:$0x3FAE] =	sst s6  }
0xf: {  	[smem:$0x3FAF] =	sst s7  }
0x10: {  	[smem:$0x3FB0] =	sst s8  }
0x11: {  	[smem:$0x3FB1] =	sst s9;
	s0 =	simm.s32 @!p0 $0x0  }
0x12: {  	s1 =	sld [smem:$0x3F97];
	s0 =	simm.s32 @p0 $0x1  }
0x13: {  	[smem:$0x3FB2] =	sst s0;
	s0 =	simm.s32 @!p1 $0x0  }
0x14: {  	s2 =	sld [smem:$0x3F96];
	s0 =	simm.s32 @p1 $0x1  }
0x15: {  	[smem:$0x3FB3] =	sst s0;
	s0 =	simm.s32 @!p2 $0x0  }
0x16: {  	s3 =	sld [smem:$0x3FDB];
	s0 =	simm.s32 @p2 $0x1  }
0x17: {  	s4 =	simm.s32 $0x1BF5;
	[smem:$0x3FB5] =	sst s0  }
0x18: {  	s0 =	sld [smem:$0x3F98];
	_ =	swait.ge [sflag:s4], $0x0  }
0x19: {  	s7 =	sld [smem:$0x3F99]  }
0x1a: {  	s8 =	sadd.s32 $0xFFFFE003, lr  }
0x1b: {  	s9 =	sadd.s32 $0xFFFFFEF7, lr;
	s5 =	simm.s32 $0xFFFFFFFF;
	p2 =	slt.u32 s8, $0xFFFFF086  }
0x1c: {  	p1 =	slt.u32 s9, $0xF7A;
	s5 =	simm.s32 @!p2 $0x0  }
0x1d: {  	s5 =	simm.s32 @p1 $0x1;
	p0 =	seq.s32 s7, s2  }
0x1e: {  	s7 =	smul.u32 @!p0 $0xF7A, s2;
	p2 =	seq.s32 @!p0 s5, $0x0  }
0x1f: {  	s9 =	smul.u32 $0xF7A, s1;
	s8 =	simm.s32 @!p0 $0x1BF5;
	p2 =	por !p2, p0  }
0x20: {  	[sflag:s8] =	ssyncset.s32 @!p0 $0xFFFFF086;
	s6 =	sadd.s32 @!p0 s3, s7;
	s7 =	simm.s32 @!p0 $0x108  }
0x21: {  	s3 =	sadd.s32 s3, s9;
	s6 =	sadd.s32 @!p0 $0x88, s6;
	s7 =	simm.s32 @p2 $0x1082  }
0x22: {  	[simem:s7], [sflag:s8] =	dma.local @!p0 [hbm:s6], $0xF7A  }
0x23: {  	s9 =	sor.u32 $0xD0000000, s2;
	s6 =	simm.s32 $0x108;
	_ =	swait.ge @!p0 [sflag:s8], $0x0  }
0x24: {  	s3 =	sadd.s32 $0x88, s3;
	s6 =	simm.s32 @!p1 $0x1082;
	[sflag:s4] =	ssyncset.s32 $0xFFFFF086  }
0x25: {  	[simem:s6], [sflag:s4] =	dma.local [hbm:s3], $0xF7A  }
0x26: {  	[smem:$0x3F99] =	sst s1;
	(tag) =	ssettag s2;
	_ =	strace s9  }
0x27: {  	s1 =	sld [smem:$0x3FA9]  }
0x28: {  	s2 =	sld [smem:$0x3FAA]  }
0x29: {  	s4 =	sld [smem:$0x3FAC]  }
0x2a: {  	p0 =	seq.s32 s5, $0x0;
	s5 =	sld [smem:$0x3FAD]  }
0x2b: {  	s6 =	sld [smem:$0x3FAE]  }
0x2c: {  	s7 =	sld [smem:$0x3FAF]  }
0x2d: {  	s3 =	simm.s32 $0x108;
	s8 =	sld [smem:$0x3FB0]  }
0x2e: {  	s3 =	simm.s32 @!p0 $0x1082;
	s9 =	sld [smem:$0x3FB1]  }
0x2f: {  	lr =	sadd.s32 s0, s3;
	s0 =	sld [smem:$0x3FA8]  }
0x30: {  	s3 =	sld [smem:$0x3FAB]  }
0x31: {  	[smem:$0x3FB4] =	sst s10  }
0x32: {  	s10 =	sld [smem:$0x3FB2];
	_ =	sdelay $0x3  }
0x33: {  	p0 =	seq.s32 s10, $0x1;
	s10 =	sld [smem:$0x3FB4];
	_ =	sdelay $0x3  }
0x34: {  	[smem:$0x3FB4] =	sst s10  }
0x35: {  	s10 =	sld [smem:$0x3FB3];
	_ =	sdelay $0x3  }
0x36: {  	p1 =	seq.s32 s10, $0x1;
	s10 =	sld [smem:$0x3FB4];
	_ =	sdelay $0x3  }
0x37: {  	[smem:$0x3FB4] =	sst s10  }
0x38: {  	s10 =	sld [smem:$0x3FB5]  }
0x39: {  	_ = 	snop;
	(pc) =	sbr.ind lr, $3  }
0x3a: {  	_ = 	snop  }
0x3b: {  	_ = 	snop  }
0x3c: {  	p2 =	seq.s32 s10, $0x1;
	s10 =	sld [smem:$0x3FB4]  }
0x3d: {  	_ =	shalt  }
0x3e: {  	_ =	shalt  }
0x3f: {  	_ =	shalt  }
0x40: {  	_ =	shalt  }
0x41: {  	_ =	shalt  }
0x42: {  	_ =	shalt  }
0x43: {  	_ =	shalt  }
0x44: {  	_ =	shalt  }
0x45: {  	_ =	shalt  }
0x46: {  	_ =	shalt  }
0x47: {  	_ =	shalt  }
0x48: {  	_ =	shalt  }
0x49: {  	_ =	shalt  }
0x4a: {  	_ =	shalt  }
0x4b: {  	_ =	shalt  }
0x4c: {  	_ =	shalt  }
0x4d: {  	_ =	shalt  }
0x4e: {  	_ =	shalt  }
0x4f: {  	_ =	shalt  }
0x50: {  	_ =	shalt  }
0x51: {  	_ =	shalt  }
0x52: {  	_ =	shalt  }
0x53: {  	_ =	shalt  }
0x54: {  	_ =	shalt  }
0x55: {  	_ =	shalt  }
0x56: {  	_ =	shalt  }
0x57: {  	_ =	shalt  }
0x58: {  	_ =	shalt  }
0x59: {  	_ =	shalt  }
0x5a: {  	_ =	shalt  }
0x5b: {  	_ =	shalt  }
0x5c: {  	_ =	shalt  }
0x5d: {  	_ =	shalt  }
0x5e: {  	_ =	shalt  }
0x5f: {  	_ =	shalt  }
0x60: {  	_ =	shalt  }
0x61: {  	_ =	shalt  }
0x62: {  	_ =	shalt  }
0x63: {  	_ =	shalt  }
0x64: {  	_ =	shalt  }
0x65: {  	_ =	shalt  }
0x66: {  	_ =	shalt  }
0x67: {  	_ =	shalt  }
0x68: {  	_ =	shalt  }
0x69: {  	_ =	shalt  }
0x6a: {  	_ =	shalt  }
0x6b: {  	_ =	shalt  }
0x6c: {  	_ =	shalt  }
0x6d: {  	_ =	shalt  }
0x6e: {  	_ =	shalt  }
0x6f: {  	_ =	shalt  }
0x70: {  	_ =	shalt  }
0x71: {  	_ =	shalt  }
0x72: {  	_ =	shalt  }
0x73: {  	_ =	shalt  }
0x74: {  	_ =	shalt  }
0x75: {  	_ =	shalt  }
0x76: {  	_ =	shalt  }
0x77: {  	_ =	shalt  }
0x78: {  	_ =	shalt  }
0x79: {  	_ =	shalt  }
0x7a: {  	_ =	shalt  }
0x7b: {  	_ =	shalt  }
0x7c: {  	_ =	shalt  }
0x7d: {  	_ =	shalt  }
0x7e: {  	_ =	shalt  }
0x7f: {  	_ =	shalt  }
0x80: {  	_ =	shalt  }
0x81: {  	_ =	shalt  }
0x82: {  	_ =	shalt  }
0x83: {  	_ =	shalt  }
0x84: {  	_ =	shalt  }
0x85: {  	_ =	shalt  }
0x86: {  	_ =	shalt  }
0x87: {  	_ =	shalt  }
.Lfunc_end0:
.L_simem_size_0:
called_computation_lowered:
.L_overlay_start_0:
0x88: {  	s2 =	sld [smem:$0x3FD9]  }
0x89: {  	s3 =	sld [smem:$0x3FFE];
	_ =	sdelay $0x1  }
0x8a: {  	s1 =	srdreg.scid  }
0x8b: {  	s0 =	sand.u32 $0x1, s1  }
0x8c: {  	s16 =	sshll.u32 s0, $0xA;
	s2 =	sadd.s32 s3, s2  }
0x8d: {  	s2 =	sadd.s32 s2, s16  }
0x8e: {  	[smem:$0x3FC0] =	sst s2  }
0x8f: {  	_ = 	snop  }
0x90: {  	(tm) =	ssettm $0x1  }
0x91: {  	s17 =	sld [smem:$0x3FFB];
	_ =	sdelay $0x3  }
0x92: {  	_ =	strace s17  }
0x93: {  	s2 =	sld [smem:$0x3FFC];
	_ =	sdelay $0x3  }
0x94: {  	_ =	strace s2  }
0x95: {  	s2 =	sld [smem:$0x3FFD];
	_ =	sdelay $0x3  }
0x96: {  	_ =	strace s2  }
0x97: {  	_ =	strace $0x8FFFFFFF  }
0x98: {  	s18 =	sld [smem:$0x3FDB];
	_ =	sdelay $0x1  }
0x99: {  	s19 =	simm.s32 $_scs_section_size  }
0x9a: {  	s4 =	simm.s32 $_size__tile_overlayer_lowered;
	s5 =	simm.s32 $_tile_overlayer_lowered  }
0x9b: {  	s22 =	simm.s32 $0x1BFF;
	s21 =	sshll.u32 s5, $0x1;
	s2 =	sadd.s32 s19, s18  }
0x9c: {  	s6 =	simm.s32 $0x0;
	s20 =	sshll.u32 s4, $0x1;
	s4 =	sadd.s32 s21, s2  }
0x9d: {  	[timem:s6], [sflag:s22] =	dma.local [hbm:s4], s20  }
0x9e: {  	_ =	swait.ge [sflag:s22], s20  }
0x9f: {  	s3 =	ssub.s32 $0x0, s20;
	[sflag:s22] =	ssyncset.done $0x0  }
0xa0: {  	[sflag:s22] =	ssyncadd.s32 s3;
	_ =	sdelay $0x1  }
0xa1: {  	s23 =	simm.s32 $0x1B8B  }
0xa2: {  	_ =	swait.ge [sflag:s23], $0x1  }
0xa3: {  	[sflag:s23] =	ssyncset.done $0x0  }
0xa4: {  	s25 =	simm.s32 $0x1B8E;
	s24 =	sld [smem:$0x3FFE];
	[sflag:s23] =	ssyncadd.s32 $0xFFFFFFFF  }
0xa5: {  	s26 =	simm.s32 $execute0_lowered;
	[smem:$0x3FD2] =	sst s25  }
0xa6: {  	s4 =	sshll.u32 s26, $0x1;
	_ =	strace $0x80000046;
	[dreg:$0x1] =	wrdreg $0xFFFFFFFF  }
0xa7: {  	s28 =	simm.s32 $_size_execute0_lowered;
	s2 =	sadd.s32 s2, s4;
	[dreg:$0x0] =	wrdreg $0x0  }
0xa8: {  	s4 =	sshll.u32 s28, $0x1;
	[dreg:$0x2] =	wrdreg s2  }
0xa9: {  	[dreg:$0x3] =	wrdreg s4  }
0xaa: {  	[dreg:$0x4] =	wrdreg $0xC0  }
0xab: {  	_ =	task [dreg:s6], $0x5FFFF  }
0xac: {  	[dreg:$0x1] =	wrdreg $0xFFFFFFFF  }
0xad: {  	[dreg:$0x0] =	wrdreg $0x60  }
0xae: {  	[dreg:$0x2] =	wrdreg s24  }
0xaf: {  	[dreg:$0x3] =	wrdreg $0x9  }
0xb0: {  	_ =	task.clear_ibuf [dreg:s6], $0x4FFFF;
	_ =	strace $0x90000046  }
0xb1: {  	s29 =	simm.s32 $0x9;
	_ =	strace $0x80000048  }
0xb2: {  	_ =	swait.ge [sflag:s29], $0x1  }
0xb3: {  	[sflag:s29] =	ssyncadd.s32 $0xFFFFFFFF  }
0xb4: {  	_ =	strace $0x90000048  }
0xb5: {  	_ =	sfence  }
0xb6: {  	s30 =	sld [smem:$0x0];
	_ =	sdelay $0x2  }
0xb7: {  	s31 =	sshll.u32 s1, $0xD;
	s1 =	sshrl.u32 s1, $0x2  }
0xb8: {  	s3 =	sand.u32 $0x4000, s31;
	s1 =	sadd.s32 s1, s30  }
0xb9: {  	s0 =	sor.u32 s3, s0;
	s1 =	sshll.u32 s1, $0x11  }
0xba: {  	s0 =	sor.u32 s1, s0  }
0xbb: {  	s0 =	sadd.s32 $0x8F2B, s0  }
0xbc: {  	[sflag:s0] =	ssyncadd.remote.s32 $0x1  }
0xbd: {  	_ =	sfence.sel $0xFFFF  }
0xbe: {  	[dreg:$0x0] =	wrdreg $0xFFFFFFFF;
	(pc) =	sbr.abs _section_cstart, $3  }
0xbf: {  	[dreg:$0x1] =	wrdreg $0xFFFFFFFF  }
0xc0: {  	_ =	task.clear_ibuf [dreg:s6], $0x2FFFF;
	_ =	strace $0x9FFFFFFF  }
0xc1: {  	(tm) =	ssettm $0x7FFFFFFF  }
tec
execute0_lowered:
.L_overlay_start_1:
0x0: {  	(tag) =	ssettag $0x1  }
0x1: {  	s1 =	srdreg.scid  }
0x2: {  	s0 =	stileid.u32;
	s1 =	sand.u32 $0x1, s1  }
0x3: {  	s2 =	sshll.u32 s0, $0xC;
	s3 =	sshll.u32 s1, $0xB  }
0x4: {  	s3 =	sor.u32 s3, s2  }
0x5: {  	s4 =	rddreg [dreg:$0x0];
	s5 =	sshrl.u32 s3, $0x3  }
0x6: {  	s2 =	simm.s32 $0x0;
	s3 =	sshll.u32 s3, $0x3;
	s5 =	sadd.s32 s5, s4  }
0x7: {  	[smem:$0x7FF] =	sst s2;
	s30 =	sadd.s32 s3, s4;
	s16 =	sadd.s32 $0x41800, s5  }
0x8: {  	_ =	strace $0x80000047;
	s17 =	sadd.s32 $0x43800, s30;
	[dreg:$0x2] =	wrdreg s16  }
0x9: {  	s18 =	sadd.s32 $0x47000, s30;
	[dreg:$0x3] =	wrdreg s17  }
0xa: {  	s19 =	sadd.s32 $0x47400, s30;
	[dreg:$0x4] =	wrdreg s18  }
0xb: {  	s20 =	sadd.s32 $0x43C00, s30;
	[dreg:$0x5] =	wrdreg s19  }
0xc: {  	s21 =	sadd.s32 $0x44000, s30;
	[dreg:$0x6] =	wrdreg s20  }
0xd: {  	s22 =	sadd.s32 $0x44400, s30;
	[dreg:$0x7] =	wrdreg s21  }
0xe: {  	s23 =	sadd.s32 $0x44800, s30;
	[dreg:$0x8] =	wrdreg s22  }
0xf: {  	s24 =	sadd.s32 $0x44C00, s30;
	[dreg:$0x9] =	wrdreg s23  }
0x10: {  	s26 =	sadd.s32 $0x45000, s30;
	[dreg:$0xa] =	wrdreg s24  }
0x11: {  	[dreg:$0xb] =	wrdreg s26  }
0x12: {  	s3 =	simm.s32 $0x3;
	s25 =	rddreg [dreg:$0x2]  }
0x13: {  	[tilespmem:s2], [sflag:$0x3] =	stream.linear.gather [hbm4b:s25+s2], $0x800, $0x38;
	[tilespmem:$0x4800] =	vst v63  }
0x14: {  	_ =	swait.ge [sflag:s3], $0x800  }
0x15: {  	s6 =	simm.s32 $0x800;
	[sflag:s3] =	ssyncset.done $0x0  }
0x16: {  	s4 =	sadd.s32 $0x1800, s4;
	s5 =	simm.s32 $0x80;
	[sflag:s3] =	ssyncadd.s32 $0xFFFFF800  }
0x17: {  	[tilespmem:s6], [sflag:$0x1] =	stream.indirect.gather [hbm4b:s4+s5], $0x40, s2, s5, $0xb8;
	[tilespmem:$0x4800] =	vst v63  }
0x18: {  	s7 =	simm.s32 $0x2800;
	s8 =	simm.s32 $0x1  }
0x19: {  	[tilespmem:s7], [sflag:$0x2] =	stream.indirect.gather [hbm4b:s4+s5], $0x40, s5, s5, $0xb8;
	[tilespmem:$0x4800] =	vst v63  }
0x1a: {  	_ =	swait.ge [sflag:s8], $0x2000  }
0x1b: {  	[sflag:s8] =	ssyncset.done $0x0  }
0x1c: {  	s9 =	rddreg [dreg:$0x3];
	[sflag:s8] =	ssyncadd.s32 $0xFFFFE000  }
0x1d: {  	[hbm4b:s9+s2] =	stream.linear.scatter [tilespmem:s6], [sflag:$0x3], $0x2000, $0x38;
	[tilespmem:$0x4800] =	vst v63  }
0x1e: {  	_ =	swait.ge [sflag:s3], $0x2000  }
0x1f: {  	[sflag:s3] =	ssyncset.done $0x0  }
0x20: {  	s10 =	simm.s32 $0x2;
	s9 =	simm.s32 $0x100;
	[sflag:s3] =	ssyncadd.s32 $0xFFFFE000  }
0x21: {  	[tilespmem:s6], [sflag:$0x1] =	stream.indirect.gather [hbm4b:s4+s5], $0x40, s9, s5, $0xb8;
	[tilespmem:$0x4800] =	vst v63  }
0x22: {  	_ =	swait.ge [sflag:s10], $0x2000  }
0x23: {  	[sflag:s10] =	ssyncset.done $0x0  }
0x24: {  	s11 =	rddreg [dreg:$0x6];
	[sflag:s10] =	ssyncadd.s32 $0xFFFFE000  }
0x25: {  	[hbm4b:s11+s2] =	stream.linear.scatter [tilespmem:s7], [sflag:$0x3], $0x2000, $0x38;
	[tilespmem:$0x4800] =	vst v63  }
0x26: {  	_ =	swait.ge [sflag:s3], $0x2000  }
0x27: {  	[sflag:s3] =	ssyncset.done $0x0  }
0x28: {  	s11 =	simm.s32 $0x180;
	[sflag:s3] =	ssyncadd.s32 $0xFFFFE000  }
0x29: {  	[tilespmem:s7], [sflag:$0x2] =	stream.indirect.gather [hbm4b:s4+s5], $0x40, s11, s5, $0xb8;
	[tilespmem:$0x4800] =	vst v63  }
0x2a: {  	_ =	swait.ge [sflag:s8], $0x2000  }
0x2b: {  	[sflag:s8] =	ssyncset.done $0x0  }
0x2c: {  	s12 =	rddreg [dreg:$0x7];
	[sflag:s8] =	ssyncadd.s32 $0xFFFFE000  }
0x2d: {  	[hbm4b:s12+s2] =	stream.linear.scatter [tilespmem:s6], [sflag:$0x3], $0x2000, $0x38;
	[tilespmem:$0x4800] =	vst v63  }
0x2e: {  	_ =	swait.ge [sflag:s3], $0x2000  }
0x2f: {  	[sflag:s3] =	ssyncset.done $0x0  }
0x30: {  	s12 =	simm.s32 $0x200;
	[sflag:s3] =	ssyncadd.s32 $0xFFFFE000  }
0x31: {  	[tilespmem:s6], [sflag:$0x1] =	stream.indirect.gather [hbm4b:s4+s5], $0x40, s12, s5, $0xb8;
	[tilespmem:$0x4800] =	vst v63  }
0x32: {  	_ =	swait.ge [sflag:s10], $0x2000  }
0x33: {  	[sflag:s10] =	ssyncset.done $0x0  }
0x34: {  	s13 =	rddreg [dreg:$0x8];
	[sflag:s10] =	ssyncadd.s32 $0xFFFFE000  }
0x35: {  	[hbm4b:s13+s2] =	stream.linear.scatter [tilespmem:s7], [sflag:$0x3], $0x2000, $0x38;
	[tilespmem:$0x4800] =	vst v63  }
0x36: {  	_ =	swait.ge [sflag:s3], $0x2000  }
0x37: {  	[sflag:s3] =	ssyncset.done $0x0  }
0x38: {  	s13 =	simm.s32 $0x280;
	[sflag:s3] =	ssyncadd.s32 $0xFFFFE000  }
0x39: {  	[tilespmem:s7], [sflag:$0x2] =	stream.indirect.gather [hbm4b:s4+s5], $0x40, s13, s5, $0xb8;
	[tilespmem:$0x4800] =	vst v63  }
0x3a: {  	_ =	swait.ge [sflag:s8], $0x2000  }
0x3b: {  	[sflag:s8] =	ssyncset.done $0x0  }
0x3c: {  	s14 =	rddreg [dreg:$0x9];
	[sflag:s8] =	ssyncadd.s32 $0xFFFFE000  }
0x3d: {  	[hbm4b:s14+s2] =	stream.linear.scatter [tilespmem:s6], [sflag:$0x3], $0x2000, $0x38;
	[tilespmem:$0x4800] =	vst v63  }
0x3e: {  	_ =	swait.ge [sflag:s3], $0x2000  }
0x3f: {  	[sflag:s3] =	ssyncset.done $0x0  }
0x40: {  	s14 =	simm.s32 $0x300;
	[sflag:s3] =	ssyncadd.s32 $0xFFFFE000  }
0x41: {  	[tilespmem:s6], [sflag:$0x1] =	stream.indirect.gather [hbm4b:s4+s5], $0x40, s14, s5, $0xb8;
	[tilespmem:$0x4800] =	vst v63  }
0x42: {  	_ =	swait.ge [sflag:s10], $0x2000  }
0x43: {  	[sflag:s10] =	ssyncset.done $0x0  }
0x44: {  	s15 =	rddreg [dreg:$0xa];
	[sflag:s10] =	ssyncadd.s32 $0xFFFFE000  }
0x45: {  	[hbm4b:s15+s2] =	stream.linear.scatter [tilespmem:s7], [sflag:$0x3], $0x2000, $0x38;
	[tilespmem:$0x4800] =	vst v63  }
0x46: {  	_ =	swait.ge [sflag:s3], $0x2000  }
0x47: {  	[sflag:s3] =	ssyncset.done $0x0  }
0x48: {  	s15 =	simm.s32 $0x380;
	[sflag:s3] =	ssyncadd.s32 $0xFFFFE000  }
0x49: {  	[tilespmem:s7], [sflag:$0x2] =	stream.indirect.gather [hbm4b:s4+s5], $0x40, s15, s5, $0xb8;
	[tilespmem:$0x4800] =	vst v63  }
0x4a: {  	_ =	swait.ge [sflag:s8], $0x2000  }
0x4b: {  	[sflag:s8] =	ssyncset.done $0x0  }
0x4c: {  	s16 =	rddreg [dreg:$0xb];
	[sflag:s8] =	ssyncadd.s32 $0xFFFFE000  }
0x4d: {  	[hbm4b:s16+s2] =	stream.linear.scatter [tilespmem:s6], [sflag:$0x3], $0x2000, $0x38;
	[tilespmem:$0x4800] =	vst v63  }
0x4e: {  	_ =	swait.ge [sflag:s3], $0x2000  }
0x4f: {  	[sflag:s3] =	ssyncset.done $0x0  }
0x50: {  	s16 =	simm.s32 $0x400;
	[sflag:s3] =	ssyncadd.s32 $0xFFFFE000  }
0x51: {  	[tilespmem:s6], [sflag:$0x1] =	stream.indirect.gather [hbm4b:s4+s5], $0x40, s16, s5, $0xb8;
	[tilespmem:$0x4800] =	vst v63  }
0x52: {  	_ =	swait.ge [sflag:s10], $0x2000  }
0x53: {  	[sflag:s10] =	ssyncset.done $0x0  }
0x54: {  	s17 =	sadd.s32 $0x45400, s30;
	[sflag:s10] =	ssyncadd.s32 $0xFFFFE000  }
0x55: {  	[hbm4b:s17+s2] =	stream.linear.scatter [tilespmem:s7], [sflag:$0x3], $0x2000, $0x38;
	[tilespmem:$0x4800] =	vst v63  }
0x56: {  	_ =	swait.ge [sflag:s3], $0x2000  }
0x57: {  	[sflag:s3] =	ssyncset.done $0x0  }
0x58: {  	s18 =	simm.s32 $0x480;
	[sflag:s3] =	ssyncadd.s32 $0xFFFFE000  }
0x59: {  	[tilespmem:s7], [sflag:$0x2] =	stream.indirect.gather [hbm4b:s4+s5], $0x40, s18, s5, $0xb8;
	[tilespmem:$0x4800] =	vst v63  }
0x5a: {  	_ =	swait.ge [sflag:s8], $0x2000  }
0x5b: {  	[sflag:s8] =	ssyncset.done $0x0  }
0x5c: {  	s19 =	sadd.s32 $0x45800, s30;
	[sflag:s8] =	ssyncadd.s32 $0xFFFFE000  }
0x5d: {  	[hbm4b:s19+s2] =	stream.linear.scatter [tilespmem:s6], [sflag:$0x3], $0x2000, $0x38;
	[tilespmem:$0x4800] =	vst v63  }
0x5e: {  	_ =	swait.ge [sflag:s3], $0x2000  }
0x5f: {  	[sflag:s3] =	ssyncset.done $0x0  }
0x60: {  	s20 =	simm.s32 $0x500;
	[sflag:s3] =	ssyncadd.s32 $0xFFFFE000  }
0x61: {  	[tilespmem:s6], [sflag:$0x1] =	stream.indirect.gather [hbm4b:s4+s5], $0x40, s20, s5, $0xb8;
	[tilespmem:$0x4800] =	vst v63  }
0x62: {  	_ =	swait.ge [sflag:s10], $0x2000  }
0x63: {  	[sflag:s10] =	ssyncset.done $0x0  }
0x64: {  	s21 =	sadd.s32 $0x45C00, s30;
	[sflag:s10] =	ssyncadd.s32 $0xFFFFE000  }
0x65: {  	[hbm4b:s21+s2] =	stream.linear.scatter [tilespmem:s7], [sflag:$0x3], $0x2000, $0x38;
	[tilespmem:$0x4800] =	vst v63  }
0x66: {  	_ =	swait.ge [sflag:s3], $0x2000  }
0x67: {  	[sflag:s3] =	ssyncset.done $0x0  }
0x68: {  	s22 =	simm.s32 $0x580;
	[sflag:s3] =	ssyncadd.s32 $0xFFFFE000  }
0x69: {  	[tilespmem:s7], [sflag:$0x2] =	stream.indirect.gather [hbm4b:s4+s5], $0x40, s22, s5, $0xb8;
	[tilespmem:$0x4800] =	vst v63  }
0x6a: {  	_ =	swait.ge [sflag:s8], $0x2000  }
0x6b: {  	[sflag:s8] =	ssyncset.done $0x0  }
0x6c: {  	s23 =	sadd.s32 $0x46000, s30;
	[sflag:s8] =	ssyncadd.s32 $0xFFFFE000  }
0x6d: {  	[hbm4b:s23+s2] =	stream.linear.scatter [tilespmem:s6], [sflag:$0x3], $0x2000, $0x38;
	[tilespmem:$0x4800] =	vst v63  }
0x6e: {  	_ =	swait.ge [sflag:s3], $0x2000  }
0x6f: {  	[sflag:s3] =	ssyncset.done $0x0  }
0x70: {  	s24 =	simm.s32 $0x600;
	[sflag:s3] =	ssyncadd.s32 $0xFFFFE000  }
0x71: {  	[tilespmem:s6], [sflag:$0x1] =	stream.indirect.gather [hbm4b:s4+s5], $0x40, s24, s5, $0xb8;
	[tilespmem:$0x4800] =	vst v63  }
0x72: {  	_ =	swait.ge [sflag:s10], $0x2000  }
0x73: {  	[sflag:s10] =	ssyncset.done $0x0  }
0x74: {  	s25 =	sadd.s32 $0x46400, s30;
	[sflag:s10] =	ssyncadd.s32 $0xFFFFE000  }
0x75: {  	[hbm4b:s25+s2] =	stream.linear.scatter [tilespmem:s7], [sflag:$0x3], $0x2000, $0x38;
	[tilespmem:$0x4800] =	vst v63  }
0x76: {  	_ =	swait.ge [sflag:s3], $0x2000  }
0x77: {  	[sflag:s3] =	ssyncset.done $0x0  }
0x78: {  	s26 =	simm.s32 $0x680;
	[sflag:s3] =	ssyncadd.s32 $0xFFFFE000  }
0x79: {  	[tilespmem:s7], [sflag:$0x2] =	stream.indirect.gather [hbm4b:s4+s5], $0x40, s26, s5, $0xb8;
	[tilespmem:$0x4800] =	vst v63  }
0x7a: {  	_ =	swait.ge [sflag:s8], $0x2000  }
0x7b: {  	[sflag:s8] =	ssyncset.done $0x0  }
0x7c: {  	s28 =	sadd.s32 $0x46800, s30;
	[sflag:s8] =	ssyncadd.s32 $0xFFFFE000  }
0x7d: {  	[hbm4b:s28+s2] =	stream.linear.scatter [tilespmem:s6], [sflag:$0x3], $0x2000, $0x38;
	[tilespmem:$0x4800] =	vst v63  }
0x7e: {  	_ =	swait.ge [sflag:s3], $0x2000  }
0x7f: {  	[sflag:s3] =	ssyncset.done $0x0  }
0x80: {  	s29 =	simm.s32 $0x700;
	[sflag:s3] =	ssyncadd.s32 $0xFFFFE000  }
0x81: {  	[tilespmem:s6], [sflag:$0x1] =	stream.indirect.gather [hbm4b:s4+s5], $0x40, s29, s5, $0xb8;
	[tilespmem:$0x4800] =	vst v63  }
0x82: {  	_ =	swait.ge [sflag:s10], $0x2000  }
0x83: {  	[sflag:s10] =	ssyncset.done $0x0  }
0x84: {  	s30 =	sadd.s32 $0x46C00, s30;
	[sflag:s10] =	ssyncadd.s32 $0xFFFFE000  }
0x85: {  	[hbm4b:s30+s2] =	stream.linear.scatter [tilespmem:s7], [sflag:$0x3], $0x2000, $0x38;
	[tilespmem:$0x4800] =	vst v63  }
0x86: {  	_ =	swait.ge [sflag:s3], $0x2000  }
0x87: {  	[sflag:s3] =	ssyncset.done $0x0  }
0x88: {  	s31 =	simm.s32 $0x780;
	[sflag:s3] =	ssyncadd.s32 $0xFFFFE000  }
0x89: {  	[tilespmem:s7], [sflag:$0x2] =	stream.indirect.gather [hbm4b:s4+s5], $0x40, s31, s5, $0xb8;
	[tilespmem:$0x4800] =	vst v63  }
0x8a: {  	_ =	swait.ge [sflag:s8], $0x2000  }
0x8b: {  	[sflag:s8] =	ssyncset.done $0x0  }
0x8c: {  	s0 =	rddreg [dreg:$0x4];
	[sflag:s8] =	ssyncadd.s32 $0xFFFFE000  }
0x8d: {  	[hbm4b:s0+s2] =	stream.linear.scatter [tilespmem:s6], [sflag:$0x3], $0x2000, $0x38;
	[tilespmem:$0x4800] =	vst v63  }
0x8e: {  	_ =	swait.ge [sflag:s3], $0x2000  }
0x8f: {  	[sflag:s3] =	ssyncset.done $0x0  }
0x90: {  	[sflag:s3] =	ssyncadd.s32 $0xFFFFE000  }
0x91: {  	_ =	swait.ge [sflag:s10], $0x2000  }
0x92: {  	s0 =	ssub.s32 $0x2, s1;
	s1 =	rddreg [dreg:$0x5]  }
0x93: {  	[dreg:$0xc] =	wrdreg s1;
	s1 =	sshrl.u32 s0, $0x1  }
0x94: {  	s0 =	ssub.s32 s0, s1  }
0x95: {  	s0 =	smax.u32 s0, $0x1  }
0x96: {  	p0 =	sne.s32 s0, $0x1  }
.Ltmp0:
0x97: {  	_ = 	snop;
	(pc) =	sbr.rel @!p0 .LBB2_2-.Ltmp0, $4  }
0x98: {  	[sflag:s10] =	ssyncset.done $0x0  }
0x99: {  	[sflag:s10] =	ssyncadd.s32 $0xFFFFE000;
	s1 =	rddreg [dreg:$0xc]  }
0x9a: {  	[hbm4b:s1+s2] =	stream.linear.scatter [tilespmem:s7], [sflag:$0x3], $0x2000, $0x38;
	[tilespmem:$0x4800] =	vst v63  }
0x9b: {  	s1 =	sadd.s32 $0xFFFFFFFF, s0;
	_ =	swait.ge [sflag:s3], $0x2000  }
.LBB2_1:
0x9c: {  	[sflag:s3] =	ssyncset.done $0x0  }
0x9d: {  	s0 =	rddreg [dreg:$0x2];
	[sflag:s3] =	ssyncadd.s32 $0xFFFFE000  }
0x9e: {  	[tilespmem:s2], [sflag:$0x3] =	stream.linear.gather [hbm4b:s0+s2], $0x800, $0x38;
	[tilespmem:$0x4800] =	vst v63  }
0x9f: {  	_ =	swait.ge [sflag:s3], $0x800  }
0xa0: {  	[sflag:s3] =	ssyncset.done $0x0  }
0xa1: {  	[sflag:s3] =	ssyncadd.s32 $0xFFFFF800  }
0xa2: {  	[tilespmem:s6], [sflag:$0x1] =	stream.indirect.gather [hbm4b:s4+s5], $0x40, s2, s5, $0xb8;
	[tilespmem:$0x4800] =	vst v63  }
0xa3: {  	_ = 	snop  }
0xa4: {  	[tilespmem:s7], [sflag:$0x2] =	stream.indirect.gather [hbm4b:s4+s5], $0x40, s5, s5, $0xb8;
	[tilespmem:$0x4800] =	vst v63  }
0xa5: {  	_ =	swait.ge [sflag:s8], $0x2000  }
0xa6: {  	[sflag:s8] =	ssyncset.done $0x0  }
0xa7: {  	s0 =	rddreg [dreg:$0x3];
	[sflag:s8] =	ssyncadd.s32 $0xFFFFE000  }
0xa8: {  	[hbm4b:s0+s2] =	stream.linear.scatter [tilespmem:s6], [sflag:$0x3], $0x2000, $0x38;
	[tilespmem:$0x4800] =	vst v63  }
0xa9: {  	_ =	swait.ge [sflag:s3], $0x2000  }
0xaa: {  	[sflag:s3] =	ssyncset.done $0x0  }
0xab: {  	[sflag:s3] =	ssyncadd.s32 $0xFFFFE000  }
0xac: {  	[tilespmem:s6], [sflag:$0x1] =	stream.indirect.gather [hbm4b:s4+s5], $0x40, s9, s5, $0xb8;
	[tilespmem:$0x4800] =	vst v63  }
0xad: {  	_ =	swait.ge [sflag:s10], $0x2000  }
0xae: {  	[sflag:s10] =	ssyncset.done $0x0  }
0xaf: {  	s0 =	rddreg [dreg:$0x6];
	[sflag:s10] =	ssyncadd.s32 $0xFFFFE000  }
0xb0: {  	[hbm4b:s0+s2] =	stream.linear.scatter [tilespmem:s7], [sflag:$0x3], $0x2000, $0x38;
	[tilespmem:$0x4800] =	vst v63  }
0xb1: {  	_ =	swait.ge [sflag:s3], $0x2000  }
0xb2: {  	[sflag:s3] =	ssyncset.done $0x0  }
0xb3: {  	[sflag:s3] =	ssyncadd.s32 $0xFFFFE000  }
0xb4: {  	[tilespmem:s7], [sflag:$0x2] =	stream.indirect.gather [hbm4b:s4+s5], $0x40, s11, s5, $0xb8;
	[tilespmem:$0x4800] =	vst v63  }
0xb5: {  	_ =	swait.ge [sflag:s8], $0x2000  }
0xb6: {  	[sflag:s8] =	ssyncset.done $0x0  }
0xb7: {  	s0 =	rddreg [dreg:$0x7];
	[sflag:s8] =	ssyncadd.s32 $0xFFFFE000  }
0xb8: {  	[hbm4b:s0+s2] =	stream.linear.scatter [tilespmem:s6], [sflag:$0x3], $0x2000, $0x38;
	[tilespmem:$0x4800] =	vst v63  }
0xb9: {  	_ =	swait.ge [sflag:s3], $0x2000  }
0xba: {  	[sflag:s3] =	ssyncset.done $0x0  }
0xbb: {  	[sflag:s3] =	ssyncadd.s32 $0xFFFFE000  }
0xbc: {  	[tilespmem:s6], [sflag:$0x1] =	stream.indirect.gather [hbm4b:s4+s5], $0x40, s12, s5, $0xb8;
	[tilespmem:$0x4800] =	vst v63  }
0xbd: {  	_ =	swait.ge [sflag:s10], $0x2000  }
0xbe: {  	[sflag:s10] =	ssyncset.done $0x0  }
0xbf: {  	s0 =	rddreg [dreg:$0x8];
	[sflag:s10] =	ssyncadd.s32 $0xFFFFE000  }
0xc0: {  	[hbm4b:s0+s2] =	stream.linear.scatter [tilespmem:s7], [sflag:$0x3], $0x2000, $0x38;
	[tilespmem:$0x4800] =	vst v63  }
0xc1: {  	_ =	swait.ge [sflag:s3], $0x2000  }
0xc2: {  	[sflag:s3] =	ssyncset.done $0x0  }
0xc3: {  	[sflag:s3] =	ssyncadd.s32 $0xFFFFE000  }
0xc4: {  	[tilespmem:s7], [sflag:$0x2] =	stream.indirect.gather [hbm4b:s4+s5], $0x40, s13, s5, $0xb8;
	[tilespmem:$0x4800] =	vst v63  }
0xc5: {  	_ =	swait.ge [sflag:s8], $0x2000  }
0xc6: {  	[sflag:s8] =	ssyncset.done $0x0  }
0xc7: {  	s0 =	rddreg [dreg:$0x9];
	[sflag:s8] =	ssyncadd.s32 $0xFFFFE000  }
0xc8: {  	[hbm4b:s0+s2] =	stream.linear.scatter [tilespmem:s6], [sflag:$0x3], $0x2000, $0x38;
	[tilespmem:$0x4800] =	vst v63  }
0xc9: {  	_ =	swait.ge [sflag:s3], $0x2000  }
0xca: {  	[sflag:s3] =	ssyncset.done $0x0  }
0xcb: {  	[sflag:s3] =	ssyncadd.s32 $0xFFFFE000  }
0xcc: {  	[tilespmem:s6], [sflag:$0x1] =	stream.indirect.gather [hbm4b:s4+s5], $0x40, s14, s5, $0xb8;
	[tilespmem:$0x4800] =	vst v63  }
0xcd: {  	_ =	swait.ge [sflag:s10], $0x2000  }
0xce: {  	[sflag:s10] =	ssyncset.done $0x0  }
0xcf: {  	s0 =	rddreg [dreg:$0xa];
	[sflag:s10] =	ssyncadd.s32 $0xFFFFE000  }
0xd0: {  	[hbm4b:s0+s2] =	stream.linear.scatter [tilespmem:s7], [sflag:$0x3], $0x2000, $0x38;
	[tilespmem:$0x4800] =	vst v63  }
0xd1: {  	_ =	swait.ge [sflag:s3], $0x2000  }
0xd2: {  	[sflag:s3] =	ssyncset.done $0x0  }
0xd3: {  	[sflag:s3] =	ssyncadd.s32 $0xFFFFE000  }
0xd4: {  	[tilespmem:s7], [sflag:$0x2] =	stream.indirect.gather [hbm4b:s4+s5], $0x40, s15, s5, $0xb8;
	[tilespmem:$0x4800] =	vst v63  }
0xd5: {  	_ =	swait.ge [sflag:s8], $0x2000  }
0xd6: {  	[sflag:s8] =	ssyncset.done $0x0  }
0xd7: {  	s0 =	rddreg [dreg:$0xb];
	[sflag:s8] =	ssyncadd.s32 $0xFFFFE000  }
0xd8: {  	[hbm4b:s0+s2] =	stream.linear.scatter [tilespmem:s6], [sflag:$0x3], $0x2000, $0x38;
	[tilespmem:$0x4800] =	vst v63  }
0xd9: {  	_ =	swait.ge [sflag:s3], $0x2000  }
0xda: {  	[sflag:s3] =	ssyncset.done $0x0  }
0xdb: {  	[sflag:s3] =	ssyncadd.s32 $0xFFFFE000  }
0xdc: {  	[tilespmem:s6], [sflag:$0x1] =	stream.indirect.gather [hbm4b:s4+s5], $0x40, s16, s5, $0xb8;
	[tilespmem:$0x4800] =	vst v63  }
0xdd: {  	_ =	swait.ge [sflag:s10], $0x2000  }
0xde: {  	[sflag:s10] =	ssyncset.done $0x0  }
0xdf: {  	[sflag:s10] =	ssyncadd.s32 $0xFFFFE000  }
0xe0: {  	[hbm4b:s17+s2] =	stream.linear.scatter [tilespmem:s7], [sflag:$0x3], $0x2000, $0x38;
	[tilespmem:$0x4800] =	vst v63  }
0xe1: {  	_ =	swait.ge [sflag:s3], $0x2000  }
0xe2: {  	[sflag:s3] =	ssyncset.done $0x0  }
0xe3: {  	[sflag:s3] =	ssyncadd.s32 $0xFFFFE000  }
0xe4: {  	[tilespmem:s7], [sflag:$0x2] =	stream.indirect.gather [hbm4b:s4+s5], $0x40, s18, s5, $0xb8;
	[tilespmem:$0x4800] =	vst v63  }
0xe5: {  	_ =	swait.ge [sflag:s8], $0x2000  }
0xe6: {  	[sflag:s8] =	ssyncset.done $0x0  }
0xe7: {  	[sflag:s8] =	ssyncadd.s32 $0xFFFFE000  }
0xe8: {  	[hbm4b:s19+s2] =	stream.linear.scatter [tilespmem:s6], [sflag:$0x3], $0x2000, $0x38;
	[tilespmem:$0x4800] =	vst v63  }
0xe9: {  	_ =	swait.ge [sflag:s3], $0x2000  }
0xea: {  	[sflag:s3] =	ssyncset.done $0x0  }
0xeb: {  	[sflag:s3] =	ssyncadd.s32 $0xFFFFE000  }
0xec: {  	[tilespmem:s6], [sflag:$0x1] =	stream.indirect.gather [hbm4b:s4+s5], $0x40, s20, s5, $0xb8;
	[tilespmem:$0x4800] =	vst v63  }
0xed: {  	_ =	swait.ge [sflag:s10], $0x2000  }
0xee: {  	[sflag:s10] =	ssyncset.done $0x0  }
0xef: {  	[sflag:s10] =	ssyncadd.s32 $0xFFFFE000  }
0xf0: {  	[hbm4b:s21+s2] =	stream.linear.scatter [tilespmem:s7], [sflag:$0x3], $0x2000, $0x38;
	[tilespmem:$0x4800] =	vst v63  }
0xf1: {  	_ =	swait.ge [sflag:s3], $0x2000  }
0xf2: {  	[sflag:s3] =	ssyncset.done $0x0  }
0xf3: {  	[sflag:s3] =	ssyncadd.s32 $0xFFFFE000  }
0xf4: {  	[tilespmem:s7], [sflag:$0x2] =	stream.indirect.gather [hbm4b:s4+s5], $0x40, s22, s5, $0xb8;
	[tilespmem:$0x4800] =	vst v63  }
0xf5: {  	_ =	swait.ge [sflag:s8], $0x2000  }
0xf6: {  	[sflag:s8] =	ssyncset.done $0x0  }
0xf7: {  	[sflag:s8] =	ssyncadd.s32 $0xFFFFE000  }
0xf8: {  	[hbm4b:s23+s2] =	stream.linear.scatter [tilespmem:s6], [sflag:$0x3], $0x2000, $0x38;
	[tilespmem:$0x4800] =	vst v63  }
0xf9: {  	_ =	swait.ge [sflag:s3], $0x2000  }
0xfa: {  	[sflag:s3] =	ssyncset.done $0x0  }
0xfb: {  	[sflag:s3] =	ssyncadd.s32 $0xFFFFE000  }
0xfc: {  	[tilespmem:s6], [sflag:$0x1] =	stream.indirect.gather [hbm4b:s4+s5], $0x40, s24, s5, $0xb8;
	[tilespmem:$0x4800] =	vst v63  }
0xfd: {  	_ =	swait.ge [sflag:s10], $0x2000  }
0xfe: {  	[sflag:s10] =	ssyncset.done $0x0  }
0xff: {  	[sflag:s10] =	ssyncadd.s32 $0xFFFFE000  }
0x100: {  	[hbm4b:s25+s2] =	stream.linear.scatter [tilespmem:s7], [sflag:$0x3], $0x2000, $0x38;
	[tilespmem:$0x4800] =	vst v63  }
0x101: {  	_ =	swait.ge [sflag:s3], $0x2000  }
0x102: {  	[sflag:s3] =	ssyncset.done $0x0  }
0x103: {  	[sflag:s3] =	ssyncadd.s32 $0xFFFFE000  }
0x104: {  	[tilespmem:s7], [sflag:$0x2] =	stream.indirect.gather [hbm4b:s4+s5], $0x40, s26, s5, $0xb8;
	[tilespmem:$0x4800] =	vst v63  }
0x105: {  	_ =	swait.ge [sflag:s8], $0x2000  }
0x106: {  	[sflag:s8] =	ssyncset.done $0x0  }
0x107: {  	[sflag:s8] =	ssyncadd.s32 $0xFFFFE000  }
0x108: {  	[hbm4b:s28+s2] =	stream.linear.scatter [tilespmem:s6], [sflag:$0x3], $0x2000, $0x38;
	[tilespmem:$0x4800] =	vst v63  }
0x109: {  	_ =	swait.ge [sflag:s3], $0x2000  }
0x10a: {  	[sflag:s3] =	ssyncset.done $0x0  }
0x10b: {  	[sflag:s3] =	ssyncadd.s32 $0xFFFFE000  }
0x10c: {  	[tilespmem:s6], [sflag:$0x1] =	stream.indirect.gather [hbm4b:s4+s5], $0x40, s29, s5, $0xb8;
	[tilespmem:$0x4800] =	vst v63  }
0x10d: {  	_ =	swait.ge [sflag:s10], $0x2000  }
0x10e: {  	[sflag:s10] =	ssyncset.done $0x0  }
0x10f: {  	[sflag:s10] =	ssyncadd.s32 $0xFFFFE000  }
0x110: {  	[hbm4b:s30+s2] =	stream.linear.scatter [tilespmem:s7], [sflag:$0x3], $0x2000, $0x38;
	[tilespmem:$0x4800] =	vst v63  }
0x111: {  	_ =	swait.ge [sflag:s3], $0x2000  }
0x112: {  	[sflag:s3] =	ssyncset.done $0x0  }
0x113: {  	[sflag:s3] =	ssyncadd.s32 $0xFFFFE000  }
0x114: {  	[tilespmem:s7], [sflag:$0x2] =	stream.indirect.gather [hbm4b:s4+s5], $0x40, s31, s5, $0xb8;
	[tilespmem:$0x4800] =	vst v63  }
0x115: {  	_ =	swait.ge [sflag:s8], $0x2000  }
0x116: {  	[sflag:s8] =	ssyncset.done $0x0  }
0x117: {  	s0 =	rddreg [dreg:$0x4];
	[sflag:s8] =	ssyncadd.s32 $0xFFFFE000  }
0x118: {  	[hbm4b:s0+s2] =	stream.linear.scatter [tilespmem:s6], [sflag:$0x3], $0x2000, $0x38;
	[tilespmem:$0x4800] =	vst v63  }
0x119: {  	_ =	swait.ge [sflag:s3], $0x2000  }
0x11a: {  	[sflag:s3] =	ssyncset.done $0x0  }
0x11b: {  	p0 =	sne.s32 s1, $0x1;
	[sflag:s3] =	ssyncadd.s32 $0xFFFFE000  }
.Ltmp1:
0x11c: {  	_ =	swait.ge [sflag:s10], $0x2000;
	(pc) =	sbr.rel @p0 .LBB2_1-.Ltmp1, $4  }
0x11d: {  	[sflag:s10] =	ssyncset.done $0x0  }
0x11e: {  	s0 =	rddreg [dreg:$0x5];
	[sflag:s10] =	ssyncadd.s32 $0xFFFFE000  }
0x11f: {  	[hbm4b:s0+s2] =	stream.linear.scatter [tilespmem:s7], [sflag:$0x3], $0x2000, $0x38;
	[tilespmem:$0x4800] =	vst v63  }
0x120: {  	s1 =	sadd.s32 $0xFFFFFFFF, s1;
	_ =	swait.ge [sflag:s3], $0x2000  }
.LBB2_2:
0x121: {  	[sflag:s3] =	ssyncset.done $0x0  }
0x122: {  	[sflag:s3] =	ssyncadd.s32 $0xFFFFE000  }
0x123: {  	_ =	sfence.sel $0x180000  }
0x124: {  	[bflag:$0x0] =	sbarrier.arrive $0xFFFF  }
0x125: {  	_ =	strace $0x90000047  }
0x126: {  	s0 =	stileid.u32;
	[bflag:$0x2] =	sbarrier.arrive $0xFFFF  }
0x127: {  	p0 =	sne.s32 s0, $0x0;
	s0 =	rddreg [dreg:$0x1]  }
0x128: {  	s0 =	sadd.s32 @!p0 $0x100000, s0  }
0x129: {  	[sflag:s0] =	ssyncadd.tile.s32 @!p0 $0x1;
	_ =	shalt  }
.Lfunc_end2:
_tile_overlayer_lowered:
.L_overlay_start_2:
0x12a: {  	(tag) =	ssettag $0x2  }
0x12b: {  	s0 =	rddreg [dreg:$0x0];
	s2 =	stileid.u32  }
0x12c: {  	s1 =	rddreg [dreg:$0x1];
	p0 =	sne.s32 s2, $0x0  }
0x12d: {  	s3 =	rddreg [dreg:$0x2];
	[bflag:$0x3] =	sbarrier.arrive $0xFFFF;
	s2 =	simm.s32 @!p0 $0x1C03  }
0x12e: {  	[timem:s3], [sflag:s2] =	dma.local @!p0 [hbm:s0], s1  }
0x12f: {  	s0 =	simm.s32 @!p0 $0x3  }
0x130: {  	_ =	swait.ge @!p0 [sflag:s0], s1  }
0x131: {  	s1 =	ssub.s32 @!p0 $0x0, s1;
	[sflag:s0] =	ssyncset.done @!p0 $0x0  }
0x132: {  	[sflag:s0] =	ssyncadd.s32 @!p0 s1  }
0x133: {  	[bflag:$0x3] =	sbarrier.arrive $0xFFFF  }
0x134: {  	_ =	shalt  }

// kernel: kernel.13.cloned.1.call-start
scs
__scs_entry_jumppad:
0x0: {  	(pc) =	sbr.rel $0x88, $3  }
0x1: {  	(tag) =	ssettag $0x0;
	lr =	simm.s32 $0x1  }
0x2: {  	[smem:$0x3F99] =	sst lr;
	_ =	strace $0xD0000000  }
0x3: {  	_ = 	snop  }
0x4: {  	_ = 	snop  }
0x5: {  	_ = 	snop  }
0x6: {  	_ = 	snop  }
0x7: {  	_ = 	snop  }
__scs_overlays_trampoline_lowered:
0x8: {  	[smem:$0x3FA8] =	sst s0  }
0x9: {  	[smem:$0x3FA9] =	sst s1  }
0xa: {  	[smem:$0x3FAA] =	sst s2  }
0xb: {  	[smem:$0x3FAB] =	sst s3  }
0xc: {  	[smem:$0x3FAC] =	sst s4  }
0xd: {  	[smem:$0x3FAD] =	sst s5  }
0xe: {  	[smem:$0x3FAE] =	sst s6  }
0xf: {  	[smem:$0x3FAF] =	sst s7  }
0x10: {  	[smem:$0x3FB0] =	sst s8  }
0x11: {  	[smem:$0x3FB1] =	sst s9;
	s0 =	simm.s32 @!p0 $0x0  }
0x12: {  	s1 =	sld [smem:$0x3F97];
	s0 =	simm.s32 @p0 $0x1  }
0x13: {  	[smem:$0x3FB2] =	sst s0;
	s0 =	simm.s32 @!p1 $0x0  }
0x14: {  	s2 =	sld [smem:$0x3F96];
	s0 =	simm.s32 @p1 $0x1  }
0x15: {  	[smem:$0x3FB3] =	sst s0;
	s0 =	simm.s32 @!p2 $0x0  }
0x16: {  	s3 =	sld [smem:$0x3FDB];
	s0 =	simm.s32 @p2 $0x1  }
0x17: {  	s4 =	simm.s32 $0x1BF5;
	[smem:$0x3FB5] =	sst s0  }
0x18: {  	s0 =	sld [smem:$0x3F98];
	_ =	swait.ge [sflag:s4], $0x0  }
0x19: {  	s7 =	sld [smem:$0x3F99]  }
0x1a: {  	s8 =	sadd.s32 $0xFFFFE003, lr  }
0x1b: {  	s9 =	sadd.s32 $0xFFFFFEF7, lr;
	s5 =	simm.s32 $0xFFFFFFFF;
	p2 =	slt.u32 s8, $0xFFFFF086  }
0x1c: {  	p1 =	slt.u32 s9, $0xF7A;
	s5 =	simm.s32 @!p2 $0x0  }
0x1d: {  	s5 =	simm.s32 @p1 $0x1;
	p0 =	seq.s32 s7, s2  }
0x1e: {  	s7 =	smul.u32 @!p0 $0xF7A, s2;
	p2 =	seq.s32 @!p0 s5, $0x0  }
0x1f: {  	s9 =	smul.u32 $0xF7A, s1;
	s8 =	simm.s32 @!p0 $0x1BF5;
	p2 =	por !p2, p0  }
0x20: {  	[sflag:s8] =	ssyncset.s32 @!p0 $0xFFFFF086;
	s6 =	sadd.s32 @!p0 s3, s7;
	s7 =	simm.s32 @!p0 $0x108  }
0x21: {  	s3 =	sadd.s32 s3, s9;
	s6 =	sadd.s32 @!p0 $0x88, s6;
	s7 =	simm.s32 @p2 $0x1082  }
0x22: {  	[simem:s7], [sflag:s8] =	dma.local @!p0 [hbm:s6], $0xF7A  }
0x23: {  	s9 =	sor.u32 $0xD0000000, s2;
	s6 =	simm.s32 $0x108;
	_ =	swait.ge @!p0 [sflag:s8], $0x0  }
0x24: {  	s3 =	sadd.s32 $0x88, s3;
	s6 =	simm.s32 @!p1 $0x1082;
	[sflag:s4] =	ssyncset.s32 $0xFFFFF086  }
0x25: {  	[simem:s6], [sflag:s4] =	dma.local [hbm:s3], $0xF7A  }
0x26: {  	[smem:$0x3F99] =	sst s1;
	(tag) =	ssettag s2;
	_ =	strace s9  }
0x27: {  	s1 =	sld [smem:$0x3FA9]  }
0x28: {  	s2 =	sld [smem:$0x3FAA]  }
0x29: {  	s4 =	sld [smem:$0x3FAC]  }
0x2a: {  	p0 =	seq.s32 s5, $0x0;
	s5 =	sld [smem:$0x3FAD]  }
0x2b: {  	s6 =	sld [smem:$0x3FAE]  }
0x2c: {  	s7 =	sld [smem:$0x3FAF]  }
0x2d: {  	s3 =	simm.s32 $0x108;
	s8 =	sld [smem:$0x3FB0]  }
0x2e: {  	s3 =	simm.s32 @!p0 $0x1082;
	s9 =	sld [smem:$0x3FB1]  }
0x2f: {  	lr =	sadd.s32 s0, s3;
	s0 =	sld [smem:$0x3FA8]  }
0x30: {  	s3 =	sld [smem:$0x3FAB]  }
0x31: {  	[smem:$0x3FB4] =	sst s10  }
0x32: {  	s10 =	sld [smem:$0x3FB2];
	_ =	sdelay $0x3  }
0x33: {  	p0 =	seq.s32 s10, $0x1;
	s10 =	sld [smem:$0x3FB4];
	_ =	sdelay $0x3  }
0x34: {  	[smem:$0x3FB4] =	sst s10  }
0x35: {  	s10 =	sld [smem:$0x3FB3];
	_ =	sdelay $0x3  }
0x36: {  	p1 =	seq.s32 s10, $0x1;
	s10 =	sld [smem:$0x3FB4];
	_ =	sdelay $0x3  }
0x37: {  	[smem:$0x3FB4] =	sst s10  }
0x38: {  	s10 =	sld [smem:$0x3FB5]  }
0x39: {  	_ = 	snop;
	(pc) =	sbr.ind lr, $3  }
0x3a: {  	_ = 	snop  }
0x3b: {  	_ = 	snop  }
0x3c: {  	p2 =	seq.s32 s10, $0x1;
	s10 =	sld [smem:$0x3FB4]  }
0x3d: {  	_ =	shalt  }
0x3e: {  	_ =	shalt  }
0x3f: {  	_ =	shalt  }
0x40: {  	_ =	shalt  }
0x41: {  	_ =	shalt  }
0x42: {  	_ =	shalt  }
0x43: {  	_ =	shalt  }
0x44: {  	_ =	shalt  }
0x45: {  	_ =	shalt  }
0x46: {  	_ =	shalt  }
0x47: {  	_ =	shalt  }
0x48: {  	_ =	shalt  }
0x49: {  	_ =	shalt  }
0x4a: {  	_ =	shalt  }
0x4b: {  	_ =	shalt  }
0x4c: {  	_ =	shalt  }
0x4d: {  	_ =	shalt  }
0x4e: {  	_ =	shalt  }
0x4f: {  	_ =	shalt  }
0x50: {  	_ =	shalt  }
0x51: {  	_ =	shalt  }
0x52: {  	_ =	shalt  }
0x53: {  	_ =	shalt  }
0x54: {  	_ =	shalt  }
0x55: {  	_ =	shalt  }
0x56: {  	_ =	shalt  }
0x57: {  	_ =	shalt  }
0x58: {  	_ =	shalt  }
0x59: {  	_ =	shalt  }
0x5a: {  	_ =	shalt  }
0x5b: {  	_ =	shalt  }
0x5c: {  	_ =	shalt  }
0x5d: {  	_ =	shalt  }
0x5e: {  	_ =	shalt  }
0x5f: {  	_ =	shalt  }
0x60: {  	_ =	shalt  }
0x61: {  	_ =	shalt  }
0x62: {  	_ =	shalt  }
0x63: {  	_ =	shalt  }
0x64: {  	_ =	shalt  }
0x65: {  	_ =	shalt  }
0x66: {  	_ =	shalt  }
0x67: {  	_ =	shalt  }
0x68: {  	_ =	shalt  }
0x69: {  	_ =	shalt  }
0x6a: {  	_ =	shalt  }
0x6b: {  	_ =	shalt  }
0x6c: {  	_ =	shalt  }
0x6d: {  	_ =	shalt  }
0x6e: {  	_ =	shalt  }
0x6f: {  	_ =	shalt  }
0x70: {  	_ =	shalt  }
0x71: {  	_ =	shalt  }
0x72: {  	_ =	shalt  }
0x73: {  	_ =	shalt  }
0x74: {  	_ =	shalt  }
0x75: {  	_ =	shalt  }
0x76: {  	_ =	shalt  }
0x77: {  	_ =	shalt  }
0x78: {  	_ =	shalt  }
0x79: {  	_ =	shalt  }
0x7a: {  	_ =	shalt  }
0x7b: {  	_ =	shalt  }
0x7c: {  	_ =	shalt  }
0x7d: {  	_ =	shalt  }
0x7e: {  	_ =	shalt  }
0x7f: {  	_ =	shalt  }
0x80: {  	_ =	shalt  }
0x81: {  	_ =	shalt  }
0x82: {  	_ =	shalt  }
0x83: {  	_ =	shalt  }
0x84: {  	_ =	shalt  }
0x85: {  	_ =	shalt  }
0x86: {  	_ =	shalt  }
0x87: {  	_ =	shalt  }
.Lfunc_end0:
.L_simem_size_0:
called_computation.1_lowered:
.L_overlay_start_0:
0x88: {  	s2 =	sld [smem:$0x3FD9]  }
0x89: {  	s3 =	sld [smem:$0x3FFE];
	_ =	sdelay $0x1  }
0x8a: {  	s1 =	srdreg.scid  }
0x8b: {  	s0 =	sand.u32 $0x1, s1  }
0x8c: {  	s15 =	sshll.u32 s0, $0xA;
	s2 =	sadd.s32 s3, s2  }
0x8d: {  	s2 =	sadd.s32 s2, s15  }
0x8e: {  	[smem:$0x3FC0] =	sst s2  }
0x8f: {  	_ = 	snop  }
0x90: {  	s2 =	sld [smem:$0x3FD0];
	_ =	sdelay $0x2  }
0x91: {  	s16 =	simm.s32 $0xB;
	s4 =	simm.s32 $0x10  }
0x92: {  	[smem:s4], [sflag:s16] =	dma.local [hbm:s2], $0x1  }
0x93: {  	_ =	swait.eq [sflag:s16], $0x1  }
0x94: {  	[sflag:s16] =	ssyncset.done $0x0  }
0x95: {  	[sflag:s16] =	ssyncadd.s32 $0xFFFFFFFF  }
0x96: {  	s17 =	sld [smem:$0x11];
	(tm) =	ssettm $0x1  }
0x97: {  	s18 =	sld [smem:$0x3FFB];
	_ =	sdelay $0x3  }
0x98: {  	_ =	strace s18  }
0x99: {  	s2 =	sld [smem:$0x3FFC];
	_ =	sdelay $0x3  }
0x9a: {  	_ =	strace s2  }
0x9b: {  	s2 =	sld [smem:$0x3FFD];
	_ =	sdelay $0x3  }
0x9c: {  	_ =	strace s2  }
0x9d: {  	_ =	strace $0x8FFFFFFF  }
0x9e: {  	s19 =	sld [smem:$0x3FDB];
	_ =	sdelay $0x1  }
0x9f: {  	s20 =	simm.s32 $_scs_section_size  }
0xa0: {  	s5 =	simm.s32 $_size__tile_overlayer_lowered;
	s6 =	simm.s32 $_tile_overlayer_lowered  }
0xa1: {  	s7 =	simm.s32 $0x1BFF;
	s21 =	sshll.u32 s6, $0x1;
	s4 =	sadd.s32 s20, s19  }
0xa2: {  	s22 =	simm.s32 $0x0;
	s5 =	sshll.u32 s5, $0x1;
	s6 =	sadd.s32 s21, s4  }
0xa3: {  	[timem:s22], [sflag:s7] =	dma.local [hbm:s6], s5  }
0xa4: {  	_ =	swait.ge [sflag:s7], s5  }
0xa5: {  	s5 =	ssub.s32 $0x0, s5;
	[sflag:s7] =	ssyncset.done $0x0  }
0xa6: {  	[sflag:s7] =	ssyncadd.s32 s5;
	_ =	sdelay $0x1  }
0xa7: {  	s23 =	simm.s32 $0x1B8B  }
0xa8: {  	_ =	swait.ge [sflag:s23], $0x1  }
0xa9: {  	[sflag:s23] =	ssyncset.done $0x0  }
0xaa: {  	[sflag:s23] =	ssyncadd.s32 $0xFFFFFFFF  }
0xab: {  	s5 =	sld [smem:$0x0]  }
0xac: {  	s6 =	sand.u32 $0xFFFFFFFE, s1  }
0xad: {  	p0 =	sne.s32 s1, s6  }
0xae: {  	s6 =	sshll.u32 @p0 s6, $0xE  }
0xaf: {  	s6 =	sadd.s32 @p0 $0x11B8D, s6;
	s7 =	sshll.u32 @p0 s5, $0x11  }
0xb0: {  	s6 =	sor.u32 @p0 s7, s6  }
0xb1: {  	[sflag:s6] =	ssyncadd.remote.s32 @p0 $0x1;
	_ =	sdelay $0x1  }
0xb2: {  	s6 =	simm.s32 @p0 $0x1B8D  }
0xb3: {  	_ =	swait.eq @p0 [sflag:s6], $0x1  }
0xb4: {  	[sflag:s6] =	ssyncadd.s32 @p0 $0xFFFFFFFF  }
0xb5: {  	s7 =	sshll.u32 @!p0 s1, $0xE  }
0xb6: {  	s7 =	sor.u32 @!p0 $0x4000, s7;
	s6 =	simm.s32 @!p0 $0x1B8D  }
0xb7: {  	s5 =	sshll.u32 @!p0 s5, $0x11;
	s7 =	sadd.s32 @!p0 $0x11B8D, s7;
	_ =	swait.eq @!p0 [sflag:s6], $0x1  }
0xb8: {  	s5 =	sor.u32 @!p0 s5, s7;
	[sflag:s6] =	ssyncadd.s32 @!p0 $0xFFFFFFFF  }
0xb9: {  	s25 =	simm.s32 $0x1B8E;
	s24 =	sld [smem:$0x3FFE];
	[sflag:s5] =	ssyncadd.remote.s32 @!p0 $0x1  }
0xba: {  	s26 =	simm.s32 $execute0_lowered;
	[smem:$0x3FD2] =	sst s25  }
0xbb: {  	s6 =	sshll.u32 s26, $0x1;
	_ =	strace $0x80000049;
	[dreg:$0x1] =	wrdreg $0xFFFFFFFF  }
0xbc: {  	s28 =	simm.s32 $_size_execute0_lowered;
	s4 =	sadd.s32 s4, s6;
	[dreg:$0x0] =	wrdreg $0x0  }
0xbd: {  	s6 =	sshll.u32 s28, $0x1;
	[dreg:$0x2] =	wrdreg s4  }
0xbe: {  	[dreg:$0x3] =	wrdreg s6  }
0xbf: {  	[dreg:$0x4] =	wrdreg $0xC0  }
0xc0: {  	_ =	task [dreg:s22], $0x5FFFF  }
0xc1: {  	[dreg:$0x1] =	wrdreg $0xFFFFFFFF  }
0xc2: {  	[dreg:$0x0] =	wrdreg $0x60  }
0xc3: {  	[dreg:$0x2] =	wrdreg s17  }
0xc4: {  	[dreg:$0x3] =	wrdreg s24  }
0xc5: {  	[dreg:$0x4] =	wrdreg $0xA  }
0xc6: {  	_ =	task.clear_ibuf [dreg:s22], $0x5FFFF;
	_ =	strace $0x90000049  }
0xc7: {  	s29 =	simm.s32 $0xA;
	_ =	strace $0x8000004B  }
0xc8: {  	_ =	swait.ge [sflag:s29], $0x1  }
0xc9: {  	[sflag:s29] =	ssyncadd.s32 $0xFFFFFFFF  }
0xca: {  	_ =	strace $0x9000004B  }
0xcb: {  	_ =	sfence  }
0xcc: {  	s30 =	sld [smem:$0x0];
	_ =	sdelay $0x2  }
0xcd: {  	s31 =	sshll.u32 s1, $0xD;
	s1 =	sshrl.u32 s1, $0x2  }
0xce: {  	s4 =	sand.u32 $0x4000, s31;
	s1 =	sadd.s32 s1, s30  }
0xcf: {  	s0 =	sor.u32 s4, s0;
	s1 =	sshll.u32 s1, $0x11  }
0xd0: {  	s0 =	sor.u32 s1, s0  }
0xd1: {  	s0 =	sadd.s32 $0x8F2B, s0  }
0xd2: {  	[sflag:s0] =	ssyncadd.remote.s32 $0x1  }
0xd3: {  	_ =	sfence.sel $0xFFFF  }
0xd4: {  	[dreg:$0x0] =	wrdreg $0xFFFFFFFF;
	(pc) =	sbr.abs _section_cstart, $3  }
0xd5: {  	[dreg:$0x1] =	wrdreg $0xFFFFFFFF  }
0xd6: {  	_ =	task.clear_ibuf [dreg:s22], $0x2FFFF;
	_ =	strace $0x9FFFFFFF  }
0xd7: {  	(tm) =	ssettm $0x7FFFFFFF  }
tec
execute0_lowered:
.L_overlay_start_1:
0x0: {  	(tag) =	ssettag $0x1  }
0x1: {  	s1 =	srdreg.scid  }
0x2: {  	s0 =	stileid.u32;
	s1 =	sand.u32 $0x1, s1  }
0x3: {  	s3 =	rddreg [dreg:$0x0];
	s5 =	sshll.u32 s0, $0xC;
	s6 =	sshll.u32 s1, $0xB  }
0x4: {  	s4 =	rddreg [dreg:$0x1];
	s5 =	sor.u32 s6, s5  }
0x5: {  	s2 =	simm.s32 $0x0;
	s6 =	sshll.u32 s5, $0x3;
	s5 =	sshrl.u32 s5, $0x3  }
0x6: {  	[smem:$0x7FF] =	sst s2;
	s30 =	sadd.s32 s6, s4;
	s3 =	sadd.s32 s3, s5  }
0x7: {  	_ =	strace $0x8000004A;
	[dreg:$0x3] =	wrdreg s3;
	s17 =	sadd.s32 $0xC3800, s30  }
0x8: {  	s18 =	sadd.s32 $0xC7000, s30;
	[dreg:$0x4] =	wrdreg s17  }
0x9: {  	s19 =	sadd.s32 $0xC7400, s30;
	[dreg:$0x5] =	wrdreg s18  }
0xa: {  	s20 =	sadd.s32 $0xC3C00, s30;
	[dreg:$0x6] =	wrdreg s19  }
0xb: {  	s21 =	sadd.s32 $0xC4000, s30;
	[dreg:$0x7] =	wrdreg s20  }
0xc: {  	s22 =	sadd.s32 $0xC4400, s30;
	[dreg:$0x8] =	wrdreg s21  }
0xd: {  	s23 =	sadd.s32 $0xC4800, s30;
	[dreg:$0x9] =	wrdreg s22  }
0xe: {  	[dreg:$0xa] =	wrdreg s23  }
0xf: {  	s24 =	sadd.s32 $0xC4C00, s30;
	s25 =	rddreg [dreg:$0x3]  }
0x10: {  	s26 =	sadd.s32 $0xC5000, s30;
	[dreg:$0xb] =	wrdreg s24  }
0x11: {  	s3 =	simm.s32 $0x3;
	[dreg:$0xc] =	wrdreg s26  }
0x12: {  	[tilespmem:s2], [sflag:$0x3] =	stream.linear.gather [hbm4b:s25+s2], $0x800, $0x38;
	[tilespmem:$0x4800] =	vst v63  }
0x13: {  	_ =	swait.ge [sflag:s3], $0x800  }
0x14: {  	s4 =	sadd.s32 $0x1800, s4;
	[sflag:s3] =	ssyncset.done $0x0  }
0x15: {  	s5 =	simm.s32 $0x80;
	s6 =	simm.s32 $0x800;
	[sflag:s3] =	ssyncadd.s32 $0xFFFFF800  }
0x16: {  	[tilespmem:s6], [sflag:$0x1] =	stream.indirect.gather [hbm4b:s4+s5], $0x40, s2, s5, $0xb8;
	[tilespmem:$0x4800] =	vst v63  }
0x17: {  	s7 =	simm.s32 $0x2800;
	s8 =	simm.s32 $0x1  }
0x18: {  	[tilespmem:s7], [sflag:$0x2] =	stream.indirect.gather [hbm4b:s4+s5], $0x40, s5, s5, $0xb8;
	[tilespmem:$0x4800] =	vst v63  }
0x19: {  	_ =	swait.ge [sflag:s8], $0x2000  }
0x1a: {  	[sflag:s8] =	ssyncset.done $0x0  }
0x1b: {  	s9 =	rddreg [dreg:$0x4];
	[sflag:s8] =	ssyncadd.s32 $0xFFFFE000  }
0x1c: {  	[hbm4b:s9+s2] =	stream.linear.scatter [tilespmem:s6], [sflag:$0x3], $0x2000, $0x38;
	[tilespmem:$0x4800] =	vst v63  }
0x1d: {  	_ =	swait.ge [sflag:s3], $0x2000  }
0x1e: {  	[sflag:s3] =	ssyncset.done $0x0  }
0x1f: {  	s10 =	simm.s32 $0x2;
	s9 =	simm.s32 $0x100;
	[sflag:s3] =	ssyncadd.s32 $0xFFFFE000  }
0x20: {  	[tilespmem:s6], [sflag:$0x1] =	stream.indirect.gather [hbm4b:s4+s5], $0x40, s9, s5, $0xb8;
	[tilespmem:$0x4800] =	vst v63  }
0x21: {  	_ =	swait.ge [sflag:s10], $0x2000  }
0x22: {  	[sflag:s10] =	ssyncset.done $0x0  }
0x23: {  	s11 =	rddreg [dreg:$0x7];
	[sflag:s10] =	ssyncadd.s32 $0xFFFFE000  }
0x24: {  	[hbm4b:s11+s2] =	stream.linear.scatter [tilespmem:s7], [sflag:$0x3], $0x2000, $0x38;
	[tilespmem:$0x4800] =	vst v63  }
0x25: {  	_ =	swait.ge [sflag:s3], $0x2000  }
0x26: {  	[sflag:s3] =	ssyncset.done $0x0  }
0x27: {  	s11 =	simm.s32 $0x180;
	[sflag:s3] =	ssyncadd.s32 $0xFFFFE000  }
0x28: {  	[tilespmem:s7], [sflag:$0x2] =	stream.indirect.gather [hbm4b:s4+s5], $0x40, s11, s5, $0xb8;
	[tilespmem:$0x4800] =	vst v63  }
0x29: {  	_ =	swait.ge [sflag:s8], $0x2000  }
0x2a: {  	[sflag:s8] =	ssyncset.done $0x0  }
0x2b: {  	s12 =	rddreg [dreg:$0x8];
	[sflag:s8] =	ssyncadd.s32 $0xFFFFE000  }
0x2c: {  	[hbm4b:s12+s2] =	stream.linear.scatter [tilespmem:s6], [sflag:$0x3], $0x2000, $0x38;
	[tilespmem:$0x4800] =	vst v63  }
0x2d: {  	_ =	swait.ge [sflag:s3], $0x2000  }
0x2e: {  	[sflag:s3] =	ssyncset.done $0x0  }
0x2f: {  	s12 =	simm.s32 $0x200;
	[sflag:s3] =	ssyncadd.s32 $0xFFFFE000  }
0x30: {  	[tilespmem:s6], [sflag:$0x1] =	stream.indirect.gather [hbm4b:s4+s5], $0x40, s12, s5, $0xb8;
	[tilespmem:$0x4800] =	vst v63  }
0x31: {  	_ =	swait.ge [sflag:s10], $0x2000  }
0x32: {  	[sflag:s10] =	ssyncset.done $0x0  }
0x33: {  	s13 =	rddreg [dreg:$0x9];
	[sflag:s10] =	ssyncadd.s32 $0xFFFFE000  }
0x34: {  	[hbm4b:s13+s2] =	stream.linear.scatter [tilespmem:s7], [sflag:$0x3], $0x2000, $0x38;
	[tilespmem:$0x4800] =	vst v63  }
0x35: {  	_ =	swait.ge [sflag:s3], $0x2000  }
0x36: {  	[sflag:s3] =	ssyncset.done $0x0  }
0x37: {  	s13 =	simm.s32 $0x280;
	[sflag:s3] =	ssyncadd.s32 $0xFFFFE000  }
0x38: {  	[tilespmem:s7], [sflag:$0x2] =	stream.indirect.gather [hbm4b:s4+s5], $0x40, s13, s5, $0xb8;
	[tilespmem:$0x4800] =	vst v63  }
0x39: {  	_ =	swait.ge [sflag:s8], $0x2000  }
0x3a: {  	[sflag:s8] =	ssyncset.done $0x0  }
0x3b: {  	s14 =	rddreg [dreg:$0xa];
	[sflag:s8] =	ssyncadd.s32 $0xFFFFE000  }
0x3c: {  	[hbm4b:s14+s2] =	stream.linear.scatter [tilespmem:s6], [sflag:$0x3], $0x2000, $0x38;
	[tilespmem:$0x4800] =	vst v63  }
0x3d: {  	_ =	swait.ge [sflag:s3], $0x2000  }
0x3e: {  	[sflag:s3] =	ssyncset.done $0x0  }
0x3f: {  	s14 =	simm.s32 $0x300;
	[sflag:s3] =	ssyncadd.s32 $0xFFFFE000  }
0x40: {  	[tilespmem:s6], [sflag:$0x1] =	stream.indirect.gather [hbm4b:s4+s5], $0x40, s14, s5, $0xb8;
	[tilespmem:$0x4800] =	vst v63  }
0x41: {  	_ =	swait.ge [sflag:s10], $0x2000  }
0x42: {  	[sflag:s10] =	ssyncset.done $0x0  }
0x43: {  	s15 =	rddreg [dreg:$0xb];
	[sflag:s10] =	ssyncadd.s32 $0xFFFFE000  }
0x44: {  	[hbm4b:s15+s2] =	stream.linear.scatter [tilespmem:s7], [sflag:$0x3], $0x2000, $0x38;
	[tilespmem:$0x4800] =	vst v63  }
0x45: {  	_ =	swait.ge [sflag:s3], $0x2000  }
0x46: {  	[sflag:s3] =	ssyncset.done $0x0  }
0x47: {  	s15 =	simm.s32 $0x380;
	[sflag:s3] =	ssyncadd.s32 $0xFFFFE000  }
0x48: {  	[tilespmem:s7], [sflag:$0x2] =	stream.indirect.gather [hbm4b:s4+s5], $0x40, s15, s5, $0xb8;
	[tilespmem:$0x4800] =	vst v63  }
0x49: {  	_ =	swait.ge [sflag:s8], $0x2000  }
0x4a: {  	[sflag:s8] =	ssyncset.done $0x0  }
0x4b: {  	s16 =	rddreg [dreg:$0xc];
	[sflag:s8] =	ssyncadd.s32 $0xFFFFE000  }
0x4c: {  	[hbm4b:s16+s2] =	stream.linear.scatter [tilespmem:s6], [sflag:$0x3], $0x2000, $0x38;
	[tilespmem:$0x4800] =	vst v63  }
0x4d: {  	_ =	swait.ge [sflag:s3], $0x2000  }
0x4e: {  	[sflag:s3] =	ssyncset.done $0x0  }
0x4f: {  	s16 =	simm.s32 $0x400;
	[sflag:s3] =	ssyncadd.s32 $0xFFFFE000  }
0x50: {  	[tilespmem:s6], [sflag:$0x1] =	stream.indirect.gather [hbm4b:s4+s5], $0x40, s16, s5, $0xb8;
	[tilespmem:$0x4800] =	vst v63  }
0x51: {  	_ =	swait.ge [sflag:s10], $0x2000  }
0x52: {  	[sflag:s10] =	ssyncset.done $0x0  }
0x53: {  	s17 =	sadd.s32 $0xC5400, s30;
	[sflag:s10] =	ssyncadd.s32 $0xFFFFE000  }
0x54: {  	[hbm4b:s17+s2] =	stream.linear.scatter [tilespmem:s7], [sflag:$0x3], $0x2000, $0x38;
	[tilespmem:$0x4800] =	vst v63  }
0x55: {  	_ =	swait.ge [sflag:s3], $0x2000  }
0x56: {  	[sflag:s3] =	ssyncset.done $0x0  }
0x57: {  	s18 =	simm.s32 $0x480;
	[sflag:s3] =	ssyncadd.s32 $0xFFFFE000  }
0x58: {  	[tilespmem:s7], [sflag:$0x2] =	stream.indirect.gather [hbm4b:s4+s5], $0x40, s18, s5, $0xb8;
	[tilespmem:$0x4800] =	vst v63  }
0x59: {  	_ =	swait.ge [sflag:s8], $0x2000  }
0x5a: {  	[sflag:s8] =	ssyncset.done $0x0  }
0x5b: {  	s19 =	sadd.s32 $0xC5800, s30;
	[sflag:s8] =	ssyncadd.s32 $0xFFFFE000  }
0x5c: {  	[hbm4b:s19+s2] =	stream.linear.scatter [tilespmem:s6], [sflag:$0x3], $0x2000, $0x38;
	[tilespmem:$0x4800] =	vst v63  }
0x5d: {  	_ =	swait.ge [sflag:s3], $0x2000  }
0x5e: {  	[sflag:s3] =	ssyncset.done $0x0  }
0x5f: {  	s20 =	simm.s32 $0x500;
	[sflag:s3] =	ssyncadd.s32 $0xFFFFE000  }
0x60: {  	[tilespmem:s6], [sflag:$0x1] =	stream.indirect.gather [hbm4b:s4+s5], $0x40, s20, s5, $0xb8;
	[tilespmem:$0x4800] =	vst v63  }
0x61: {  	_ =	swait.ge [sflag:s10], $0x2000  }
0x62: {  	[sflag:s10] =	ssyncset.done $0x0  }
0x63: {  	s21 =	sadd.s32 $0xC5C00, s30;
	[sflag:s10] =	ssyncadd.s32 $0xFFFFE000  }
0x64: {  	[hbm4b:s21+s2] =	stream.linear.scatter [tilespmem:s7], [sflag:$0x3], $0x2000, $0x38;
	[tilespmem:$0x4800] =	vst v63  }
0x65: {  	_ =	swait.ge [sflag:s3], $0x2000  }
0x66: {  	[sflag:s3] =	ssyncset.done $0x0  }
0x67: {  	s22 =	simm.s32 $0x580;
	[sflag:s3] =	ssyncadd.s32 $0xFFFFE000  }
0x68: {  	[tilespmem:s7], [sflag:$0x2] =	stream.indirect.gather [hbm4b:s4+s5], $0x40, s22, s5, $0xb8;
	[tilespmem:$0x4800] =	vst v63  }
0x69: {  	_ =	swait.ge [sflag:s8], $0x2000  }
0x6a: {  	[sflag:s8] =	ssyncset.done $0x0  }
0x6b: {  	s23 =	sadd.s32 $0xC6000, s30;
	[sflag:s8] =	ssyncadd.s32 $0xFFFFE000  }
0x6c: {  	[hbm4b:s23+s2] =	stream.linear.scatter [tilespmem:s6], [sflag:$0x3], $0x2000, $0x38;
	[tilespmem:$0x4800] =	vst v63  }
0x6d: {  	_ =	swait.ge [sflag:s3], $0x2000  }
0x6e: {  	[sflag:s3] =	ssyncset.done $0x0  }
0x6f: {  	s24 =	simm.s32 $0x600;
	[sflag:s3] =	ssyncadd.s32 $0xFFFFE000  }
0x70: {  	[tilespmem:s6], [sflag:$0x1] =	stream.indirect.gather [hbm4b:s4+s5], $0x40, s24, s5, $0xb8;
	[tilespmem:$0x4800] =	vst v63  }
0x71: {  	_ =	swait.ge [sflag:s10], $0x2000  }
0x72: {  	[sflag:s10] =	ssyncset.done $0x0  }
0x73: {  	s25 =	sadd.s32 $0xC6400, s30;
	[sflag:s10] =	ssyncadd.s32 $0xFFFFE000  }
0x74: {  	[hbm4b:s25+s2] =	stream.linear.scatter [tilespmem:s7], [sflag:$0x3], $0x2000, $0x38;
	[tilespmem:$0x4800] =	vst v63  }
0x75: {  	_ =	swait.ge [sflag:s3], $0x2000  }
0x76: {  	[sflag:s3] =	ssyncset.done $0x0  }
0x77: {  	s26 =	simm.s32 $0x680;
	[sflag:s3] =	ssyncadd.s32 $0xFFFFE000  }
0x78: {  	[tilespmem:s7], [sflag:$0x2] =	stream.indirect.gather [hbm4b:s4+s5], $0x40, s26, s5, $0xb8;
	[tilespmem:$0x4800] =	vst v63  }
0x79: {  	_ =	swait.ge [sflag:s8], $0x2000  }
0x7a: {  	[sflag:s8] =	ssyncset.done $0x0  }
0x7b: {  	s28 =	sadd.s32 $0xC6800, s30;
	[sflag:s8] =	ssyncadd.s32 $0xFFFFE000  }
0x7c: {  	[hbm4b:s28+s2] =	stream.linear.scatter [tilespmem:s6], [sflag:$0x3], $0x2000, $0x38;
	[tilespmem:$0x4800] =	vst v63  }
0x7d: {  	_ =	swait.ge [sflag:s3], $0x2000  }
0x7e: {  	[sflag:s3] =	ssyncset.done $0x0  }
0x7f: {  	s29 =	simm.s32 $0x700;
	[sflag:s3] =	ssyncadd.s32 $0xFFFFE000  }
0x80: {  	[tilespmem:s6], [sflag:$0x1] =	stream.indirect.gather [hbm4b:s4+s5], $0x40, s29, s5, $0xb8;
	[tilespmem:$0x4800] =	vst v63  }
0x81: {  	_ =	swait.ge [sflag:s10], $0x2000  }
0x82: {  	[sflag:s10] =	ssyncset.done $0x0  }
0x83: {  	s30 =	sadd.s32 $0xC6C00, s30;
	[sflag:s10] =	ssyncadd.s32 $0xFFFFE000  }
0x84: {  	[hbm4b:s30+s2] =	stream.linear.scatter [tilespmem:s7], [sflag:$0x3], $0x2000, $0x38;
	[tilespmem:$0x4800] =	vst v63  }
0x85: {  	_ =	swait.ge [sflag:s3], $0x2000  }
0x86: {  	[sflag:s3] =	ssyncset.done $0x0  }
0x87: {  	s31 =	simm.s32 $0x780;
	[sflag:s3] =	ssyncadd.s32 $0xFFFFE000  }
0x88: {  	[tilespmem:s7], [sflag:$0x2] =	stream.indirect.gather [hbm4b:s4+s5], $0x40, s31, s5, $0xb8;
	[tilespmem:$0x4800] =	vst v63  }
0x89: {  	_ =	swait.ge [sflag:s8], $0x2000  }
0x8a: {  	[sflag:s8] =	ssyncset.done $0x0  }
0x8b: {  	s0 =	rddreg [dreg:$0x5];
	[sflag:s8] =	ssyncadd.s32 $0xFFFFE000  }
0x8c: {  	[hbm4b:s0+s2] =	stream.linear.scatter [tilespmem:s6], [sflag:$0x3], $0x2000, $0x38;
	[tilespmem:$0x4800] =	vst v63  }
0x8d: {  	_ =	swait.ge [sflag:s3], $0x2000  }
0x8e: {  	[sflag:s3] =	ssyncset.done $0x0  }
0x8f: {  	[sflag:s3] =	ssyncadd.s32 $0xFFFFE000  }
0x90: {  	_ =	swait.ge [sflag:s10], $0x2000  }
0x91: {  	s0 =	ssub.s32 $0x2, s1;
	s1 =	rddreg [dreg:$0x6]  }
0x92: {  	[dreg:$0xd] =	wrdreg s1;
	s1 =	sshrl.u32 s0, $0x1  }
0x93: {  	s0 =	ssub.s32 s0, s1  }
0x94: {  	s0 =	smax.u32 s0, $0x1  }
0x95: {  	p0 =	sne.s32 s0, $0x1  }
.Ltmp0:
0x96: {  	_ = 	snop;
	(pc) =	sbr.rel @!p0 .LBB2_2-.Ltmp0, $4  }
0x97: {  	[sflag:s10] =	ssyncset.done $0x0  }
0x98: {  	[sflag:s10] =	ssyncadd.s32 $0xFFFFE000;
	s1 =	rddreg [dreg:$0xd]  }
0x99: {  	[hbm4b:s1+s2] =	stream.linear.scatter [tilespmem:s7], [sflag:$0x3], $0x2000, $0x38;
	[tilespmem:$0x4800] =	vst v63  }
0x9a: {  	s1 =	sadd.s32 $0xFFFFFFFF, s0;
	_ =	swait.ge [sflag:s3], $0x2000  }
.LBB2_1:
0x9b: {  	[sflag:s3] =	ssyncset.done $0x0  }
0x9c: {  	s0 =	rddreg [dreg:$0x3];
	[sflag:s3] =	ssyncadd.s32 $0xFFFFE000  }
0x9d: {  	[tilespmem:s2], [sflag:$0x3] =	stream.linear.gather [hbm4b:s0+s2], $0x800, $0x38;
	[tilespmem:$0x4800] =	vst v63  }
0x9e: {  	_ =	swait.ge [sflag:s3], $0x800  }
0x9f: {  	[sflag:s3] =	ssyncset.done $0x0  }
0xa0: {  	[sflag:s3] =	ssyncadd.s32 $0xFFFFF800  }
0xa1: {  	[tilespmem:s6], [sflag:$0x1] =	stream.indirect.gather [hbm4b:s4+s5], $0x40, s2, s5, $0xb8;
	[tilespmem:$0x4800] =	vst v63  }
0xa2: {  	_ = 	snop  }
0xa3: {  	[tilespmem:s7], [sflag:$0x2] =	stream.indirect.gather [hbm4b:s4+s5], $0x40, s5, s5, $0xb8;
	[tilespmem:$0x4800] =	vst v63  }
0xa4: {  	_ =	swait.ge [sflag:s8], $0x2000  }
0xa5: {  	[sflag:s8] =	ssyncset.done $0x0  }
0xa6: {  	s0 =	rddreg [dreg:$0x4];
	[sflag:s8] =	ssyncadd.s32 $0xFFFFE000  }
0xa7: {  	[hbm4b:s0+s2] =	stream.linear.scatter [tilespmem:s6], [sflag:$0x3], $0x2000, $0x38;
	[tilespmem:$0x4800] =	vst v63  }
0xa8: {  	_ =	swait.ge [sflag:s3], $0x2000  }
0xa9: {  	[sflag:s3] =	ssyncset.done $0x0  }
0xaa: {  	[sflag:s3] =	ssyncadd.s32 $0xFFFFE000  }
0xab: {  	[tilespmem:s6], [sflag:$0x1] =	stream.indirect.gather [hbm4b:s4+s5], $0x40, s9, s5, $0xb8;
	[tilespmem:$0x4800] =	vst v63  }
0xac: {  	_ =	swait.ge [sflag:s10], $0x2000  }
0xad: {  	[sflag:s10] =	ssyncset.done $0x0  }
0xae: {  	s0 =	rddreg [dreg:$0x7];
	[sflag:s10] =	ssyncadd.s32 $0xFFFFE000  }
0xaf: {  	[hbm4b:s0+s2] =	stream.linear.scatter [tilespmem:s7], [sflag:$0x3], $0x2000, $0x38;
	[tilespmem:$0x4800] =	vst v63  }
0xb0: {  	_ =	swait.ge [sflag:s3], $0x2000  }
0xb1: {  	[sflag:s3] =	ssyncset.done $0x0  }
0xb2: {  	[sflag:s3] =	ssyncadd.s32 $0xFFFFE000  }
0xb3: {  	[tilespmem:s7], [sflag:$0x2] =	stream.indirect.gather [hbm4b:s4+s5], $0x40, s11, s5, $0xb8;
	[tilespmem:$0x4800] =	vst v63  }
0xb4: {  	_ =	swait.ge [sflag:s8], $0x2000  }
0xb5: {  	[sflag:s8] =	ssyncset.done $0x0  }
0xb6: {  	s0 =	rddreg [dreg:$0x8];
	[sflag:s8] =	ssyncadd.s32 $0xFFFFE000  }
0xb7: {  	[hbm4b:s0+s2] =	stream.linear.scatter [tilespmem:s6], [sflag:$0x3], $0x2000, $0x38;
	[tilespmem:$0x4800] =	vst v63  }
0xb8: {  	_ =	swait.ge [sflag:s3], $0x2000  }
0xb9: {  	[sflag:s3] =	ssyncset.done $0x0  }
0xba: {  	[sflag:s3] =	ssyncadd.s32 $0xFFFFE000  }
0xbb: {  	[tilespmem:s6], [sflag:$0x1] =	stream.indirect.gather [hbm4b:s4+s5], $0x40, s12, s5, $0xb8;
	[tilespmem:$0x4800] =	vst v63  }
0xbc: {  	_ =	swait.ge [sflag:s10], $0x2000  }
0xbd: {  	[sflag:s10] =	ssyncset.done $0x0  }
0xbe: {  	s0 =	rddreg [dreg:$0x9];
	[sflag:s10] =	ssyncadd.s32 $0xFFFFE000  }
0xbf: {  	[hbm4b:s0+s2] =	stream.linear.scatter [tilespmem:s7], [sflag:$0x3], $0x2000, $0x38;
	[tilespmem:$0x4800] =	vst v63  }
0xc0: {  	_ =	swait.ge [sflag:s3], $0x2000  }
0xc1: {  	[sflag:s3] =	ssyncset.done $0x0  }
0xc2: {  	[sflag:s3] =	ssyncadd.s32 $0xFFFFE000  }
0xc3: {  	[tilespmem:s7], [sflag:$0x2] =	stream.indirect.gather [hbm4b:s4+s5], $0x40, s13, s5, $0xb8;
	[tilespmem:$0x4800] =	vst v63  }
0xc4: {  	_ =	swait.ge [sflag:s8], $0x2000  }
0xc5: {  	[sflag:s8] =	ssyncset.done $0x0  }
0xc6: {  	s0 =	rddreg [dreg:$0xa];
	[sflag:s8] =	ssyncadd.s32 $0xFFFFE000  }
0xc7: {  	[hbm4b:s0+s2] =	stream.linear.scatter [tilespmem:s6], [sflag:$0x3], $0x2000, $0x38;
	[tilespmem:$0x4800] =	vst v63  }
0xc8: {  	_ =	swait.ge [sflag:s3], $0x2000  }
0xc9: {  	[sflag:s3] =	ssyncset.done $0x0  }
0xca: {  	[sflag:s3] =	ssyncadd.s32 $0xFFFFE000  }
0xcb: {  	[tilespmem:s6], [sflag:$0x1] =	stream.indirect.gather [hbm4b:s4+s5], $0x40, s14, s5, $0xb8;
	[tilespmem:$0x4800] =	vst v63  }
0xcc: {  	_ =	swait.ge [sflag:s10], $0x2000  }
0xcd: {  	[sflag:s10] =	ssyncset.done $0x0  }
0xce: {  	s0 =	rddreg [dreg:$0xb];
	[sflag:s10] =	ssyncadd.s32 $0xFFFFE000  }
0xcf: {  	[hbm4b:s0+s2] =	stream.linear.scatter [tilespmem:s7], [sflag:$0x3], $0x2000, $0x38;
	[tilespmem:$0x4800] =	vst v63  }
0xd0: {  	_ =	swait.ge [sflag:s3], $0x2000  }
0xd1: {  	[sflag:s3] =	ssyncset.done $0x0  }
0xd2: {  	[sflag:s3] =	ssyncadd.s32 $0xFFFFE000  }
0xd3: {  	[tilespmem:s7], [sflag:$0x2] =	stream.indirect.gather [hbm4b:s4+s5], $0x40, s15, s5, $0xb8;
	[tilespmem:$0x4800] =	vst v63  }
0xd4: {  	_ =	swait.ge [sflag:s8], $0x2000  }
0xd5: {  	[sflag:s8] =	ssyncset.done $0x0  }
0xd6: {  	s0 =	rddreg [dreg:$0xc];
	[sflag:s8] =	ssyncadd.s32 $0xFFFFE000  }
0xd7: {  	[hbm4b:s0+s2] =	stream.linear.scatter [tilespmem:s6], [sflag:$0x3], $0x2000, $0x38;
	[tilespmem:$0x4800] =	vst v63  }
0xd8: {  	_ =	swait.ge [sflag:s3], $0x2000  }
0xd9: {  	[sflag:s3] =	ssyncset.done $0x0  }
0xda: {  	[sflag:s3] =	ssyncadd.s32 $0xFFFFE000  }
0xdb: {  	[tilespmem:s6], [sflag:$0x1] =	stream.indirect.gather [hbm4b:s4+s5], $0x40, s16, s5, $0xb8;
	[tilespmem:$0x4800] =	vst v63  }
0xdc: {  	_ =	swait.ge [sflag:s10], $0x2000  }
0xdd: {  	[sflag:s10] =	ssyncset.done $0x0  }
0xde: {  	[sflag:s10] =	ssyncadd.s32 $0xFFFFE000  }
0xdf: {  	[hbm4b:s17+s2] =	stream.linear.scatter [tilespmem:s7], [sflag:$0x3], $0x2000, $0x38;
	[tilespmem:$0x4800] =	vst v63  }
0xe0: {  	_ =	swait.ge [sflag:s3], $0x2000  }
0xe1: {  	[sflag:s3] =	ssyncset.done $0x0  }
0xe2: {  	[sflag:s3] =	ssyncadd.s32 $0xFFFFE000  }
0xe3: {  	[tilespmem:s7], [sflag:$0x2] =	stream.indirect.gather [hbm4b:s4+s5], $0x40, s18, s5, $0xb8;
	[tilespmem:$0x4800] =	vst v63  }
0xe4: {  	_ =	swait.ge [sflag:s8], $0x2000  }
0xe5: {  	[sflag:s8] =	ssyncset.done $0x0  }
0xe6: {  	[sflag:s8] =	ssyncadd.s32 $0xFFFFE000  }
0xe7: {  	[hbm4b:s19+s2] =	stream.linear.scatter [tilespmem:s6], [sflag:$0x3], $0x2000, $0x38;
	[tilespmem:$0x4800] =	vst v63  }
0xe8: {  	_ =	swait.ge [sflag:s3], $0x2000  }
0xe9: {  	[sflag:s3] =	ssyncset.done $0x0  }
0xea: {  	[sflag:s3] =	ssyncadd.s32 $0xFFFFE000  }
0xeb: {  	[tilespmem:s6], [sflag:$0x1] =	stream.indirect.gather [hbm4b:s4+s5], $0x40, s20, s5, $0xb8;
	[tilespmem:$0x4800] =	vst v63  }
0xec: {  	_ =	swait.ge [sflag:s10], $0x2000  }
0xed: {  	[sflag:s10] =	ssyncset.done $0x0  }
0xee: {  	[sflag:s10] =	ssyncadd.s32 $0xFFFFE000  }
0xef: {  	[hbm4b:s21+s2] =	stream.linear.scatter [tilespmem:s7], [sflag:$0x3], $0x2000, $0x38;
	[tilespmem:$0x4800] =	vst v63  }
0xf0: {  	_ =	swait.ge [sflag:s3], $0x2000  }
0xf1: {  	[sflag:s3] =	ssyncset.done $0x0  }
0xf2: {  	[sflag:s3] =	ssyncadd.s32 $0xFFFFE000  }
0xf3: {  	[tilespmem:s7], [sflag:$0x2] =	stream.indirect.gather [hbm4b:s4+s5], $0x40, s22, s5, $0xb8;
	[tilespmem:$0x4800] =	vst v63  }
0xf4: {  	_ =	swait.ge [sflag:s8], $0x2000  }
0xf5: {  	[sflag:s8] =	ssyncset.done $0x0  }
0xf6: {  	[sflag:s8] =	ssyncadd.s32 $0xFFFFE000  }
0xf7: {  	[hbm4b:s23+s2] =	stream.linear.scatter [tilespmem:s6], [sflag:$0x3], $0x2000, $0x38;
	[tilespmem:$0x4800] =	vst v63  }
0xf8: {  	_ =	swait.ge [sflag:s3], $0x2000  }
0xf9: {  	[sflag:s3] =	ssyncset.done $0x0  }
0xfa: {  	[sflag:s3] =	ssyncadd.s32 $0xFFFFE000  }
0xfb: {  	[tilespmem:s6], [sflag:$0x1] =	stream.indirect.gather [hbm4b:s4+s5], $0x40, s24, s5, $0xb8;
	[tilespmem:$0x4800] =	vst v63  }
0xfc: {  	_ =	swait.ge [sflag:s10], $0x2000  }
0xfd: {  	[sflag:s10] =	ssyncset.done $0x0  }
0xfe: {  	[sflag:s10] =	ssyncadd.s32 $0xFFFFE000  }
0xff: {  	[hbm4b:s25+s2] =	stream.linear.scatter [tilespmem:s7], [sflag:$0x3], $0x2000, $0x38;
	[tilespmem:$0x4800] =	vst v63  }
0x100: {  	_ =	swait.ge [sflag:s3], $0x2000  }
0x101: {  	[sflag:s3] =	ssyncset.done $0x0  }
0x102: {  	[sflag:s3] =	ssyncadd.s32 $0xFFFFE000  }
0x103: {  	[tilespmem:s7], [sflag:$0x2] =	stream.indirect.gather [hbm4b:s4+s5], $0x40, s26, s5, $0xb8;
	[tilespmem:$0x4800] =	vst v63  }
0x104: {  	_ =	swait.ge [sflag:s8], $0x2000  }
0x105: {  	[sflag:s8] =	ssyncset.done $0x0  }
0x106: {  	[sflag:s8] =	ssyncadd.s32 $0xFFFFE000  }
0x107: {  	[hbm4b:s28+s2] =	stream.linear.scatter [tilespmem:s6], [sflag:$0x3], $0x2000, $0x38;
	[tilespmem:$0x4800] =	vst v63  }
0x108: {  	_ =	swait.ge [sflag:s3], $0x2000  }
0x109: {  	[sflag:s3] =	ssyncset.done $0x0  }
0x10a: {  	[sflag:s3] =	ssyncadd.s32 $0xFFFFE000  }
0x10b: {  	[tilespmem:s6], [sflag:$0x1] =	stream.indirect.gather [hbm4b:s4+s5], $0x40, s29, s5, $0xb8;
	[tilespmem:$0x4800] =	vst v63  }
0x10c: {  	_ =	swait.ge [sflag:s10], $0x2000  }
0x10d: {  	[sflag:s10] =	ssyncset.done $0x0  }
0x10e: {  	[sflag:s10] =	ssyncadd.s32 $0xFFFFE000  }
0x10f: {  	[hbm4b:s30+s2] =	stream.linear.scatter [tilespmem:s7], [sflag:$0x3], $0x2000, $0x38;
	[tilespmem:$0x4800] =	vst v63  }
0x110: {  	_ =	swait.ge [sflag:s3], $0x2000  }
0x111: {  	[sflag:s3] =	ssyncset.done $0x0  }
0x112: {  	[sflag:s3] =	ssyncadd.s32 $0xFFFFE000  }
0x113: {  	[tilespmem:s7], [sflag:$0x2] =	stream.indirect.gather [hbm4b:s4+s5], $0x40, s31, s5, $0xb8;
	[tilespmem:$0x4800] =	vst v63  }
0x114: {  	_ =	swait.ge [sflag:s8], $0x2000  }
0x115: {  	[sflag:s8] =	ssyncset.done $0x0  }
0x116: {  	s0 =	rddreg [dreg:$0x5];
	[sflag:s8] =	ssyncadd.s32 $0xFFFFE000  }
0x117: {  	[hbm4b:s0+s2] =	stream.linear.scatter [tilespmem:s6], [sflag:$0x3], $0x2000, $0x38;
	[tilespmem:$0x4800] =	vst v63  }
0x118: {  	_ =	swait.ge [sflag:s3], $0x2000  }
0x119: {  	[sflag:s3] =	ssyncset.done $0x0  }
0x11a: {  	p0 =	sne.s32 s1, $0x1;
	[sflag:s3] =	ssyncadd.s32 $0xFFFFE000  }
.Ltmp1:
0x11b: {  	_ =	swait.ge [sflag:s10], $0x2000;
	(pc) =	sbr.rel @p0 .LBB2_1-.Ltmp1, $4  }
0x11c: {  	[sflag:s10] =	ssyncset.done $0x0  }
0x11d: {  	s0 =	rddreg [dreg:$0x6];
	[sflag:s10] =	ssyncadd.s32 $0xFFFFE000  }
0x11e: {  	[hbm4b:s0+s2] =	stream.linear.scatter [tilespmem:s7], [sflag:$0x3], $0x2000, $0x38;
	[tilespmem:$0x4800] =	vst v63  }
0x11f: {  	s1 =	sadd.s32 $0xFFFFFFFF, s1;
	_ =	swait.ge [sflag:s3], $0x2000  }
.LBB2_2:
0x120: {  	[sflag:s3] =	ssyncset.done $0x0  }
0x121: {  	[sflag:s3] =	ssyncadd.s32 $0xFFFFE000  }
0x122: {  	_ =	sfence.sel $0x180000  }
0x123: {  	[bflag:$0x0] =	sbarrier.arrive $0xFFFF  }
0x124: {  	_ =	strace $0x9000004A  }
0x125: {  	s0 =	stileid.u32;
	[bflag:$0x2] =	sbarrier.arrive $0xFFFF  }
0x126: {  	p0 =	sne.s32 s0, $0x0;
	s0 =	rddreg [dreg:$0x2]  }
0x127: {  	s0 =	sadd.s32 @!p0 $0x100000, s0  }
0x128: {  	[sflag:s0] =	ssyncadd.tile.s32 @!p0 $0x1;
	_ =	shalt  }
.Lfunc_end2:
_tile_overlayer_lowered:
.L_overlay_start_2:
0x129: {  	(tag) =	ssettag $0x2  }
0x12a: {  	s0 =	rddreg [dreg:$0x0];
	s2 =	stileid.u32  }
0x12b: {  	s1 =	rddreg [dreg:$0x1];
	p0 =	sne.s32 s2, $0x0  }
0x12c: {  	s3 =	rddreg [dreg:$0x2];
	[bflag:$0x3] =	sbarrier.arrive $0xFFFF;
	s2 =	simm.s32 @!p0 $0x1C03  }
0x12d: {  	[timem:s3], [sflag:s2] =	dma.local @!p0 [hbm:s0], s1  }
0x12e: {  	s0 =	simm.s32 @!p0 $0x3  }
0x12f: {  	_ =	swait.ge @!p0 [sflag:s0], s1  }
0x130: {  	s1 =	ssub.s32 @!p0 $0x0, s1;
	[sflag:s0] =	ssyncset.done @!p0 $0x0  }
0x131: {  	[sflag:s0] =	ssyncadd.s32 @!p0 s1  }
0x132: {  	[bflag:$0x3] =	sbarrier.arrive $0xFFFF  }
0x133: {  	_ =	shalt  }

</sc_bundles>
